<compile_context>
chip_gen: v7x
topology: tpu7x:2x2x1
jax: 0.10.2.dev20260603
libtpu: 0.0.44.dev20260713+nightly
codegen_flags: <defaults>
</compile_context>

<pallas_src>
import functools

import jax
import jax.numpy as jnp
from jax import lax
from jax.experimental import pallas as pl
from jax.experimental.pallas import tpu as pltpu
from jax.experimental.pallas import tpu_sc as plsc

N = 10000
E = 320000
DF = 128
DE = 16
H = 128
G = 64

EB = 2000
NB = 2000



def _node_mm_body(x_ref, w1a_ref, w3a_ref, xa_ref, xw3_ref):
    x = x_ref[...]
    xa_ref[...] = jnp.dot(x, w1a_ref[...], preferred_element_type=jnp.float32)
    xw3_ref[...] = jnp.dot(x, w3a_ref[...], preferred_element_type=jnp.float32)


def _node_mm(x, w1a, w3a):
    return pl.pallas_call(
        _node_mm_body,
        grid=(N // NB,),
        in_specs=[
            pl.BlockSpec((NB, DF), lambda i: (i, 0)),
            pl.BlockSpec((DF, H), lambda i: (0, 0)),
            pl.BlockSpec((DF, H), lambda i: (0, 0)),
        ],
        out_specs=[
            pl.BlockSpec((NB, H), lambda i: (i, 0)),
            pl.BlockSpec((NB, H), lambda i: (i, 0)),
        ],
        out_shape=[
            jax.ShapeDtypeStruct((N, H), jnp.float32),
            jax.ShapeDtypeStruct((N, H), jnp.float32),
        ],
    )(x, w1a, w3a)


def _edge_init_body(gx_ref, ea_ref, w1b_ref, w2_ref, h0_ref, hw_ref):
    h0 = jax.nn.relu(
        gx_ref[...]
        + jnp.dot(ea_ref[...], w1b_ref[...], preferred_element_type=jnp.float32)
    )
    h0_ref[...] = h0.astype(jnp.bfloat16)
    hw_ref[...] = jnp.dot(
        h0.astype(jnp.bfloat16),
        w2_ref[...].astype(jnp.bfloat16),
        preferred_element_type=jnp.float32,
    )


def _edge_init(gx, ea, w1b, w2):
    return pl.pallas_call(
        _edge_init_body,
        grid=(E // EB,),
        in_specs=[
            pl.BlockSpec((EB, H), lambda i: (i, 0)),
            pl.BlockSpec((EB, DE), lambda i: (i, 0)),
            pl.BlockSpec((DE, H), lambda i: (0, 0)),
            pl.BlockSpec((H, H), lambda i: (0, 0)),
        ],
        out_specs=[
            pl.BlockSpec((EB, H), lambda i: (i, 0)),
            pl.BlockSpec((EB, H), lambda i: (i, 0)),
        ],
        out_shape=[
            jax.ShapeDtypeStruct((E, H), jnp.bfloat16),
            jax.ShapeDtypeStruct((E, H), jnp.float32),
        ],
    )(gx, ea, w1b, w2)


def _pair_swap(hw):
    rows = jax.lax.broadcasted_iota(jnp.int32, hw.shape, 0)
    even = (rows % 2) == 0
    return jnp.where(even, jnp.roll(hw, -1, axis=0), jnp.roll(hw, 1, axis=0))


def _edge_round_body(h0_ref, g_ref, hw_ref, w2_ref, hwn_ref):
    h = jax.nn.relu(
        h0_ref[...].astype(jnp.float32) + g_ref[...] - _pair_swap(hw_ref[...])
    )
    hwn_ref[...] = jnp.dot(
        h.astype(jnp.bfloat16),
        w2_ref[...].astype(jnp.bfloat16),
        preferred_element_type=jnp.float32,
    )


def _edge_round(h0, g, hw, w2):
    return pl.pallas_call(
        _edge_round_body,
        grid=(E // EB,),
        in_specs=[
            pl.BlockSpec((EB, H), lambda i: (i, 0)),
            pl.BlockSpec((EB, H), lambda i: (i, 0)),
            pl.BlockSpec((EB, H), lambda i: (i, 0)),
            pl.BlockSpec((H, H), lambda i: (0, 0)),
        ],
        out_specs=pl.BlockSpec((EB, H), lambda i: (i, 0)),
        out_shape=jax.ShapeDtypeStruct((E, H), jnp.float32),
    )(h0, g, hw, w2)


def _edge_final_body(h0_ref, g_ref, hw_ref, h_ref):
    h_ref[...] = jax.nn.relu(
        h0_ref[...].astype(jnp.float32) + g_ref[...] - _pair_swap(hw_ref[...])
    )


def _edge_final(h0, g, hw):
    return pl.pallas_call(
        _edge_final_body,
        grid=(E // EB,),
        in_specs=[
            pl.BlockSpec((EB, H), lambda i: (i, 0)),
            pl.BlockSpec((EB, H), lambda i: (i, 0)),
            pl.BlockSpec((EB, H), lambda i: (i, 0)),
        ],
        out_specs=pl.BlockSpec((EB, H), lambda i: (i, 0)),
        out_shape=jax.ShapeDtypeStruct((E, H), jnp.float32),
    )(h0, g, hw)


def _node_out_body(xw3_ref, vm_ref, w3b_ref, bcol_ref, out_ref):
    i = pl.program_id(0)

    @pl.when(i == 0)
    def _():
        out_ref[...] = jnp.zeros_like(out_ref)

    na = jax.nn.relu(
        xw3_ref[...]
        + jnp.dot(vm_ref[...], w3b_ref[...], preferred_element_type=jnp.float32)
    )
    gids = jax.lax.broadcasted_iota(jnp.int32, (NB, G), 1)
    onehot = (bcol_ref[...] == gids).astype(jnp.float32)
    out_ref[...] += jax.lax.dot_general(
        onehot, na, (((0,), (0,)), ((), ())), preferred_element_type=jnp.float32
    )


def _node_out(xw3, vmsg, w3b, bcol):
    return pl.pallas_call(
        _node_out_body,
        grid=(N // NB,),
        in_specs=[
            pl.BlockSpec((NB, H), lambda i: (i, 0)),
            pl.BlockSpec((NB, H), lambda i: (i, 0)),
            pl.BlockSpec((H, H), lambda i: (0, 0)),
            pl.BlockSpec((NB, 1), lambda i: (i, 0)),
        ],
        out_specs=pl.BlockSpec((G, H), lambda i: (0, 0)),
        out_shape=jax.ShapeDtypeStruct((G, H), jnp.float32),
        compiler_params=pltpu.CompilerParams(
            dimension_semantics=("arbitrary",)
        ),
    )(xw3, vmsg, w3b, bcol)


def _add2_body(a_ref, b_ref, o_ref):
    o_ref[...] = a_ref[...] + b_ref[...]


def _add2(p):
    return pl.pallas_call(
        _add2_body,
        grid=(N // NB,),
        in_specs=[
            pl.BlockSpec((NB, H), lambda i: (i, 0)),
            pl.BlockSpec((NB, H), lambda i: (i, 0)),
        ],
        out_specs=pl.BlockSpec((NB, H), lambda i: (i, 0)),
        out_shape=jax.ShapeDtypeStruct((N, H), jnp.float32),
    )(p[0], p[1])



SC_CORES = 2
SC_TILES = 16
NW = SC_CORES * SC_TILES
CHUNK = 128
ECH = E // CHUNK
NCH = 80
ECH_PAD = NCH * NW
EIDX_PAD = ECH_PAD * CHUNK
NPT = 632
NPT_LAST = N - 15 * NPT

GNB = 7
SNB = 2
GPAD = ((NCH + GNB - 1) // GNB) * GNB
SPAD = ((NCH + SNB - 1) // SNB) * SNB


def _sc_mesh():
    return plsc.VectorSubcoreMesh(core_axis_name="c", subcore_axis_name="s")


def _sc_gather(table, idx):

    @functools.partial(
        pl.kernel,
        mesh=_sc_mesh(),
        out_type=jax.ShapeDtypeStruct((E, H), jnp.float32),
        scratch_types=[
            pltpu.VMEM((NCH, CHUNK), jnp.int32),
            pltpu.VMEM((GNB, CHUNK, H), jnp.float32),
            pltpu.SemaphoreType.DMA((GNB,)),
            pltpu.SemaphoreType.DMA((GNB,)),
        ],
    )
    def k(table_hbm, idx_hbm, out_hbm, idx_v, rows_v, gsem, osem):
        wid = lax.axis_index("s") * SC_CORES + lax.axis_index("c")
        pltpu.sync_copy(idx_hbm.at[wid], idx_v)

        @pl.loop(0, GPAD, step=GNB)
        def _(jj):
            for b in range(GNB):
                j = jj + b
                r = wid + NW * j

                @pl.when(r < ECH)
                def _():
                    pltpu.async_copy(
                        table_hbm.at[idx_v.at[j]], rows_v.at[b], gsem.at[b]
                    )

            for b in range(GNB):
                j = jj + b
                r = wid + NW * j

                @pl.when(r < ECH)
                def _():
                    pltpu.make_async_copy(
                        table_hbm.at[idx_v.at[j]], rows_v.at[b], gsem.at[b]
                    ).wait()
                    base = pl.multiple_of(r * CHUNK, CHUNK)
                    pltpu.async_copy(
                        rows_v.at[b], out_hbm.at[pl.ds(base, CHUNK)], osem.at[b]
                    )

            for b in range(GNB):
                j = jj + b
                r = wid + NW * j

                @pl.when(r < ECH)
                def _():
                    base = pl.multiple_of(r * CHUNK, CHUNK)
                    pltpu.make_async_copy(
                        rows_v.at[b], out_hbm.at[pl.ds(base, CHUNK)], osem.at[b]
                    ).wait()

    return k(table, idx)


def _sc_segsum_partials(rows, idx, zeros):

    @functools.partial(
        pl.kernel,
        mesh=_sc_mesh(),
        out_type=jax.ShapeDtypeStruct((SC_CORES, N, H), jnp.float32),
        scratch_types=[
            pltpu.VMEM((NCH, CHUNK), jnp.int32),
            pltpu.VMEM((SNB, CHUNK, H), jnp.float32),
            pltpu.SemaphoreType.DMA((SNB,)),
            pltpu.SemaphoreType.DMA((SNB,)),
            pltpu.VMEM_SHARED((N, H), jnp.float32),
        ],
    )
    def k(rows_hbm, idx_hbm, zeros_hbm, out_hbm, idx_v, rows_v, rsem, asem, acc):
        cid = lax.axis_index("c")
        sid = lax.axis_index("s")
        wid = sid * SC_CORES + cid
        nbase = pl.multiple_of(sid * NPT, 8)
        pltpu.sync_copy(idx_hbm.at[wid], idx_v)

        @pl.when(sid < 15)
        def _():
            pltpu.sync_copy(
                zeros_hbm.at[pl.ds(nbase, NPT)], acc.at[pl.ds(nbase, NPT)]
            )

        @pl.when(sid == 15)
        def _():
            pltpu.sync_copy(
                zeros_hbm.at[pl.ds(15 * NPT, NPT_LAST)],
                acc.at[pl.ds(15 * NPT, NPT_LAST)],
            )

        plsc.subcore_barrier()

        @pl.loop(0, SPAD, step=SNB)
        def _(jj):
            for b in range(SNB):
                j = jj + b
                r = wid + NW * j

                @pl.when(r < ECH)
                def _():
                    base = pl.multiple_of(r * CHUNK, CHUNK)
                    pltpu.async_copy(
                        rows_hbm.at[pl.ds(base, CHUNK)], rows_v.at[b], rsem.at[b]
                    )

            for b in range(SNB):
                j = jj + b
                r = wid + NW * j

                @pl.when(r < ECH)
                def _():
                    base = pl.multiple_of(r * CHUNK, CHUNK)
                    pltpu.make_async_copy(
                        rows_hbm.at[pl.ds(base, CHUNK)], rows_v.at[b], rsem.at[b]
                    ).wait()
                    pltpu.async_copy(
                        rows_v.at[b], acc.at[idx_v.at[j]], asem.at[b], add=True
                    )

            for b in range(SNB):
                j = jj + b
                r = wid + NW * j

                @pl.when(r < ECH)
                def _():
                    pltpu.make_async_copy(
                        rows_v.at[b], acc.at[idx_v.at[j]], asem.at[b]
                    ).wait()

        plsc.subcore_barrier()

        @pl.when(sid < 15)
        def _():
            pltpu.sync_copy(
                acc.at[pl.ds(nbase, NPT)], out_hbm.at[cid].at[pl.ds(nbase, NPT)]
            )

        @pl.when(sid == 15)
        def _():
            pltpu.sync_copy(
                acc.at[pl.ds(15 * NPT, NPT_LAST)],
                out_hbm.at[cid].at[pl.ds(15 * NPT, NPT_LAST)],
            )

    return k(rows, idx, zeros)


def _gather_rows(table, idx):
    return _sc_gather(table, idx)


def _segsum(rows, dst, zeros):
    return _add2(_sc_segsum_partials(rows, dst, zeros))


def kernel(x, edge_index, edge_attr, batch, W1, W2, W3):
    def _arrange(ix):
        ixp = jnp.concatenate(
            [ix.astype(jnp.int32), jnp.zeros((EIDX_PAD - E,), jnp.int32)]
        )
        return ixp.reshape(NCH, NW, CHUNK).transpose(1, 0, 2)

    src1 = _arrange(edge_index[0])
    dst1 = _arrange(edge_index[1])
    w1a, w1b = W1[:DF], W1[DF:]
    w3a, w3b = W3[:DF], W3[DF:]
    bcol = batch.astype(jnp.int32).reshape(N, 1)
    zeros = jnp.zeros((N, H), jnp.float32)

    xa, xw3 = _node_mm(x, w1a, w3a)
    gx = _gather_rows(xa, src1)
    h0, hw0 = _edge_init(gx, edge_attr, w1b, W2)

    agg1 = _segsum(hw0, dst1, zeros)
    g1 = _gather_rows(agg1, src1)
    hw1 = _edge_round(h0, g1, hw0, W2)

    agg2 = _segsum(hw1, dst1, zeros)
    g2 = _gather_rows(agg2, src1)
    h2 = _edge_final(h0, g2, hw1)

    vmsg = _segsum(h2, dst1, zeros)
    return _node_out(xw3, vmsg, w3b, bcol)

# --- scband reference (transcript-rebuilt; emitter-appended) ---
"""Pipeline reference for scband-dmpnnencoder-57243324121245 (READ-ONLY COPY).

The authoritative reference and input builder live on the scoring server;
editing this copy changes nothing except your own understanding.
"""

import jax, jax.numpy as jnp
import numpy as np

N = 10000   # nodes
E = 320000  # directed edges (E//2 undirected pairs, each stored as two reverse edges)
DF = 128    # node feature dim
DE = 16     # edge feature dim
H = 128     # hidden size
G = 64      # number of graphs in the batch
DEPTH = 3


def _C(i):
    # number of (a,b), a<b pairs with a < i
    return i * (2 * N - 1 - i) // 2


def _make_edge_index():
    # Build a bidirected graph with unique undirected pairs so that every directed
    # edge has exactly one reverse edge. Edge 2t and 2t+1 are mutual reverses.
    rng = np.random.default_rng(0)
    M = N * (N - 1) // 2
    t = np.unique(rng.integers(0, M, size=E))
    while t.shape[0] < E // 2:
        t = np.unique(np.concatenate([t, rng.integers(0, M, size=E // 2)]))
    t = t[: E // 2].astype(np.int64)
    # decode condensed upper-triangular index t -> (i, j) with i < j
    tf = t.astype(np.float64)
    i = np.floor(((2 * N - 1) - np.sqrt((2 * N - 1) ** 2 - 8.0 * tf)) / 2.0).astype(np.int64)
    i = np.clip(i, 0, N - 2)
    i = np.where(_C(i) > t, i - 1, i)
    i = np.where(_C(i + 1) <= t, i + 1, i)
    j = t - _C(i) + i + 1
    src = np.empty(E, dtype=np.int64)
    dst = np.empty(E, dtype=np.int64)
    src[0::2] = i
    dst[0::2] = j
    src[1::2] = j
    dst[1::2] = i
    return jnp.asarray(np.stack([src, dst]))


def setup_inputs(seed: int = 0) -> dict:
    key = jax.random.key(seed)
    k1, k2, k3, k4, k5, k6 = jax.random.split(key, 6)
    x = jax.random.normal(k1, (N, DF), dtype=jnp.float32)
    edge_attr = jax.random.normal(k2, (E, DE), dtype=jnp.float32)
    edge_index = _make_edge_index()
    batch = jnp.sort(jax.random.randint(k3, (N,), 0, G)).astype(jnp.int64)
    W1 = jax.random.normal(k4, (DF + DE, H), dtype=jnp.float32) * 0.05
    W2 = jax.random.normal(k5, (H, H), dtype=jnp.float32) * 0.05
    W3 = jax.random.normal(k6, (DF + H, H), dtype=jnp.float32) * 0.05
    return {"x": x, "edge_index": edge_index, "edge_attr": edge_attr, "batch": batch,
            "W1": W1, "W2": W2, "W3": W3}


def reference(x, edge_index, edge_attr, batch, W1, W2, W3):
    src = edge_index[0]
    dst = edge_index[1]
    n_edges = src.shape[0]
    # reverse edge of k is k^1 (edges are stored as mutual-reverse pairs)
    rev = jnp.arange(n_edges) ^ 1

    # init_msg = cat([x[src], edge_attr]); h0 = relu(W1 @ init_msg)
    init_msg = jnp.concatenate([jnp.take(x, src, axis=0), edge_attr], axis=1)
    h0 = jax.nn.relu(init_msg @ W1)
    h = h0

    for _ in range(DEPTH - 1):
        # directed_mp: m_k = sum_{e: dst(e)==src(k)} h_e - h_{rev(k)}
        node_agg = jax.ops.segment_sum(h, dst, num_segments=N)
        m = jnp.take(node_agg, src, axis=0) - jnp.take(h, rev, axis=0)
        h = jax.nn.relu(h0 + m @ W2)

    # aggregate_at_nodes: sum of incoming messages per node
    v_msg = jax.ops.segment_sum(h, dst, num_segments=N)
    z = jnp.concatenate([x, v_msg], axis=1)
    node_attr = jax.nn.relu(z @ W3)
    # global_add_pool over graphs
    out = jax.ops.segment_sum(node_attr, batch, num_segments=G)
    return out

if __name__ == "__main__":
    import jax
    _d = setup_inputs()
    print(jax.jit(kernel)(*tuple(_d.values())))

</pallas_src>

<mosaic_0001>
#map = affine_map<(d0, d1) -> (0, 0)>
#map1 = affine_map<(d0, d1) -> (0, 0, 0)>
module attributes {stable_mosaic.version = 14 : i64} {
  func.func @k(%arg0: i32, %arg1: i32, %arg2: memref<320000x128xf32, #tpu.memory_space<hbm>>, %arg3: memref<32x80x128xi32, #tpu.memory_space<hbm>>, %arg4: memref<10000x128xf32, #tpu.memory_space<hbm>>, %arg5: memref<2x10000x128xf32, #tpu.memory_space<hbm>>, %arg6: memref<80x128xi32, #tpu.memory_space<vmem>>, %arg7: memref<2x128x128xf32, #tpu.memory_space<vmem>>, %arg8: memref<2x!tpu.dma_semaphore, #tpu.memory_space<semaphore_mem>>, %arg9: memref<2x!tpu.dma_semaphore, #tpu.memory_space<semaphore_mem>>, %arg10: memref<10000x128xf32, #tpu.memory_space<vmem_shared>>) attributes {dimension_semantics = [#tpu.dimension_semantics<core_parallel>, #tpu.dimension_semantics<subcore_parallel>], iteration_bounds = array<i64: 2, 16>, scalar_prefetch = 0 : i64, scratch_operands = 5 : i64, tpu.core_type = #tpu.core_type<sc_vector_subcore>, window_params = [{transform_indices = #map}, {transform_indices = #map1}, {transform_indices = #map}, {transform_indices = #map1}]} {
    %mul3A = arith.constant 2 : i32
    %mul3A_0 = arith.muli %arg1, %mul3A : i32
    %add3A = arith.addi %mul3A_0, %arg0 : i32
    %mul3A_1 = arith.constant 632 : i32
    %mul3A_2 = arith.muli %arg1, %mul3A_1 : i32
    %multiple_of3A = tpu.assume_multiple %mul3A_2, 8 : i32
    "tpu.region"() ({
      %run_scoped3A = tpu.sem_alloc : memref<!tpu.dma_semaphore, #tpu.memory_space<semaphore_mem>>
      %dma_start3A = arith.constant 0 : i32
      %dma_start3A_24 = arith.constant 0 : i32
      %dma_start3A_25 = tpu.memref_slice %arg3[%add3A, %dma_start3A, %dma_start3A_24] : memref<32x80x128xi32, #tpu.memory_space<hbm>> -> memref<1x80x128xi32, #tpu.memory_space<hbm>>
      %dma_start3A_26 = tpu.memref_squeeze %dma_start3A_25 : memref<1x80x128xi32, #tpu.memory_space<hbm>> -> memref<80x128xi32, #tpu.memory_space<hbm>>
      %dma_start3A_27 = arith.constant 0 : i32
      %dma_start3A_28 = arith.constant 0 : i32
      %dma_start3A_29 = tpu.memref_slice %arg3[%add3A, %dma_start3A_27, %dma_start3A_28] : memref<32x80x128xi32, #tpu.memory_space<hbm>> -> memref<1x80x128xi32, #tpu.memory_space<hbm>>
      %dma_start3A_30 = tpu.memref_squeeze %dma_start3A_29 : memref<1x80x128xi32, #tpu.memory_space<hbm>> -> memref<80x128xi32, #tpu.memory_space<hbm>>
      tpu.enqueue_dma source(%dma_start3A_30 : memref<80x128xi32, #tpu.memory_space<hbm>>) target(%arg6 : memref<80x128xi32, #tpu.memory_space<vmem>>) target_semaphore(%run_scoped3A : memref<!tpu.dma_semaphore, #tpu.memory_space<semaphore_mem>>)
      %dma_wait3A = arith.constant 0 : i32
      %dma_wait3A_31 = arith.constant 0 : i32
      %dma_wait3A_32 = tpu.memref_slice %arg3[%add3A, %dma_wait3A, %dma_wait3A_31] : memref<32x80x128xi32, #tpu.memory_space<hbm>> -> memref<1x80x128xi32, #tpu.memory_space<hbm>>
      %dma_wait3A_33 = tpu.memref_squeeze %dma_wait3A_32 : memref<1x80x128xi32, #tpu.memory_space<hbm>> -> memref<80x128xi32, #tpu.memory_space<hbm>>
      %dma_wait3A_34 = arith.constant 0 : i32
      %dma_wait3A_35 = arith.constant 0 : i32
      %dma_wait3A_36 = tpu.memref_slice %arg3[%add3A, %dma_wait3A_34, %dma_wait3A_35] : memref<32x80x128xi32, #tpu.memory_space<hbm>> -> memref<1x80x128xi32, #tpu.memory_space<hbm>>
      %dma_wait3A_37 = tpu.memref_squeeze %dma_wait3A_36 : memref<1x80x128xi32, #tpu.memory_space<hbm>> -> memref<80x128xi32, #tpu.memory_space<hbm>>
      tpu.wait_dma2 semaphore(%run_scoped3A : memref<!tpu.dma_semaphore, #tpu.memory_space<semaphore_mem>>) src(%dma_wait3A_37 : memref<80x128xi32, #tpu.memory_space<hbm>>) dst(%arg6 : memref<80x128xi32, #tpu.memory_space<vmem>>)
      tpu.yield
    }) : () -> ()
    %lt3A = arith.constant 15 : i32
    %lt3A_3 = arith.cmpi slt, %arg1, %lt3A : i32
    %convert_element_type3A = arith.extui %lt3A_3 : i1 to i32
    %cond3A = arith.constant 0 : i32
    %cond3A_4 = arith.cmpi ne, %convert_element_type3A, %cond3A : i32
    scf.if %cond3A_4 {
      "tpu.region"() ({
        %run_scoped3A = tpu.sem_alloc : memref<!tpu.dma_semaphore, #tpu.memory_space<semaphore_mem>>
        %dma_start3A = arith.constant 0 : i32
        %dma_start3A_24 = tpu.memref_slice %arg10[%multiple_of3A, %dma_start3A] : memref<10000x128xf32, #tpu.memory_space<vmem_shared>> -> memref<632x128xf32, #tpu.memory_space<vmem_shared>>
        %dma_start3A_25 = arith.constant 0 : i32
        %dma_start3A_26 = tpu.memref_slice %arg4[%multiple_of3A, %dma_start3A_25] : memref<10000x128xf32, #tpu.memory_space<hbm>> -> memref<632x128xf32, #tpu.memory_space<hbm>>
        tpu.enqueue_dma source(%dma_start3A_26 : memref<632x128xf32, #tpu.memory_space<hbm>>) target(%dma_start3A_24 : memref<632x128xf32, #tpu.memory_space<vmem_shared>>) target_semaphore(%run_scoped3A : memref<!tpu.dma_semaphore, #tpu.memory_space<semaphore_mem>>)
        %dma_wait3A = arith.constant 0 : i32
        %dma_wait3A_27 = tpu.memref_slice %arg10[%multiple_of3A, %dma_wait3A] : memref<10000x128xf32, #tpu.memory_space<vmem_shared>> -> memref<632x128xf32, #tpu.memory_space<vmem_shared>>
        %dma_wait3A_28 = arith.constant 0 : i32
        %dma_wait3A_29 = tpu.memref_slice %arg4[%multiple_of3A, %dma_wait3A_28] : memref<10000x128xf32, #tpu.memory_space<hbm>> -> memref<632x128xf32, #tpu.memory_space<hbm>>
        tpu.wait_dma2 semaphore(%run_scoped3A : memref<!tpu.dma_semaphore, #tpu.memory_space<semaphore_mem>>) src(%dma_wait3A_29 : memref<632x128xf32, #tpu.memory_space<hbm>>) dst(%dma_wait3A_27 : memref<632x128xf32, #tpu.memory_space<vmem_shared>>)
        tpu.yield
      }) : () -> ()
    } else {
    }
    %eq3A = arith.constant 15 : i32
    %eq3A_5 = arith.cmpi eq, %arg1, %eq3A : i32
    %convert_element_type3A_6 = arith.extui %eq3A_5 : i1 to i32
    %cond3A_7 = arith.constant 0 : i32
    %cond3A_8 = arith.cmpi ne, %convert_element_type3A_6, %cond3A_7 : i32
    scf.if %cond3A_8 {
      "tpu.region"() ({
        %run_scoped3A = tpu.sem_alloc : memref<!tpu.dma_semaphore, #tpu.memory_space<semaphore_mem>>
        %dma_start3A = arith.constant 9480 : i32
        %dma_start3A_24 = arith.constant 0 : i32
        %dma_start3A_25 = tpu.memref_slice %arg10[%dma_start3A, %dma_start3A_24] : memref<10000x128xf32, #tpu.memory_space<vmem_shared>> -> memref<520x128xf32, #tpu.memory_space<vmem_shared>>
        %dma_start3A_26 = arith.constant 9480 : i32
        %dma_start3A_27 = arith.constant 0 : i32
        %dma_start3A_28 = tpu.memref_slice %arg4[%dma_start3A_26, %dma_start3A_27] : memref<10000x128xf32, #tpu.memory_space<hbm>> -> memref<520x128xf32, #tpu.memory_space<hbm>>
        tpu.enqueue_dma source(%dma_start3A_28 : memref<520x128xf32, #tpu.memory_space<hbm>>) target(%dma_start3A_25 : memref<520x128xf32, #tpu.memory_space<vmem_shared>>) target_semaphore(%run_scoped3A : memref<!tpu.dma_semaphore, #tpu.memory_space<semaphore_mem>>)
        %dma_wait3A = arith.constant 9480 : i32
        %dma_wait3A_29 = arith.constant 0 : i32
        %dma_wait3A_30 = tpu.memref_slice %arg10[%dma_wait3A, %dma_wait3A_29] : memref<10000x128xf32, #tpu.memory_space<vmem_shared>> -> memref<520x128xf32, #tpu.memory_space<vmem_shared>>
        %dma_wait3A_31 = arith.constant 9480 : i32
        %dma_wait3A_32 = arith.constant 0 : i32
        %dma_wait3A_33 = tpu.memref_slice %arg4[%dma_wait3A_31, %dma_wait3A_32] : memref<10000x128xf32, #tpu.memory_space<hbm>> -> memref<520x128xf32, #tpu.memory_space<hbm>>
        tpu.wait_dma2 semaphore(%run_scoped3A : memref<!tpu.dma_semaphore, #tpu.memory_space<semaphore_mem>>) src(%dma_wait3A_33 : memref<520x128xf32, #tpu.memory_space<hbm>>) dst(%dma_wait3A_30 : memref<520x128xf32, #tpu.memory_space<vmem_shared>>)
        tpu.yield
      }) : () -> ()
    } else {
    }
    %barrier3A = arith.constant 0 : index
    tpu.barrier barrier_id(%barrier3A)
    %scan3A = arith.constant 0 : i32
    %scan3A_9 = arith.constant 40 : i32
    %scan3A_10 = arith.addi %scan3A, %scan3A_9 : i32
    %scan3A_11 = arith.constant 1 : i32
    scf.for %scan3A_24 = %scan3A to %scan3A_10 step %scan3A_11  : i32 {
      %mul3A_25 = arith.constant 2 : i32
      %mul3A_26 = arith.muli %scan3A_24, %mul3A_25 : i32
      %add3A_27 = arith.constant 0 : i32
      %add3A_28 = arith.addi %add3A_27, %mul3A_26 : i32
      %add3A_29 = arith.constant 0 : i32
      %add3A_30 = arith.addi %add3A_28, %add3A_29 : i32
      %mul3A_31 = arith.constant 32 : i32
      %mul3A_32 = arith.muli %mul3A_31, %add3A_30 : i32
      %add3A_33 = arith.addi %add3A, %mul3A_32 : i32
      %lt3A_34 = arith.constant 2500 : i32
      %lt3A_35 = arith.cmpi slt, %add3A_33, %lt3A_34 : i32
      %convert_element_type3A_36 = arith.extui %lt3A_35 : i1 to i32
      %cond3A_37 = arith.constant 0 : i32
      %cond3A_38 = arith.cmpi ne, %convert_element_type3A_36, %cond3A_37 : i32
      scf.if %cond3A_38 {
        %mul3A_89 = arith.constant 128 : i32
        %mul3A_90 = arith.muli %add3A_33, %mul3A_89 : i32
        %multiple_of3A_91 = tpu.assume_multiple %mul3A_90, 128 : i32
        %dma_start3A = arith.constant 0 : i32
        %dma_start3A_92 = arith.constant 0 : i32
        %dma_start3A_93 = arith.constant 0 : i32
        %dma_start3A_94 = arith.constant 0 : i32
        %dma_start3A_95 = tpu.memref_slice %arg7[%dma_start3A, %dma_start3A_93, %dma_start3A_94] : memref<2x128x128xf32, #tpu.memory_space<vmem>> -> memref<1x128x128xf32, #tpu.memory_space<vmem>>
        %dma_start3A_96 = tpu.memref_squeeze %dma_start3A_95 : memref<1x128x128xf32, #tpu.memory_space<vmem>> -> memref<128x128xf32, #tpu.memory_space<vmem>>
        %dma_start3A_97 = arith.constant 0 : i32
        %dma_start3A_98 = tpu.memref_slice %arg2[%multiple_of3A_91, %dma_start3A_97] : memref<320000x128xf32, #tpu.memory_space<hbm>> -> memref<128x128xf32, #tpu.memory_space<hbm>>
        %dma_start3A_99 = tpu.memref_slice %arg8[%dma_start3A_92] : memref<2x!tpu.dma_semaphore, #tpu.memory_space<semaphore_mem>> -> memref<1x!tpu.dma_semaphore, #tpu.memory_space<semaphore_mem>>
        %dma_start3A_100 = tpu.memref_squeeze %dma_start3A_99 : memref<1x!tpu.dma_semaphore, #tpu.memory_space<semaphore_mem>> -> memref<!tpu.dma_semaphore, #tpu.memory_space<semaphore_mem>>
        %dma_start3A_101 = arith.constant 0 : i32
        %dma_start3A_102 = arith.constant 0 : i32
        %dma_start3A_103 = tpu.memref_slice %arg7[%dma_start3A, %dma_start3A_101, %dma_start3A_102] : memref<2x128x128xf32, #tpu.memory_space<vmem>> -> memref<1x128x128xf32, #tpu.memory_space<vmem>>
        %dma_start3A_104 = tpu.memref_squeeze %dma_start3A_103 : memref<1x128x128xf32, #tpu.memory_space<vmem>> -> memref<128x128xf32, #tpu.memory_space<vmem>>
        %dma_start3A_105 = arith.constant 0 : i32
        %dma_start3A_106 = tpu.memref_slice %arg2[%multiple_of3A_91, %dma_start3A_105] : memref<320000x128xf32, #tpu.memory_space<hbm>> -> memref<128x128xf32, #tpu.memory_space<hbm>>
        tpu.enqueue_dma source(%dma_start3A_106 : memref<128x128xf32, #tpu.memory_space<hbm>>) target(%dma_start3A_104 : memref<128x128xf32, #tpu.memory_space<vmem>>) target_semaphore(%dma_start3A_100 : memref<!tpu.dma_semaphore, #tpu.memory_space<semaphore_mem>>)
      } else {
      }
      %add3A_39 = arith.constant 1 : i32
      %add3A_40 = arith.addi %add3A_28, %add3A_39 : i32
      %mul3A_41 = arith.constant 32 : i32
      %mul3A_42 = arith.muli %mul3A_41, %add3A_40 : i32
      %add3A_43 = arith.addi %add3A, %mul3A_42 : i32
      %lt3A_44 = arith.constant 2500 : i32
      %lt3A_45 = arith.cmpi slt, %add3A_43, %lt3A_44 : i32
      %convert_element_type3A_46 = arith.extui %lt3A_45 : i1 to i32
      %cond3A_47 = arith.constant 0 : i32
      %cond3A_48 = arith.cmpi ne, %convert_element_type3A_46, %cond3A_47 : i32
      scf.if %cond3A_48 {
        %mul3A_89 = arith.constant 128 : i32
        %mul3A_90 = arith.muli %add3A_43, %mul3A_89 : i32
        %multiple_of3A_91 = tpu.assume_multiple %mul3A_90, 128 : i32
        %dma_start3A = arith.constant 1 : i32
        %dma_start3A_92 = arith.constant 1 : i32
        %dma_start3A_93 = arith.constant 0 : i32
        %dma_start3A_94 = arith.constant 0 : i32
        %dma_start3A_95 = tpu.memref_slice %arg7[%dma_start3A, %dma_start3A_93, %dma_start3A_94] : memref<2x128x128xf32, #tpu.memory_space<vmem>> -> memref<1x128x128xf32, #tpu.memory_space<vmem>>
        %dma_start3A_96 = tpu.memref_squeeze %dma_start3A_95 : memref<1x128x128xf32, #tpu.memory_space<vmem>> -> memref<128x128xf32, #tpu.memory_space<vmem>>
        %dma_start3A_97 = arith.constant 0 : i32
        %dma_start3A_98 = tpu.memref_slice %arg2[%multiple_of3A_91, %dma_start3A_97] : memref<320000x128xf32, #tpu.memory_space<hbm>> -> memref<128x128xf32, #tpu.memory_space<hbm>>
        %dma_start3A_99 = tpu.memref_slice %arg8[%dma_start3A_92] : memref<2x!tpu.dma_semaphore, #tpu.memory_space<semaphore_mem>> -> memref<1x!tpu.dma_semaphore, #tpu.memory_space<semaphore_mem>>
        %dma_start3A_100 = tpu.memref_squeeze %dma_start3A_99 : memref<1x!tpu.dma_semaphore, #tpu.memory_space<semaphore_mem>> -> memref<!tpu.dma_semaphore, #tpu.memory_space<semaphore_mem>>
        %dma_start3A_101 = arith.constant 0 : i32
        %dma_start3A_102 = arith.constant 0 : i32
        %dma_start3A_103 = tpu.memref_slice %arg7[%dma_start3A, %dma_start3A_101, %dma_start3A_102] : memref<2x128x128xf32, #tpu.memory_space<vmem>> -> memref<1x128x128xf32, #tpu.memory_space<vmem>>
        %dma_start3A_104 = tpu.memref_squeeze %dma_start3A_103 : memref<1x128x128xf32, #tpu.memory_space<vmem>> -> memref<128x128xf32, #tpu.memory_space<vmem>>
        %dma_start3A_105 = arith.constant 0 : i32
        %dma_start3A_106 = tpu.memref_slice %arg2[%multiple_of3A_91, %dma_start3A_105] : memref<320000x128xf32, #tpu.memory_space<hbm>> -> memref<128x128xf32, #tpu.memory_space<hbm>>
        tpu.enqueue_dma source(%dma_start3A_106 : memref<128x128xf32, #tpu.memory_space<hbm>>) target(%dma_start3A_104 : memref<128x128xf32, #tpu.memory_space<vmem>>) target_semaphore(%dma_start3A_100 : memref<!tpu.dma_semaphore, #tpu.memory_space<semaphore_mem>>)
      } else {
      }
      %add3A_49 = arith.constant 0 : i32
      %add3A_50 = arith.addi %add3A_28, %add3A_49 : i32
      %mul3A_51 = arith.constant 32 : i32
      %mul3A_52 = arith.muli %mul3A_51, %add3A_50 : i32
      %add3A_53 = arith.addi %add3A, %mul3A_52 : i32
      %lt3A_54 = arith.constant 2500 : i32
      %lt3A_55 = arith.cmpi slt, %add3A_53, %lt3A_54 : i32
      %convert_element_type3A_56 = arith.extui %lt3A_55 : i1 to i32
      %cond3A_57 = arith.constant 0 : i32
      %cond3A_58 = arith.cmpi ne, %convert_element_type3A_56, %cond3A_57 : i32
      scf.if %cond3A_58 {
        %mul3A_89 = arith.constant 128 : i32
        %mul3A_90 = arith.muli %add3A_53, %mul3A_89 : i32
        %multiple_of3A_91 = tpu.assume_multiple %mul3A_90, 128 : i32
        %dma_wait3A = arith.constant 0 : i32
        %dma_wait3A_92 = arith.constant 0 : i32
        %dma_wait3A_93 = arith.constant 0 : i32
        %dma_wait3A_94 = arith.constant 0 : i32
        %dma_wait3A_95 = tpu.memref_slice %arg7[%dma_wait3A, %dma_wait3A_93, %dma_wait3A_94] : memref<2x128x128xf32, #tpu.memory_space<vmem>> -> memref<1x128x128xf32, #tpu.memory_space<vmem>>
        %dma_wait3A_96 = tpu.memref_squeeze %dma_wait3A_95 : memref<1x128x128xf32, #tpu.memory_space<vmem>> -> memref<128x128xf32, #tpu.memory_space<vmem>>
        %dma_wait3A_97 = arith.constant 0 : i32
        %dma_wait3A_98 = tpu.memref_slice %arg2[%multiple_of3A_91, %dma_wait3A_97] : memref<320000x128xf32, #tpu.memory_space<hbm>> -> memref<128x128xf32, #tpu.memory_space<hbm>>
        %dma_wait3A_99 = tpu.memref_slice %arg8[%dma_wait3A_92] : memref<2x!tpu.dma_semaphore, #tpu.memory_space<semaphore_mem>> -> memref<1x!tpu.dma_semaphore, #tpu.memory_space<semaphore_mem>>
        %dma_wait3A_100 = tpu.memref_squeeze %dma_wait3A_99 : memref<1x!tpu.dma_semaphore, #tpu.memory_space<semaphore_mem>> -> memref<!tpu.dma_semaphore, #tpu.memory_space<semaphore_mem>>
        %dma_wait3A_101 = arith.constant 0 : i32
        %dma_wait3A_102 = arith.constant 0 : i32
        %dma_wait3A_103 = tpu.memref_slice %arg7[%dma_wait3A, %dma_wait3A_101, %dma_wait3A_102] : memref<2x128x128xf32, #tpu.memory_space<vmem>> -> memref<1x128x128xf32, #tpu.memory_space<vmem>>
        %dma_wait3A_104 = tpu.memref_squeeze %dma_wait3A_103 : memref<1x128x128xf32, #tpu.memory_space<vmem>> -> memref<128x128xf32, #tpu.memory_space<vmem>>
        %dma_wait3A_105 = arith.constant 0 : i32
        %dma_wait3A_106 = tpu.memref_slice %arg2[%multiple_of3A_91, %dma_wait3A_105] : memref<320000x128xf32, #tpu.memory_space<hbm>> -> memref<128x128xf32, #tpu.memory_space<hbm>>
        tpu.wait_dma2 semaphore(%dma_wait3A_100 : memref<!tpu.dma_semaphore, #tpu.memory_space<semaphore_mem>>) src(%dma_wait3A_106 : memref<128x128xf32, #tpu.memory_space<hbm>>) dst(%dma_wait3A_104 : memref<128x128xf32, #tpu.memory_space<vmem>>)
        %dma_start3A = arith.constant 0 : i32
        %dma_start3A_107 = arith.constant 0 : i32
        %dma_start3A_108 = arith.constant 0 : i32
        %dma_start3A_109 = arith.constant 0 : i32
        %dma_start3A_110 = tpu.memref_slice %arg7[%dma_start3A, %dma_start3A_108, %dma_start3A_109] : memref<2x128x128xf32, #tpu.memory_space<vmem>> -> memref<1x128x128xf32, #tpu.memory_space<vmem>>
        %dma_start3A_111 = tpu.memref_squeeze %dma_start3A_110 : memref<1x128x128xf32, #tpu.memory_space<vmem>> -> memref<128x128xf32, #tpu.memory_space<vmem>>
        %dma_start3A_112 = arith.constant 0 : i32
        %dma_start3A_113 = tpu.memref_slice %arg6[%add3A_50, %dma_start3A_112] : memref<80x128xi32, #tpu.memory_space<vmem>> -> memref<1x128xi32, #tpu.memory_space<vmem>>
        %dma_start3A_114 = tpu.memref_squeeze %dma_start3A_113 : memref<1x128xi32, #tpu.memory_space<vmem>> -> memref<128xi32, #tpu.memory_space<vmem>>
        %dma_start3A_115 = arith.constant 0 : i32
        %dma_start3A_116 = arith.constant 0 : i32
        %dma_start3A_117 = tpu.memref_slice %arg10[%dma_start3A_115, %dma_start3A_116] : memref<10000x128xf32, #tpu.memory_space<vmem_shared>> -> memref<10000x128xf32, #tpu.memory_space<vmem_shared>>
        %dma_start3A_118 = tpu.memref_slice %arg9[%dma_start3A_107] : memref<2x!tpu.dma_semaphore, #tpu.memory_space<semaphore_mem>> -> memref<1x!tpu.dma_semaphore, #tpu.memory_space<semaphore_mem>>
        %dma_start3A_119 = tpu.memref_squeeze %dma_start3A_118 : memref<1x!tpu.dma_semaphore, #tpu.memory_space<semaphore_mem>> -> memref<!tpu.dma_semaphore, #tpu.memory_space<semaphore_mem>>
        tpu.enqueue_indirect_dma source(%dma_start3A_111 : memref<128x128xf32, #tpu.memory_space<vmem>>) target(%dma_start3A_117 : memref<10000x128xf32, #tpu.memory_space<vmem_shared>>) offsets(%dma_start3A_114 : memref<128xi32, #tpu.memory_space<vmem>>) semaphore(%dma_start3A_119 : memref<!tpu.dma_semaphore, #tpu.memory_space<semaphore_mem>>) {add = true}
      } else {
      }
      %add3A_59 = arith.constant 1 : i32
      %add3A_60 = arith.addi %add3A_28, %add3A_59 : i32
      %mul3A_61 = arith.constant 32 : i32
      %mul3A_62 = arith.muli %mul3A_61, %add3A_60 : i32
      %add3A_63 = arith.addi %add3A, %mul3A_62 : i32
      %lt3A_64 = arith.constant 2500 : i32
      %lt3A_65 = arith.cmpi slt, %add3A_63, %lt3A_64 : i32
      %convert_element_type3A_66 = arith.extui %lt3A_65 : i1 to i32
      %cond3A_67 = arith.constant 0 : i32
      %cond3A_68 = arith.cmpi ne, %convert_element_type3A_66, %cond3A_67 : i32
      scf.if %cond3A_68 {
        %mul3A_89 = arith.constant 128 : i32
        %mul3A_90 = arith.muli %add3A_63, %mul3A_89 : i32
        %multiple_of3A_91 = tpu.assume_multiple %mul3A_90, 128 : i32
        %dma_wait3A = arith.constant 1 : i32
        %dma_wait3A_92 = arith.constant 1 : i32
        %dma_wait3A_93 = arith.constant 0 : i32
        %dma_wait3A_94 = arith.constant 0 : i32
        %dma_wait3A_95 = tpu.memref_slice %arg7[%dma_wait3A, %dma_wait3A_93, %dma_wait3A_94] : memref<2x128x128xf32, #tpu.memory_space<vmem>> -> memref<1x128x128xf32, #tpu.memory_space<vmem>>
        %dma_wait3A_96 = tpu.memref_squeeze %dma_wait3A_95 : memref<1x128x128xf32, #tpu.memory_space<vmem>> -> memref<128x128xf32, #tpu.memory_space<vmem>>
        %dma_wait3A_97 = arith.constant 0 : i32
        %dma_wait3A_98 = tpu.memref_slice %arg2[%multiple_of3A_91, %dma_wait3A_97] : memref<320000x128xf32, #tpu.memory_space<hbm>> -> memref<128x128xf32, #tpu.memory_space<hbm>>
        %dma_wait3A_99 = tpu.memref_slice %arg8[%dma_wait3A_92] : memref<2x!tpu.dma_semaphore, #tpu.memory_space<semaphore_mem>> -> memref<1x!tpu.dma_semaphore, #tpu.memory_space<semaphore_mem>>
        %dma_wait3A_100 = tpu.memref_squeeze %dma_wait3A_99 : memref<1x!tpu.dma_semaphore, #tpu.memory_space<semaphore_mem>> -> memref<!tpu.dma_semaphore, #tpu.memory_space<semaphore_mem>>
        %dma_wait3A_101 = arith.constant 0 : i32
        %dma_wait3A_102 = arith.constant 0 : i32
        %dma_wait3A_103 = tpu.memref_slice %arg7[%dma_wait3A, %dma_wait3A_101, %dma_wait3A_102] : memref<2x128x128xf32, #tpu.memory_space<vmem>> -> memref<1x128x128xf32, #tpu.memory_space<vmem>>
        %dma_wait3A_104 = tpu.memref_squeeze %dma_wait3A_103 : memref<1x128x128xf32, #tpu.memory_space<vmem>> -> memref<128x128xf32, #tpu.memory_space<vmem>>
        %dma_wait3A_105 = arith.constant 0 : i32
        %dma_wait3A_106 = tpu.memref_slice %arg2[%multiple_of3A_91, %dma_wait3A_105] : memref<320000x128xf32, #tpu.memory_space<hbm>> -> memref<128x128xf32, #tpu.memory_space<hbm>>
        tpu.wait_dma2 semaphore(%dma_wait3A_100 : memref<!tpu.dma_semaphore, #tpu.memory_space<semaphore_mem>>) src(%dma_wait3A_106 : memref<128x128xf32, #tpu.memory_space<hbm>>) dst(%dma_wait3A_104 : memref<128x128xf32, #tpu.memory_space<vmem>>)
        %dma_start3A = arith.constant 1 : i32
        %dma_start3A_107 = arith.constant 1 : i32
        %dma_start3A_108 = arith.constant 0 : i32
        %dma_start3A_109 = arith.constant 0 : i32
        %dma_start3A_110 = tpu.memref_slice %arg7[%dma_start3A, %dma_start3A_108, %dma_start3A_109] : memref<2x128x128xf32, #tpu.memory_space<vmem>> -> memref<1x128x128xf32, #tpu.memory_space<vmem>>
        %dma_start3A_111 = tpu.memref_squeeze %dma_start3A_110 : memref<1x128x128xf32, #tpu.memory_space<vmem>> -> memref<128x128xf32, #tpu.memory_space<vmem>>
        %dma_start3A_112 = arith.constant 0 : i32
        %dma_start3A_113 = tpu.memref_slice %arg6[%add3A_60, %dma_start3A_112] : memref<80x128xi32, #tpu.memory_space<vmem>> -> memref<1x128xi32, #tpu.memory_space<vmem>>
        %dma_start3A_114 = tpu.memref_squeeze %dma_start3A_113 : memref<1x128xi32, #tpu.memory_space<vmem>> -> memref<128xi32, #tpu.memory_space<vmem>>
        %dma_start3A_115 = arith.constant 0 : i32
        %dma_start3A_116 = arith.constant 0 : i32
        %dma_start3A_117 = tpu.memref_slice %arg10[%dma_start3A_115, %dma_start3A_116] : memref<10000x128xf32, #tpu.memory_space<vmem_shared>> -> memref<10000x128xf32, #tpu.memory_space<vmem_shared>>
        %dma_start3A_118 = tpu.memref_slice %arg9[%dma_start3A_107] : memref<2x!tpu.dma_semaphore, #tpu.memory_space<semaphore_mem>> -> memref<1x!tpu.dma_semaphore, #tpu.memory_space<semaphore_mem>>
        %dma_start3A_119 = tpu.memref_squeeze %dma_start3A_118 : memref<1x!tpu.dma_semaphore, #tpu.memory_space<semaphore_mem>> -> memref<!tpu.dma_semaphore, #tpu.memory_space<semaphore_mem>>
        tpu.enqueue_indirect_dma source(%dma_start3A_111 : memref<128x128xf32, #tpu.memory_space<vmem>>) target(%dma_start3A_117 : memref<10000x128xf32, #tpu.memory_space<vmem_shared>>) offsets(%dma_start3A_114 : memref<128xi32, #tpu.memory_space<vmem>>) semaphore(%dma_start3A_119 : memref<!tpu.dma_semaphore, #tpu.memory_space<semaphore_mem>>) {add = true}
      } else {
      }
      %add3A_69 = arith.constant 0 : i32
      %add3A_70 = arith.addi %add3A_28, %add3A_69 : i32
      %mul3A_71 = arith.constant 32 : i32
      %mul3A_72 = arith.muli %mul3A_71, %add3A_70 : i32
      %add3A_73 = arith.addi %add3A, %mul3A_72 : i32
      %lt3A_74 = arith.constant 2500 : i32
      %lt3A_75 = arith.cmpi slt, %add3A_73, %lt3A_74 : i32
      %convert_element_type3A_76 = arith.extui %lt3A_75 : i1 to i32
      %cond3A_77 = arith.constant 0 : i32
      %cond3A_78 = arith.cmpi ne, %convert_element_type3A_76, %cond3A_77 : i32
      scf.if %cond3A_78 {
        %dma_wait3A = arith.constant 0 : i32
        %dma_wait3A_89 = arith.constant 0 : i32
        %dma_wait3A_90 = arith.constant 0 : i32
        %dma_wait3A_91 = arith.constant 0 : i32
        %dma_wait3A_92 = tpu.memref_slice %arg7[%dma_wait3A, %dma_wait3A_90, %dma_wait3A_91] : memref<2x128x128xf32, #tpu.memory_space<vmem>> -> memref<1x128x128xf32, #tpu.memory_space<vmem>>
        %dma_wait3A_93 = tpu.memref_squeeze %dma_wait3A_92 : memref<1x128x128xf32, #tpu.memory_space<vmem>> -> memref<128x128xf32, #tpu.memory_space<vmem>>
        %dma_wait3A_94 = arith.constant 0 : i32
        %dma_wait3A_95 = tpu.memref_slice %arg6[%add3A_70, %dma_wait3A_94] : memref<80x128xi32, #tpu.memory_space<vmem>> -> memref<1x128xi32, #tpu.memory_space<vmem>>
        %dma_wait3A_96 = tpu.memref_squeeze %dma_wait3A_95 : memref<1x128xi32, #tpu.memory_space<vmem>> -> memref<128xi32, #tpu.memory_space<vmem>>
        %dma_wait3A_97 = arith.constant 0 : i32
        %dma_wait3A_98 = arith.constant 0 : i32
        %dma_wait3A_99 = tpu.memref_slice %arg10[%dma_wait3A_97, %dma_wait3A_98] : memref<10000x128xf32, #tpu.memory_space<vmem_shared>> -> memref<10000x128xf32, #tpu.memory_space<vmem_shared>>
        %dma_wait3A_100 = tpu.memref_slice %arg9[%dma_wait3A_89] : memref<2x!tpu.dma_semaphore, #tpu.memory_space<semaphore_mem>> -> memref<1x!tpu.dma_semaphore, #tpu.memory_space<semaphore_mem>>
        %dma_wait3A_101 = tpu.memref_squeeze %dma_wait3A_100 : memref<1x!tpu.dma_semaphore, #tpu.memory_space<semaphore_mem>> -> memref<!tpu.dma_semaphore, #tpu.memory_space<semaphore_mem>>
        tpu.wait_indirect_dma semaphore(%dma_wait3A_101 : memref<!tpu.dma_semaphore, #tpu.memory_space<semaphore_mem>>) src(%dma_wait3A_93 : memref<128x128xf32, #tpu.memory_space<vmem>>) dst(%dma_wait3A_99 : memref<10000x128xf32, #tpu.memory_space<vmem_shared>>)
      } else {
      }
      %add3A_79 = arith.constant 1 : i32
      %add3A_80 = arith.addi %add3A_28, %add3A_79 : i32
      %mul3A_81 = arith.constant 32 : i32
      %mul3A_82 = arith.muli %mul3A_81, %add3A_80 : i32
      %add3A_83 = arith.addi %add3A, %mul3A_82 : i32
      %lt3A_84 = arith.constant 2500 : i32
      %lt3A_85 = arith.cmpi slt, %add3A_83, %lt3A_84 : i32
      %convert_element_type3A_86 = arith.extui %lt3A_85 : i1 to i32
      %cond3A_87 = arith.constant 0 : i32
      %cond3A_88 = arith.cmpi ne, %convert_element_type3A_86, %cond3A_87 : i32
      scf.if %cond3A_88 {
        %dma_wait3A = arith.constant 1 : i32
        %dma_wait3A_89 = arith.constant 1 : i32
        %dma_wait3A_90 = arith.constant 0 : i32
        %dma_wait3A_91 = arith.constant 0 : i32
        %dma_wait3A_92 = tpu.memref_slice %arg7[%dma_wait3A, %dma_wait3A_90, %dma_wait3A_91] : memref<2x128x128xf32, #tpu.memory_space<vmem>> -> memref<1x128x128xf32, #tpu.memory_space<vmem>>
        %dma_wait3A_93 = tpu.memref_squeeze %dma_wait3A_92 : memref<1x128x128xf32, #tpu.memory_space<vmem>> -> memref<128x128xf32, #tpu.memory_space<vmem>>
        %dma_wait3A_94 = arith.constant 0 : i32
        %dma_wait3A_95 = tpu.memref_slice %arg6[%add3A_80, %dma_wait3A_94] : memref<80x128xi32, #tpu.memory_space<vmem>> -> memref<1x128xi32, #tpu.memory_space<vmem>>
        %dma_wait3A_96 = tpu.memref_squeeze %dma_wait3A_95 : memref<1x128xi32, #tpu.memory_space<vmem>> -> memref<128xi32, #tpu.memory_space<vmem>>
        %dma_wait3A_97 = arith.constant 0 : i32
        %dma_wait3A_98 = arith.constant 0 : i32
        %dma_wait3A_99 = tpu.memref_slice %arg10[%dma_wait3A_97, %dma_wait3A_98] : memref<10000x128xf32, #tpu.memory_space<vmem_shared>> -> memref<10000x128xf32, #tpu.memory_space<vmem_shared>>
        %dma_wait3A_100 = tpu.memref_slice %arg9[%dma_wait3A_89] : memref<2x!tpu.dma_semaphore, #tpu.memory_space<semaphore_mem>> -> memref<1x!tpu.dma_semaphore, #tpu.memory_space<semaphore_mem>>
        %dma_wait3A_101 = tpu.memref_squeeze %dma_wait3A_100 : memref<1x!tpu.dma_semaphore, #tpu.memory_space<semaphore_mem>> -> memref<!tpu.dma_semaphore, #tpu.memory_space<semaphore_mem>>
        tpu.wait_indirect_dma semaphore(%dma_wait3A_101 : memref<!tpu.dma_semaphore, #tpu.memory_space<semaphore_mem>>) src(%dma_wait3A_93 : memref<128x128xf32, #tpu.memory_space<vmem>>) dst(%dma_wait3A_99 : memref<10000x128xf32, #tpu.memory_space<vmem_shared>>)
      } else {
      }
    }
    %scan3A_12 = arith.constant 40 : i32
    %barrier3A_13 = arith.constant 0 : index
    tpu.barrier barrier_id(%barrier3A_13)
    %lt3A_14 = arith.constant 15 : i32
    %lt3A_15 = arith.cmpi slt, %arg1, %lt3A_14 : i32
    %convert_element_type3A_16 = arith.extui %lt3A_15 : i1 to i32
    %cond3A_17 = arith.constant 0 : i32
    %cond3A_18 = arith.cmpi ne, %convert_element_type3A_16, %cond3A_17 : i32
    scf.if %cond3A_18 {
      "tpu.region"() ({
        %run_scoped3A = tpu.sem_alloc : memref<!tpu.dma_semaphore, #tpu.memory_space<semaphore_mem>>
        %dma_start3A = arith.constant 0 : i32
        %dma_start3A_24 = arith.constant 0 : i32
        %dma_start3A_25 = tpu.memref_slice %arg5[%arg0, %dma_start3A, %dma_start3A_24] : memref<2x10000x128xf32, #tpu.memory_space<hbm>> -> memref<1x10000x128xf32, #tpu.memory_space<hbm>>
        %dma_start3A_26 = tpu.memref_squeeze %dma_start3A_25 : memref<1x10000x128xf32, #tpu.memory_space<hbm>> -> memref<10000x128xf32, #tpu.memory_space<hbm>>
        %dma_start3A_27 = arith.constant 0 : i32
        %dma_start3A_28 = tpu.memref_slice %dma_start3A_26[%multiple_of3A, %dma_start3A_27] : memref<10000x128xf32, #tpu.memory_space<hbm>> -> memref<632x128xf32, #tpu.memory_space<hbm>>
        %dma_start3A_29 = arith.constant 0 : i32
        %dma_start3A_30 = tpu.memref_slice %arg10[%multiple_of3A, %dma_start3A_29] : memref<10000x128xf32, #tpu.memory_space<vmem_shared>> -> memref<632x128xf32, #tpu.memory_space<vmem_shared>>
        tpu.enqueue_dma source(%dma_start3A_30 : memref<632x128xf32, #tpu.memory_space<vmem_shared>>) target(%dma_start3A_28 : memref<632x128xf32, #tpu.memory_space<hbm>>) target_semaphore(%run_scoped3A : memref<!tpu.dma_semaphore, #tpu.memory_space<semaphore_mem>>)
        %dma_wait3A = arith.constant 0 : i32
        %dma_wait3A_31 = arith.constant 0 : i32
        %dma_wait3A_32 = tpu.memref_slice %arg5[%arg0, %dma_wait3A, %dma_wait3A_31] : memref<2x10000x128xf32, #tpu.memory_space<hbm>> -> memref<1x10000x128xf32, #tpu.memory_space<hbm>>
        %dma_wait3A_33 = tpu.memref_squeeze %dma_wait3A_32 : memref<1x10000x128xf32, #tpu.memory_space<hbm>> -> memref<10000x128xf32, #tpu.memory_space<hbm>>
        %dma_wait3A_34 = arith.constant 0 : i32
        %dma_wait3A_35 = tpu.memref_slice %dma_wait3A_33[%multiple_of3A, %dma_wait3A_34] : memref<10000x128xf32, #tpu.memory_space<hbm>> -> memref<632x128xf32, #tpu.memory_space<hbm>>
        %dma_wait3A_36 = arith.constant 0 : i32
        %dma_wait3A_37 = tpu.memref_slice %arg10[%multiple_of3A, %dma_wait3A_36] : memref<10000x128xf32, #tpu.memory_space<vmem_shared>> -> memref<632x128xf32, #tpu.memory_space<vmem_shared>>
        tpu.wait_dma2 semaphore(%run_scoped3A : memref<!tpu.dma_semaphore, #tpu.memory_space<semaphore_mem>>) src(%dma_wait3A_37 : memref<632x128xf32, #tpu.memory_space<vmem_shared>>) dst(%dma_wait3A_35 : memref<632x128xf32, #tpu.memory_space<hbm>>)
        tpu.yield
      }) : () -> ()
    } else {
    }
    %eq3A_19 = arith.constant 15 : i32
    %eq3A_20 = arith.cmpi eq, %arg1, %eq3A_19 : i32
    %convert_element_type3A_21 = arith.extui %eq3A_20 : i1 to i32
    %cond3A_22 = arith.constant 0 : i32
    %cond3A_23 = arith.cmpi ne, %convert_element_type3A_21, %cond3A_22 : i32
    scf.if %cond3A_23 {
      "tpu.region"() ({
        %run_scoped3A = tpu.sem_alloc : memref<!tpu.dma_semaphore, #tpu.memory_space<semaphore_mem>>
        %dma_start3A = arith.constant 0 : i32
        %dma_start3A_24 = arith.constant 0 : i32
        %dma_start3A_25 = tpu.memref_slice %arg5[%arg0, %dma_start3A, %dma_start3A_24] : memref<2x10000x128xf32, #tpu.memory_space<hbm>> -> memref<1x10000x128xf32, #tpu.memory_space<hbm>>
        %dma_start3A_26 = tpu.memref_squeeze %dma_start3A_25 : memref<1x10000x128xf32, #tpu.memory_space<hbm>> -> memref<10000x128xf32, #tpu.memory_space<hbm>>
        %dma_start3A_27 = arith.constant 9480 : i32
        %dma_start3A_28 = arith.constant 0 : i32
        %dma_start3A_29 = tpu.memref_slice %dma_start3A_26[%dma_start3A_27, %dma_start3A_28] : memref<10000x128xf32, #tpu.memory_space<hbm>> -> memref<520x128xf32, #tpu.memory_space<hbm>>
        %dma_start3A_30 = arith.constant 9480 : i32
        %dma_start3A_31 = arith.constant 0 : i32
        %dma_start3A_32 = tpu.memref_slice %arg10[%dma_start3A_30, %dma_start3A_31] : memref<10000x128xf32, #tpu.memory_space<vmem_shared>> -> memref<520x128xf32, #tpu.memory_space<vmem_shared>>
        tpu.enqueue_dma source(%dma_start3A_32 : memref<520x128xf32, #tpu.memory_space<vmem_shared>>) target(%dma_start3A_29 : memref<520x128xf32, #tpu.memory_space<hbm>>) target_semaphore(%run_scoped3A : memref<!tpu.dma_semaphore, #tpu.memory_space<semaphore_mem>>)
        %dma_wait3A = arith.constant 0 : i32
        %dma_wait3A_33 = arith.constant 0 : i32
        %dma_wait3A_34 = tpu.memref_slice %arg5[%arg0, %dma_wait3A, %dma_wait3A_33] : memref<2x10000x128xf32, #tpu.memory_space<hbm>> -> memref<1x10000x128xf32, #tpu.memory_space<hbm>>
        %dma_wait3A_35 = tpu.memref_squeeze %dma_wait3A_34 : memref<1x10000x128xf32, #tpu.memory_space<hbm>> -> memref<10000x128xf32, #tpu.memory_space<hbm>>
        %dma_wait3A_36 = arith.constant 9480 : i32
        %dma_wait3A_37 = arith.constant 0 : i32
        %dma_wait3A_38 = tpu.memref_slice %dma_wait3A_35[%dma_wait3A_36, %dma_wait3A_37] : memref<10000x128xf32, #tpu.memory_space<hbm>> -> memref<520x128xf32, #tpu.memory_space<hbm>>
        %dma_wait3A_39 = arith.constant 9480 : i32
        %dma_wait3A_40 = arith.constant 0 : i32
        %dma_wait3A_41 = tpu.memref_slice %arg10[%dma_wait3A_39, %dma_wait3A_40] : memref<10000x128xf32, #tpu.memory_space<vmem_shared>> -> memref<520x128xf32, #tpu.memory_space<vmem_shared>>
        tpu.wait_dma2 semaphore(%run_scoped3A : memref<!tpu.dma_semaphore, #tpu.memory_space<semaphore_mem>>) src(%dma_wait3A_41 : memref<520x128xf32, #tpu.memory_space<vmem_shared>>) dst(%dma_wait3A_38 : memref<520x128xf32, #tpu.memory_space<hbm>>)
        tpu.yield
      }) : () -> ()
    } else {
    }
    return
  }
}

#map = affine_map<(d0, d1) -> (0, 0)>
#map1 = affine_map<(d0, d1) -> (0, 0, 0)>
module attributes {stable_mosaic.version = 14 : i64} {
  func.func @k(%arg0: i32, %arg1: i32, %arg2: memref<10000x128xf32, #tpu.memory_space<hbm>>, %arg3: memref<32x80x128xi32, #tpu.memory_space<hbm>>, %arg4: memref<320000x128xf32, #tpu.memory_space<hbm>>, %arg5: memref<80x128xi32, #tpu.memory_space<vmem>>, %arg6: memref<7x128x128xf32, #tpu.memory_space<vmem>>, %arg7: memref<7x!tpu.dma_semaphore, #tpu.memory_space<semaphore_mem>>, %arg8: memref<7x!tpu.dma_semaphore, #tpu.memory_space<semaphore_mem>>) attributes {dimension_semantics = [#tpu.dimension_semantics<core_parallel>, #tpu.dimension_semantics<subcore_parallel>], iteration_bounds = array<i64: 2, 16>, scalar_prefetch = 0 : i64, scratch_operands = 4 : i64, tpu.core_type = #tpu.core_type<sc_vector_subcore>, window_params = [{transform_indices = #map}, {transform_indices = #map1}, {transform_indices = #map}]} {
    %mul3A = arith.constant 2 : i32
    %mul3A_0 = arith.muli %arg1, %mul3A : i32
    %add3A = arith.addi %mul3A_0, %arg0 : i32
    "tpu.region"() ({
      %run_scoped3A = tpu.sem_alloc : memref<!tpu.dma_semaphore, #tpu.memory_space<semaphore_mem>>
      %dma_start3A = arith.constant 0 : i32
      %dma_start3A_5 = arith.constant 0 : i32
      %dma_start3A_6 = tpu.memref_slice %arg3[%add3A, %dma_start3A, %dma_start3A_5] : memref<32x80x128xi32, #tpu.memory_space<hbm>> -> memref<1x80x128xi32, #tpu.memory_space<hbm>>
      %dma_start3A_7 = tpu.memref_squeeze %dma_start3A_6 : memref<1x80x128xi32, #tpu.memory_space<hbm>> -> memref<80x128xi32, #tpu.memory_space<hbm>>
      %dma_start3A_8 = arith.constant 0 : i32
      %dma_start3A_9 = arith.constant 0 : i32
      %dma_start3A_10 = tpu.memref_slice %arg3[%add3A, %dma_start3A_8, %dma_start3A_9] : memref<32x80x128xi32, #tpu.memory_space<hbm>> -> memref<1x80x128xi32, #tpu.memory_space<hbm>>
      %dma_start3A_11 = tpu.memref_squeeze %dma_start3A_10 : memref<1x80x128xi32, #tpu.memory_space<hbm>> -> memref<80x128xi32, #tpu.memory_space<hbm>>
      tpu.enqueue_dma source(%dma_start3A_11 : memref<80x128xi32, #tpu.memory_space<hbm>>) target(%arg5 : memref<80x128xi32, #tpu.memory_space<vmem>>) target_semaphore(%run_scoped3A : memref<!tpu.dma_semaphore, #tpu.memory_space<semaphore_mem>>)
      %dma_wait3A = arith.constant 0 : i32
      %dma_wait3A_12 = arith.constant 0 : i32
      %dma_wait3A_13 = tpu.memref_slice %arg3[%add3A, %dma_wait3A, %dma_wait3A_12] : memref<32x80x128xi32, #tpu.memory_space<hbm>> -> memref<1x80x128xi32, #tpu.memory_space<hbm>>
      %dma_wait3A_14 = tpu.memref_squeeze %dma_wait3A_13 : memref<1x80x128xi32, #tpu.memory_space<hbm>> -> memref<80x128xi32, #tpu.memory_space<hbm>>
      %dma_wait3A_15 = arith.constant 0 : i32
      %dma_wait3A_16 = arith.constant 0 : i32
      %dma_wait3A_17 = tpu.memref_slice %arg3[%add3A, %dma_wait3A_15, %dma_wait3A_16] : memref<32x80x128xi32, #tpu.memory_space<hbm>> -> memref<1x80x128xi32, #tpu.memory_space<hbm>>
      %dma_wait3A_18 = tpu.memref_squeeze %dma_wait3A_17 : memref<1x80x128xi32, #tpu.memory_space<hbm>> -> memref<80x128xi32, #tpu.memory_space<hbm>>
      tpu.wait_dma2 semaphore(%run_scoped3A : memref<!tpu.dma_semaphore, #tpu.memory_space<semaphore_mem>>) src(%dma_wait3A_18 : memref<80x128xi32, #tpu.memory_space<hbm>>) dst(%arg5 : memref<80x128xi32, #tpu.memory_space<vmem>>)
      tpu.yield
    }) : () -> ()
    %scan3A = arith.constant 0 : i32
    %scan3A_1 = arith.constant 12 : i32
    %scan3A_2 = arith.addi %scan3A, %scan3A_1 : i32
    %scan3A_3 = arith.constant 1 : i32
    scf.for %scan3A_5 = %scan3A to %scan3A_2 step %scan3A_3  : i32 {
      %mul3A_6 = arith.constant 7 : i32
      %mul3A_7 = arith.muli %scan3A_5, %mul3A_6 : i32
      %add3A_8 = arith.constant 0 : i32
      %add3A_9 = arith.addi %add3A_8, %mul3A_7 : i32
      %add3A_10 = arith.constant 0 : i32
      %add3A_11 = arith.addi %add3A_9, %add3A_10 : i32
      %mul3A_12 = arith.constant 32 : i32
      %mul3A_13 = arith.muli %mul3A_12, %add3A_11 : i32
      %add3A_14 = arith.addi %add3A, %mul3A_13 : i32
      %lt3A = arith.constant 2500 : i32
      %lt3A_15 = arith.cmpi slt, %add3A_14, %lt3A : i32
      %convert_element_type3A = arith.extui %lt3A_15 : i1 to i32
      %cond3A = arith.constant 0 : i32
      %cond3A_16 = arith.cmpi ne, %convert_element_type3A, %cond3A : i32
      scf.if %cond3A_16 {
        %dma_start3A = arith.constant 0 : i32
        %dma_start3A_217 = arith.constant 0 : i32
        %dma_start3A_218 = arith.constant 0 : i32
        %dma_start3A_219 = arith.constant 0 : i32
        %dma_start3A_220 = tpu.memref_slice %arg6[%dma_start3A, %dma_start3A_218, %dma_start3A_219] : memref<7x128x128xf32, #tpu.memory_space<vmem>> -> memref<1x128x128xf32, #tpu.memory_space<vmem>>
        %dma_start3A_221 = tpu.memref_squeeze %dma_start3A_220 : memref<1x128x128xf32, #tpu.memory_space<vmem>> -> memref<128x128xf32, #tpu.memory_space<vmem>>
        %dma_start3A_222 = arith.constant 0 : i32
        %dma_start3A_223 = tpu.memref_slice %arg5[%add3A_11, %dma_start3A_222] : memref<80x128xi32, #tpu.memory_space<vmem>> -> memref<1x128xi32, #tpu.memory_space<vmem>>
        %dma_start3A_224 = tpu.memref_squeeze %dma_start3A_223 : memref<1x128xi32, #tpu.memory_space<vmem>> -> memref<128xi32, #tpu.memory_space<vmem>>
        %dma_start3A_225 = arith.constant 0 : i32
        %dma_start3A_226 = arith.constant 0 : i32
        %dma_start3A_227 = tpu.memref_slice %arg2[%dma_start3A_225, %dma_start3A_226] : memref<10000x128xf32, #tpu.memory_space<hbm>> -> memref<10000x128xf32, #tpu.memory_space<hbm>>
        %dma_start3A_228 = tpu.memref_slice %arg7[%dma_start3A_217] : memref<7x!tpu.dma_semaphore, #tpu.memory_space<semaphore_mem>> -> memref<1x!tpu.dma_semaphore, #tpu.memory_space<semaphore_mem>>
        %dma_start3A_229 = tpu.memref_squeeze %dma_start3A_228 : memref<1x!tpu.dma_semaphore, #tpu.memory_space<semaphore_mem>> -> memref<!tpu.dma_semaphore, #tpu.memory_space<semaphore_mem>>
        tpu.enqueue_indirect_dma source(%dma_start3A_227 : memref<10000x128xf32, #tpu.memory_space<hbm>>) target(%dma_start3A_221 : memref<128x128xf32, #tpu.memory_space<vmem>>) offsets(%dma_start3A_224 : memref<128xi32, #tpu.memory_space<vmem>>) semaphore(%dma_start3A_229 : memref<!tpu.dma_semaphore, #tpu.memory_space<semaphore_mem>>)
      } else {
      }
      %add3A_17 = arith.constant 1 : i32
      %add3A_18 = arith.addi %add3A_9, %add3A_17 : i32
      %mul3A_19 = arith.constant 32 : i32
      %mul3A_20 = arith.muli %mul3A_19, %add3A_18 : i32
      %add3A_21 = arith.addi %add3A, %mul3A_20 : i32
      %lt3A_22 = arith.constant 2500 : i32
      %lt3A_23 = arith.cmpi slt, %add3A_21, %lt3A_22 : i32
      %convert_element_type3A_24 = arith.extui %lt3A_23 : i1 to i32
      %cond3A_25 = arith.constant 0 : i32
      %cond3A_26 = arith.cmpi ne, %convert_element_type3A_24, %cond3A_25 : i32
      scf.if %cond3A_26 {
        %dma_start3A = arith.constant 1 : i32
        %dma_start3A_217 = arith.constant 1 : i32
        %dma_start3A_218 = arith.constant 0 : i32
        %dma_start3A_219 = arith.constant 0 : i32
        %dma_start3A_220 = tpu.memref_slice %arg6[%dma_start3A, %dma_start3A_218, %dma_start3A_219] : memref<7x128x128xf32, #tpu.memory_space<vmem>> -> memref<1x128x128xf32, #tpu.memory_space<vmem>>
        %dma_start3A_221 = tpu.memref_squeeze %dma_start3A_220 : memref<1x128x128xf32, #tpu.memory_space<vmem>> -> memref<128x128xf32, #tpu.memory_space<vmem>>
        %dma_start3A_222 = arith.constant 0 : i32
        %dma_start3A_223 = tpu.memref_slice %arg5[%add3A_18, %dma_start3A_222] : memref<80x128xi32, #tpu.memory_space<vmem>> -> memref<1x128xi32, #tpu.memory_space<vmem>>
        %dma_start3A_224 = tpu.memref_squeeze %dma_start3A_223 : memref<1x128xi32, #tpu.memory_space<vmem>> -> memref<128xi32, #tpu.memory_space<vmem>>
        %dma_start3A_225 = arith.constant 0 : i32
        %dma_start3A_226 = arith.constant 0 : i32
        %dma_start3A_227 = tpu.memref_slice %arg2[%dma_start3A_225, %dma_start3A_226] : memref<10000x128xf32, #tpu.memory_space<hbm>> -> memref<10000x128xf32, #tpu.memory_space<hbm>>
        %dma_start3A_228 = tpu.memref_slice %arg7[%dma_start3A_217] : memref<7x!tpu.dma_semaphore, #tpu.memory_space<semaphore_mem>> -> memref<1x!tpu.dma_semaphore, #tpu.memory_space<semaphore_mem>>
        %dma_start3A_229 = tpu.memref_squeeze %dma_start3A_228 : memref<1x!tpu.dma_semaphore, #tpu.memory_space<semaphore_mem>> -> memref<!tpu.dma_semaphore, #tpu.memory_space<semaphore_mem>>
        tpu.enqueue_indirect_dma source(%dma_start3A_227 : memref<10000x128xf32, #tpu.memory_space<hbm>>) target(%dma_start3A_221 : memref<128x128xf32, #tpu.memory_space<vmem>>) offsets(%dma_start3A_224 : memref<128xi32, #tpu.memory_space<vmem>>) semaphore(%dma_start3A_229 : memref<!tpu.dma_semaphore, #tpu.memory_space<semaphore_mem>>)
      } else {
      }
      %add3A_27 = arith.constant 2 : i32
      %add3A_28 = arith.addi %add3A_9, %add3A_27 : i32
      %mul3A_29 = arith.constant 32 : i32
      %mul3A_30 = arith.muli %mul3A_29, %add3A_28 : i32
      %add3A_31 = arith.addi %add3A, %mul3A_30 : i32
      %lt3A_32 = arith.constant 2500 : i32
      %lt3A_33 = arith.cmpi slt, %add3A_31, %lt3A_32 : i32
      %convert_element_type3A_34 = arith.extui %lt3A_33 : i1 to i32
      %cond3A_35 = arith.constant 0 : i32
      %cond3A_36 = arith.cmpi ne, %convert_element_type3A_34, %cond3A_35 : i32
      scf.if %cond3A_36 {
        %dma_start3A = arith.constant 2 : i32
        %dma_start3A_217 = arith.constant 2 : i32
        %dma_start3A_218 = arith.constant 0 : i32
        %dma_start3A_219 = arith.constant 0 : i32
        %dma_start3A_220 = tpu.memref_slice %arg6[%dma_start3A, %dma_start3A_218, %dma_start3A_219] : memref<7x128x128xf32, #tpu.memory_space<vmem>> -> memref<1x128x128xf32, #tpu.memory_space<vmem>>
        %dma_start3A_221 = tpu.memref_squeeze %dma_start3A_220 : memref<1x128x128xf32, #tpu.memory_space<vmem>> -> memref<128x128xf32, #tpu.memory_space<vmem>>
        %dma_start3A_222 = arith.constant 0 : i32
        %dma_start3A_223 = tpu.memref_slice %arg5[%add3A_28, %dma_start3A_222] : memref<80x128xi32, #tpu.memory_space<vmem>> -> memref<1x128xi32, #tpu.memory_space<vmem>>
        %dma_start3A_224 = tpu.memref_squeeze %dma_start3A_223 : memref<1x128xi32, #tpu.memory_space<vmem>> -> memref<128xi32, #tpu.memory_space<vmem>>
        %dma_start3A_225 = arith.constant 0 : i32
        %dma_start3A_226 = arith.constant 0 : i32
        %dma_start3A_227 = tpu.memref_slice %arg2[%dma_start3A_225, %dma_start3A_226] : memref<10000x128xf32, #tpu.memory_space<hbm>> -> memref<10000x128xf32, #tpu.memory_space<hbm>>
        %dma_start3A_228 = tpu.memref_slice %arg7[%dma_start3A_217] : memref<7x!tpu.dma_semaphore, #tpu.memory_space<semaphore_mem>> -> memref<1x!tpu.dma_semaphore, #tpu.memory_space<semaphore_mem>>
        %dma_start3A_229 = tpu.memref_squeeze %dma_start3A_228 : memref<1x!tpu.dma_semaphore, #tpu.memory_space<semaphore_mem>> -> memref<!tpu.dma_semaphore, #tpu.memory_space<semaphore_mem>>
        tpu.enqueue_indirect_dma source(%dma_start3A_227 : memref<10000x128xf32, #tpu.memory_space<hbm>>) target(%dma_start3A_221 : memref<128x128xf32, #tpu.memory_space<vmem>>) offsets(%dma_start3A_224 : memref<128xi32, #tpu.memory_space<vmem>>) semaphore(%dma_start3A_229 : memref<!tpu.dma_semaphore, #tpu.memory_space<semaphore_mem>>)
      } else {
      }
      %add3A_37 = arith.constant 3 : i32
      %add3A_38 = arith.addi %add3A_9, %add3A_37 : i32
      %mul3A_39 = arith.constant 32 : i32
      %mul3A_40 = arith.muli %mul3A_39, %add3A_38 : i32
      %add3A_41 = arith.addi %add3A, %mul3A_40 : i32
      %lt3A_42 = arith.constant 2500 : i32
      %lt3A_43 = arith.cmpi slt, %add3A_41, %lt3A_42 : i32
      %convert_element_type3A_44 = arith.extui %lt3A_43 : i1 to i32
      %cond3A_45 = arith.constant 0 : i32
      %cond3A_46 = arith.cmpi ne, %convert_element_type3A_44, %cond3A_45 : i32
      scf.if %cond3A_46 {
        %dma_start3A = arith.constant 3 : i32
        %dma_start3A_217 = arith.constant 3 : i32
        %dma_start3A_218 = arith.constant 0 : i32
        %dma_start3A_219 = arith.constant 0 : i32
        %dma_start3A_220 = tpu.memref_slice %arg6[%dma_start3A, %dma_start3A_218, %dma_start3A_219] : memref<7x128x128xf32, #tpu.memory_space<vmem>> -> memref<1x128x128xf32, #tpu.memory_space<vmem>>
        %dma_start3A_221 = tpu.memref_squeeze %dma_start3A_220 : memref<1x128x128xf32, #tpu.memory_space<vmem>> -> memref<128x128xf32, #tpu.memory_space<vmem>>
        %dma_start3A_222 = arith.constant 0 : i32
        %dma_start3A_223 = tpu.memref_slice %arg5[%add3A_38, %dma_start3A_222] : memref<80x128xi32, #tpu.memory_space<vmem>> -> memref<1x128xi32, #tpu.memory_space<vmem>>
        %dma_start3A_224 = tpu.memref_squeeze %dma_start3A_223 : memref<1x128xi32, #tpu.memory_space<vmem>> -> memref<128xi32, #tpu.memory_space<vmem>>
        %dma_start3A_225 = arith.constant 0 : i32
        %dma_start3A_226 = arith.constant 0 : i32
        %dma_start3A_227 = tpu.memref_slice %arg2[%dma_start3A_225, %dma_start3A_226] : memref<10000x128xf32, #tpu.memory_space<hbm>> -> memref<10000x128xf32, #tpu.memory_space<hbm>>
        %dma_start3A_228 = tpu.memref_slice %arg7[%dma_start3A_217] : memref<7x!tpu.dma_semaphore, #tpu.memory_space<semaphore_mem>> -> memref<1x!tpu.dma_semaphore, #tpu.memory_space<semaphore_mem>>
        %dma_start3A_229 = tpu.memref_squeeze %dma_start3A_228 : memref<1x!tpu.dma_semaphore, #tpu.memory_space<semaphore_mem>> -> memref<!tpu.dma_semaphore, #tpu.memory_space<semaphore_mem>>
        tpu.enqueue_indirect_dma source(%dma_start3A_227 : memref<10000x128xf32, #tpu.memory_space<hbm>>) target(%dma_start3A_221 : memref<128x128xf32, #tpu.memory_space<vmem>>) offsets(%dma_start3A_224 : memref<128xi32, #tpu.memory_space<vmem>>) semaphore(%dma_start3A_229 : memref<!tpu.dma_semaphore, #tpu.memory_space<semaphore_mem>>)
      } else {
      }
      %add3A_47 = arith.constant 4 : i32
      %add3A_48 = arith.addi %add3A_9, %add3A_47 : i32
      %mul3A_49 = arith.constant 32 : i32
      %mul3A_50 = arith.muli %mul3A_49, %add3A_48 : i32
      %add3A_51 = arith.addi %add3A, %mul3A_50 : i32
      %lt3A_52 = arith.constant 2500 : i32
      %lt3A_53 = arith.cmpi slt, %add3A_51, %lt3A_52 : i32
      %convert_element_type3A_54 = arith.extui %lt3A_53 : i1 to i32
      %cond3A_55 = arith.constant 0 : i32
      %cond3A_56 = arith.cmpi ne, %convert_element_type3A_54, %cond3A_55 : i32
      scf.if %cond3A_56 {
        %dma_start3A = arith.constant 4 : i32
        %dma_start3A_217 = arith.constant 4 : i32
        %dma_start3A_218 = arith.constant 0 : i32
        %dma_start3A_219 = arith.constant 0 : i32
        %dma_start3A_220 = tpu.memref_slice %arg6[%dma_start3A, %dma_start3A_218, %dma_start3A_219] : memref<7x128x128xf32, #tpu.memory_space<vmem>> -> memref<1x128x128xf32, #tpu.memory_space<vmem>>
        %dma_start3A_221 = tpu.memref_squeeze %dma_start3A_220 : memref<1x128x128xf32, #tpu.memory_space<vmem>> -> memref<128x128xf32, #tpu.memory_space<vmem>>
        %dma_start3A_222 = arith.constant 0 : i32
        %dma_start3A_223 = tpu.memref_slice %arg5[%add3A_48, %dma_start3A_222] : memref<80x128xi32, #tpu.memory_space<vmem>> -> memref<1x128xi32, #tpu.memory_space<vmem>>
        %dma_start3A_224 = tpu.memref_squeeze %dma_start3A_223 : memref<1x128xi32, #tpu.memory_space<vmem>> -> memref<128xi32, #tpu.memory_space<vmem>>
        %dma_start3A_225 = arith.constant 0 : i32
        %dma_start3A_226 = arith.constant 0 : i32
        %dma_start3A_227 = tpu.memref_slice %arg2[%dma_start3A_225, %dma_start3A_226] : memref<10000x128xf32, #tpu.memory_space<hbm>> -> memref<10000x128xf32, #tpu.memory_space<hbm>>
        %dma_start3A_228 = tpu.memref_slice %arg7[%dma_start3A_217] : memref<7x!tpu.dma_semaphore, #tpu.memory_space<semaphore_mem>> -> memref<1x!tpu.dma_semaphore, #tpu.memory_space<semaphore_mem>>
        %dma_start3A_229 = tpu.memref_squeeze %dma_start3A_228 : memref<1x!tpu.dma_semaphore, #tpu.memory_space<semaphore_mem>> -> memref<!tpu.dma_semaphore, #tpu.memory_space<semaphore_mem>>
        tpu.enqueue_indirect_dma source(%dma_start3A_227 : memref<10000x128xf32, #tpu.memory_space<hbm>>) target(%dma_start3A_221 : memref<128x128xf32, #tpu.memory_space<vmem>>) offsets(%dma_start3A_224 : memref<128xi32, #tpu.memory_space<vmem>>) semaphore(%dma_start3A_229 : memref<!tpu.dma_semaphore, #tpu.memory_space<semaphore_mem>>)
      } else {
      }
      %add3A_57 = arith.constant 5 : i32
      %add3A_58 = arith.addi %add3A_9, %add3A_57 : i32
      %mul3A_59 = arith.constant 32 : i32
      %mul3A_60 = arith.muli %mul3A_59, %add3A_58 : i32
      %add3A_61 = arith.addi %add3A, %mul3A_60 : i32
      %lt3A_62 = arith.constant 2500 : i32
      %lt3A_63 = arith.cmpi slt, %add3A_61, %lt3A_62 : i32
      %convert_element_type3A_64 = arith.extui %lt3A_63 : i1 to i32
      %cond3A_65 = arith.constant 0 : i32
      %cond3A_66 = arith.cmpi ne, %convert_element_type3A_64, %cond3A_65 : i32
      scf.if %cond3A_66 {
        %dma_start3A = arith.constant 5 : i32
        %dma_start3A_217 = arith.constant 5 : i32
        %dma_start3A_218 = arith.constant 0 : i32
        %dma_start3A_219 = arith.constant 0 : i32
        %dma_start3A_220 = tpu.memref_slice %arg6[%dma_start3A, %dma_start3A_218, %dma_start3A_219] : memref<7x128x128xf32, #tpu.memory_space<vmem>> -> memref<1x128x128xf32, #tpu.memory_space<vmem>>
        %dma_start3A_221 = tpu.memref_squeeze %dma_start3A_220 : memref<1x128x128xf32, #tpu.memory_space<vmem>> -> memref<128x128xf32, #tpu.memory_space<vmem>>
        %dma_start3A_222 = arith.constant 0 : i32
        %dma_start3A_223 = tpu.memref_slice %arg5[%add3A_58, %dma_start3A_222] : memref<80x128xi32, #tpu.memory_space<vmem>> -> memref<1x128xi32, #tpu.memory_space<vmem>>
        %dma_start3A_224 = tpu.memref_squeeze %dma_start3A_223 : memref<1x128xi32, #tpu.memory_space<vmem>> -> memref<128xi32, #tpu.memory_space<vmem>>
        %dma_start3A_225 = arith.constant 0 : i32
        %dma_start3A_226 = arith.constant 0 : i32
        %dma_start3A_227 = tpu.memref_slice %arg2[%dma_start3A_225, %dma_start3A_226] : memref<10000x128xf32, #tpu.memory_space<hbm>> -> memref<10000x128xf32, #tpu.memory_space<hbm>>
        %dma_start3A_228 = tpu.memref_slice %arg7[%dma_start3A_217] : memref<7x!tpu.dma_semaphore, #tpu.memory_space<semaphore_mem>> -> memref<1x!tpu.dma_semaphore, #tpu.memory_space<semaphore_mem>>
        %dma_start3A_229 = tpu.memref_squeeze %dma_start3A_228 : memref<1x!tpu.dma_semaphore, #tpu.memory_space<semaphore_mem>> -> memref<!tpu.dma_semaphore, #tpu.memory_space<semaphore_mem>>
        tpu.enqueue_indirect_dma source(%dma_start3A_227 : memref<10000x128xf32, #tpu.memory_space<hbm>>) target(%dma_start3A_221 : memref<128x128xf32, #tpu.memory_space<vmem>>) offsets(%dma_start3A_224 : memref<128xi32, #tpu.memory_space<vmem>>) semaphore(%dma_start3A_229 : memref<!tpu.dma_semaphore, #tpu.memory_space<semaphore_mem>>)
      } else {
      }
      %add3A_67 = arith.constant 6 : i32
      %add3A_68 = arith.addi %add3A_9, %add3A_67 : i32
      %mul3A_69 = arith.constant 32 : i32
      %mul3A_70 = arith.muli %mul3A_69, %add3A_68 : i32
      %add3A_71 = arith.addi %add3A, %mul3A_70 : i32
      %lt3A_72 = arith.constant 2500 : i32
      %lt3A_73 = arith.cmpi slt, %add3A_71, %lt3A_72 : i32
      %convert_element_type3A_74 = arith.extui %lt3A_73 : i1 to i32
      %cond3A_75 = arith.constant 0 : i32
      %cond3A_76 = arith.cmpi ne, %convert_element_type3A_74, %cond3A_75 : i32
      scf.if %cond3A_76 {
        %dma_start3A = arith.constant 6 : i32
        %dma_start3A_217 = arith.constant 6 : i32
        %dma_start3A_218 = arith.constant 0 : i32
        %dma_start3A_219 = arith.constant 0 : i32
        %dma_start3A_220 = tpu.memref_slice %arg6[%dma_start3A, %dma_start3A_218, %dma_start3A_219] : memref<7x128x128xf32, #tpu.memory_space<vmem>> -> memref<1x128x128xf32, #tpu.memory_space<vmem>>
        %dma_start3A_221 = tpu.memref_squeeze %dma_start3A_220 : memref<1x128x128xf32, #tpu.memory_space<vmem>> -> memref<128x128xf32, #tpu.memory_space<vmem>>
        %dma_start3A_222 = arith.constant 0 : i32
        %dma_start3A_223 = tpu.memref_slice %arg5[%add3A_68, %dma_start3A_222] : memref<80x128xi32, #tpu.memory_space<vmem>> -> memref<1x128xi32, #tpu.memory_space<vmem>>
        %dma_start3A_224 = tpu.memref_squeeze %dma_start3A_223 : memref<1x128xi32, #tpu.memory_space<vmem>> -> memref<128xi32, #tpu.memory_space<vmem>>
        %dma_start3A_225 = arith.constant 0 : i32
        %dma_start3A_226 = arith.constant 0 : i32
        %dma_start3A_227 = tpu.memref_slice %arg2[%dma_start3A_225, %dma_start3A_226] : memref<10000x128xf32, #tpu.memory_space<hbm>> -> memref<10000x128xf32, #tpu.memory_space<hbm>>
        %dma_start3A_228 = tpu.memref_slice %arg7[%dma_start3A_217] : memref<7x!tpu.dma_semaphore, #tpu.memory_space<semaphore_mem>> -> memref<1x!tpu.dma_semaphore, #tpu.memory_space<semaphore_mem>>
        %dma_start3A_229 = tpu.memref_squeeze %dma_start3A_228 : memref<1x!tpu.dma_semaphore, #tpu.memory_space<semaphore_mem>> -> memref<!tpu.dma_semaphore, #tpu.memory_space<semaphore_mem>>
        tpu.enqueue_indirect_dma source(%dma_start3A_227 : memref<10000x128xf32, #tpu.memory_space<hbm>>) target(%dma_start3A_221 : memref<128x128xf32, #tpu.memory_space<vmem>>) offsets(%dma_start3A_224 : memref<128xi32, #tpu.memory_space<vmem>>) semaphore(%dma_start3A_229 : memref<!tpu.dma_semaphore, #tpu.memory_space<semaphore_mem>>)
      } else {
      }
      %add3A_77 = arith.constant 0 : i32
      %add3A_78 = arith.addi %add3A_9, %add3A_77 : i32
      %mul3A_79 = arith.constant 32 : i32
      %mul3A_80 = arith.muli %mul3A_79, %add3A_78 : i32
      %add3A_81 = arith.addi %add3A, %mul3A_80 : i32
      %lt3A_82 = arith.constant 2500 : i32
      %lt3A_83 = arith.cmpi slt, %add3A_81, %lt3A_82 : i32
      %convert_element_type3A_84 = arith.extui %lt3A_83 : i1 to i32
      %cond3A_85 = arith.constant 0 : i32
      %cond3A_86 = arith.cmpi ne, %convert_element_type3A_84, %cond3A_85 : i32
      scf.if %cond3A_86 {
        %dma_wait3A = arith.constant 0 : i32
        %dma_wait3A_217 = arith.constant 0 : i32
        %dma_wait3A_218 = arith.constant 0 : i32
        %dma_wait3A_219 = arith.constant 0 : i32
        %dma_wait3A_220 = tpu.memref_slice %arg6[%dma_wait3A, %dma_wait3A_218, %dma_wait3A_219] : memref<7x128x128xf32, #tpu.memory_space<vmem>> -> memref<1x128x128xf32, #tpu.memory_space<vmem>>
        %dma_wait3A_221 = tpu.memref_squeeze %dma_wait3A_220 : memref<1x128x128xf32, #tpu.memory_space<vmem>> -> memref<128x128xf32, #tpu.memory_space<vmem>>
        %dma_wait3A_222 = arith.constant 0 : i32
        %dma_wait3A_223 = tpu.memref_slice %arg5[%add3A_78, %dma_wait3A_222] : memref<80x128xi32, #tpu.memory_space<vmem>> -> memref<1x128xi32, #tpu.memory_space<vmem>>
        %dma_wait3A_224 = tpu.memref_squeeze %dma_wait3A_223 : memref<1x128xi32, #tpu.memory_space<vmem>> -> memref<128xi32, #tpu.memory_space<vmem>>
        %dma_wait3A_225 = arith.constant 0 : i32
        %dma_wait3A_226 = arith.constant 0 : i32
        %dma_wait3A_227 = tpu.memref_slice %arg2[%dma_wait3A_225, %dma_wait3A_226] : memref<10000x128xf32, #tpu.memory_space<hbm>> -> memref<10000x128xf32, #tpu.memory_space<hbm>>
        %dma_wait3A_228 = tpu.memref_slice %arg7[%dma_wait3A_217] : memref<7x!tpu.dma_semaphore, #tpu.memory_space<semaphore_mem>> -> memref<1x!tpu.dma_semaphore, #tpu.memory_space<semaphore_mem>>
        %dma_wait3A_229 = tpu.memref_squeeze %dma_wait3A_228 : memref<1x!tpu.dma_semaphore, #tpu.memory_space<semaphore_mem>> -> memref<!tpu.dma_semaphore, #tpu.memory_space<semaphore_mem>>
        tpu.wait_indirect_dma semaphore(%dma_wait3A_229 : memref<!tpu.dma_semaphore, #tpu.memory_space<semaphore_mem>>) src(%dma_wait3A_227 : memref<10000x128xf32, #tpu.memory_space<hbm>>) dst(%dma_wait3A_221 : memref<128x128xf32, #tpu.memory_space<vmem>>)
        %mul3A_230 = arith.constant 128 : i32
        %mul3A_231 = arith.muli %add3A_81, %mul3A_230 : i32
        %multiple_of3A = tpu.assume_multiple %mul3A_231, 128 : i32
        %dma_start3A = arith.constant 0 : i32
        %dma_start3A_232 = arith.constant 0 : i32
        %dma_start3A_233 = arith.constant 0 : i32
        %dma_start3A_234 = arith.constant 0 : i32
        %dma_start3A_235 = tpu.memref_slice %arg6[%dma_start3A, %dma_start3A_233, %dma_start3A_234] : memref<7x128x128xf32, #tpu.memory_space<vmem>> -> memref<1x128x128xf32, #tpu.memory_space<vmem>>
        %dma_start3A_236 = tpu.memref_squeeze %dma_start3A_235 : memref<1x128x128xf32, #tpu.memory_space<vmem>> -> memref<128x128xf32, #tpu.memory_space<vmem>>
        %dma_start3A_237 = arith.constant 0 : i32
        %dma_start3A_238 = tpu.memref_slice %arg4[%multiple_of3A, %dma_start3A_237] : memref<320000x128xf32, #tpu.memory_space<hbm>> -> memref<128x128xf32, #tpu.memory_space<hbm>>
        %dma_start3A_239 = tpu.memref_slice %arg8[%dma_start3A_232] : memref<7x!tpu.dma_semaphore, #tpu.memory_space<semaphore_mem>> -> memref<1x!tpu.dma_semaphore, #tpu.memory_space<semaphore_mem>>
        %dma_start3A_240 = tpu.memref_squeeze %dma_start3A_239 : memref<1x!tpu.dma_semaphore, #tpu.memory_space<semaphore_mem>> -> memref<!tpu.dma_semaphore, #tpu.memory_space<semaphore_mem>>
        %dma_start3A_241 = arith.constant 0 : i32
        %dma_start3A_242 = tpu.memref_slice %arg4[%multiple_of3A, %dma_start3A_241] : memref<320000x128xf32, #tpu.memory_space<hbm>> -> memref<128x128xf32, #tpu.memory_space<hbm>>
        %dma_start3A_243 = arith.constant 0 : i32
        %dma_start3A_244 = arith.constant 0 : i32
        %dma_start3A_245 = tpu.memref_slice %arg6[%dma_start3A, %dma_start3A_243, %dma_start3A_244] : memref<7x128x128xf32, #tpu.memory_space<vmem>> -> memref<1x128x128xf32, #tpu.memory_space<vmem>>
        %dma_start3A_246 = tpu.memref_squeeze %dma_start3A_245 : memref<1x128x128xf32, #tpu.memory_space<vmem>> -> memref<128x128xf32, #tpu.memory_space<vmem>>
        tpu.enqueue_dma source(%dma_start3A_246 : memref<128x128xf32, #tpu.memory_space<vmem>>) target(%dma_start3A_242 : memref<128x128xf32, #tpu.memory_space<hbm>>) target_semaphore(%dma_start3A_240 : memref<!tpu.dma_semaphore, #tpu.memory_space<semaphore_mem>>)
      } else {
      }
      %add3A_87 = arith.constant 1 : i32
      %add3A_88 = arith.addi %add3A_9, %add3A_87 : i32
      %mul3A_89 = arith.constant 32 : i32
      %mul3A_90 = arith.muli %mul3A_89, %add3A_88 : i32
      %add3A_91 = arith.addi %add3A, %mul3A_90 : i32
      %lt3A_92 = arith.constant 2500 : i32
      %lt3A_93 = arith.cmpi slt, %add3A_91, %lt3A_92 : i32
      %convert_element_type3A_94 = arith.extui %lt3A_93 : i1 to i32
      %cond3A_95 = arith.constant 0 : i32
      %cond3A_96 = arith.cmpi ne, %convert_element_type3A_94, %cond3A_95 : i32
      scf.if %cond3A_96 {
        %dma_wait3A = arith.constant 1 : i32
        %dma_wait3A_217 = arith.constant 1 : i32
        %dma_wait3A_218 = arith.constant 0 : i32
        %dma_wait3A_219 = arith.constant 0 : i32
        %dma_wait3A_220 = tpu.memref_slice %arg6[%dma_wait3A, %dma_wait3A_218, %dma_wait3A_219] : memref<7x128x128xf32, #tpu.memory_space<vmem>> -> memref<1x128x128xf32, #tpu.memory_space<vmem>>
        %dma_wait3A_221 = tpu.memref_squeeze %dma_wait3A_220 : memref<1x128x128xf32, #tpu.memory_space<vmem>> -> memref<128x128xf32, #tpu.memory_space<vmem>>
        %dma_wait3A_222 = arith.constant 0 : i32
        %dma_wait3A_223 = tpu.memref_slice %arg5[%add3A_88, %dma_wait3A_222] : memref<80x128xi32, #tpu.memory_space<vmem>> -> memref<1x128xi32, #tpu.memory_space<vmem>>
        %dma_wait3A_224 = tpu.memref_squeeze %dma_wait3A_223 : memref<1x128xi32, #tpu.memory_space<vmem>> -> memref<128xi32, #tpu.memory_space<vmem>>
        %dma_wait3A_225 = arith.constant 0 : i32
        %dma_wait3A_226 = arith.constant 0 : i32
        %dma_wait3A_227 = tpu.memref_slice %arg2[%dma_wait3A_225, %dma_wait3A_226] : memref<10000x128xf32, #tpu.memory_space<hbm>> -> memref<10000x128xf32, #tpu.memory_space<hbm>>
        %dma_wait3A_228 = tpu.memref_slice %arg7[%dma_wait3A_217] : memref<7x!tpu.dma_semaphore, #tpu.memory_space<semaphore_mem>> -> memref<1x!tpu.dma_semaphore, #tpu.memory_space<semaphore_mem>>
        %dma_wait3A_229 = tpu.memref_squeeze %dma_wait3A_228 : memref<1x!tpu.dma_semaphore, #tpu.memory_space<semaphore_mem>> -> memref<!tpu.dma_semaphore, #tpu.memory_space<semaphore_mem>>
        tpu.wait_indirect_dma semaphore(%dma_wait3A_229 : memref<!tpu.dma_semaphore, #tpu.memory_space<semaphore_mem>>) src(%dma_wait3A_227 : memref<10000x128xf32, #tpu.memory_space<hbm>>) dst(%dma_wait3A_221 : memref<128x128xf32, #tpu.memory_space<vmem>>)
        %mul3A_230 = arith.constant 128 : i32
        %mul3A_231 = arith.muli %add3A_91, %mul3A_230 : i32
        %multiple_of3A = tpu.assume_multiple %mul3A_231, 128 : i32
        %dma_start3A = arith.constant 1 : i32
        %dma_start3A_232 = arith.constant 1 : i32
        %dma_start3A_233 = arith.constant 0 : i32
        %dma_start3A_234 = arith.constant 0 : i32
        %dma_start3A_235 = tpu.memref_slice %arg6[%dma_start3A, %dma_start3A_233, %dma_start3A_234] : memref<7x128x128xf32, #tpu.memory_space<vmem>> -> memref<1x128x128xf32, #tpu.memory_space<vmem>>
        %dma_start3A_236 = tpu.memref_squeeze %dma_start3A_235 : memref<1x128x128xf32, #tpu.memory_space<vmem>> -> memref<128x128xf32, #tpu.memory_space<vmem>>
        %dma_start3A_237 = arith.constant 0 : i32
        %dma_start3A_238 = tpu.memref_slice %arg4[%multiple_of3A, %dma_start3A_237] : memref<320000x128xf32, #tpu.memory_space<hbm>> -> memref<128x128xf32, #tpu.memory_space<hbm>>
        %dma_start3A_239 = tpu.memref_slice %arg8[%dma_start3A_232] : memref<7x!tpu.dma_semaphore, #tpu.memory_space<semaphore_mem>> -> memref<1x!tpu.dma_semaphore, #tpu.memory_space<semaphore_mem>>
        %dma_start3A_240 = tpu.memref_squeeze %dma_start3A_239 : memref<1x!tpu.dma_semaphore, #tpu.memory_space<semaphore_mem>> -> memref<!tpu.dma_semaphore, #tpu.memory_space<semaphore_mem>>
        %dma_start3A_241 = arith.constant 0 : i32
        %dma_start3A_242 = tpu.memref_slice %arg4[%multiple_of3A, %dma_start3A_241] : memref<320000x128xf32, #tpu.memory_space<hbm>> -> memref<128x128xf32, #tpu.memory_space<hbm>>
        %dma_start3A_243 = arith.constant 0 : i32
        %dma_start3A_244 = arith.constant 0 : i32
        %dma_start3A_245 = tpu.memref_slice %arg6[%dma_start3A, %dma_start3A_243, %dma_start3A_244] : memref<7x128x128xf32, #tpu.memory_space<vmem>> -> memref<1x128x128xf32, #tpu.memory_space<vmem>>
        %dma_start3A_246 = tpu.memref_squeeze %dma_start3A_245 : memref<1x128x128xf32, #tpu.memory_space<vmem>> -> memref<128x128xf32, #tpu.memory_space<vmem>>
        tpu.enqueue_dma source(%dma_start3A_246 : memref<128x128xf32, #tpu.memory_space<vmem>>) target(%dma_start3A_242 : memref<128x128xf32, #tpu.memory_space<hbm>>) target_semaphore(%dma_start3A_240 : memref<!tpu.dma_semaphore, #tpu.memory_space<semaphore_mem>>)
      } else {
      }
      %add3A_97 = arith.constant 2 : i32
      %add3A_98 = arith.addi %add3A_9, %add3A_97 : i32
      %mul3A_99 = arith.constant 32 : i32
      %mul3A_100 = arith.muli %mul3A_99, %add3A_98 : i32
      %add3A_101 = arith.addi %add3A, %mul3A_100 : i32
      %lt3A_102 = arith.constant 2500 : i32
      %lt3A_103 = arith.cmpi slt, %add3A_101, %lt3A_102 : i32
      %convert_element_type3A_104 = arith.extui %lt3A_103 : i1 to i32
      %cond3A_105 = arith.constant 0 : i32
      %cond3A_106 = arith.cmpi ne, %convert_element_type3A_104, %cond3A_105 : i32
      scf.if %cond3A_106 {
        %dma_wait3A = arith.constant 2 : i32
        %dma_wait3A_217 = arith.constant 2 : i32
        %dma_wait3A_218 = arith.constant 0 : i32
        %dma_wait3A_219 = arith.constant 0 : i32
        %dma_wait3A_220 = tpu.memref_slice %arg6[%dma_wait3A, %dma_wait3A_218, %dma_wait3A_219] : memref<7x128x128xf32, #tpu.memory_space<vmem>> -> memref<1x128x128xf32, #tpu.memory_space<vmem>>
        %dma_wait3A_221 = tpu.memref_squeeze %dma_wait3A_220 : memref<1x128x128xf32, #tpu.memory_space<vmem>> -> memref<128x128xf32, #tpu.memory_space<vmem>>
        %dma_wait3A_222 = arith.constant 0 : i32
        %dma_wait3A_223 = tpu.memref_slice %arg5[%add3A_98, %dma_wait3A_222] : memref<80x128xi32, #tpu.memory_space<vmem>> -> memref<1x128xi32, #tpu.memory_space<vmem>>
        %dma_wait3A_224 = tpu.memref_squeeze %dma_wait3A_223 : memref<1x128xi32, #tpu.memory_space<vmem>> -> memref<128xi32, #tpu.memory_space<vmem>>
        %dma_wait3A_225 = arith.constant 0 : i32
        %dma_wait3A_226 = arith.constant 0 : i32
        %dma_wait3A_227 = tpu.memref_slice %arg2[%dma_wait3A_225, %dma_wait3A_226] : memref<10000x128xf32, #tpu.memory_space<hbm>> -> memref<10000x128xf32, #tpu.memory_space<hbm>>
        %dma_wait3A_228 = tpu.memref_slice %arg7[%dma_wait3A_217] : memref<7x!tpu.dma_semaphore, #tpu.memory_space<semaphore_mem>> -> memref<1x!tpu.dma_semaphore, #tpu.memory_space<semaphore_mem>>
        %dma_wait3A_229 = tpu.memref_squeeze %dma_wait3A_228 : memref<1x!tpu.dma_semaphore, #tpu.memory_space<semaphore_mem>> -> memref<!tpu.dma_semaphore, #tpu.memory_space<semaphore_mem>>
        tpu.wait_indirect_dma semaphore(%dma_wait3A_229 : memref<!tpu.dma_semaphore, #tpu.memory_space<semaphore_mem>>) src(%dma_wait3A_227 : memref<10000x128xf32, #tpu.memory_space<hbm>>) dst(%dma_wait3A_221 : memref<128x128xf32, #tpu.memory_space<vmem>>)
        %mul3A_230 = arith.constant 128 : i32
        %mul3A_231 = arith.muli %add3A_101, %mul3A_230 : i32
        %multiple_of3A = tpu.assume_multiple %mul3A_231, 128 : i32
        %dma_start3A = arith.constant 2 : i32
        %dma_start3A_232 = arith.constant 2 : i32
        %dma_start3A_233 = arith.constant 0 : i32
        %dma_start3A_234 = arith.constant 0 : i32
        %dma_start3A_235 = tpu.memref_slice %arg6[%dma_start3A, %dma_start3A_233, %dma_start3A_234] : memref<7x128x128xf32, #tpu.memory_space<vmem>> -> memref<1x128x128xf32, #tpu.memory_space<vmem>>
        %dma_start3A_236 = tpu.memref_squeeze %dma_start3A_235 : memref<1x128x128xf32, #tpu.memory_space<vmem>> -> memref<128x128xf32, #tpu.memory_space<vmem>>
        %dma_start3A_237 = arith.constant 0 : i32
        %dma_start3A_238 = tpu.memref_slice %arg4[%multiple_of3A, %dma_start3A_237] : memref<320000x128xf32, #tpu.memory_space<hbm>> -> memref<128x128xf32, #tpu.memory_space<hbm>>
        %dma_start3A_239 = tpu.memref_slice %arg8[%dma_start3A_232] : memref<7x!tpu.dma_semaphore, #tpu.memory_space<semaphore_mem>> -> memref<1x!tpu.dma_semaphore, #tpu.memory_space<semaphore_mem>>
        %dma_start3A_240 = tpu.memref_squeeze %dma_start3A_239 : memref<1x!tpu.dma_semaphore, #tpu.memory_space<semaphore_mem>> -> memref<!tpu.dma_semaphore, #tpu.memory_space<semaphore_mem>>
        %dma_start3A_241 = arith.constant 0 : i32
        %dma_start3A_242 = tpu.memref_slice %arg4[%multiple_of3A, %dma_start3A_241] : memref<320000x128xf32, #tpu.memory_space<hbm>> -> memref<128x128xf32, #tpu.memory_space<hbm>>
        %dma_start3A_243 = arith.constant 0 : i32
        %dma_start3A_244 = arith.constant 0 : i32
        %dma_start3A_245 = tpu.memref_slice %arg6[%dma_start3A, %dma_start3A_243, %dma_start3A_244] : memref<7x128x128xf32, #tpu.memory_space<vmem>> -> memref<1x128x128xf32, #tpu.memory_space<vmem>>
        %dma_start3A_246 = tpu.memref_squeeze %dma_start3A_245 : memref<1x128x128xf32, #tpu.memory_space<vmem>> -> memref<128x128xf32, #tpu.memory_space<vmem>>
        tpu.enqueue_dma source(%dma_start3A_246 : memref<128x128xf32, #tpu.memory_space<vmem>>) target(%dma_start3A_242 : memref<128x128xf32, #tpu.memory_space<hbm>>) target_semaphore(%dma_start3A_240 : memref<!tpu.dma_semaphore, #tpu.memory_space<semaphore_mem>>)
      } else {
      }
      %add3A_107 = arith.constant 3 : i32
      %add3A_108 = arith.addi %add3A_9, %add3A_107 : i32
      %mul3A_109 = arith.constant 32 : i32
      %mul3A_110 = arith.muli %mul3A_109, %add3A_108 : i32
      %add3A_111 = arith.addi %add3A, %mul3A_110 : i32
      %lt3A_112 = arith.constant 2500 : i32
      %lt3A_113 = arith.cmpi slt, %add3A_111, %lt3A_112 : i32
      %convert_element_type3A_114 = arith.extui %lt3A_113 : i1 to i32
      %cond3A_115 = arith.constant 0 : i32
      %cond3A_116 = arith.cmpi ne, %convert_element_type3A_114, %cond3A_115 : i32
      scf.if %cond3A_116 {
        %dma_wait3A = arith.constant 3 : i32
        %dma_wait3A_217 = arith.constant 3 : i32
        %dma_wait3A_218 = arith.constant 0 : i32
        %dma_wait3A_219 = arith.constant 0 : i32
        %dma_wait3A_220 = tpu.memref_slice %arg6[%dma_wait3A, %dma_wait3A_218, %dma_wait3A_219] : memref<7x128x128xf32, #tpu.memory_space<vmem>> -> memref<1x128x128xf32, #tpu.memory_space<vmem>>
        %dma_wait3A_221 = tpu.memref_squeeze %dma_wait3A_220 : memref<1x128x128xf32, #tpu.memory_space<vmem>> -> memref<128x128xf32, #tpu.memory_space<vmem>>
        %dma_wait3A_222 = arith.constant 0 : i32
        %dma_wait3A_223 = tpu.memref_slice %arg5[%add3A_108, %dma_wait3A_222] : memref<80x128xi32, #tpu.memory_space<vmem>> -> memref<1x128xi32, #tpu.memory_space<vmem>>
        %dma_wait3A_224 = tpu.memref_squeeze %dma_wait3A_223 : memref<1x128xi32, #tpu.memory_space<vmem>> -> memref<128xi32, #tpu.memory_space<vmem>>
        %dma_wait3A_225 = arith.constant 0 : i32
        %dma_wait3A_226 = arith.constant 0 : i32
        %dma_wait3A_227 = tpu.memref_slice %arg2[%dma_wait3A_225, %dma_wait3A_226] : memref<10000x128xf32, #tpu.memory_space<hbm>> -> memref<10000x128xf32, #tpu.memory_space<hbm>>
        %dma_wait3A_228 = tpu.memref_slice %arg7[%dma_wait3A_217] : memref<7x!tpu.dma_semaphore, #tpu.memory_space<semaphore_mem>> -> memref<1x!tpu.dma_semaphore, #tpu.memory_space<semaphore_mem>>
        %dma_wait3A_229 = tpu.memref_squeeze %dma_wait3A_228 : memref<1x!tpu.dma_semaphore, #tpu.memory_space<semaphore_mem>> -> memref<!tpu.dma_semaphore, #tpu.memory_space<semaphore_mem>>
        tpu.wait_indirect_dma semaphore(%dma_wait3A_229 : memref<!tpu.dma_semaphore, #tpu.memory_space<semaphore_mem>>) src(%dma_wait3A_227 : memref<10000x128xf32, #tpu.memory_space<hbm>>) dst(%dma_wait3A_221 : memref<128x128xf32, #tpu.memory_space<vmem>>)
        %mul3A_230 = arith.constant 128 : i32
        %mul3A_231 = arith.muli %add3A_111, %mul3A_230 : i32
        %multiple_of3A = tpu.assume_multiple %mul3A_231, 128 : i32
        %dma_start3A = arith.constant 3 : i32
        %dma_start3A_232 = arith.constant 3 : i32
        %dma_start3A_233 = arith.constant 0 : i32
        %dma_start3A_234 = arith.constant 0 : i32
        %dma_start3A_235 = tpu.memref_slice %arg6[%dma_start3A, %dma_start3A_233, %dma_start3A_234] : memref<7x128x128xf32, #tpu.memory_space<vmem>> -> memref<1x128x128xf32, #tpu.memory_space<vmem>>
        %dma_start3A_236 = tpu.memref_squeeze %dma_start3A_235 : memref<1x128x128xf32, #tpu.memory_space<vmem>> -> memref<128x128xf32, #tpu.memory_space<vmem>>
        %dma_start3A_237 = arith.constant 0 : i32
        %dma_start3A_238 = tpu.memref_slice %arg4[%multiple_of3A, %dma_start3A_237] : memref<320000x128xf32, #tpu.memory_space<hbm>> -> memref<128x128xf32, #tpu.memory_space<hbm>>
        %dma_start3A_239 = tpu.memref_slice %arg8[%dma_start3A_232] : memref<7x!tpu.dma_semaphore, #tpu.memory_space<semaphore_mem>> -> memref<1x!tpu.dma_semaphore, #tpu.memory_space<semaphore_mem>>
        %dma_start3A_240 = tpu.memref_squeeze %dma_start3A_239 : memref<1x!tpu.dma_semaphore, #tpu.memory_space<semaphore_mem>> -> memref<!tpu.dma_semaphore, #tpu.memory_space<semaphore_mem>>
        %dma_start3A_241 = arith.constant 0 : i32
        %dma_start3A_242 = tpu.memref_slice %arg4[%multiple_of3A, %dma_start3A_241] : memref<320000x128xf32, #tpu.memory_space<hbm>> -> memref<128x128xf32, #tpu.memory_space<hbm>>
        %dma_start3A_243 = arith.constant 0 : i32
        %dma_start3A_244 = arith.constant 0 : i32
        %dma_start3A_245 = tpu.memref_slice %arg6[%dma_start3A, %dma_start3A_243, %dma_start3A_244] : memref<7x128x128xf32, #tpu.memory_space<vmem>> -> memref<1x128x128xf32, #tpu.memory_space<vmem>>
        %dma_start3A_246 = tpu.memref_squeeze %dma_start3A_245 : memref<1x128x128xf32, #tpu.memory_space<vmem>> -> memref<128x128xf32, #tpu.memory_space<vmem>>
        tpu.enqueue_dma source(%dma_start3A_246 : memref<128x128xf32, #tpu.memory_space<vmem>>) target(%dma_start3A_242 : memref<128x128xf32, #tpu.memory_space<hbm>>) target_semaphore(%dma_start3A_240 : memref<!tpu.dma_semaphore, #tpu.memory_space<semaphore_mem>>)
      } else {
      }
      %add3A_117 = arith.constant 4 : i32
      %add3A_118 = arith.addi %add3A_9, %add3A_117 : i32
      %mul3A_119 = arith.constant 32 : i32
      %mul3A_120 = arith.muli %mul3A_119, %add3A_118 : i32
      %add3A_121 = arith.addi %add3A, %mul3A_120 : i32
      %lt3A_122 = arith.constant 2500 : i32
      %lt3A_123 = arith.cmpi slt, %add3A_121, %lt3A_122 : i32
      %convert_element_type3A_124 = arith.extui %lt3A_123 : i1 to i32
      %cond3A_125 = arith.constant 0 : i32
      %cond3A_126 = arith.cmpi ne, %convert_element_type3A_124, %cond3A_125 : i32
      scf.if %cond3A_126 {
        %dma_wait3A = arith.constant 4 : i32
        %dma_wait3A_217 = arith.constant 4 : i32
        %dma_wait3A_218 = arith.constant 0 : i32
        %dma_wait3A_219 = arith.constant 0 : i32
        %dma_wait3A_220 = tpu.memref_slice %arg6[%dma_wait3A, %dma_wait3A_218, %dma_wait3A_219] : memref<7x128x128xf32, #tpu.memory_space<vmem>> -> memref<1x128x128xf32, #tpu.memory_space<vmem>>
        %dma_wait3A_221 = tpu.memref_squeeze %dma_wait3A_220 : memref<1x128x128xf32, #tpu.memory_space<vmem>> -> memref<128x128xf32, #tpu.memory_space<vmem>>
        %dma_wait3A_222 = arith.constant 0 : i32
        %dma_wait3A_223 = tpu.memref_slice %arg5[%add3A_118, %dma_wait3A_222] : memref<80x128xi32, #tpu.memory_space<vmem>> -> memref<1x128xi32, #tpu.memory_space<vmem>>
        %dma_wait3A_224 = tpu.memref_squeeze %dma_wait3A_223 : memref<1x128xi32, #tpu.memory_space<vmem>> -> memref<128xi32, #tpu.memory_space<vmem>>
        %dma_wait3A_225 = arith.constant 0 : i32
        %dma_wait3A_226 = arith.constant 0 : i32
        %dma_wait3A_227 = tpu.memref_slice %arg2[%dma_wait3A_225, %dma_wait3A_226] : memref<10000x128xf32, #tpu.memory_space<hbm>> -> memref<10000x128xf32, #tpu.memory_space<hbm>>
        %dma_wait3A_228 = tpu.memref_slice %arg7[%dma_wait3A_217] : memref<7x!tpu.dma_semaphore, #tpu.memory_space<semaphore_mem>> -> memref<1x!tpu.dma_semaphore, #tpu.memory_space<semaphore_mem>>
        %dma_wait3A_229 = tpu.memref_squeeze %dma_wait3A_228 : memref<1x!tpu.dma_semaphore, #tpu.memory_space<semaphore_mem>> -> memref<!tpu.dma_semaphore, #tpu.memory_space<semaphore_mem>>
        tpu.wait_indirect_dma semaphore(%dma_wait3A_229 : memref<!tpu.dma_semaphore, #tpu.memory_space<semaphore_mem>>) src(%dma_wait3A_227 : memref<10000x128xf32, #tpu.memory_space<hbm>>) dst(%dma_wait3A_221 : memref<128x128xf32, #tpu.memory_space<vmem>>)
        %mul3A_230 = arith.constant 128 : i32
        %mul3A_231 = arith.muli %add3A_121, %mul3A_230 : i32
        %multiple_of3A = tpu.assume_multiple %mul3A_231, 128 : i32
        %dma_start3A = arith.constant 4 : i32
        %dma_start3A_232 = arith.constant 4 : i32
        %dma_start3A_233 = arith.constant 0 : i32
        %dma_start3A_234 = arith.constant 0 : i32
        %dma_start3A_235 = tpu.memref_slice %arg6[%dma_start3A, %dma_start3A_233, %dma_start3A_234] : memref<7x128x128xf32, #tpu.memory_space<vmem>> -> memref<1x128x128xf32, #tpu.memory_space<vmem>>
        %dma_start3A_236 = tpu.memref_squeeze %dma_start3A_235 : memref<1x128x128xf32, #tpu.memory_space<vmem>> -> memref<128x128xf32, #tpu.memory_space<vmem>>
        %dma_start3A_237 = arith.constant 0 : i32
        %dma_start3A_238 = tpu.memref_slice %arg4[%multiple_of3A, %dma_start3A_237] : memref<320000x128xf32, #tpu.memory_space<hbm>> -> memref<128x128xf32, #tpu.memory_space<hbm>>
        %dma_start3A_239 = tpu.memref_slice %arg8[%dma_start3A_232] : memref<7x!tpu.dma_semaphore, #tpu.memory_space<semaphore_mem>> -> memref<1x!tpu.dma_semaphore, #tpu.memory_space<semaphore_mem>>
        %dma_start3A_240 = tpu.memref_squeeze %dma_start3A_239 : memref<1x!tpu.dma_semaphore, #tpu.memory_space<semaphore_mem>> -> memref<!tpu.dma_semaphore, #tpu.memory_space<semaphore_mem>>
        %dma_start3A_241 = arith.constant 0 : i32
        %dma_start3A_242 = tpu.memref_slice %arg4[%multiple_of3A, %dma_start3A_241] : memref<320000x128xf32, #tpu.memory_space<hbm>> -> memref<128x128xf32, #tpu.memory_space<hbm>>
        %dma_start3A_243 = arith.constant 0 : i32
        %dma_start3A_244 = arith.constant 0 : i32
        %dma_start3A_245 = tpu.memref_slice %arg6[%dma_start3A, %dma_start3A_243, %dma_start3A_244] : memref<7x128x128xf32, #tpu.memory_space<vmem>> -> memref<1x128x128xf32, #tpu.memory_space<vmem>>
        %dma_start3A_246 = tpu.memref_squeeze %dma_start3A_245 : memref<1x128x128xf32, #tpu.memory_space<vmem>> -> memref<128x128xf32, #tpu.memory_space<vmem>>
        tpu.enqueue_dma source(%dma_start3A_246 : memref<128x128xf32, #tpu.memory_space<vmem>>) target(%dma_start3A_242 : memref<128x128xf32, #tpu.memory_space<hbm>>) target_semaphore(%dma_start3A_240 : memref<!tpu.dma_semaphore, #tpu.memory_space<semaphore_mem>>)
      } else {
      }
      %add3A_127 = arith.constant 5 : i32
      %add3A_128 = arith.addi %add3A_9, %add3A_127 : i32
      %mul3A_129 = arith.constant 32 : i32
      %mul3A_130 = arith.muli %mul3A_129, %add3A_128 : i32
      %add3A_131 = arith.addi %add3A, %mul3A_130 : i32
      %lt3A_132 = arith.constant 2500 : i32
      %lt3A_133 = arith.cmpi slt, %add3A_131, %lt3A_132 : i32
      %convert_element_type3A_134 = arith.extui %lt3A_133 : i1 to i32
      %cond3A_135 = arith.constant 0 : i32
      %cond3A_136 = arith.cmpi ne, %convert_element_type3A_134, %cond3A_135 : i32
      scf.if %cond3A_136 {
        %dma_wait3A = arith.constant 5 : i32
        %dma_wait3A_217 = arith.constant 5 : i32
        %dma_wait3A_218 = arith.constant 0 : i32
        %dma_wait3A_219 = arith.constant 0 : i32
        %dma_wait3A_220 = tpu.memref_slice %arg6[%dma_wait3A, %dma_wait3A_218, %dma_wait3A_219] : memref<7x128x128xf32, #tpu.memory_space<vmem>> -> memref<1x128x128xf32, #tpu.memory_space<vmem>>
        %dma_wait3A_221 = tpu.memref_squeeze %dma_wait3A_220 : memref<1x128x128xf32, #tpu.memory_space<vmem>> -> memref<128x128xf32, #tpu.memory_space<vmem>>
        %dma_wait3A_222 = arith.constant 0 : i32
        %dma_wait3A_223 = tpu.memref_slice %arg5[%add3A_128, %dma_wait3A_222] : memref<80x128xi32, #tpu.memory_space<vmem>> -> memref<1x128xi32, #tpu.memory_space<vmem>>
        %dma_wait3A_224 = tpu.memref_squeeze %dma_wait3A_223 : memref<1x128xi32, #tpu.memory_space<vmem>> -> memref<128xi32, #tpu.memory_space<vmem>>
        %dma_wait3A_225 = arith.constant 0 : i32
        %dma_wait3A_226 = arith.constant 0 : i32
        %dma_wait3A_227 = tpu.memref_slice %arg2[%dma_wait3A_225, %dma_wait3A_226] : memref<10000x128xf32, #tpu.memory_space<hbm>> -> memref<10000x128xf32, #tpu.memory_space<hbm>>
        %dma_wait3A_228 = tpu.memref_slice %arg7[%dma_wait3A_217] : memref<7x!tpu.dma_semaphore, #tpu.memory_space<semaphore_mem>> -> memref<1x!tpu.dma_semaphore, #tpu.memory_space<semaphore_mem>>
        %dma_wait3A_229 = tpu.memref_squeeze %dma_wait3A_228 : memref<1x!tpu.dma_semaphore, #tpu.memory_space<semaphore_mem>> -> memref<!tpu.dma_semaphore, #tpu.memory_space<semaphore_mem>>
        tpu.wait_indirect_dma semaphore(%dma_wait3A_229 : memref<!tpu.dma_semaphore, #tpu.memory_space<semaphore_mem>>) src(%dma_wait3A_227 : memref<10000x128xf32, #tpu.memory_space<hbm>>) dst(%dma_wait3A_221 : memref<128x128xf32, #tpu.memory_space<vmem>>)
        %mul3A_230 = arith.constant 128 : i32
        %mul3A_231 = arith.muli %add3A_131, %mul3A_230 : i32
        %multiple_of3A = tpu.assume_multiple %mul3A_231, 128 : i32
        %dma_start3A = arith.constant 5 : i32
        %dma_start3A_232 = arith.constant 5 : i32
        %dma_start3A_233 = arith.constant 0 : i32
        %dma_start3A_234 = arith.constant 0 : i32
        %dma_start3A_235 = tpu.memref_slice %arg6[%dma_start3A, %dma_start3A_233, %dma_start3A_234] : memref<7x128x128xf32, #tpu.memory_space<vmem>> -> memref<1x128x128xf32, #tpu.memory_space<vmem>>
        %dma_start3A_236 = tpu.memref_squeeze %dma_start3A_235 : memref<1x128x128xf32, #tpu.memory_space<vmem>> -> memref<128x128xf32, #tpu.memory_space<vmem>>
        %dma_start3A_237 = arith.constant 0 : i32
        %dma_start3A_238 = tpu.memref_slice %arg4[%multiple_of3A, %dma_start3A_237] : memref<320000x128xf32, #tpu.memory_space<hbm>> -> memref<128x128xf32, #tpu.memory_space<hbm>>
        %dma_start3A_239 = tpu.memref_slice %arg8[%dma_start3A_232] : memref<7x!tpu.dma_semaphore, #tpu.memory_space<semaphore_mem>> -> memref<1x!tpu.dma_semaphore, #tpu.memory_space<semaphore_mem>>
        %dma_start3A_240 = tpu.memref_squeeze %dma_start3A_239 : memref<1x!tpu.dma_semaphore, #tpu.memory_space<semaphore_mem>> -> memref<!tpu.dma_semaphore, #tpu.memory_space<semaphore_mem>>
        %dma_start3A_241 = arith.constant 0 : i32
        %dma_start3A_242 = tpu.memref_slice %arg4[%multiple_of3A, %dma_start3A_241] : memref<320000x128xf32, #tpu.memory_space<hbm>> -> memref<128x128xf32, #tpu.memory_space<hbm>>
        %dma_start3A_243 = arith.constant 0 : i32
        %dma_start3A_244 = arith.constant 0 : i32
        %dma_start3A_245 = tpu.memref_slice %arg6[%dma_start3A, %dma_start3A_243, %dma_start3A_244] : memref<7x128x128xf32, #tpu.memory_space<vmem>> -> memref<1x128x128xf32, #tpu.memory_space<vmem>>
        %dma_start3A_246 = tpu.memref_squeeze %dma_start3A_245 : memref<1x128x128xf32, #tpu.memory_space<vmem>> -> memref<128x128xf32, #tpu.memory_space<vmem>>
        tpu.enqueue_dma source(%dma_start3A_246 : memref<128x128xf32, #tpu.memory_space<vmem>>) target(%dma_start3A_242 : memref<128x128xf32, #tpu.memory_space<hbm>>) target_semaphore(%dma_start3A_240 : memref<!tpu.dma_semaphore, #tpu.memory_space<semaphore_mem>>)
      } else {
      }
      %add3A_137 = arith.constant 6 : i32
      %add3A_138 = arith.addi %add3A_9, %add3A_137 : i32
      %mul3A_139 = arith.constant 32 : i32
      %mul3A_140 = arith.muli %mul3A_139, %add3A_138 : i32
      %add3A_141 = arith.addi %add3A, %mul3A_140 : i32
      %lt3A_142 = arith.constant 2500 : i32
      %lt3A_143 = arith.cmpi slt, %add3A_141, %lt3A_142 : i32
      %convert_element_type3A_144 = arith.extui %lt3A_143 : i1 to i32
      %cond3A_145 = arith.constant 0 : i32
      %cond3A_146 = arith.cmpi ne, %convert_element_type3A_144, %cond3A_145 : i32
      scf.if %cond3A_146 {
        %dma_wait3A = arith.constant 6 : i32
        %dma_wait3A_217 = arith.constant 6 : i32
        %dma_wait3A_218 = arith.constant 0 : i32
        %dma_wait3A_219 = arith.constant 0 : i32
        %dma_wait3A_220 = tpu.memref_slice %arg6[%dma_wait3A, %dma_wait3A_218, %dma_wait3A_219] : memref<7x128x128xf32, #tpu.memory_space<vmem>> -> memref<1x128x128xf32, #tpu.memory_space<vmem>>
        %dma_wait3A_221 = tpu.memref_squeeze %dma_wait3A_220 : memref<1x128x128xf32, #tpu.memory_space<vmem>> -> memref<128x128xf32, #tpu.memory_space<vmem>>
        %dma_wait3A_222 = arith.constant 0 : i32
        %dma_wait3A_223 = tpu.memref_slice %arg5[%add3A_138, %dma_wait3A_222] : memref<80x128xi32, #tpu.memory_space<vmem>> -> memref<1x128xi32, #tpu.memory_space<vmem>>
        %dma_wait3A_224 = tpu.memref_squeeze %dma_wait3A_223 : memref<1x128xi32, #tpu.memory_space<vmem>> -> memref<128xi32, #tpu.memory_space<vmem>>
        %dma_wait3A_225 = arith.constant 0 : i32
        %dma_wait3A_226 = arith.constant 0 : i32
        %dma_wait3A_227 = tpu.memref_slice %arg2[%dma_wait3A_225, %dma_wait3A_226] : memref<10000x128xf32, #tpu.memory_space<hbm>> -> memref<10000x128xf32, #tpu.memory_space<hbm>>
        %dma_wait3A_228 = tpu.memref_slice %arg7[%dma_wait3A_217] : memref<7x!tpu.dma_semaphore, #tpu.memory_space<semaphore_mem>> -> memref<1x!tpu.dma_semaphore, #tpu.memory_space<semaphore_mem>>
        %dma_wait3A_229 = tpu.memref_squeeze %dma_wait3A_228 : memref<1x!tpu.dma_semaphore, #tpu.memory_space<semaphore_mem>> -> memref<!tpu.dma_semaphore, #tpu.memory_space<semaphore_mem>>
        tpu.wait_indirect_dma semaphore(%dma_wait3A_229 : memref<!tpu.dma_semaphore, #tpu.memory_space<semaphore_mem>>) src(%dma_wait3A_227 : memref<10000x128xf32, #tpu.memory_space<hbm>>) dst(%dma_wait3A_221 : memref<128x128xf32, #tpu.memory_space<vmem>>)
        %mul3A_230 = arith.constant 128 : i32
        %mul3A_231 = arith.muli %add3A_141, %mul3A_230 : i32
        %multiple_of3A = tpu.assume_multiple %mul3A_231, 128 : i32
        %dma_start3A = arith.constant 6 : i32
        %dma_start3A_232 = arith.constant 6 : i32
        %dma_start3A_233 = arith.constant 0 : i32
        %dma_start3A_234 = arith.constant 0 : i32
        %dma_start3A_235 = tpu.memref_slice %arg6[%dma_start3A, %dma_start3A_233, %dma_start3A_234] : memref<7x128x128xf32, #tpu.memory_space<vmem>> -> memref<1x128x128xf32, #tpu.memory_space<vmem>>
        %dma_start3A_236 = tpu.memref_squeeze %dma_start3A_235 : memref<1x128x128xf32, #tpu.memory_space<vmem>> -> memref<128x128xf32, #tpu.memory_space<vmem>>
        %dma_start3A_237 = arith.constant 0 : i32
        %dma_start3A_238 = tpu.memref_slice %arg4[%multiple_of3A, %dma_start3A_237] : memref<320000x128xf32, #tpu.memory_space<hbm>> -> memref<128x128xf32, #tpu.memory_space<hbm>>
        %dma_start3A_239 = tpu.memref_slice %arg8[%dma_start3A_232] : memref<7x!tpu.dma_semaphore, #tpu.memory_space<semaphore_mem>> -> memref<1x!tpu.dma_semaphore, #tpu.memory_space<semaphore_mem>>
        %dma_start3A_240 = tpu.memref_squeeze %dma_start3A_239 : memref<1x!tpu.dma_semaphore, #tpu.memory_space<semaphore_mem>> -> memref<!tpu.dma_semaphore, #tpu.memory_space<semaphore_mem>>
        %dma_start3A_241 = arith.constant 0 : i32
        %dma_start3A_242 = tpu.memref_slice %arg4[%multiple_of3A, %dma_start3A_241] : memref<320000x128xf32, #tpu.memory_space<hbm>> -> memref<128x128xf32, #tpu.memory_space<hbm>>
        %dma_start3A_243 = arith.constant 0 : i32
        %dma_start3A_244 = arith.constant 0 : i32
        %dma_start3A_245 = tpu.memref_slice %arg6[%dma_start3A, %dma_start3A_243, %dma_start3A_244] : memref<7x128x128xf32, #tpu.memory_space<vmem>> -> memref<1x128x128xf32, #tpu.memory_space<vmem>>
        %dma_start3A_246 = tpu.memref_squeeze %dma_start3A_245 : memref<1x128x128xf32, #tpu.memory_space<vmem>> -> memref<128x128xf32, #tpu.memory_space<vmem>>
        tpu.enqueue_dma source(%dma_start3A_246 : memref<128x128xf32, #tpu.memory_space<vmem>>) target(%dma_start3A_242 : memref<128x128xf32, #tpu.memory_space<hbm>>) target_semaphore(%dma_start3A_240 : memref<!tpu.dma_semaphore, #tpu.memory_space<semaphore_mem>>)
      } else {
      }
      %add3A_147 = arith.constant 0 : i32
      %add3A_148 = arith.addi %add3A_9, %add3A_147 : i32
      %mul3A_149 = arith.constant 32 : i32
      %mul3A_150 = arith.muli %mul3A_149, %add3A_148 : i32
      %add3A_151 = arith.addi %add3A, %mul3A_150 : i32
      %lt3A_152 = arith.constant 2500 : i32
      %lt3A_153 = arith.cmpi slt, %add3A_151, %lt3A_152 : i32
      %convert_element_type3A_154 = arith.extui %lt3A_153 : i1 to i32
      %cond3A_155 = arith.constant 0 : i32
      %cond3A_156 = arith.cmpi ne, %convert_element_type3A_154, %cond3A_155 : i32
      scf.if %cond3A_156 {
        %mul3A_217 = arith.constant 128 : i32
        %mul3A_218 = arith.muli %add3A_151, %mul3A_217 : i32
        %multiple_of3A = tpu.assume_multiple %mul3A_218, 128 : i32
        %dma_wait3A = arith.constant 0 : i32
        %dma_wait3A_219 = arith.constant 0 : i32
        %dma_wait3A_220 = arith.constant 0 : i32
        %dma_wait3A_221 = arith.constant 0 : i32
        %dma_wait3A_222 = tpu.memref_slice %arg6[%dma_wait3A, %dma_wait3A_220, %dma_wait3A_221] : memref<7x128x128xf32, #tpu.memory_space<vmem>> -> memref<1x128x128xf32, #tpu.memory_space<vmem>>
        %dma_wait3A_223 = tpu.memref_squeeze %dma_wait3A_222 : memref<1x128x128xf32, #tpu.memory_space<vmem>> -> memref<128x128xf32, #tpu.memory_space<vmem>>
        %dma_wait3A_224 = arith.constant 0 : i32
        %dma_wait3A_225 = tpu.memref_slice %arg4[%multiple_of3A, %dma_wait3A_224] : memref<320000x128xf32, #tpu.memory_space<hbm>> -> memref<128x128xf32, #tpu.memory_space<hbm>>
        %dma_wait3A_226 = tpu.memref_slice %arg8[%dma_wait3A_219] : memref<7x!tpu.dma_semaphore, #tpu.memory_space<semaphore_mem>> -> memref<1x!tpu.dma_semaphore, #tpu.memory_space<semaphore_mem>>
        %dma_wait3A_227 = tpu.memref_squeeze %dma_wait3A_226 : memref<1x!tpu.dma_semaphore, #tpu.memory_space<semaphore_mem>> -> memref<!tpu.dma_semaphore, #tpu.memory_space<semaphore_mem>>
        %dma_wait3A_228 = arith.constant 0 : i32
        %dma_wait3A_229 = tpu.memref_slice %arg4[%multiple_of3A, %dma_wait3A_228] : memref<320000x128xf32, #tpu.memory_space<hbm>> -> memref<128x128xf32, #tpu.memory_space<hbm>>
        %dma_wait3A_230 = arith.constant 0 : i32
        %dma_wait3A_231 = arith.constant 0 : i32
        %dma_wait3A_232 = tpu.memref_slice %arg6[%dma_wait3A, %dma_wait3A_230, %dma_wait3A_231] : memref<7x128x128xf32, #tpu.memory_space<vmem>> -> memref<1x128x128xf32, #tpu.memory_space<vmem>>
        %dma_wait3A_233 = tpu.memref_squeeze %dma_wait3A_232 : memref<1x128x128xf32, #tpu.memory_space<vmem>> -> memref<128x128xf32, #tpu.memory_space<vmem>>
        tpu.wait_dma2 semaphore(%dma_wait3A_227 : memref<!tpu.dma_semaphore, #tpu.memory_space<semaphore_mem>>) src(%dma_wait3A_233 : memref<128x128xf32, #tpu.memory_space<vmem>>) dst(%dma_wait3A_229 : memref<128x128xf32, #tpu.memory_space<hbm>>)
      } else {
      }
      %add3A_157 = arith.constant 1 : i32
      %add3A_158 = arith.addi %add3A_9, %add3A_157 : i32
      %mul3A_159 = arith.constant 32 : i32
      %mul3A_160 = arith.muli %mul3A_159, %add3A_158 : i32
      %add3A_161 = arith.addi %add3A, %mul3A_160 : i32
      %lt3A_162 = arith.constant 2500 : i32
      %lt3A_163 = arith.cmpi slt, %add3A_161, %lt3A_162 : i32
      %convert_element_type3A_164 = arith.extui %lt3A_163 : i1 to i32
      %cond3A_165 = arith.constant 0 : i32
      %cond3A_166 = arith.cmpi ne, %convert_element_type3A_164, %cond3A_165 : i32
      scf.if %cond3A_166 {
        %mul3A_217 = arith.constant 128 : i32
        %mul3A_218 = arith.muli %add3A_161, %mul3A_217 : i32
        %multiple_of3A = tpu.assume_multiple %mul3A_218, 128 : i32
        %dma_wait3A = arith.constant 1 : i32
        %dma_wait3A_219 = arith.constant 1 : i32
        %dma_wait3A_220 = arith.constant 0 : i32
        %dma_wait3A_221 = arith.constant 0 : i32
        %dma_wait3A_222 = tpu.memref_slice %arg6[%dma_wait3A, %dma_wait3A_220, %dma_wait3A_221] : memref<7x128x128xf32, #tpu.memory_space<vmem>> -> memref<1x128x128xf32, #tpu.memory_space<vmem>>
        %dma_wait3A_223 = tpu.memref_squeeze %dma_wait3A_222 : memref<1x128x128xf32, #tpu.memory_space<vmem>> -> memref<128x128xf32, #tpu.memory_space<vmem>>
        %dma_wait3A_224 = arith.constant 0 : i32
        %dma_wait3A_225 = tpu.memref_slice %arg4[%multiple_of3A, %dma_wait3A_224] : memref<320000x128xf32, #tpu.memory_space<hbm>> -> memref<128x128xf32, #tpu.memory_space<hbm>>
        %dma_wait3A_226 = tpu.memref_slice %arg8[%dma_wait3A_219] : memref<7x!tpu.dma_semaphore, #tpu.memory_space<semaphore_mem>> -> memref<1x!tpu.dma_semaphore, #tpu.memory_space<semaphore_mem>>
        %dma_wait3A_227 = tpu.memref_squeeze %dma_wait3A_226 : memref<1x!tpu.dma_semaphore, #tpu.memory_space<semaphore_mem>> -> memref<!tpu.dma_semaphore, #tpu.memory_space<semaphore_mem>>
        %dma_wait3A_228 = arith.constant 0 : i32
        %dma_wait3A_229 = tpu.memref_slice %arg4[%multiple_of3A, %dma_wait3A_228] : memref<320000x128xf32, #tpu.memory_space<hbm>> -> memref<128x128xf32, #tpu.memory_space<hbm>>
        %dma_wait3A_230 = arith.constant 0 : i32
        %dma_wait3A_231 = arith.constant 0 : i32
        %dma_wait3A_232 = tpu.memref_slice %arg6[%dma_wait3A, %dma_wait3A_230, %dma_wait3A_231] : memref<7x128x128xf32, #tpu.memory_space<vmem>> -> memref<1x128x128xf32, #tpu.memory_space<vmem>>
        %dma_wait3A_233 = tpu.memref_squeeze %dma_wait3A_232 : memref<1x128x128xf32, #tpu.memory_space<vmem>> -> memref<128x128xf32, #tpu.memory_space<vmem>>
        tpu.wait_dma2 semaphore(%dma_wait3A_227 : memref<!tpu.dma_semaphore, #tpu.memory_space<semaphore_mem>>) src(%dma_wait3A_233 : memref<128x128xf32, #tpu.memory_space<vmem>>) dst(%dma_wait3A_229 : memref<128x128xf32, #tpu.memory_space<hbm>>)
      } else {
      }
      %add3A_167 = arith.constant 2 : i32
      %add3A_168 = arith.addi %add3A_9, %add3A_167 : i32
      %mul3A_169 = arith.constant 32 : i32
      %mul3A_170 = arith.muli %mul3A_169, %add3A_168 : i32
      %add3A_171 = arith.addi %add3A, %mul3A_170 : i32
      %lt3A_172 = arith.constant 2500 : i32
      %lt3A_173 = arith.cmpi slt, %add3A_171, %lt3A_172 : i32
      %convert_element_type3A_174 = arith.extui %lt3A_173 : i1 to i32
      %cond3A_175 = arith.constant 0 : i32
      %cond3A_176 = arith.cmpi ne, %convert_element_type3A_174, %cond3A_175 : i32
      scf.if %cond3A_176 {
        %mul3A_217 = arith.constant 128 : i32
        %mul3A_218 = arith.muli %add3A_171, %mul3A_217 : i32
        %multiple_of3A = tpu.assume_multiple %mul3A_218, 128 : i32
        %dma_wait3A = arith.constant 2 : i32
        %dma_wait3A_219 = arith.constant 2 : i32
        %dma_wait3A_220 = arith.constant 0 : i32
        %dma_wait3A_221 = arith.constant 0 : i32
        %dma_wait3A_222 = tpu.memref_slice %arg6[%dma_wait3A, %dma_wait3A_220, %dma_wait3A_221] : memref<7x128x128xf32, #tpu.memory_space<vmem>> -> memref<1x128x128xf32, #tpu.memory_space<vmem>>
        %dma_wait3A_223 = tpu.memref_squeeze %dma_wait3A_222 : memref<1x128x128xf32, #tpu.memory_space<vmem>> -> memref<128x128xf32, #tpu.memory_space<vmem>>
        %dma_wait3A_224 = arith.constant 0 : i32
        %dma_wait3A_225 = tpu.memref_slice %arg4[%multiple_of3A, %dma_wait3A_224] : memref<320000x128xf32, #tpu.memory_space<hbm>> -> memref<128x128xf32, #tpu.memory_space<hbm>>
        %dma_wait3A_226 = tpu.memref_slice %arg8[%dma_wait3A_219] : memref<7x!tpu.dma_semaphore, #tpu.memory_space<semaphore_mem>> -> memref<1x!tpu.dma_semaphore, #tpu.memory_space<semaphore_mem>>
        %dma_wait3A_227 = tpu.memref_squeeze %dma_wait3A_226 : memref<1x!tpu.dma_semaphore, #tpu.memory_space<semaphore_mem>> -> memref<!tpu.dma_semaphore, #tpu.memory_space<semaphore_mem>>
        %dma_wait3A_228 = arith.constant 0 : i32
        %dma_wait3A_229 = tpu.memref_slice %arg4[%multiple_of3A, %dma_wait3A_228] : memref<320000x128xf32, #tpu.memory_space<hbm>> -> memref<128x128xf32, #tpu.memory_space<hbm>>
        %dma_wait3A_230 = arith.constant 0 : i32
        %dma_wait3A_231 = arith.constant 0 : i32
        %dma_wait3A_232 = tpu.memref_slice %arg6[%dma_wait3A, %dma_wait3A_230, %dma_wait3A_231] : memref<7x128x128xf32, #tpu.memory_space<vmem>> -> memref<1x128x128xf32, #tpu.memory_space<vmem>>
        %dma_wait3A_233 = tpu.memref_squeeze %dma_wait3A_232 : memref<1x128x128xf32, #tpu.memory_space<vmem>> -> memref<128x128xf32, #tpu.memory_space<vmem>>
        tpu.wait_dma2 semaphore(%dma_wait3A_227 : memref<!tpu.dma_semaphore, #tpu.memory_space<semaphore_mem>>) src(%dma_wait3A_233 : memref<128x128xf32, #tpu.memory_space<vmem>>) dst(%dma_wait3A_229 : memref<128x128xf32, #tpu.memory_space<hbm>>)
      } else {
      }
      %add3A_177 = arith.constant 3 : i32
      %add3A_178 = arith.addi %add3A_9, %add3A_177 : i32
      %mul3A_179 = arith.constant 32 : i32
      %mul3A_180 = arith.muli %mul3A_179, %add3A_178 : i32
      %add3A_181 = arith.addi %add3A, %mul3A_180 : i32
      %lt3A_182 = arith.constant 2500 : i32
      %lt3A_183 = arith.cmpi slt, %add3A_181, %lt3A_182 : i32
      %convert_element_type3A_184 = arith.extui %lt3A_183 : i1 to i32
      %cond3A_185 = arith.constant 0 : i32
      %cond3A_186 = arith.cmpi ne, %convert_element_type3A_184, %cond3A_185 : i32
      scf.if %cond3A_186 {
        %mul3A_217 = arith.constant 128 : i32
        %mul3A_218 = arith.muli %add3A_181, %mul3A_217 : i32
        %multiple_of3A = tpu.assume_multiple %mul3A_218, 128 : i32
        %dma_wait3A = arith.constant 3 : i32
        %dma_wait3A_219 = arith.constant 3 : i32
        %dma_wait3A_220 = arith.constant 0 : i32
        %dma_wait3A_221 = arith.constant 0 : i32
        %dma_wait3A_222 = tpu.memref_slice %arg6[%dma_wait3A, %dma_wait3A_220, %dma_wait3A_221] : memref<7x128x128xf32, #tpu.memory_space<vmem>> -> memref<1x128x128xf32, #tpu.memory_space<vmem>>
        %dma_wait3A_223 = tpu.memref_squeeze %dma_wait3A_222 : memref<1x128x128xf32, #tpu.memory_space<vmem>> -> memref<128x128xf32, #tpu.memory_space<vmem>>
        %dma_wait3A_224 = arith.constant 0 : i32
        %dma_wait3A_225 = tpu.memref_slice %arg4[%multiple_of3A, %dma_wait3A_224] : memref<320000x128xf32, #tpu.memory_space<hbm>> -> memref<128x128xf32, #tpu.memory_space<hbm>>
        %dma_wait3A_226 = tpu.memref_slice %arg8[%dma_wait3A_219] : memref<7x!tpu.dma_semaphore, #tpu.memory_space<semaphore_mem>> -> memref<1x!tpu.dma_semaphore, #tpu.memory_space<semaphore_mem>>
        %dma_wait3A_227 = tpu.memref_squeeze %dma_wait3A_226 : memref<1x!tpu.dma_semaphore, #tpu.memory_space<semaphore_mem>> -> memref<!tpu.dma_semaphore, #tpu.memory_space<semaphore_mem>>
        %dma_wait3A_228 = arith.constant 0 : i32
        %dma_wait3A_229 = tpu.memref_slice %arg4[%multiple_of3A, %dma_wait3A_228] : memref<320000x128xf32, #tpu.memory_space<hbm>> -> memref<128x128xf32, #tpu.memory_space<hbm>>
        %dma_wait3A_230 = arith.constant 0 : i32
        %dma_wait3A_231 = arith.constant 0 : i32
        %dma_wait3A_232 = tpu.memref_slice %arg6[%dma_wait3A, %dma_wait3A_230, %dma_wait3A_231] : memref<7x128x128xf32, #tpu.memory_space<vmem>> -> memref<1x128x128xf32, #tpu.memory_space<vmem>>
        %dma_wait3A_233 = tpu.memref_squeeze %dma_wait3A_232 : memref<1x128x128xf32, #tpu.memory_space<vmem>> -> memref<128x128xf32, #tpu.memory_space<vmem>>
        tpu.wait_dma2 semaphore(%dma_wait3A_227 : memref<!tpu.dma_semaphore, #tpu.memory_space<semaphore_mem>>) src(%dma_wait3A_233 : memref<128x128xf32, #tpu.memory_space<vmem>>) dst(%dma_wait3A_229 : memref<128x128xf32, #tpu.memory_space<hbm>>)
      } else {
      }
      %add3A_187 = arith.constant 4 : i32
      %add3A_188 = arith.addi %add3A_9, %add3A_187 : i32
      %mul3A_189 = arith.constant 32 : i32
      %mul3A_190 = arith.muli %mul3A_189, %add3A_188 : i32
      %add3A_191 = arith.addi %add3A, %mul3A_190 : i32
      %lt3A_192 = arith.constant 2500 : i32
      %lt3A_193 = arith.cmpi slt, %add3A_191, %lt3A_192 : i32
      %convert_element_type3A_194 = arith.extui %lt3A_193 : i1 to i32
      %cond3A_195 = arith.constant 0 : i32
      %cond3A_196 = arith.cmpi ne, %convert_element_type3A_194, %cond3A_195 : i32
      scf.if %cond3A_196 {
        %mul3A_217 = arith.constant 128 : i32
        %mul3A_218 = arith.muli %add3A_191, %mul3A_217 : i32
        %multiple_of3A = tpu.assume_multiple %mul3A_218, 128 : i32
        %dma_wait3A = arith.constant 4 : i32
        %dma_wait3A_219 = arith.constant 4 : i32
        %dma_wait3A_220 = arith.constant 0 : i32
        %dma_wait3A_221 = arith.constant 0 : i32
        %dma_wait3A_222 = tpu.memref_slice %arg6[%dma_wait3A, %dma_wait3A_220, %dma_wait3A_221] : memref<7x128x128xf32, #tpu.memory_space<vmem>> -> memref<1x128x128xf32, #tpu.memory_space<vmem>>
        %dma_wait3A_223 = tpu.memref_squeeze %dma_wait3A_222 : memref<1x128x128xf32, #tpu.memory_space<vmem>> -> memref<128x128xf32, #tpu.memory_space<vmem>>
        %dma_wait3A_224 = arith.constant 0 : i32
        %dma_wait3A_225 = tpu.memref_slice %arg4[%multiple_of3A, %dma_wait3A_224] : memref<320000x128xf32, #tpu.memory_space<hbm>> -> memref<128x128xf32, #tpu.memory_space<hbm>>
        %dma_wait3A_226 = tpu.memref_slice %arg8[%dma_wait3A_219] : memref<7x!tpu.dma_semaphore, #tpu.memory_space<semaphore_mem>> -> memref<1x!tpu.dma_semaphore, #tpu.memory_space<semaphore_mem>>
        %dma_wait3A_227 = tpu.memref_squeeze %dma_wait3A_226 : memref<1x!tpu.dma_semaphore, #tpu.memory_space<semaphore_mem>> -> memref<!tpu.dma_semaphore, #tpu.memory_space<semaphore_mem>>
        %dma_wait3A_228 = arith.constant 0 : i32
        %dma_wait3A_229 = tpu.memref_slice %arg4[%multiple_of3A, %dma_wait3A_228] : memref<320000x128xf32, #tpu.memory_space<hbm>> -> memref<128x128xf32, #tpu.memory_space<hbm>>
        %dma_wait3A_230 = arith.constant 0 : i32
        %dma_wait3A_231 = arith.constant 0 : i32
        %dma_wait3A_232 = tpu.memref_slice %arg6[%dma_wait3A, %dma_wait3A_230, %dma_wait3A_231] : memref<7x128x128xf32, #tpu.memory_space<vmem>> -> memref<1x128x128xf32, #tpu.memory_space<vmem>>
        %dma_wait3A_233 = tpu.memref_squeeze %dma_wait3A_232 : memref<1x128x128xf32, #tpu.memory_space<vmem>> -> memref<128x128xf32, #tpu.memory_space<vmem>>
        tpu.wait_dma2 semaphore(%dma_wait3A_227 : memref<!tpu.dma_semaphore, #tpu.memory_space<semaphore_mem>>) src(%dma_wait3A_233 : memref<128x128xf32, #tpu.memory_space<vmem>>) dst(%dma_wait3A_229 : memref<128x128xf32, #tpu.memory_space<hbm>>)
      } else {
      }
      %add3A_197 = arith.constant 5 : i32
      %add3A_198 = arith.addi %add3A_9, %add3A_197 : i32
      %mul3A_199 = arith.constant 32 : i32
      %mul3A_200 = arith.muli %mul3A_199, %add3A_198 : i32
      %add3A_201 = arith.addi %add3A, %mul3A_200 : i32
      %lt3A_202 = arith.constant 2500 : i32
      %lt3A_203 = arith.cmpi slt, %add3A_201, %lt3A_202 : i32
      %convert_element_type3A_204 = arith.extui %lt3A_203 : i1 to i32
      %cond3A_205 = arith.constant 0 : i32
      %cond3A_206 = arith.cmpi ne, %convert_element_type3A_204, %cond3A_205 : i32
      scf.if %cond3A_206 {
        %mul3A_217 = arith.constant 128 : i32
        %mul3A_218 = arith.muli %add3A_201, %mul3A_217 : i32
        %multiple_of3A = tpu.assume_multiple %mul3A_218, 128 : i32
        %dma_wait3A = arith.constant 5 : i32
        %dma_wait3A_219 = arith.constant 5 : i32
        %dma_wait3A_220 = arith.constant 0 : i32
        %dma_wait3A_221 = arith.constant 0 : i32
        %dma_wait3A_222 = tpu.memref_slice %arg6[%dma_wait3A, %dma_wait3A_220, %dma_wait3A_221] : memref<7x128x128xf32, #tpu.memory_space<vmem>> -> memref<1x128x128xf32, #tpu.memory_space<vmem>>
        %dma_wait3A_223 = tpu.memref_squeeze %dma_wait3A_222 : memref<1x128x128xf32, #tpu.memory_space<vmem>> -> memref<128x128xf32, #tpu.memory_space<vmem>>
        %dma_wait3A_224 = arith.constant 0 : i32
        %dma_wait3A_225 = tpu.memref_slice %arg4[%multiple_of3A, %dma_wait3A_224] : memref<320000x128xf32, #tpu.memory_space<hbm>> -> memref<128x128xf32, #tpu.memory_space<hbm>>
        %dma_wait3A_226 = tpu.memref_slice %arg8[%dma_wait3A_219] : memref<7x!tpu.dma_semaphore, #tpu.memory_space<semaphore_mem>> -> memref<1x!tpu.dma_semaphore, #tpu.memory_space<semaphore_mem>>
        %dma_wait3A_227 = tpu.memref_squeeze %dma_wait3A_226 : memref<1x!tpu.dma_semaphore, #tpu.memory_space<semaphore_mem>> -> memref<!tpu.dma_semaphore, #tpu.memory_space<semaphore_mem>>
        %dma_wait3A_228 = arith.constant 0 : i32
        %dma_wait3A_229 = tpu.memref_slice %arg4[%multiple_of3A, %dma_wait3A_228] : memref<320000x128xf32, #tpu.memory_space<hbm>> -> memref<128x128xf32, #tpu.memory_space<hbm>>
        %dma_wait3A_230 = arith.constant 0 : i32
        %dma_wait3A_231 = arith.constant 0 : i32
        %dma_wait3A_232 = tpu.memref_slice %arg6[%dma_wait3A, %dma_wait3A_230, %dma_wait3A_231] : memref<7x128x128xf32, #tpu.memory_space<vmem>> -> memref<1x128x128xf32, #tpu.memory_space<vmem>>
        %dma_wait3A_233 = tpu.memref_squeeze %dma_wait3A_232 : memref<1x128x128xf32, #tpu.memory_space<vmem>> -> memref<128x128xf32, #tpu.memory_space<vmem>>
        tpu.wait_dma2 semaphore(%dma_wait3A_227 : memref<!tpu.dma_semaphore, #tpu.memory_space<semaphore_mem>>) src(%dma_wait3A_233 : memref<128x128xf32, #tpu.memory_space<vmem>>) dst(%dma_wait3A_229 : memref<128x128xf32, #tpu.memory_space<hbm>>)
      } else {
      }
      %add3A_207 = arith.constant 6 : i32
      %add3A_208 = arith.addi %add3A_9, %add3A_207 : i32
      %mul3A_209 = arith.constant 32 : i32
      %mul3A_210 = arith.muli %mul3A_209, %add3A_208 : i32
      %add3A_211 = arith.addi %add3A, %mul3A_210 : i32
      %lt3A_212 = arith.constant 2500 : i32
      %lt3A_213 = arith.cmpi slt, %add3A_211, %lt3A_212 : i32
      %convert_element_type3A_214 = arith.extui %lt3A_213 : i1 to i32
      %cond3A_215 = arith.constant 0 : i32
      %cond3A_216 = arith.cmpi ne, %convert_element_type3A_214, %cond3A_215 : i32
      scf.if %cond3A_216 {
        %mul3A_217 = arith.constant 128 : i32
        %mul3A_218 = arith.muli %add3A_211, %mul3A_217 : i32
        %multiple_of3A = tpu.assume_multiple %mul3A_218, 128 : i32
        %dma_wait3A = arith.constant 6 : i32
        %dma_wait3A_219 = arith.constant 6 : i32
        %dma_wait3A_220 = arith.constant 0 : i32
        %dma_wait3A_221 = arith.constant 0 : i32
        %dma_wait3A_222 = tpu.memref_slice %arg6[%dma_wait3A, %dma_wait3A_220, %dma_wait3A_221] : memref<7x128x128xf32, #tpu.memory_space<vmem>> -> memref<1x128x128xf32, #tpu.memory_space<vmem>>
        %dma_wait3A_223 = tpu.memref_squeeze %dma_wait3A_222 : memref<1x128x128xf32, #tpu.memory_space<vmem>> -> memref<128x128xf32, #tpu.memory_space<vmem>>
        %dma_wait3A_224 = arith.constant 0 : i32
        %dma_wait3A_225 = tpu.memref_slice %arg4[%multiple_of3A, %dma_wait3A_224] : memref<320000x128xf32, #tpu.memory_space<hbm>> -> memref<128x128xf32, #tpu.memory_space<hbm>>
        %dma_wait3A_226 = tpu.memref_slice %arg8[%dma_wait3A_219] : memref<7x!tpu.dma_semaphore, #tpu.memory_space<semaphore_mem>> -> memref<1x!tpu.dma_semaphore, #tpu.memory_space<semaphore_mem>>
        %dma_wait3A_227 = tpu.memref_squeeze %dma_wait3A_226 : memref<1x!tpu.dma_semaphore, #tpu.memory_space<semaphore_mem>> -> memref<!tpu.dma_semaphore, #tpu.memory_space<semaphore_mem>>
        %dma_wait3A_228 = arith.constant 0 : i32
        %dma_wait3A_229 = tpu.memref_slice %arg4[%multiple_of3A, %dma_wait3A_228] : memref<320000x128xf32, #tpu.memory_space<hbm>> -> memref<128x128xf32, #tpu.memory_space<hbm>>
        %dma_wait3A_230 = arith.constant 0 : i32
        %dma_wait3A_231 = arith.constant 0 : i32
        %dma_wait3A_232 = tpu.memref_slice %arg6[%dma_wait3A, %dma_wait3A_230, %dma_wait3A_231] : memref<7x128x128xf32, #tpu.memory_space<vmem>> -> memref<1x128x128xf32, #tpu.memory_space<vmem>>
        %dma_wait3A_233 = tpu.memref_squeeze %dma_wait3A_232 : memref<1x128x128xf32, #tpu.memory_space<vmem>> -> memref<128x128xf32, #tpu.memory_space<vmem>>
        tpu.wait_dma2 semaphore(%dma_wait3A_227 : memref<!tpu.dma_semaphore, #tpu.memory_space<semaphore_mem>>) src(%dma_wait3A_233 : memref<128x128xf32, #tpu.memory_space<vmem>>) dst(%dma_wait3A_229 : memref<128x128xf32, #tpu.memory_space<hbm>>)
      } else {
      }
    }
    %scan3A_4 = arith.constant 12 : i32
    return
  }
}

#map = affine_map<(d0, d1) -> (0, 0)>
#map1 = affine_map<(d0, d1) -> (0, 0, 0)>
module attributes {stable_mosaic.version = 14 : i64} {
  func.func @k(%arg0: i32, %arg1: i32, %arg2: memref<320000x128xf32, #tpu.memory_space<hbm>>, %arg3: memref<32x80x128xi32, #tpu.memory_space<hbm>>, %arg4: memref<10000x128xf32, #tpu.memory_space<hbm>>, %arg5: memref<2x10000x128xf32, #tpu.memory_space<hbm>>, %arg6: memref<80x128xi32, #tpu.memory_space<vmem>>, %arg7: memref<2x128x128xf32, #tpu.memory_space<vmem>>, %arg8: memref<2x!tpu.dma_semaphore, #tpu.memory_space<semaphore_mem>>, %arg9: memref<2x!tpu.dma_semaphore, #tpu.memory_space<semaphore_mem>>, %arg10: memref<10000x128xf32, #tpu.memory_space<vmem_shared>>) attributes {dimension_semantics = [#tpu.dimension_semantics<core_parallel>, #tpu.dimension_semantics<subcore_parallel>], iteration_bounds = array<i64: 2, 16>, scalar_prefetch = 0 : i64, scratch_operands = 5 : i64, tpu.core_type = #tpu.core_type<sc_vector_subcore>, window_params = [{transform_indices = #map}, {transform_indices = #map1}, {transform_indices = #map}, {transform_indices = #map1}]} {
    %mul3A = arith.constant 2 : i32
    %mul3A_0 = arith.muli %arg1, %mul3A : i32
    %add3A = arith.addi %mul3A_0, %arg0 : i32
    %mul3A_1 = arith.constant 632 : i32
    %mul3A_2 = arith.muli %arg1, %mul3A_1 : i32
    %multiple_of3A = tpu.assume_multiple %mul3A_2, 8 : i32
    "tpu.region"() ({
      %run_scoped3A = tpu.sem_alloc : memref<!tpu.dma_semaphore, #tpu.memory_space<semaphore_mem>>
      %dma_start3A = arith.constant 0 : i32
      %dma_start3A_24 = arith.constant 0 : i32
      %dma_start3A_25 = tpu.memref_slice %arg3[%add3A, %dma_start3A, %dma_start3A_24] : memref<32x80x128xi32, #tpu.memory_space<hbm>> -> memref<1x80x128xi32, #tpu.memory_space<hbm>>
      %dma_start3A_26 = tpu.memref_squeeze %dma_start3A_25 : memref<1x80x128xi32, #tpu.memory_space<hbm>> -> memref<80x128xi32, #tpu.memory_space<hbm>>
      %dma_start3A_27 = arith.constant 0 : i32
      %dma_start3A_28 = arith.constant 0 : i32
      %dma_start3A_29 = tpu.memref_slice %arg3[%add3A, %dma_start3A_27, %dma_start3A_28] : memref<32x80x128xi32, #tpu.memory_space<hbm>> -> memref<1x80x128xi32, #tpu.memory_space<hbm>>
      %dma_start3A_30 = tpu.memref_squeeze %dma_start3A_29 : memref<1x80x128xi32, #tpu.memory_space<hbm>> -> memref<80x128xi32, #tpu.memory_space<hbm>>
      tpu.enqueue_dma source(%dma_start3A_30 : memref<80x128xi32, #tpu.memory_space<hbm>>) target(%arg6 : memref<80x128xi32, #tpu.memory_space<vmem>>) target_semaphore(%run_scoped3A : memref<!tpu.dma_semaphore, #tpu.memory_space<semaphore_mem>>)
      %dma_wait3A = arith.constant 0 : i32
      %dma_wait3A_31 = arith.constant 0 : i32
      %dma_wait3A_32 = tpu.memref_slice %arg3[%add3A, %dma_wait3A, %dma_wait3A_31] : memref<32x80x128xi32, #tpu.memory_space<hbm>> -> memref<1x80x128xi32, #tpu.memory_space<hbm>>
      %dma_wait3A_33 = tpu.memref_squeeze %dma_wait3A_32 : memref<1x80x128xi32, #tpu.memory_space<hbm>> -> memref<80x128xi32, #tpu.memory_space<hbm>>
      %dma_wait3A_34 = arith.constant 0 : i32
      %dma_wait3A_35 = arith.constant 0 : i32
      %dma_wait3A_36 = tpu.memref_slice %arg3[%add3A, %dma_wait3A_34, %dma_wait3A_35] : memref<32x80x128xi32, #tpu.memory_space<hbm>> -> memref<1x80x128xi32, #tpu.memory_space<hbm>>
      %dma_wait3A_37 = tpu.memref_squeeze %dma_wait3A_36 : memref<1x80x128xi32, #tpu.memory_space<hbm>> -> memref<80x128xi32, #tpu.memory_space<hbm>>
      tpu.wait_dma2 semaphore(%run_scoped3A : memref<!tpu.dma_semaphore, #tpu.memory_space<semaphore_mem>>) src(%dma_wait3A_37 : memref<80x128xi32, #tpu.memory_space<hbm>>) dst(%arg6 : memref<80x128xi32, #tpu.memory_space<vmem>>)
      tpu.yield
    }) : () -> ()
    %lt3A = arith.constant 15 : i32
    %lt3A_3 = arith.cmpi slt, %arg1, %lt3A : i32
    %convert_element_type3A = arith.extui %lt3A_3 : i1 to i32
    %cond3A = arith.constant 0 : i32
    %cond3A_4 = arith.cmpi ne, %convert_element_type3A, %cond3A : i32
    scf.if %cond3A_4 {
      "tpu.region"() ({
        %run_scoped3A = tpu.sem_alloc : memref<!tpu.dma_semaphore, #tpu.memory_space<semaphore_mem>>
        %dma_start3A = arith.constant 0 : i32
        %dma_start3A_24 = tpu.memref_slice %arg10[%multiple_of3A, %dma_start3A] : memref<10000x128xf32, #tpu.memory_space<vmem_shared>> -> memref<632x128xf32, #tpu.memory_space<vmem_shared>>
        %dma_start3A_25 = arith.constant 0 : i32
        %dma_start3A_26 = tpu.memref_slice %arg4[%multiple_of3A, %dma_start3A_25] : memref<10000x128xf32, #tpu.memory_space<hbm>> -> memref<632x128xf32, #tpu.memory_space<hbm>>
        tpu.enqueue_dma source(%dma_start3A_26 : memref<632x128xf32, #tpu.memory_space<hbm>>) target(%dma_start3A_24 : memref<632x128xf32, #tpu.memory_space<vmem_shared>>) target_semaphore(%run_scoped3A : memref<!tpu.dma_semaphore, #tpu.memory_space<semaphore_mem>>)
        %dma_wait3A = arith.constant 0 : i32
        %dma_wait3A_27 = tpu.memref_slice %arg10[%multiple_of3A, %dma_wait3A] : memref<10000x128xf32, #tpu.memory_space<vmem_shared>> -> memref<632x128xf32, #tpu.memory_space<vmem_shared>>
        %dma_wait3A_28 = arith.constant 0 : i32
        %dma_wait3A_29 = tpu.memref_slice %arg4[%multiple_of3A, %dma_wait3A_28] : memref<10000x128xf32, #tpu.memory_space<hbm>> -> memref<632x128xf32, #tpu.memory_space<hbm>>
        tpu.wait_dma2 semaphore(%run_scoped3A : memref<!tpu.dma_semaphore, #tpu.memory_space<semaphore_mem>>) src(%dma_wait3A_29 : memref<632x128xf32, #tpu.memory_space<hbm>>) dst(%dma_wait3A_27 : memref<632x128xf32, #tpu.memory_space<vmem_shared>>)
        tpu.yield
      }) : () -> ()
    } else {
    }
    %eq3A = arith.constant 15 : i32
    %eq3A_5 = arith.cmpi eq, %arg1, %eq3A : i32
    %convert_element_type3A_6 = arith.extui %eq3A_5 : i1 to i32
    %cond3A_7 = arith.constant 0 : i32
    %cond3A_8 = arith.cmpi ne, %convert_element_type3A_6, %cond3A_7 : i32
    scf.if %cond3A_8 {
      "tpu.region"() ({
        %run_scoped3A = tpu.sem_alloc : memref<!tpu.dma_semaphore, #tpu.memory_space<semaphore_mem>>
        %dma_start3A = arith.constant 9480 : i32
        %dma_start3A_24 = arith.constant 0 : i32
        %dma_start3A_25 = tpu.memref_slice %arg10[%dma_start3A, %dma_start3A_24] : memref<10000x128xf32, #tpu.memory_space<vmem_shared>> -> memref<520x128xf32, #tpu.memory_space<vmem_shared>>
        %dma_start3A_26 = arith.constant 9480 : i32
        %dma_start3A_27 = arith.constant 0 : i32
        %dma_start3A_28 = tpu.memref_slice %arg4[%dma_start3A_26, %dma_start3A_27] : memref<10000x128xf32, #tpu.memory_space<hbm>> -> memref<520x128xf32, #tpu.memory_space<hbm>>
        tpu.enqueue_dma source(%dma_start3A_28 : memref<520x128xf32, #tpu.memory_space<hbm>>) target(%dma_start3A_25 : memref<520x128xf32, #tpu.memory_space<vmem_shared>>) target_semaphore(%run_scoped3A : memref<!tpu.dma_semaphore, #tpu.memory_space<semaphore_mem>>)
        %dma_wait3A = arith.constant 9480 : i32
        %dma_wait3A_29 = arith.constant 0 : i32
        %dma_wait3A_30 = tpu.memref_slice %arg10[%dma_wait3A, %dma_wait3A_29] : memref<10000x128xf32, #tpu.memory_space<vmem_shared>> -> memref<520x128xf32, #tpu.memory_space<vmem_shared>>
        %dma_wait3A_31 = arith.constant 9480 : i32
        %dma_wait3A_32 = arith.constant 0 : i32
        %dma_wait3A_33 = tpu.memref_slice %arg4[%dma_wait3A_31, %dma_wait3A_32] : memref<10000x128xf32, #tpu.memory_space<hbm>> -> memref<520x128xf32, #tpu.memory_space<hbm>>
        tpu.wait_dma2 semaphore(%run_scoped3A : memref<!tpu.dma_semaphore, #tpu.memory_space<semaphore_mem>>) src(%dma_wait3A_33 : memref<520x128xf32, #tpu.memory_space<hbm>>) dst(%dma_wait3A_30 : memref<520x128xf32, #tpu.memory_space<vmem_shared>>)
        tpu.yield
      }) : () -> ()
    } else {
    }
    %barrier3A = arith.constant 0 : index
    tpu.barrier barrier_id(%barrier3A)
    %scan3A = arith.constant 0 : i32
    %scan3A_9 = arith.constant 40 : i32
    %scan3A_10 = arith.addi %scan3A, %scan3A_9 : i32
    %scan3A_11 = arith.constant 1 : i32
    scf.for %scan3A_24 = %scan3A to %scan3A_10 step %scan3A_11  : i32 {
      %mul3A_25 = arith.constant 2 : i32
      %mul3A_26 = arith.muli %scan3A_24, %mul3A_25 : i32
      %add3A_27 = arith.constant 0 : i32
      %add3A_28 = arith.addi %add3A_27, %mul3A_26 : i32
      %add3A_29 = arith.constant 0 : i32
      %add3A_30 = arith.addi %add3A_28, %add3A_29 : i32
      %mul3A_31 = arith.constant 32 : i32
      %mul3A_32 = arith.muli %mul3A_31, %add3A_30 : i32
      %add3A_33 = arith.addi %add3A, %mul3A_32 : i32
      %lt3A_34 = arith.constant 2500 : i32
      %lt3A_35 = arith.cmpi slt, %add3A_33, %lt3A_34 : i32
      %convert_element_type3A_36 = arith.extui %lt3A_35 : i1 to i32
      %cond3A_37 = arith.constant 0 : i32
      %cond3A_38 = arith.cmpi ne, %convert_element_type3A_36, %cond3A_37 : i32
      scf.if %cond3A_38 {
        %mul3A_89 = arith.constant 128 : i32
        %mul3A_90 = arith.muli %add3A_33, %mul3A_89 : i32
        %multiple_of3A_91 = tpu.assume_multiple %mul3A_90, 128 : i32
        %dma_start3A = arith.constant 0 : i32
        %dma_start3A_92 = arith.constant 0 : i32
        %dma_start3A_93 = arith.constant 0 : i32
        %dma_start3A_94 = arith.constant 0 : i32
        %dma_start3A_95 = tpu.memref_slice %arg7[%dma_start3A, %dma_start3A_93, %dma_start3A_94] : memref<2x128x128xf32, #tpu.memory_space<vmem>> -> memref<1x128x128xf32, #tpu.memory_space<vmem>>
        %dma_start3A_96 = tpu.memref_squeeze %dma_start3A_95 : memref<1x128x128xf32, #tpu.memory_space<vmem>> -> memref<128x128xf32, #tpu.memory_space<vmem>>
        %dma_start3A_97 = arith.constant 0 : i32
        %dma_start3A_98 = tpu.memref_slice %arg2[%multiple_of3A_91, %dma_start3A_97] : memref<320000x128xf32, #tpu.memory_space<hbm>> -> memref<128x128xf32, #tpu.memory_space<hbm>>
        %dma_start3A_99 = tpu.memref_slice %arg8[%dma_start3A_92] : memref<2x!tpu.dma_semaphore, #tpu.memory_space<semaphore_mem>> -> memref<1x!tpu.dma_semaphore, #tpu.memory_space<semaphore_mem>>
        %dma_start3A_100 = tpu.memref_squeeze %dma_start3A_99 : memref<1x!tpu.dma_semaphore, #tpu.memory_space<semaphore_mem>> -> memref<!tpu.dma_semaphore, #tpu.memory_space<semaphore_mem>>
        %dma_start3A_101 = arith.constant 0 : i32
        %dma_start3A_102 = arith.constant 0 : i32
        %dma_start3A_103 = tpu.memref_slice %arg7[%dma_start3A, %dma_start3A_101, %dma_start3A_102] : memref<2x128x128xf32, #tpu.memory_space<vmem>> -> memref<1x128x128xf32, #tpu.memory_space<vmem>>
        %dma_start3A_104 = tpu.memref_squeeze %dma_start3A_103 : memref<1x128x128xf32, #tpu.memory_space<vmem>> -> memref<128x128xf32, #tpu.memory_space<vmem>>
        %dma_start3A_105 = arith.constant 0 : i32
        %dma_start3A_106 = tpu.memref_slice %arg2[%multiple_of3A_91, %dma_start3A_105] : memref<320000x128xf32, #tpu.memory_space<hbm>> -> memref<128x128xf32, #tpu.memory_space<hbm>>
        tpu.enqueue_dma source(%dma_start3A_106 : memref<128x128xf32, #tpu.memory_space<hbm>>) target(%dma_start3A_104 : memref<128x128xf32, #tpu.memory_space<vmem>>) target_semaphore(%dma_start3A_100 : memref<!tpu.dma_semaphore, #tpu.memory_space<semaphore_mem>>)
      } else {
      }
      %add3A_39 = arith.constant 1 : i32
      %add3A_40 = arith.addi %add3A_28, %add3A_39 : i32
      %mul3A_41 = arith.constant 32 : i32
      %mul3A_42 = arith.muli %mul3A_41, %add3A_40 : i32
      %add3A_43 = arith.addi %add3A, %mul3A_42 : i32
      %lt3A_44 = arith.constant 2500 : i32
      %lt3A_45 = arith.cmpi slt, %add3A_43, %lt3A_44 : i32
      %convert_element_type3A_46 = arith.extui %lt3A_45 : i1 to i32
      %cond3A_47 = arith.constant 0 : i32
      %cond3A_48 = arith.cmpi ne, %convert_element_type3A_46, %cond3A_47 : i32
      scf.if %cond3A_48 {
        %mul3A_89 = arith.constant 128 : i32
        %mul3A_90 = arith.muli %add3A_43, %mul3A_89 : i32
        %multiple_of3A_91 = tpu.assume_multiple %mul3A_90, 128 : i32
        %dma_start3A = arith.constant 1 : i32
        %dma_start3A_92 = arith.constant 1 : i32
        %dma_start3A_93 = arith.constant 0 : i32
        %dma_start3A_94 = arith.constant 0 : i32
        %dma_start3A_95 = tpu.memref_slice %arg7[%dma_start3A, %dma_start3A_93, %dma_start3A_94] : memref<2x128x128xf32, #tpu.memory_space<vmem>> -> memref<1x128x128xf32, #tpu.memory_space<vmem>>
        %dma_start3A_96 = tpu.memref_squeeze %dma_start3A_95 : memref<1x128x128xf32, #tpu.memory_space<vmem>> -> memref<128x128xf32, #tpu.memory_space<vmem>>
        %dma_start3A_97 = arith.constant 0 : i32
        %dma_start3A_98 = tpu.memref_slice %arg2[%multiple_of3A_91, %dma_start3A_97] : memref<320000x128xf32, #tpu.memory_space<hbm>> -> memref<128x128xf32, #tpu.memory_space<hbm>>
        %dma_start3A_99 = tpu.memref_slice %arg8[%dma_start3A_92] : memref<2x!tpu.dma_semaphore, #tpu.memory_space<semaphore_mem>> -> memref<1x!tpu.dma_semaphore, #tpu.memory_space<semaphore_mem>>
        %dma_start3A_100 = tpu.memref_squeeze %dma_start3A_99 : memref<1x!tpu.dma_semaphore, #tpu.memory_space<semaphore_mem>> -> memref<!tpu.dma_semaphore, #tpu.memory_space<semaphore_mem>>
        %dma_start3A_101 = arith.constant 0 : i32
        %dma_start3A_102 = arith.constant 0 : i32
        %dma_start3A_103 = tpu.memref_slice %arg7[%dma_start3A, %dma_start3A_101, %dma_start3A_102] : memref<2x128x128xf32, #tpu.memory_space<vmem>> -> memref<1x128x128xf32, #tpu.memory_space<vmem>>
        %dma_start3A_104 = tpu.memref_squeeze %dma_start3A_103 : memref<1x128x128xf32, #tpu.memory_space<vmem>> -> memref<128x128xf32, #tpu.memory_space<vmem>>
        %dma_start3A_105 = arith.constant 0 : i32
        %dma_start3A_106 = tpu.memref_slice %arg2[%multiple_of3A_91, %dma_start3A_105] : memref<320000x128xf32, #tpu.memory_space<hbm>> -> memref<128x128xf32, #tpu.memory_space<hbm>>
        tpu.enqueue_dma source(%dma_start3A_106 : memref<128x128xf32, #tpu.memory_space<hbm>>) target(%dma_start3A_104 : memref<128x128xf32, #tpu.memory_space<vmem>>) target_semaphore(%dma_start3A_100 : memref<!tpu.dma_semaphore, #tpu.memory_space<semaphore_mem>>)
      } else {
      }
      %add3A_49 = arith.constant 0 : i32
      %add3A_50 = arith.addi %add3A_28, %add3A_49 : i32
      %mul3A_51 = arith.constant 32 : i32
      %mul3A_52 = arith.muli %mul3A_51, %add3A_50 : i32
      %add3A_53 = arith.addi %add3A, %mul3A_52 : i32
      %lt3A_54 = arith.constant 2500 : i32
      %lt3A_55 = arith.cmpi slt, %add3A_53, %lt3A_54 : i32
      %convert_element_type3A_56 = arith.extui %lt3A_55 : i1 to i32
      %cond3A_57 = arith.constant 0 : i32
      %cond3A_58 = arith.cmpi ne, %convert_element_type3A_56, %cond3A_57 : i32
      scf.if %cond3A_58 {
        %mul3A_89 = arith.constant 128 : i32
        %mul3A_90 = arith.muli %add3A_53, %mul3A_89 : i32
        %multiple_of3A_91 = tpu.assume_multiple %mul3A_90, 128 : i32
        %dma_wait3A = arith.constant 0 : i32
        %dma_wait3A_92 = arith.constant 0 : i32
        %dma_wait3A_93 = arith.constant 0 : i32
        %dma_wait3A_94 = arith.constant 0 : i32
        %dma_wait3A_95 = tpu.memref_slice %arg7[%dma_wait3A, %dma_wait3A_93, %dma_wait3A_94] : memref<2x128x128xf32, #tpu.memory_space<vmem>> -> memref<1x128x128xf32, #tpu.memory_space<vmem>>
        %dma_wait3A_96 = tpu.memref_squeeze %dma_wait3A_95 : memref<1x128x128xf32, #tpu.memory_space<vmem>> -> memref<128x128xf32, #tpu.memory_space<vmem>>
        %dma_wait3A_97 = arith.constant 0 : i32
        %dma_wait3A_98 = tpu.memref_slice %arg2[%multiple_of3A_91, %dma_wait3A_97] : memref<320000x128xf32, #tpu.memory_space<hbm>> -> memref<128x128xf32, #tpu.memory_space<hbm>>
        %dma_wait3A_99 = tpu.memref_slice %arg8[%dma_wait3A_92] : memref<2x!tpu.dma_semaphore, #tpu.memory_space<semaphore_mem>> -> memref<1x!tpu.dma_semaphore, #tpu.memory_space<semaphore_mem>>
        %dma_wait3A_100 = tpu.memref_squeeze %dma_wait3A_99 : memref<1x!tpu.dma_semaphore, #tpu.memory_space<semaphore_mem>> -> memref<!tpu.dma_semaphore, #tpu.memory_space<semaphore_mem>>
        %dma_wait3A_101 = arith.constant 0 : i32
        %dma_wait3A_102 = arith.constant 0 : i32
        %dma_wait3A_103 = tpu.memref_slice %arg7[%dma_wait3A, %dma_wait3A_101, %dma_wait3A_102] : memref<2x128x128xf32, #tpu.memory_space<vmem>> -> memref<1x128x128xf32, #tpu.memory_space<vmem>>
        %dma_wait3A_104 = tpu.memref_squeeze %dma_wait3A_103 : memref<1x128x128xf32, #tpu.memory_space<vmem>> -> memref<128x128xf32, #tpu.memory_space<vmem>>
        %dma_wait3A_105 = arith.constant 0 : i32
        %dma_wait3A_106 = tpu.memref_slice %arg2[%multiple_of3A_91, %dma_wait3A_105] : memref<320000x128xf32, #tpu.memory_space<hbm>> -> memref<128x128xf32, #tpu.memory_space<hbm>>
        tpu.wait_dma2 semaphore(%dma_wait3A_100 : memref<!tpu.dma_semaphore, #tpu.memory_space<semaphore_mem>>) src(%dma_wait3A_106 : memref<128x128xf32, #tpu.memory_space<hbm>>) dst(%dma_wait3A_104 : memref<128x128xf32, #tpu.memory_space<vmem>>)
        %dma_start3A = arith.constant 0 : i32
        %dma_start3A_107 = arith.constant 0 : i32
        %dma_start3A_108 = arith.constant 0 : i32
        %dma_start3A_109 = arith.constant 0 : i32
        %dma_start3A_110 = tpu.memref_slice %arg7[%dma_start3A, %dma_start3A_108, %dma_start3A_109] : memref<2x128x128xf32, #tpu.memory_space<vmem>> -> memref<1x128x128xf32, #tpu.memory_space<vmem>>
        %dma_start3A_111 = tpu.memref_squeeze %dma_start3A_110 : memref<1x128x128xf32, #tpu.memory_space<vmem>> -> memref<128x128xf32, #tpu.memory_space<vmem>>
        %dma_start3A_112 = arith.constant 0 : i32
        %dma_start3A_113 = tpu.memref_slice %arg6[%add3A_50, %dma_start3A_112] : memref<80x128xi32, #tpu.memory_space<vmem>> -> memref<1x128xi32, #tpu.memory_space<vmem>>
        %dma_start3A_114 = tpu.memref_squeeze %dma_start3A_113 : memref<1x128xi32, #tpu.memory_space<vmem>> -> memref<128xi32, #tpu.memory_space<vmem>>
        %dma_start3A_115 = arith.constant 0 : i32
        %dma_start3A_116 = arith.constant 0 : i32
        %dma_start3A_117 = tpu.memref_slice %arg10[%dma_start3A_115, %dma_start3A_116] : memref<10000x128xf32, #tpu.memory_space<vmem_shared>> -> memref<10000x128xf32, #tpu.memory_space<vmem_shared>>
        %dma_start3A_118 = tpu.memref_slice %arg9[%dma_start3A_107] : memref<2x!tpu.dma_semaphore, #tpu.memory_space<semaphore_mem>> -> memref<1x!tpu.dma_semaphore, #tpu.memory_space<semaphore_mem>>
        %dma_start3A_119 = tpu.memref_squeeze %dma_start3A_118 : memref<1x!tpu.dma_semaphore, #tpu.memory_space<semaphore_mem>> -> memref<!tpu.dma_semaphore, #tpu.memory_space<semaphore_mem>>
        tpu.enqueue_indirect_dma source(%dma_start3A_111 : memref<128x128xf32, #tpu.memory_space<vmem>>) target(%dma_start3A_117 : memref<10000x128xf32, #tpu.memory_space<vmem_shared>>) offsets(%dma_start3A_114 : memref<128xi32, #tpu.memory_space<vmem>>) semaphore(%dma_start3A_119 : memref<!tpu.dma_semaphore, #tpu.memory_space<semaphore_mem>>) {add = true}
      } else {
      }
      %add3A_59 = arith.constant 1 : i32
      %add3A_60 = arith.addi %add3A_28, %add3A_59 : i32
      %mul3A_61 = arith.constant 32 : i32
      %mul3A_62 = arith.muli %mul3A_61, %add3A_60 : i32
      %add3A_63 = arith.addi %add3A, %mul3A_62 : i32
      %lt3A_64 = arith.constant 2500 : i32
      %lt3A_65 = arith.cmpi slt, %add3A_63, %lt3A_64 : i32
      %convert_element_type3A_66 = arith.extui %lt3A_65 : i1 to i32
      %cond3A_67 = arith.constant 0 : i32
      %cond3A_68 = arith.cmpi ne, %convert_element_type3A_66, %cond3A_67 : i32
      scf.if %cond3A_68 {
        %mul3A_89 = arith.constant 128 : i32
        %mul3A_90 = arith.muli %add3A_63, %mul3A_89 : i32
        %multiple_of3A_91 = tpu.assume_multiple %mul3A_90, 128 : i32
        %dma_wait3A = arith.constant 1 : i32
        %dma_wait3A_92 = arith.constant 1 : i32
        %dma_wait3A_93 = arith.constant 0 : i32
        %dma_wait3A_94 = arith.constant 0 : i32
        %dma_wait3A_95 = tpu.memref_slice %arg7[%dma_wait3A, %dma_wait3A_93, %dma_wait3A_94] : memref<2x128x128xf32, #tpu.memory_space<vmem>> -> memref<1x128x128xf32, #tpu.memory_space<vmem>>
        %dma_wait3A_96 = tpu.memref_squeeze %dma_wait3A_95 : memref<1x128x128xf32, #tpu.memory_space<vmem>> -> memref<128x128xf32, #tpu.memory_space<vmem>>
        %dma_wait3A_97 = arith.constant 0 : i32
        %dma_wait3A_98 = tpu.memref_slice %arg2[%multiple_of3A_91, %dma_wait3A_97] : memref<320000x128xf32, #tpu.memory_space<hbm>> -> memref<128x128xf32, #tpu.memory_space<hbm>>
        %dma_wait3A_99 = tpu.memref_slice %arg8[%dma_wait3A_92] : memref<2x!tpu.dma_semaphore, #tpu.memory_space<semaphore_mem>> -> memref<1x!tpu.dma_semaphore, #tpu.memory_space<semaphore_mem>>
        %dma_wait3A_100 = tpu.memref_squeeze %dma_wait3A_99 : memref<1x!tpu.dma_semaphore, #tpu.memory_space<semaphore_mem>> -> memref<!tpu.dma_semaphore, #tpu.memory_space<semaphore_mem>>
        %dma_wait3A_101 = arith.constant 0 : i32
        %dma_wait3A_102 = arith.constant 0 : i32
        %dma_wait3A_103 = tpu.memref_slice %arg7[%dma_wait3A, %dma_wait3A_101, %dma_wait3A_102] : memref<2x128x128xf32, #tpu.memory_space<vmem>> -> memref<1x128x128xf32, #tpu.memory_space<vmem>>
        %dma_wait3A_104 = tpu.memref_squeeze %dma_wait3A_103 : memref<1x128x128xf32, #tpu.memory_space<vmem>> -> memref<128x128xf32, #tpu.memory_space<vmem>>
        %dma_wait3A_105 = arith.constant 0 : i32
        %dma_wait3A_106 = tpu.memref_slice %arg2[%multiple_of3A_91, %dma_wait3A_105] : memref<320000x128xf32, #tpu.memory_space<hbm>> -> memref<128x128xf32, #tpu.memory_space<hbm>>
        tpu.wait_dma2 semaphore(%dma_wait3A_100 : memref<!tpu.dma_semaphore, #tpu.memory_space<semaphore_mem>>) src(%dma_wait3A_106 : memref<128x128xf32, #tpu.memory_space<hbm>>) dst(%dma_wait3A_104 : memref<128x128xf32, #tpu.memory_space<vmem>>)
        %dma_start3A = arith.constant 1 : i32
        %dma_start3A_107 = arith.constant 1 : i32
        %dma_start3A_108 = arith.constant 0 : i32
        %dma_start3A_109 = arith.constant 0 : i32
        %dma_start3A_110 = tpu.memref_slice %arg7[%dma_start3A, %dma_start3A_108, %dma_start3A_109] : memref<2x128x128xf32, #tpu.memory_space<vmem>> -> memref<1x128x128xf32, #tpu.memory_space<vmem>>
        %dma_start3A_111 = tpu.memref_squeeze %dma_start3A_110 : memref<1x128x128xf32, #tpu.memory_space<vmem>> -> memref<128x128xf32, #tpu.memory_space<vmem>>
        %dma_start3A_112 = arith.constant 0 : i32
        %dma_start3A_113 = tpu.memref_slice %arg6[%add3A_60, %dma_start3A_112] : memref<80x128xi32, #tpu.memory_space<vmem>> -> memref<1x128xi32, #tpu.memory_space<vmem>>
        %dma_start3A_114 = tpu.memref_squeeze %dma_start3A_113 : memref<1x128xi32, #tpu.memory_space<vmem>> -> memref<128xi32, #tpu.memory_space<vmem>>
        %dma_start3A_115 = arith.constant 0 : i32
        %dma_start3A_116 = arith.constant 0 : i32
        %dma_start3A_117 = tpu.memref_slice %arg10[%dma_start3A_115, %dma_start3A_116] : memref<10000x128xf32, #tpu.memory_space<vmem_shared>> -> memref<10000x128xf32, #tpu.memory_space<vmem_shared>>
        %dma_start3A_118 = tpu.memref_slice %arg9[%dma_start3A_107] : memref<2x!tpu.dma_semaphore, #tpu.memory_space<semaphore_mem>> -> memref<1x!tpu.dma_semaphore, #tpu.memory_space<semaphore_mem>>
        %dma_start3A_119 = tpu.memref_squeeze %dma_start3A_118 : memref<1x!tpu.dma_semaphore, #tpu.memory_space<semaphore_mem>> -> memref<!tpu.dma_semaphore, #tpu.memory_space<semaphore_mem>>
        tpu.enqueue_indirect_dma source(%dma_start3A_111 : memref<128x128xf32, #tpu.memory_space<vmem>>) target(%dma_start3A_117 : memref<10000x128xf32, #tpu.memory_space<vmem_shared>>) offsets(%dma_start3A_114 : memref<128xi32, #tpu.memory_space<vmem>>) semaphore(%dma_start3A_119 : memref<!tpu.dma_semaphore, #tpu.memory_space<semaphore_mem>>) {add = true}
      } else {
      }
      %add3A_69 = arith.constant 0 : i32
      %add3A_70 = arith.addi %add3A_28, %add3A_69 : i32
      %mul3A_71 = arith.constant 32 : i32
      %mul3A_72 = arith.muli %mul3A_71, %add3A_70 : i32
      %add3A_73 = arith.addi %add3A, %mul3A_72 : i32
      %lt3A_74 = arith.constant 2500 : i32
      %lt3A_75 = arith.cmpi slt, %add3A_73, %lt3A_74 : i32
      %convert_element_type3A_76 = arith.extui %lt3A_75 : i1 to i32
      %cond3A_77 = arith.constant 0 : i32
      %cond3A_78 = arith.cmpi ne, %convert_element_type3A_76, %cond3A_77 : i32
      scf.if %cond3A_78 {
        %dma_wait3A = arith.constant 0 : i32
        %dma_wait3A_89 = arith.constant 0 : i32
        %dma_wait3A_90 = arith.constant 0 : i32
        %dma_wait3A_91 = arith.constant 0 : i32
        %dma_wait3A_92 = tpu.memref_slice %arg7[%dma_wait3A, %dma_wait3A_90, %dma_wait3A_91] : memref<2x128x128xf32, #tpu.memory_space<vmem>> -> memref<1x128x128xf32, #tpu.memory_space<vmem>>
        %dma_wait3A_93 = tpu.memref_squeeze %dma_wait3A_92 : memref<1x128x128xf32, #tpu.memory_space<vmem>> -> memref<128x128xf32, #tpu.memory_space<vmem>>
        %dma_wait3A_94 = arith.constant 0 : i32
        %dma_wait3A_95 = tpu.memref_slice %arg6[%add3A_70, %dma_wait3A_94] : memref<80x128xi32, #tpu.memory_space<vmem>> -> memref<1x128xi32, #tpu.memory_space<vmem>>
        %dma_wait3A_96 = tpu.memref_squeeze %dma_wait3A_95 : memref<1x128xi32, #tpu.memory_space<vmem>> -> memref<128xi32, #tpu.memory_space<vmem>>
        %dma_wait3A_97 = arith.constant 0 : i32
        %dma_wait3A_98 = arith.constant 0 : i32
        %dma_wait3A_99 = tpu.memref_slice %arg10[%dma_wait3A_97, %dma_wait3A_98] : memref<10000x128xf32, #tpu.memory_space<vmem_shared>> -> memref<10000x128xf32, #tpu.memory_space<vmem_shared>>
        %dma_wait3A_100 = tpu.memref_slice %arg9[%dma_wait3A_89] : memref<2x!tpu.dma_semaphore, #tpu.memory_space<semaphore_mem>> -> memref<1x!tpu.dma_semaphore, #tpu.memory_space<semaphore_mem>>
        %dma_wait3A_101 = tpu.memref_squeeze %dma_wait3A_100 : memref<1x!tpu.dma_semaphore, #tpu.memory_space<semaphore_mem>> -> memref<!tpu.dma_semaphore, #tpu.memory_space<semaphore_mem>>
        tpu.wait_indirect_dma semaphore(%dma_wait3A_101 : memref<!tpu.dma_semaphore, #tpu.memory_space<semaphore_mem>>) src(%dma_wait3A_93 : memref<128x128xf32, #tpu.memory_space<vmem>>) dst(%dma_wait3A_99 : memref<10000x128xf32, #tpu.memory_space<vmem_shared>>)
      } else {
      }
      %add3A_79 = arith.constant 1 : i32
      %add3A_80 = arith.addi %add3A_28, %add3A_79 : i32
      %mul3A_81 = arith.constant 32 : i32
      %mul3A_82 = arith.muli %mul3A_81, %add3A_80 : i32
      %add3A_83 = arith.addi %add3A, %mul3A_82 : i32
      %lt3A_84 = arith.constant 2500 : i32
      %lt3A_85 = arith.cmpi slt, %add3A_83, %lt3A_84 : i32
      %convert_element_type3A_86 = arith.extui %lt3A_85 : i1 to i32
      %cond3A_87 = arith.constant 0 : i32
      %cond3A_88 = arith.cmpi ne, %convert_element_type3A_86, %cond3A_87 : i32
      scf.if %cond3A_88 {
        %dma_wait3A = arith.constant 1 : i32
        %dma_wait3A_89 = arith.constant 1 : i32
        %dma_wait3A_90 = arith.constant 0 : i32
        %dma_wait3A_91 = arith.constant 0 : i32
        %dma_wait3A_92 = tpu.memref_slice %arg7[%dma_wait3A, %dma_wait3A_90, %dma_wait3A_91] : memref<2x128x128xf32, #tpu.memory_space<vmem>> -> memref<1x128x128xf32, #tpu.memory_space<vmem>>
        %dma_wait3A_93 = tpu.memref_squeeze %dma_wait3A_92 : memref<1x128x128xf32, #tpu.memory_space<vmem>> -> memref<128x128xf32, #tpu.memory_space<vmem>>
        %dma_wait3A_94 = arith.constant 0 : i32
        %dma_wait3A_95 = tpu.memref_slice %arg6[%add3A_80, %dma_wait3A_94] : memref<80x128xi32, #tpu.memory_space<vmem>> -> memref<1x128xi32, #tpu.memory_space<vmem>>
        %dma_wait3A_96 = tpu.memref_squeeze %dma_wait3A_95 : memref<1x128xi32, #tpu.memory_space<vmem>> -> memref<128xi32, #tpu.memory_space<vmem>>
        %dma_wait3A_97 = arith.constant 0 : i32
        %dma_wait3A_98 = arith.constant 0 : i32
        %dma_wait3A_99 = tpu.memref_slice %arg10[%dma_wait3A_97, %dma_wait3A_98] : memref<10000x128xf32, #tpu.memory_space<vmem_shared>> -> memref<10000x128xf32, #tpu.memory_space<vmem_shared>>
        %dma_wait3A_100 = tpu.memref_slice %arg9[%dma_wait3A_89] : memref<2x!tpu.dma_semaphore, #tpu.memory_space<semaphore_mem>> -> memref<1x!tpu.dma_semaphore, #tpu.memory_space<semaphore_mem>>
        %dma_wait3A_101 = tpu.memref_squeeze %dma_wait3A_100 : memref<1x!tpu.dma_semaphore, #tpu.memory_space<semaphore_mem>> -> memref<!tpu.dma_semaphore, #tpu.memory_space<semaphore_mem>>
        tpu.wait_indirect_dma semaphore(%dma_wait3A_101 : memref<!tpu.dma_semaphore, #tpu.memory_space<semaphore_mem>>) src(%dma_wait3A_93 : memref<128x128xf32, #tpu.memory_space<vmem>>) dst(%dma_wait3A_99 : memref<10000x128xf32, #tpu.memory_space<vmem_shared>>)
      } else {
      }
    }
    %scan3A_12 = arith.constant 40 : i32
    %barrier3A_13 = arith.constant 0 : index
    tpu.barrier barrier_id(%barrier3A_13)
    %lt3A_14 = arith.constant 15 : i32
    %lt3A_15 = arith.cmpi slt, %arg1, %lt3A_14 : i32
    %convert_element_type3A_16 = arith.extui %lt3A_15 : i1 to i32
    %cond3A_17 = arith.constant 0 : i32
    %cond3A_18 = arith.cmpi ne, %convert_element_type3A_16, %cond3A_17 : i32
    scf.if %cond3A_18 {
      "tpu.region"() ({
        %run_scoped3A = tpu.sem_alloc : memref<!tpu.dma_semaphore, #tpu.memory_space<semaphore_mem>>
        %dma_start3A = arith.constant 0 : i32
        %dma_start3A_24 = arith.constant 0 : i32
        %dma_start3A_25 = tpu.memref_slice %arg5[%arg0, %dma_start3A, %dma_start3A_24] : memref<2x10000x128xf32, #tpu.memory_space<hbm>> -> memref<1x10000x128xf32, #tpu.memory_space<hbm>>
        %dma_start3A_26 = tpu.memref_squeeze %dma_start3A_25 : memref<1x10000x128xf32, #tpu.memory_space<hbm>> -> memref<10000x128xf32, #tpu.memory_space<hbm>>
        %dma_start3A_27 = arith.constant 0 : i32
        %dma_start3A_28 = tpu.memref_slice %dma_start3A_26[%multiple_of3A, %dma_start3A_27] : memref<10000x128xf32, #tpu.memory_space<hbm>> -> memref<632x128xf32, #tpu.memory_space<hbm>>
        %dma_start3A_29 = arith.constant 0 : i32
        %dma_start3A_30 = tpu.memref_slice %arg10[%multiple_of3A, %dma_start3A_29] : memref<10000x128xf32, #tpu.memory_space<vmem_shared>> -> memref<632x128xf32, #tpu.memory_space<vmem_shared>>
        tpu.enqueue_dma source(%dma_start3A_30 : memref<632x128xf32, #tpu.memory_space<vmem_shared>>) target(%dma_start3A_28 : memref<632x128xf32, #tpu.memory_space<hbm>>) target_semaphore(%run_scoped3A : memref<!tpu.dma_semaphore, #tpu.memory_space<semaphore_mem>>)
        %dma_wait3A = arith.constant 0 : i32
        %dma_wait3A_31 = arith.constant 0 : i32
        %dma_wait3A_32 = tpu.memref_slice %arg5[%arg0, %dma_wait3A, %dma_wait3A_31] : memref<2x10000x128xf32, #tpu.memory_space<hbm>> -> memref<1x10000x128xf32, #tpu.memory_space<hbm>>
        %dma_wait3A_33 = tpu.memref_squeeze %dma_wait3A_32 : memref<1x10000x128xf32, #tpu.memory_space<hbm>> -> memref<10000x128xf32, #tpu.memory_space<hbm>>
        %dma_wait3A_34 = arith.constant 0 : i32
        %dma_wait3A_35 = tpu.memref_slice %dma_wait3A_33[%multiple_of3A, %dma_wait3A_34] : memref<10000x128xf32, #tpu.memory_space<hbm>> -> memref<632x128xf32, #tpu.memory_space<hbm>>
        %dma_wait3A_36 = arith.constant 0 : i32
        %dma_wait3A_37 = tpu.memref_slice %arg10[%multiple_of3A, %dma_wait3A_36] : memref<10000x128xf32, #tpu.memory_space<vmem_shared>> -> memref<632x128xf32, #tpu.memory_space<vmem_shared>>
        tpu.wait_dma2 semaphore(%run_scoped3A : memref<!tpu.dma_semaphore, #tpu.memory_space<semaphore_mem>>) src(%dma_wait3A_37 : memref<632x128xf32, #tpu.memory_space<vmem_shared>>) dst(%dma_wait3A_35 : memref<632x128xf32, #tpu.memory_space<hbm>>)
        tpu.yield
      }) : () -> ()
    } else {
    }
    %eq3A_19 = arith.constant 15 : i32
    %eq3A_20 = arith.cmpi eq, %arg1, %eq3A_19 : i32
    %convert_element_type3A_21 = arith.extui %eq3A_20 : i1 to i32
    %cond3A_22 = arith.constant 0 : i32
    %cond3A_23 = arith.cmpi ne, %convert_element_type3A_21, %cond3A_22 : i32
    scf.if %cond3A_23 {
      "tpu.region"() ({
        %run_scoped3A = tpu.sem_alloc : memref<!tpu.dma_semaphore, #tpu.memory_space<semaphore_mem>>
        %dma_start3A = arith.constant 0 : i32
        %dma_start3A_24 = arith.constant 0 : i32
        %dma_start3A_25 = tpu.memref_slice %arg5[%arg0, %dma_start3A, %dma_start3A_24] : memref<2x10000x128xf32, #tpu.memory_space<hbm>> -> memref<1x10000x128xf32, #tpu.memory_space<hbm>>
        %dma_start3A_26 = tpu.memref_squeeze %dma_start3A_25 : memref<1x10000x128xf32, #tpu.memory_space<hbm>> -> memref<10000x128xf32, #tpu.memory_space<hbm>>
        %dma_start3A_27 = arith.constant 9480 : i32
        %dma_start3A_28 = arith.constant 0 : i32
        %dma_start3A_29 = tpu.memref_slice %dma_start3A_26[%dma_start3A_27, %dma_start3A_28] : memref<10000x128xf32, #tpu.memory_space<hbm>> -> memref<520x128xf32, #tpu.memory_space<hbm>>
        %dma_start3A_30 = arith.constant 9480 : i32
        %dma_start3A_31 = arith.constant 0 : i32
        %dma_start3A_32 = tpu.memref_slice %arg10[%dma_start3A_30, %dma_start3A_31] : memref<10000x128xf32, #tpu.memory_space<vmem_shared>> -> memref<520x128xf32, #tpu.memory_space<vmem_shared>>
        tpu.enqueue_dma source(%dma_start3A_32 : memref<520x128xf32, #tpu.memory_space<vmem_shared>>) target(%dma_start3A_29 : memref<520x128xf32, #tpu.memory_space<hbm>>) target_semaphore(%run_scoped3A : memref<!tpu.dma_semaphore, #tpu.memory_space<semaphore_mem>>)
        %dma_wait3A = arith.constant 0 : i32
        %dma_wait3A_33 = arith.constant 0 : i32
        %dma_wait3A_34 = tpu.memref_slice %arg5[%arg0, %dma_wait3A, %dma_wait3A_33] : memref<2x10000x128xf32, #tpu.memory_space<hbm>> -> memref<1x10000x128xf32, #tpu.memory_space<hbm>>
        %dma_wait3A_35 = tpu.memref_squeeze %dma_wait3A_34 : memref<1x10000x128xf32, #tpu.memory_space<hbm>> -> memref<10000x128xf32, #tpu.memory_space<hbm>>
        %dma_wait3A_36 = arith.constant 9480 : i32
        %dma_wait3A_37 = arith.constant 0 : i32
        %dma_wait3A_38 = tpu.memref_slice %dma_wait3A_35[%dma_wait3A_36, %dma_wait3A_37] : memref<10000x128xf32, #tpu.memory_space<hbm>> -> memref<520x128xf32, #tpu.memory_space<hbm>>
        %dma_wait3A_39 = arith.constant 9480 : i32
        %dma_wait3A_40 = arith.constant 0 : i32
        %dma_wait3A_41 = tpu.memref_slice %arg10[%dma_wait3A_39, %dma_wait3A_40] : memref<10000x128xf32, #tpu.memory_space<vmem_shared>> -> memref<520x128xf32, #tpu.memory_space<vmem_shared>>
        tpu.wait_dma2 semaphore(%run_scoped3A : memref<!tpu.dma_semaphore, #tpu.memory_space<semaphore_mem>>) src(%dma_wait3A_41 : memref<520x128xf32, #tpu.memory_space<vmem_shared>>) dst(%dma_wait3A_38 : memref<520x128xf32, #tpu.memory_space<hbm>>)
        tpu.yield
      }) : () -> ()
    } else {
    }
    return
  }
}

#map = affine_map<(d0, d1) -> (0, 0)>
#map1 = affine_map<(d0, d1) -> (0, 0, 0)>
module attributes {stable_mosaic.version = 14 : i64} {
  func.func @k(%arg0: i32, %arg1: i32, %arg2: memref<10000x128xf32, #tpu.memory_space<hbm>>, %arg3: memref<32x80x128xi32, #tpu.memory_space<hbm>>, %arg4: memref<320000x128xf32, #tpu.memory_space<hbm>>, %arg5: memref<80x128xi32, #tpu.memory_space<vmem>>, %arg6: memref<7x128x128xf32, #tpu.memory_space<vmem>>, %arg7: memref<7x!tpu.dma_semaphore, #tpu.memory_space<semaphore_mem>>, %arg8: memref<7x!tpu.dma_semaphore, #tpu.memory_space<semaphore_mem>>) attributes {dimension_semantics = [#tpu.dimension_semantics<core_parallel>, #tpu.dimension_semantics<subcore_parallel>], iteration_bounds = array<i64: 2, 16>, scalar_prefetch = 0 : i64, scratch_operands = 4 : i64, tpu.core_type = #tpu.core_type<sc_vector_subcore>, window_params = [{transform_indices = #map}, {transform_indices = #map1}, {transform_indices = #map}]} {
    %mul3A = arith.constant 2 : i32
    %mul3A_0 = arith.muli %arg1, %mul3A : i32
    %add3A = arith.addi %mul3A_0, %arg0 : i32
    "tpu.region"() ({
      %run_scoped3A = tpu.sem_alloc : memref<!tpu.dma_semaphore, #tpu.memory_space<semaphore_mem>>
      %dma_start3A = arith.constant 0 : i32
      %dma_start3A_5 = arith.constant 0 : i32
      %dma_start3A_6 = tpu.memref_slice %arg3[%add3A, %dma_start3A, %dma_start3A_5] : memref<32x80x128xi32, #tpu.memory_space<hbm>> -> memref<1x80x128xi32, #tpu.memory_space<hbm>>
      %dma_start3A_7 = tpu.memref_squeeze %dma_start3A_6 : memref<1x80x128xi32, #tpu.memory_space<hbm>> -> memref<80x128xi32, #tpu.memory_space<hbm>>
      %dma_start3A_8 = arith.constant 0 : i32
      %dma_start3A_9 = arith.constant 0 : i32
      %dma_start3A_10 = tpu.memref_slice %arg3[%add3A, %dma_start3A_8, %dma_start3A_9] : memref<32x80x128xi32, #tpu.memory_space<hbm>> -> memref<1x80x128xi32, #tpu.memory_space<hbm>>
      %dma_start3A_11 = tpu.memref_squeeze %dma_start3A_10 : memref<1x80x128xi32, #tpu.memory_space<hbm>> -> memref<80x128xi32, #tpu.memory_space<hbm>>
      tpu.enqueue_dma source(%dma_start3A_11 : memref<80x128xi32, #tpu.memory_space<hbm>>) target(%arg5 : memref<80x128xi32, #tpu.memory_space<vmem>>) target_semaphore(%run_scoped3A : memref<!tpu.dma_semaphore, #tpu.memory_space<semaphore_mem>>)
      %dma_wait3A = arith.constant 0 : i32
      %dma_wait3A_12 = arith.constant 0 : i32
      %dma_wait3A_13 = tpu.memref_slice %arg3[%add3A, %dma_wait3A, %dma_wait3A_12] : memref<32x80x128xi32, #tpu.memory_space<hbm>> -> memref<1x80x128xi32, #tpu.memory_space<hbm>>
      %dma_wait3A_14 = tpu.memref_squeeze %dma_wait3A_13 : memref<1x80x128xi32, #tpu.memory_space<hbm>> -> memref<80x128xi32, #tpu.memory_space<hbm>>
      %dma_wait3A_15 = arith.constant 0 : i32
      %dma_wait3A_16 = arith.constant 0 : i32
      %dma_wait3A_17 = tpu.memref_slice %arg3[%add3A, %dma_wait3A_15, %dma_wait3A_16] : memref<32x80x128xi32, #tpu.memory_space<hbm>> -> memref<1x80x128xi32, #tpu.memory_space<hbm>>
      %dma_wait3A_18 = tpu.memref_squeeze %dma_wait3A_17 : memref<1x80x128xi32, #tpu.memory_space<hbm>> -> memref<80x128xi32, #tpu.memory_space<hbm>>
      tpu.wait_dma2 semaphore(%run_scoped3A : memref<!tpu.dma_semaphore, #tpu.memory_space<semaphore_mem>>) src(%dma_wait3A_18 : memref<80x128xi32, #tpu.memory_space<hbm>>) dst(%arg5 : memref<80x128xi32, #tpu.memory_space<vmem>>)
      tpu.yield
    }) : () -> ()
    %scan3A = arith.constant 0 : i32
    %scan3A_1 = arith.constant 12 : i32
    %scan3A_2 = arith.addi %scan3A, %scan3A_1 : i32
    %scan3A_3 = arith.constant 1 : i32
    scf.for %scan3A_5 = %scan3A to %scan3A_2 step %scan3A_3  : i32 {
      %mul3A_6 = arith.constant 7 : i32
      %mul3A_7 = arith.muli %scan3A_5, %mul3A_6 : i32
      %add3A_8 = arith.constant 0 : i32
      %add3A_9 = arith.addi %add3A_8, %mul3A_7 : i32
      %add3A_10 = arith.constant 0 : i32
      %add3A_11 = arith.addi %add3A_9, %add3A_10 : i32
      %mul3A_12 = arith.constant 32 : i32
      %mul3A_13 = arith.muli %mul3A_12, %add3A_11 : i32
      %add3A_14 = arith.addi %add3A, %mul3A_13 : i32
      %lt3A = arith.constant 2500 : i32
      %lt3A_15 = arith.cmpi slt, %add3A_14, %lt3A : i32
      %convert_element_type3A = arith.extui %lt3A_15 : i1 to i32
      %cond3A = arith.constant 0 : i32
      %cond3A_16 = arith.cmpi ne, %convert_element_type3A, %cond3A : i32
      scf.if %cond3A_16 {
        %dma_start3A = arith.constant 0 : i32
        %dma_start3A_217 = arith.constant 0 : i32
        %dma_start3A_218 = arith.constant 0 : i32
        %dma_start3A_219 = arith.constant 0 : i32
        %dma_start3A_220 = tpu.memref_slice %arg6[%dma_start3A, %dma_start3A_218, %dma_start3A_219] : memref<7x128x128xf32, #tpu.memory_space<vmem>> -> memref<1x128x128xf32, #tpu.memory_space<vmem>>
        %dma_start3A_221 = tpu.memref_squeeze %dma_start3A_220 : memref<1x128x128xf32, #tpu.memory_space<vmem>> -> memref<128x128xf32, #tpu.memory_space<vmem>>
        %dma_start3A_222 = arith.constant 0 : i32
        %dma_start3A_223 = tpu.memref_slice %arg5[%add3A_11, %dma_start3A_222] : memref<80x128xi32, #tpu.memory_space<vmem>> -> memref<1x128xi32, #tpu.memory_space<vmem>>
        %dma_start3A_224 = tpu.memref_squeeze %dma_start3A_223 : memref<1x128xi32, #tpu.memory_space<vmem>> -> memref<128xi32, #tpu.memory_space<vmem>>
        %dma_start3A_225 = arith.constant 0 : i32
        %dma_start3A_226 = arith.constant 0 : i32
        %dma_start3A_227 = tpu.memref_slice %arg2[%dma_start3A_225, %dma_start3A_226] : memref<10000x128xf32, #tpu.memory_space<hbm>> -> memref<10000x128xf32, #tpu.memory_space<hbm>>
        %dma_start3A_228 = tpu.memref_slice %arg7[%dma_start3A_217] : memref<7x!tpu.dma_semaphore, #tpu.memory_space<semaphore_mem>> -> memref<1x!tpu.dma_semaphore, #tpu.memory_space<semaphore_mem>>
        %dma_start3A_229 = tpu.memref_squeeze %dma_start3A_228 : memref<1x!tpu.dma_semaphore, #tpu.memory_space<semaphore_mem>> -> memref<!tpu.dma_semaphore, #tpu.memory_space<semaphore_mem>>
        tpu.enqueue_indirect_dma source(%dma_start3A_227 : memref<10000x128xf32, #tpu.memory_space<hbm>>) target(%dma_start3A_221 : memref<128x128xf32, #tpu.memory_space<vmem>>) offsets(%dma_start3A_224 : memref<128xi32, #tpu.memory_space<vmem>>) semaphore(%dma_start3A_229 : memref<!tpu.dma_semaphore, #tpu.memory_space<semaphore_mem>>)
      } else {
      }
      %add3A_17 = arith.constant 1 : i32
      %add3A_18 = arith.addi %add3A_9, %add3A_17 : i32
      %mul3A_19 = arith.constant 32 : i32
      %mul3A_20 = arith.muli %mul3A_19, %add3A_18 : i32
      %add3A_21 = arith.addi %add3A, %mul3A_20 : i32
      %lt3A_22 = arith.constant 2500 : i32
      %lt3A_23 = arith.cmpi slt, %add3A_21, %lt3A_22 : i32
      %convert_element_type3A_24 = arith.extui %lt3A_23 : i1 to i32
      %cond3A_25 = arith.constant 0 : i32
      %cond3A_26 = arith.cmpi ne, %convert_element_type3A_24, %cond3A_25 : i32
      scf.if %cond3A_26 {
        %dma_start3A = arith.constant 1 : i32
        %dma_start3A_217 = arith.constant 1 : i32
        %dma_start3A_218 = arith.constant 0 : i32
        %dma_start3A_219 = arith.constant 0 : i32
        %dma_start3A_220 = tpu.memref_slice %arg6[%dma_start3A, %dma_start3A_218, %dma_start3A_219] : memref<7x128x128xf32, #tpu.memory_space<vmem>> -> memref<1x128x128xf32, #tpu.memory_space<vmem>>
        %dma_start3A_221 = tpu.memref_squeeze %dma_start3A_220 : memref<1x128x128xf32, #tpu.memory_space<vmem>> -> memref<128x128xf32, #tpu.memory_space<vmem>>
        %dma_start3A_222 = arith.constant 0 : i32
        %dma_start3A_223 = tpu.memref_slice %arg5[%add3A_18, %dma_start3A_222] : memref<80x128xi32, #tpu.memory_space<vmem>> -> memref<1x128xi32, #tpu.memory_space<vmem>>
        %dma_start3A_224 = tpu.memref_squeeze %dma_start3A_223 : memref<1x128xi32, #tpu.memory_space<vmem>> -> memref<128xi32, #tpu.memory_space<vmem>>
        %dma_start3A_225 = arith.constant 0 : i32
        %dma_start3A_226 = arith.constant 0 : i32
        %dma_start3A_227 = tpu.memref_slice %arg2[%dma_start3A_225, %dma_start3A_226] : memref<10000x128xf32, #tpu.memory_space<hbm>> -> memref<10000x128xf32, #tpu.memory_space<hbm>>
        %dma_start3A_228 = tpu.memref_slice %arg7[%dma_start3A_217] : memref<7x!tpu.dma_semaphore, #tpu.memory_space<semaphore_mem>> -> memref<1x!tpu.dma_semaphore, #tpu.memory_space<semaphore_mem>>
        %dma_start3A_229 = tpu.memref_squeeze %dma_start3A_228 : memref<1x!tpu.dma_semaphore, #tpu.memory_space<semaphore_mem>> -> memref<!tpu.dma_semaphore, #tpu.memory_space<semaphore_mem>>
        tpu.enqueue_indirect_dma source(%dma_start3A_227 : memref<10000x128xf32, #tpu.memory_space<hbm>>) target(%dma_start3A_221 : memref<128x128xf32, #tpu.memory_space<vmem>>) offsets(%dma_start3A_224 : memref<128xi32, #tpu.memory_space<vmem>>) semaphore(%dma_start3A_229 : memref<!tpu.dma_semaphore, #tpu.memory_space<semaphore_mem>>)
      } else {
      }
      %add3A_27 = arith.constant 2 : i32
      %add3A_28 = arith.addi %add3A_9, %add3A_27 : i32
      %mul3A_29 = arith.constant 32 : i32
      %mul3A_30 = arith.muli %mul3A_29, %add3A_28 : i32
      %add3A_31 = arith.addi %add3A, %mul3A_30 : i32
      %lt3A_32 = arith.constant 2500 : i32
      %lt3A_33 = arith.cmpi slt, %add3A_31, %lt3A_32 : i32
      %convert_element_type3A_34 = arith.extui %lt3A_33 : i1 to i32
      %cond3A_35 = arith.constant 0 : i32
      %cond3A_36 = arith.cmpi ne, %convert_element_type3A_34, %cond3A_35 : i32
      scf.if %cond3A_36 {
        %dma_start3A = arith.constant 2 : i32
        %dma_start3A_217 = arith.constant 2 : i32
        %dma_start3A_218 = arith.constant 0 : i32
        %dma_start3A_219 = arith.constant 0 : i32
        %dma_start3A_220 = tpu.memref_slice %arg6[%dma_start3A, %dma_start3A_218, %dma_start3A_219] : memref<7x128x128xf32, #tpu.memory_space<vmem>> -> memref<1x128x128xf32, #tpu.memory_space<vmem>>
        %dma_start3A_221 = tpu.memref_squeeze %dma_start3A_220 : memref<1x128x128xf32, #tpu.memory_space<vmem>> -> memref<128x128xf32, #tpu.memory_space<vmem>>
        %dma_start3A_222 = arith.constant 0 : i32
        %dma_start3A_223 = tpu.memref_slice %arg5[%add3A_28, %dma_start3A_222] : memref<80x128xi32, #tpu.memory_space<vmem>> -> memref<1x128xi32, #tpu.memory_space<vmem>>
        %dma_start3A_224 = tpu.memref_squeeze %dma_start3A_223 : memref<1x128xi32, #tpu.memory_space<vmem>> -> memref<128xi32, #tpu.memory_space<vmem>>
        %dma_start3A_225 = arith.constant 0 : i32
        %dma_start3A_226 = arith.constant 0 : i32
        %dma_start3A_227 = tpu.memref_slice %arg2[%dma_start3A_225, %dma_start3A_226] : memref<10000x128xf32, #tpu.memory_space<hbm>> -> memref<10000x128xf32, #tpu.memory_space<hbm>>
        %dma_start3A_228 = tpu.memref_slice %arg7[%dma_start3A_217] : memref<7x!tpu.dma_semaphore, #tpu.memory_space<semaphore_mem>> -> memref<1x!tpu.dma_semaphore, #tpu.memory_space<semaphore_mem>>
        %dma_start3A_229 = tpu.memref_squeeze %dma_start3A_228 : memref<1x!tpu.dma_semaphore, #tpu.memory_space<semaphore_mem>> -> memref<!tpu.dma_semaphore, #tpu.memory_space<semaphore_mem>>
        tpu.enqueue_indirect_dma source(%dma_start3A_227 : memref<10000x128xf32, #tpu.memory_space<hbm>>) target(%dma_start3A_221 : memref<128x128xf32, #tpu.memory_space<vmem>>) offsets(%dma_start3A_224 : memref<128xi32, #tpu.memory_space<vmem>>) semaphore(%dma_start3A_229 : memref<!tpu.dma_semaphore, #tpu.memory_space<semaphore_mem>>)
      } else {
      }
      %add3A_37 = arith.constant 3 : i32
      %add3A_38 = arith.addi %add3A_9, %add3A_37 : i32
      %mul3A_39 = arith.constant 32 : i32
      %mul3A_40 = arith.muli %mul3A_39, %add3A_38 : i32
      %add3A_41 = arith.addi %add3A, %mul3A_40 : i32
      %lt3A_42 = arith.constant 2500 : i32
      %lt3A_43 = arith.cmpi slt, %add3A_41, %lt3A_42 : i32
      %convert_element_type3A_44 = arith.extui %lt3A_43 : i1 to i32
      %cond3A_45 = arith.constant 0 : i32
      %cond3A_46 = arith.cmpi ne, %convert_element_type3A_44, %cond3A_45 : i32
      scf.if %cond3A_46 {
        %dma_start3A = arith.constant 3 : i32
        %dma_start3A_217 = arith.constant 3 : i32
        %dma_start3A_218 = arith.constant 0 : i32
        %dma_start3A_219 = arith.constant 0 : i32
        %dma_start3A_220 = tpu.memref_slice %arg6[%dma_start3A, %dma_start3A_218, %dma_start3A_219] : memref<7x128x128xf32, #tpu.memory_space<vmem>> -> memref<1x128x128xf32, #tpu.memory_space<vmem>>
        %dma_start3A_221 = tpu.memref_squeeze %dma_start3A_220 : memref<1x128x128xf32, #tpu.memory_space<vmem>> -> memref<128x128xf32, #tpu.memory_space<vmem>>
        %dma_start3A_222 = arith.constant 0 : i32
        %dma_start3A_223 = tpu.memref_slice %arg5[%add3A_38, %dma_start3A_222] : memref<80x128xi32, #tpu.memory_space<vmem>> -> memref<1x128xi32, #tpu.memory_space<vmem>>
        %dma_start3A_224 = tpu.memref_squeeze %dma_start3A_223 : memref<1x128xi32, #tpu.memory_space<vmem>> -> memref<128xi32, #tpu.memory_space<vmem>>
        %dma_start3A_225 = arith.constant 0 : i32
        %dma_start3A_226 = arith.constant 0 : i32
        %dma_start3A_227 = tpu.memref_slice %arg2[%dma_start3A_225, %dma_start3A_226] : memref<10000x128xf32, #tpu.memory_space<hbm>> -> memref<10000x128xf32, #tpu.memory_space<hbm>>
        %dma_start3A_228 = tpu.memref_slice %arg7[%dma_start3A_217] : memref<7x!tpu.dma_semaphore, #tpu.memory_space<semaphore_mem>> -> memref<1x!tpu.dma_semaphore, #tpu.memory_space<semaphore_mem>>
        %dma_start3A_229 = tpu.memref_squeeze %dma_start3A_228 : memref<1x!tpu.dma_semaphore, #tpu.memory_space<semaphore_mem>> -> memref<!tpu.dma_semaphore, #tpu.memory_space<semaphore_mem>>
        tpu.enqueue_indirect_dma source(%dma_start3A_227 : memref<10000x128xf32, #tpu.memory_space<hbm>>) target(%dma_start3A_221 : memref<128x128xf32, #tpu.memory_space<vmem>>) offsets(%dma_start3A_224 : memref<128xi32, #tpu.memory_space<vmem>>) semaphore(%dma_start3A_229 : memref<!tpu.dma_semaphore, #tpu.memory_space<semaphore_mem>>)
      } else {
      }
      %add3A_47 = arith.constant 4 : i32
      %add3A_48 = arith.addi %add3A_9, %add3A_47 : i32
      %mul3A_49 = arith.constant 32 : i32
      %mul3A_50 = arith.muli %mul3A_49, %add3A_48 : i32
      %add3A_51 = arith.addi %add3A, %mul3A_50 : i32
      %lt3A_52 = arith.constant 2500 : i32
      %lt3A_53 = arith.cmpi slt, %add3A_51, %lt3A_52 : i32
      %convert_element_type3A_54 = arith.extui %lt3A_53 : i1 to i32
      %cond3A_55 = arith.constant 0 : i32
      %cond3A_56 = arith.cmpi ne, %convert_element_type3A_54, %cond3A_55 : i32
      scf.if %cond3A_56 {
        %dma_start3A = arith.constant 4 : i32
        %dma_start3A_217 = arith.constant 4 : i32
        %dma_start3A_218 = arith.constant 0 : i32
        %dma_start3A_219 = arith.constant 0 : i32
        %dma_start3A_220 = tpu.memref_slice %arg6[%dma_start3A, %dma_start3A_218, %dma_start3A_219] : memref<7x128x128xf32, #tpu.memory_space<vmem>> -> memref<1x128x128xf32, #tpu.memory_space<vmem>>
        %dma_start3A_221 = tpu.memref_squeeze %dma_start3A_220 : memref<1x128x128xf32, #tpu.memory_space<vmem>> -> memref<128x128xf32, #tpu.memory_space<vmem>>
        %dma_start3A_222 = arith.constant 0 : i32
        %dma_start3A_223 = tpu.memref_slice %arg5[%add3A_48, %dma_start3A_222] : memref<80x128xi32, #tpu.memory_space<vmem>> -> memref<1x128xi32, #tpu.memory_space<vmem>>
        %dma_start3A_224 = tpu.memref_squeeze %dma_start3A_223 : memref<1x128xi32, #tpu.memory_space<vmem>> -> memref<128xi32, #tpu.memory_space<vmem>>
        %dma_start3A_225 = arith.constant 0 : i32
        %dma_start3A_226 = arith.constant 0 : i32
        %dma_start3A_227 = tpu.memref_slice %arg2[%dma_start3A_225, %dma_start3A_226] : memref<10000x128xf32, #tpu.memory_space<hbm>> -> memref<10000x128xf32, #tpu.memory_space<hbm>>
        %dma_start3A_228 = tpu.memref_slice %arg7[%dma_start3A_217] : memref<7x!tpu.dma_semaphore, #tpu.memory_space<semaphore_mem>> -> memref<1x!tpu.dma_semaphore, #tpu.memory_space<semaphore_mem>>
        %dma_start3A_229 = tpu.memref_squeeze %dma_start3A_228 : memref<1x!tpu.dma_semaphore, #tpu.memory_space<semaphore_mem>> -> memref<!tpu.dma_semaphore, #tpu.memory_space<semaphore_mem>>
        tpu.enqueue_indirect_dma source(%dma_start3A_227 : memref<10000x128xf32, #tpu.memory_space<hbm>>) target(%dma_start3A_221 : memref<128x128xf32, #tpu.memory_space<vmem>>) offsets(%dma_start3A_224 : memref<128xi32, #tpu.memory_space<vmem>>) semaphore(%dma_start3A_229 : memref<!tpu.dma_semaphore, #tpu.memory_space<semaphore_mem>>)
      } else {
      }
      %add3A_57 = arith.constant 5 : i32
      %add3A_58 = arith.addi %add3A_9, %add3A_57 : i32
      %mul3A_59 = arith.constant 32 : i32
      %mul3A_60 = arith.muli %mul3A_59, %add3A_58 : i32
      %add3A_61 = arith.addi %add3A, %mul3A_60 : i32
      %lt3A_62 = arith.constant 2500 : i32
      %lt3A_63 = arith.cmpi slt, %add3A_61, %lt3A_62 : i32
      %convert_element_type3A_64 = arith.extui %lt3A_63 : i1 to i32
      %cond3A_65 = arith.constant 0 : i32
      %cond3A_66 = arith.cmpi ne, %convert_element_type3A_64, %cond3A_65 : i32
      scf.if %cond3A_66 {
        %dma_start3A = arith.constant 5 : i32
        %dma_start3A_217 = arith.constant 5 : i32
        %dma_start3A_218 = arith.constant 0 : i32
        %dma_start3A_219 = arith.constant 0 : i32
        %dma_start3A_220 = tpu.memref_slice %arg6[%dma_start3A, %dma_start3A_218, %dma_start3A_219] : memref<7x128x128xf32, #tpu.memory_space<vmem>> -> memref<1x128x128xf32, #tpu.memory_space<vmem>>
        %dma_start3A_221 = tpu.memref_squeeze %dma_start3A_220 : memref<1x128x128xf32, #tpu.memory_space<vmem>> -> memref<128x128xf32, #tpu.memory_space<vmem>>
        %dma_start3A_222 = arith.constant 0 : i32
        %dma_start3A_223 = tpu.memref_slice %arg5[%add3A_58, %dma_start3A_222] : memref<80x128xi32, #tpu.memory_space<vmem>> -> memref<1x128xi32, #tpu.memory_space<vmem>>
        %dma_start3A_224 = tpu.memref_squeeze %dma_start3A_223 : memref<1x128xi32, #tpu.memory_space<vmem>> -> memref<128xi32, #tpu.memory_space<vmem>>
        %dma_start3A_225 = arith.constant 0 : i32
        %dma_start3A_226 = arith.constant 0 : i32
        %dma_start3A_227 = tpu.memref_slice %arg2[%dma_start3A_225, %dma_start3A_226] : memref<10000x128xf32, #tpu.memory_space<hbm>> -> memref<10000x128xf32, #tpu.memory_space<hbm>>
        %dma_start3A_228 = tpu.memref_slice %arg7[%dma_start3A_217] : memref<7x!tpu.dma_semaphore, #tpu.memory_space<semaphore_mem>> -> memref<1x!tpu.dma_semaphore, #tpu.memory_space<semaphore_mem>>
        %dma_start3A_229 = tpu.memref_squeeze %dma_start3A_228 : memref<1x!tpu.dma_semaphore, #tpu.memory_space<semaphore_mem>> -> memref<!tpu.dma_semaphore, #tpu.memory_space<semaphore_mem>>
        tpu.enqueue_indirect_dma source(%dma_start3A_227 : memref<10000x128xf32, #tpu.memory_space<hbm>>) target(%dma_start3A_221 : memref<128x128xf32, #tpu.memory_space<vmem>>) offsets(%dma_start3A_224 : memref<128xi32, #tpu.memory_space<vmem>>) semaphore(%dma_start3A_229 : memref<!tpu.dma_semaphore, #tpu.memory_space<semaphore_mem>>)
      } else {
      }
      %add3A_67 = arith.constant 6 : i32
      %add3A_68 = arith.addi %add3A_9, %add3A_67 : i32
      %mul3A_69 = arith.constant 32 : i32
      %mul3A_70 = arith.muli %mul3A_69, %add3A_68 : i32
      %add3A_71 = arith.addi %add3A, %mul3A_70 : i32
      %lt3A_72 = arith.constant 2500 : i32
      %lt3A_73 = arith.cmpi slt, %add3A_71, %lt3A_72 : i32
      %convert_element_type3A_74 = arith.extui %lt3A_73 : i1 to i32
      %cond3A_75 = arith.constant 0 : i32
      %cond3A_76 = arith.cmpi ne, %convert_element_type3A_74, %cond3A_75 : i32
      scf.if %cond3A_76 {
        %dma_start3A = arith.constant 6 : i32
        %dma_start3A_217 = arith.constant 6 : i32
        %dma_start3A_218 = arith.constant 0 : i32
        %dma_start3A_219 = arith.constant 0 : i32
        %dma_start3A_220 = tpu.memref_slice %arg6[%dma_start3A, %dma_start3A_218, %dma_start3A_219] : memref<7x128x128xf32, #tpu.memory_space<vmem>> -> memref<1x128x128xf32, #tpu.memory_space<vmem>>
        %dma_start3A_221 = tpu.memref_squeeze %dma_start3A_220 : memref<1x128x128xf32, #tpu.memory_space<vmem>> -> memref<128x128xf32, #tpu.memory_space<vmem>>
        %dma_start3A_222 = arith.constant 0 : i32
        %dma_start3A_223 = tpu.memref_slice %arg5[%add3A_68, %dma_start3A_222] : memref<80x128xi32, #tpu.memory_space<vmem>> -> memref<1x128xi32, #tpu.memory_space<vmem>>
        %dma_start3A_224 = tpu.memref_squeeze %dma_start3A_223 : memref<1x128xi32, #tpu.memory_space<vmem>> -> memref<128xi32, #tpu.memory_space<vmem>>
        %dma_start3A_225 = arith.constant 0 : i32
        %dma_start3A_226 = arith.constant 0 : i32
        %dma_start3A_227 = tpu.memref_slice %arg2[%dma_start3A_225, %dma_start3A_226] : memref<10000x128xf32, #tpu.memory_space<hbm>> -> memref<10000x128xf32, #tpu.memory_space<hbm>>
        %dma_start3A_228 = tpu.memref_slice %arg7[%dma_start3A_217] : memref<7x!tpu.dma_semaphore, #tpu.memory_space<semaphore_mem>> -> memref<1x!tpu.dma_semaphore, #tpu.memory_space<semaphore_mem>>
        %dma_start3A_229 = tpu.memref_squeeze %dma_start3A_228 : memref<1x!tpu.dma_semaphore, #tpu.memory_space<semaphore_mem>> -> memref<!tpu.dma_semaphore, #tpu.memory_space<semaphore_mem>>
        tpu.enqueue_indirect_dma source(%dma_start3A_227 : memref<10000x128xf32, #tpu.memory_space<hbm>>) target(%dma_start3A_221 : memref<128x128xf32, #tpu.memory_space<vmem>>) offsets(%dma_start3A_224 : memref<128xi32, #tpu.memory_space<vmem>>) semaphore(%dma_start3A_229 : memref<!tpu.dma_semaphore, #tpu.memory_space<semaphore_mem>>)
      } else {
      }
      %add3A_77 = arith.constant 0 : i32
      %add3A_78 = arith.addi %add3A_9, %add3A_77 : i32
      %mul3A_79 = arith.constant 32 : i32
      %mul3A_80 = arith.muli %mul3A_79, %add3A_78 : i32
      %add3A_81 = arith.addi %add3A, %mul3A_80 : i32
      %lt3A_82 = arith.constant 2500 : i32
      %lt3A_83 = arith.cmpi slt, %add3A_81, %lt3A_82 : i32
      %convert_element_type3A_84 = arith.extui %lt3A_83 : i1 to i32
      %cond3A_85 = arith.constant 0 : i32
      %cond3A_86 = arith.cmpi ne, %convert_element_type3A_84, %cond3A_85 : i32
      scf.if %cond3A_86 {
        %dma_wait3A = arith.constant 0 : i32
        %dma_wait3A_217 = arith.constant 0 : i32
        %dma_wait3A_218 = arith.constant 0 : i32
        %dma_wait3A_219 = arith.constant 0 : i32
        %dma_wait3A_220 = tpu.memref_slice %arg6[%dma_wait3A, %dma_wait3A_218, %dma_wait3A_219] : memref<7x128x128xf32, #tpu.memory_space<vmem>> -> memref<1x128x128xf32, #tpu.memory_space<vmem>>
        %dma_wait3A_221 = tpu.memref_squeeze %dma_wait3A_220 : memref<1x128x128xf32, #tpu.memory_space<vmem>> -> memref<128x128xf32, #tpu.memory_space<vmem>>
        %dma_wait3A_222 = arith.constant 0 : i32
        %dma_wait3A_223 = tpu.memref_slice %arg5[%add3A_78, %dma_wait3A_222] : memref<80x128xi32, #tpu.memory_space<vmem>> -> memref<1x128xi32, #tpu.memory_space<vmem>>
        %dma_wait3A_224 = tpu.memref_squeeze %dma_wait3A_223 : memref<1x128xi32, #tpu.memory_space<vmem>> -> memref<128xi32, #tpu.memory_space<vmem>>
        %dma_wait3A_225 = arith.constant 0 : i32
        %dma_wait3A_226 = arith.constant 0 : i32
        %dma_wait3A_227 = tpu.memref_slice %arg2[%dma_wait3A_225, %dma_wait3A_226] : memref<10000x128xf32, #tpu.memory_space<hbm>> -> memref<10000x128xf32, #tpu.memory_space<hbm>>
        %dma_wait3A_228 = tpu.memref_slice %arg7[%dma_wait3A_217] : memref<7x!tpu.dma_semaphore, #tpu.memory_space<semaphore_mem>> -> memref<1x!tpu.dma_semaphore, #tpu.memory_space<semaphore_mem>>
        %dma_wait3A_229 = tpu.memref_squeeze %dma_wait3A_228 : memref<1x!tpu.dma_semaphore, #tpu.memory_space<semaphore_mem>> -> memref<!tpu.dma_semaphore, #tpu.memory_space<semaphore_mem>>
        tpu.wait_indirect_dma semaphore(%dma_wait3A_229 : memref<!tpu.dma_semaphore, #tpu.memory_space<semaphore_mem>>) src(%dma_wait3A_227 : memref<10000x128xf32, #tpu.memory_space<hbm>>) dst(%dma_wait3A_221 : memref<128x128xf32, #tpu.memory_space<vmem>>)
        %mul3A_230 = arith.constant 128 : i32
        %mul3A_231 = arith.muli %add3A_81, %mul3A_230 : i32
        %multiple_of3A = tpu.assume_multiple %mul3A_231, 128 : i32
        %dma_start3A = arith.constant 0 : i32
        %dma_start3A_232 = arith.constant 0 : i32
        %dma_start3A_233 = arith.constant 0 : i32
        %dma_start3A_234 = arith.constant 0 : i32
        %dma_start3A_235 = tpu.memref_slice %arg6[%dma_start3A, %dma_start3A_233, %dma_start3A_234] : memref<7x128x128xf32, #tpu.memory_space<vmem>> -> memref<1x128x128xf32, #tpu.memory_space<vmem>>
        %dma_start3A_236 = tpu.memref_squeeze %dma_start3A_235 : memref<1x128x128xf32, #tpu.memory_space<vmem>> -> memref<128x128xf32, #tpu.memory_space<vmem>>
        %dma_start3A_237 = arith.constant 0 : i32
        %dma_start3A_238 = tpu.memref_slice %arg4[%multiple_of3A, %dma_start3A_237] : memref<320000x128xf32, #tpu.memory_space<hbm>> -> memref<128x128xf32, #tpu.memory_space<hbm>>
        %dma_start3A_239 = tpu.memref_slice %arg8[%dma_start3A_232] : memref<7x!tpu.dma_semaphore, #tpu.memory_space<semaphore_mem>> -> memref<1x!tpu.dma_semaphore, #tpu.memory_space<semaphore_mem>>
        %dma_start3A_240 = tpu.memref_squeeze %dma_start3A_239 : memref<1x!tpu.dma_semaphore, #tpu.memory_space<semaphore_mem>> -> memref<!tpu.dma_semaphore, #tpu.memory_space<semaphore_mem>>
        %dma_start3A_241 = arith.constant 0 : i32
        %dma_start3A_242 = tpu.memref_slice %arg4[%multiple_of3A, %dma_start3A_241] : memref<320000x128xf32, #tpu.memory_space<hbm>> -> memref<128x128xf32, #tpu.memory_space<hbm>>
        %dma_start3A_243 = arith.constant 0 : i32
        %dma_start3A_244 = arith.constant 0 : i32
        %dma_start3A_245 = tpu.memref_slice %arg6[%dma_start3A, %dma_start3A_243, %dma_start3A_244] : memref<7x128x128xf32, #tpu.memory_space<vmem>> -> memref<1x128x128xf32, #tpu.memory_space<vmem>>
        %dma_start3A_246 = tpu.memref_squeeze %dma_start3A_245 : memref<1x128x128xf32, #tpu.memory_space<vmem>> -> memref<128x128xf32, #tpu.memory_space<vmem>>
        tpu.enqueue_dma source(%dma_start3A_246 : memref<128x128xf32, #tpu.memory_space<vmem>>) target(%dma_start3A_242 : memref<128x128xf32, #tpu.memory_space<hbm>>) target_semaphore(%dma_start3A_240 : memref<!tpu.dma_semaphore, #tpu.memory_space<semaphore_mem>>)
      } else {
      }
      %add3A_87 = arith.constant 1 : i32
      %add3A_88 = arith.addi %add3A_9, %add3A_87 : i32
      %mul3A_89 = arith.constant 32 : i32
      %mul3A_90 = arith.muli %mul3A_89, %add3A_88 : i32
      %add3A_91 = arith.addi %add3A, %mul3A_90 : i32
      %lt3A_92 = arith.constant 2500 : i32
      %lt3A_93 = arith.cmpi slt, %add3A_91, %lt3A_92 : i32
      %convert_element_type3A_94 = arith.extui %lt3A_93 : i1 to i32
      %cond3A_95 = arith.constant 0 : i32
      %cond3A_96 = arith.cmpi ne, %convert_element_type3A_94, %cond3A_95 : i32
      scf.if %cond3A_96 {
        %dma_wait3A = arith.constant 1 : i32
        %dma_wait3A_217 = arith.constant 1 : i32
        %dma_wait3A_218 = arith.constant 0 : i32
        %dma_wait3A_219 = arith.constant 0 : i32
        %dma_wait3A_220 = tpu.memref_slice %arg6[%dma_wait3A, %dma_wait3A_218, %dma_wait3A_219] : memref<7x128x128xf32, #tpu.memory_space<vmem>> -> memref<1x128x128xf32, #tpu.memory_space<vmem>>
        %dma_wait3A_221 = tpu.memref_squeeze %dma_wait3A_220 : memref<1x128x128xf32, #tpu.memory_space<vmem>> -> memref<128x128xf32, #tpu.memory_space<vmem>>
        %dma_wait3A_222 = arith.constant 0 : i32
        %dma_wait3A_223 = tpu.memref_slice %arg5[%add3A_88, %dma_wait3A_222] : memref<80x128xi32, #tpu.memory_space<vmem>> -> memref<1x128xi32, #tpu.memory_space<vmem>>
        %dma_wait3A_224 = tpu.memref_squeeze %dma_wait3A_223 : memref<1x128xi32, #tpu.memory_space<vmem>> -> memref<128xi32, #tpu.memory_space<vmem>>
        %dma_wait3A_225 = arith.constant 0 : i32
        %dma_wait3A_226 = arith.constant 0 : i32
        %dma_wait3A_227 = tpu.memref_slice %arg2[%dma_wait3A_225, %dma_wait3A_226] : memref<10000x128xf32, #tpu.memory_space<hbm>> -> memref<10000x128xf32, #tpu.memory_space<hbm>>
        %dma_wait3A_228 = tpu.memref_slice %arg7[%dma_wait3A_217] : memref<7x!tpu.dma_semaphore, #tpu.memory_space<semaphore_mem>> -> memref<1x!tpu.dma_semaphore, #tpu.memory_space<semaphore_mem>>
        %dma_wait3A_229 = tpu.memref_squeeze %dma_wait3A_228 : memref<1x!tpu.dma_semaphore, #tpu.memory_space<semaphore_mem>> -> memref<!tpu.dma_semaphore, #tpu.memory_space<semaphore_mem>>
        tpu.wait_indirect_dma semaphore(%dma_wait3A_229 : memref<!tpu.dma_semaphore, #tpu.memory_space<semaphore_mem>>) src(%dma_wait3A_227 : memref<10000x128xf32, #tpu.memory_space<hbm>>) dst(%dma_wait3A_221 : memref<128x128xf32, #tpu.memory_space<vmem>>)
        %mul3A_230 = arith.constant 128 : i32
        %mul3A_231 = arith.muli %add3A_91, %mul3A_230 : i32
        %multiple_of3A = tpu.assume_multiple %mul3A_231, 128 : i32
        %dma_start3A = arith.constant 1 : i32
        %dma_start3A_232 = arith.constant 1 : i32
        %dma_start3A_233 = arith.constant 0 : i32
        %dma_start3A_234 = arith.constant 0 : i32
        %dma_start3A_235 = tpu.memref_slice %arg6[%dma_start3A, %dma_start3A_233, %dma_start3A_234] : memref<7x128x128xf32, #tpu.memory_space<vmem>> -> memref<1x128x128xf32, #tpu.memory_space<vmem>>
        %dma_start3A_236 = tpu.memref_squeeze %dma_start3A_235 : memref<1x128x128xf32, #tpu.memory_space<vmem>> -> memref<128x128xf32, #tpu.memory_space<vmem>>
        %dma_start3A_237 = arith.constant 0 : i32
        %dma_start3A_238 = tpu.memref_slice %arg4[%multiple_of3A, %dma_start3A_237] : memref<320000x128xf32, #tpu.memory_space<hbm>> -> memref<128x128xf32, #tpu.memory_space<hbm>>
        %dma_start3A_239 = tpu.memref_slice %arg8[%dma_start3A_232] : memref<7x!tpu.dma_semaphore, #tpu.memory_space<semaphore_mem>> -> memref<1x!tpu.dma_semaphore, #tpu.memory_space<semaphore_mem>>
        %dma_start3A_240 = tpu.memref_squeeze %dma_start3A_239 : memref<1x!tpu.dma_semaphore, #tpu.memory_space<semaphore_mem>> -> memref<!tpu.dma_semaphore, #tpu.memory_space<semaphore_mem>>
        %dma_start3A_241 = arith.constant 0 : i32
        %dma_start3A_242 = tpu.memref_slice %arg4[%multiple_of3A, %dma_start3A_241] : memref<320000x128xf32, #tpu.memory_space<hbm>> -> memref<128x128xf32, #tpu.memory_space<hbm>>
        %dma_start3A_243 = arith.constant 0 : i32
        %dma_start3A_244 = arith.constant 0 : i32
        %dma_start3A_245 = tpu.memref_slice %arg6[%dma_start3A, %dma_start3A_243, %dma_start3A_244] : memref<7x128x128xf32, #tpu.memory_space<vmem>> -> memref<1x128x128xf32, #tpu.memory_space<vmem>>
        %dma_start3A_246 = tpu.memref_squeeze %dma_start3A_245 : memref<1x128x128xf32, #tpu.memory_space<vmem>> -> memref<128x128xf32, #tpu.memory_space<vmem>>
        tpu.enqueue_dma source(%dma_start3A_246 : memref<128x128xf32, #tpu.memory_space<vmem>>) target(%dma_start3A_242 : memref<128x128xf32, #tpu.memory_space<hbm>>) target_semaphore(%dma_start3A_240 : memref<!tpu.dma_semaphore, #tpu.memory_space<semaphore_mem>>)
      } else {
      }
      %add3A_97 = arith.constant 2 : i32
      %add3A_98 = arith.addi %add3A_9, %add3A_97 : i32
      %mul3A_99 = arith.constant 32 : i32
      %mul3A_100 = arith.muli %mul3A_99, %add3A_98 : i32
      %add3A_101 = arith.addi %add3A, %mul3A_100 : i32
      %lt3A_102 = arith.constant 2500 : i32
      %lt3A_103 = arith.cmpi slt, %add3A_101, %lt3A_102 : i32
      %convert_element_type3A_104 = arith.extui %lt3A_103 : i1 to i32
      %cond3A_105 = arith.constant 0 : i32
      %cond3A_106 = arith.cmpi ne, %convert_element_type3A_104, %cond3A_105 : i32
      scf.if %cond3A_106 {
        %dma_wait3A = arith.constant 2 : i32
        %dma_wait3A_217 = arith.constant 2 : i32
        %dma_wait3A_218 = arith.constant 0 : i32
        %dma_wait3A_219 = arith.constant 0 : i32
        %dma_wait3A_220 = tpu.memref_slice %arg6[%dma_wait3A, %dma_wait3A_218, %dma_wait3A_219] : memref<7x128x128xf32, #tpu.memory_space<vmem>> -> memref<1x128x128xf32, #tpu.memory_space<vmem>>
        %dma_wait3A_221 = tpu.memref_squeeze %dma_wait3A_220 : memref<1x128x128xf32, #tpu.memory_space<vmem>> -> memref<128x128xf32, #tpu.memory_space<vmem>>
        %dma_wait3A_222 = arith.constant 0 : i32
        %dma_wait3A_223 = tpu.memref_slice %arg5[%add3A_98, %dma_wait3A_222] : memref<80x128xi32, #tpu.memory_space<vmem>> -> memref<1x128xi32, #tpu.memory_space<vmem>>
        %dma_wait3A_224 = tpu.memref_squeeze %dma_wait3A_223 : memref<1x128xi32, #tpu.memory_space<vmem>> -> memref<128xi32, #tpu.memory_space<vmem>>
        %dma_wait3A_225 = arith.constant 0 : i32
        %dma_wait3A_226 = arith.constant 0 : i32
        %dma_wait3A_227 = tpu.memref_slice %arg2[%dma_wait3A_225, %dma_wait3A_226] : memref<10000x128xf32, #tpu.memory_space<hbm>> -> memref<10000x128xf32, #tpu.memory_space<hbm>>
        %dma_wait3A_228 = tpu.memref_slice %arg7[%dma_wait3A_217] : memref<7x!tpu.dma_semaphore, #tpu.memory_space<semaphore_mem>> -> memref<1x!tpu.dma_semaphore, #tpu.memory_space<semaphore_mem>>
        %dma_wait3A_229 = tpu.memref_squeeze %dma_wait3A_228 : memref<1x!tpu.dma_semaphore, #tpu.memory_space<semaphore_mem>> -> memref<!tpu.dma_semaphore, #tpu.memory_space<semaphore_mem>>
        tpu.wait_indirect_dma semaphore(%dma_wait3A_229 : memref<!tpu.dma_semaphore, #tpu.memory_space<semaphore_mem>>) src(%dma_wait3A_227 : memref<10000x128xf32, #tpu.memory_space<hbm>>) dst(%dma_wait3A_221 : memref<128x128xf32, #tpu.memory_space<vmem>>)
        %mul3A_230 = arith.constant 128 : i32
        %mul3A_231 = arith.muli %add3A_101, %mul3A_230 : i32
        %multiple_of3A = tpu.assume_multiple %mul3A_231, 128 : i32
        %dma_start3A = arith.constant 2 : i32
        %dma_start3A_232 = arith.constant 2 : i32
        %dma_start3A_233 = arith.constant 0 : i32
        %dma_start3A_234 = arith.constant 0 : i32
        %dma_start3A_235 = tpu.memref_slice %arg6[%dma_start3A, %dma_start3A_233, %dma_start3A_234] : memref<7x128x128xf32, #tpu.memory_space<vmem>> -> memref<1x128x128xf32, #tpu.memory_space<vmem>>
        %dma_start3A_236 = tpu.memref_squeeze %dma_start3A_235 : memref<1x128x128xf32, #tpu.memory_space<vmem>> -> memref<128x128xf32, #tpu.memory_space<vmem>>
        %dma_start3A_237 = arith.constant 0 : i32
        %dma_start3A_238 = tpu.memref_slice %arg4[%multiple_of3A, %dma_start3A_237] : memref<320000x128xf32, #tpu.memory_space<hbm>> -> memref<128x128xf32, #tpu.memory_space<hbm>>
        %dma_start3A_239 = tpu.memref_slice %arg8[%dma_start3A_232] : memref<7x!tpu.dma_semaphore, #tpu.memory_space<semaphore_mem>> -> memref<1x!tpu.dma_semaphore, #tpu.memory_space<semaphore_mem>>
        %dma_start3A_240 = tpu.memref_squeeze %dma_start3A_239 : memref<1x!tpu.dma_semaphore, #tpu.memory_space<semaphore_mem>> -> memref<!tpu.dma_semaphore, #tpu.memory_space<semaphore_mem>>
        %dma_start3A_241 = arith.constant 0 : i32
        %dma_start3A_242 = tpu.memref_slice %arg4[%multiple_of3A, %dma_start3A_241] : memref<320000x128xf32, #tpu.memory_space<hbm>> -> memref<128x128xf32, #tpu.memory_space<hbm>>
        %dma_start3A_243 = arith.constant 0 : i32
        %dma_start3A_244 = arith.constant 0 : i32
        %dma_start3A_245 = tpu.memref_slice %arg6[%dma_start3A, %dma_start3A_243, %dma_start3A_244] : memref<7x128x128xf32, #tpu.memory_space<vmem>> -> memref<1x128x128xf32, #tpu.memory_space<vmem>>
        %dma_start3A_246 = tpu.memref_squeeze %dma_start3A_245 : memref<1x128x128xf32, #tpu.memory_space<vmem>> -> memref<128x128xf32, #tpu.memory_space<vmem>>
        tpu.enqueue_dma source(%dma_start3A_246 : memref<128x128xf32, #tpu.memory_space<vmem>>) target(%dma_start3A_242 : memref<128x128xf32, #tpu.memory_space<hbm>>) target_semaphore(%dma_start3A_240 : memref<!tpu.dma_semaphore, #tpu.memory_space<semaphore_mem>>)
      } else {
      }
      %add3A_107 = arith.constant 3 : i32
      %add3A_108 = arith.addi %add3A_9, %add3A_107 : i32
      %mul3A_109 = arith.constant 32 : i32
      %mul3A_110 = arith.muli %mul3A_109, %add3A_108 : i32
      %add3A_111 = arith.addi %add3A, %mul3A_110 : i32
      %lt3A_112 = arith.constant 2500 : i32
      %lt3A_113 = arith.cmpi slt, %add3A_111, %lt3A_112 : i32
      %convert_element_type3A_114 = arith.extui %lt3A_113 : i1 to i32
      %cond3A_115 = arith.constant 0 : i32
      %cond3A_116 = arith.cmpi ne, %convert_element_type3A_114, %cond3A_115 : i32
      scf.if %cond3A_116 {
        %dma_wait3A = arith.constant 3 : i32
        %dma_wait3A_217 = arith.constant 3 : i32
        %dma_wait3A_218 = arith.constant 0 : i32
        %dma_wait3A_219 = arith.constant 0 : i32
        %dma_wait3A_220 = tpu.memref_slice %arg6[%dma_wait3A, %dma_wait3A_218, %dma_wait3A_219] : memref<7x128x128xf32, #tpu.memory_space<vmem>> -> memref<1x128x128xf32, #tpu.memory_space<vmem>>
        %dma_wait3A_221 = tpu.memref_squeeze %dma_wait3A_220 : memref<1x128x128xf32, #tpu.memory_space<vmem>> -> memref<128x128xf32, #tpu.memory_space<vmem>>
        %dma_wait3A_222 = arith.constant 0 : i32
        %dma_wait3A_223 = tpu.memref_slice %arg5[%add3A_108, %dma_wait3A_222] : memref<80x128xi32, #tpu.memory_space<vmem>> -> memref<1x128xi32, #tpu.memory_space<vmem>>
        %dma_wait3A_224 = tpu.memref_squeeze %dma_wait3A_223 : memref<1x128xi32, #tpu.memory_space<vmem>> -> memref<128xi32, #tpu.memory_space<vmem>>
        %dma_wait3A_225 = arith.constant 0 : i32
        %dma_wait3A_226 = arith.constant 0 : i32
        %dma_wait3A_227 = tpu.memref_slice %arg2[%dma_wait3A_225, %dma_wait3A_226] : memref<10000x128xf32, #tpu.memory_space<hbm>> -> memref<10000x128xf32, #tpu.memory_space<hbm>>
        %dma_wait3A_228 = tpu.memref_slice %arg7[%dma_wait3A_217] : memref<7x!tpu.dma_semaphore, #tpu.memory_space<semaphore_mem>> -> memref<1x!tpu.dma_semaphore, #tpu.memory_space<semaphore_mem>>
        %dma_wait3A_229 = tpu.memref_squeeze %dma_wait3A_228 : memref<1x!tpu.dma_semaphore, #tpu.memory_space<semaphore_mem>> -> memref<!tpu.dma_semaphore, #tpu.memory_space<semaphore_mem>>
        tpu.wait_indirect_dma semaphore(%dma_wait3A_229 : memref<!tpu.dma_semaphore, #tpu.memory_space<semaphore_mem>>) src(%dma_wait3A_227 : memref<10000x128xf32, #tpu.memory_space<hbm>>) dst(%dma_wait3A_221 : memref<128x128xf32, #tpu.memory_space<vmem>>)
        %mul3A_230 = arith.constant 128 : i32
        %mul3A_231 = arith.muli %add3A_111, %mul3A_230 : i32
        %multiple_of3A = tpu.assume_multiple %mul3A_231, 128 : i32
        %dma_start3A = arith.constant 3 : i32
        %dma_start3A_232 = arith.constant 3 : i32
        %dma_start3A_233 = arith.constant 0 : i32
        %dma_start3A_234 = arith.constant 0 : i32
        %dma_start3A_235 = tpu.memref_slice %arg6[%dma_start3A, %dma_start3A_233, %dma_start3A_234] : memref<7x128x128xf32, #tpu.memory_space<vmem>> -> memref<1x128x128xf32, #tpu.memory_space<vmem>>
        %dma_start3A_236 = tpu.memref_squeeze %dma_start3A_235 : memref<1x128x128xf32, #tpu.memory_space<vmem>> -> memref<128x128xf32, #tpu.memory_space<vmem>>
        %dma_start3A_237 = arith.constant 0 : i32
        %dma_start3A_238 = tpu.memref_slice %arg4[%multiple_of3A, %dma_start3A_237] : memref<320000x128xf32, #tpu.memory_space<hbm>> -> memref<128x128xf32, #tpu.memory_space<hbm>>
        %dma_start3A_239 = tpu.memref_slice %arg8[%dma_start3A_232] : memref<7x!tpu.dma_semaphore, #tpu.memory_space<semaphore_mem>> -> memref<1x!tpu.dma_semaphore, #tpu.memory_space<semaphore_mem>>
        %dma_start3A_240 = tpu.memref_squeeze %dma_start3A_239 : memref<1x!tpu.dma_semaphore, #tpu.memory_space<semaphore_mem>> -> memref<!tpu.dma_semaphore, #tpu.memory_space<semaphore_mem>>
        %dma_start3A_241 = arith.constant 0 : i32
        %dma_start3A_242 = tpu.memref_slice %arg4[%multiple_of3A, %dma_start3A_241] : memref<320000x128xf32, #tpu.memory_space<hbm>> -> memref<128x128xf32, #tpu.memory_space<hbm>>
        %dma_start3A_243 = arith.constant 0 : i32
        %dma_start3A_244 = arith.constant 0 : i32
        %dma_start3A_245 = tpu.memref_slice %arg6[%dma_start3A, %dma_start3A_243, %dma_start3A_244] : memref<7x128x128xf32, #tpu.memory_space<vmem>> -> memref<1x128x128xf32, #tpu.memory_space<vmem>>
        %dma_start3A_246 = tpu.memref_squeeze %dma_start3A_245 : memref<1x128x128xf32, #tpu.memory_space<vmem>> -> memref<128x128xf32, #tpu.memory_space<vmem>>
        tpu.enqueue_dma source(%dma_start3A_246 : memref<128x128xf32, #tpu.memory_space<vmem>>) target(%dma_start3A_242 : memref<128x128xf32, #tpu.memory_space<hbm>>) target_semaphore(%dma_start3A_240 : memref<!tpu.dma_semaphore, #tpu.memory_space<semaphore_mem>>)
      } else {
      }
      %add3A_117 = arith.constant 4 : i32
      %add3A_118 = arith.addi %add3A_9, %add3A_117 : i32
      %mul3A_119 = arith.constant 32 : i32
      %mul3A_120 = arith.muli %mul3A_119, %add3A_118 : i32
      %add3A_121 = arith.addi %add3A, %mul3A_120 : i32
      %lt3A_122 = arith.constant 2500 : i32
      %lt3A_123 = arith.cmpi slt, %add3A_121, %lt3A_122 : i32
      %convert_element_type3A_124 = arith.extui %lt3A_123 : i1 to i32
      %cond3A_125 = arith.constant 0 : i32
      %cond3A_126 = arith.cmpi ne, %convert_element_type3A_124, %cond3A_125 : i32
      scf.if %cond3A_126 {
        %dma_wait3A = arith.constant 4 : i32
        %dma_wait3A_217 = arith.constant 4 : i32
        %dma_wait3A_218 = arith.constant 0 : i32
        %dma_wait3A_219 = arith.constant 0 : i32
        %dma_wait3A_220 = tpu.memref_slice %arg6[%dma_wait3A, %dma_wait3A_218, %dma_wait3A_219] : memref<7x128x128xf32, #tpu.memory_space<vmem>> -> memref<1x128x128xf32, #tpu.memory_space<vmem>>
        %dma_wait3A_221 = tpu.memref_squeeze %dma_wait3A_220 : memref<1x128x128xf32, #tpu.memory_space<vmem>> -> memref<128x128xf32, #tpu.memory_space<vmem>>
        %dma_wait3A_222 = arith.constant 0 : i32
        %dma_wait3A_223 = tpu.memref_slice %arg5[%add3A_118, %dma_wait3A_222] : memref<80x128xi32, #tpu.memory_space<vmem>> -> memref<1x128xi32, #tpu.memory_space<vmem>>
        %dma_wait3A_224 = tpu.memref_squeeze %dma_wait3A_223 : memref<1x128xi32, #tpu.memory_space<vmem>> -> memref<128xi32, #tpu.memory_space<vmem>>
        %dma_wait3A_225 = arith.constant 0 : i32
        %dma_wait3A_226 = arith.constant 0 : i32
        %dma_wait3A_227 = tpu.memref_slice %arg2[%dma_wait3A_225, %dma_wait3A_226] : memref<10000x128xf32, #tpu.memory_space<hbm>> -> memref<10000x128xf32, #tpu.memory_space<hbm>>
        %dma_wait3A_228 = tpu.memref_slice %arg7[%dma_wait3A_217] : memref<7x!tpu.dma_semaphore, #tpu.memory_space<semaphore_mem>> -> memref<1x!tpu.dma_semaphore, #tpu.memory_space<semaphore_mem>>
        %dma_wait3A_229 = tpu.memref_squeeze %dma_wait3A_228 : memref<1x!tpu.dma_semaphore, #tpu.memory_space<semaphore_mem>> -> memref<!tpu.dma_semaphore, #tpu.memory_space<semaphore_mem>>
        tpu.wait_indirect_dma semaphore(%dma_wait3A_229 : memref<!tpu.dma_semaphore, #tpu.memory_space<semaphore_mem>>) src(%dma_wait3A_227 : memref<10000x128xf32, #tpu.memory_space<hbm>>) dst(%dma_wait3A_221 : memref<128x128xf32, #tpu.memory_space<vmem>>)
        %mul3A_230 = arith.constant 128 : i32
        %mul3A_231 = arith.muli %add3A_121, %mul3A_230 : i32
        %multiple_of3A = tpu.assume_multiple %mul3A_231, 128 : i32
        %dma_start3A = arith.constant 4 : i32
        %dma_start3A_232 = arith.constant 4 : i32
        %dma_start3A_233 = arith.constant 0 : i32
        %dma_start3A_234 = arith.constant 0 : i32
        %dma_start3A_235 = tpu.memref_slice %arg6[%dma_start3A, %dma_start3A_233, %dma_start3A_234] : memref<7x128x128xf32, #tpu.memory_space<vmem>> -> memref<1x128x128xf32, #tpu.memory_space<vmem>>
        %dma_start3A_236 = tpu.memref_squeeze %dma_start3A_235 : memref<1x128x128xf32, #tpu.memory_space<vmem>> -> memref<128x128xf32, #tpu.memory_space<vmem>>
        %dma_start3A_237 = arith.constant 0 : i32
        %dma_start3A_238 = tpu.memref_slice %arg4[%multiple_of3A, %dma_start3A_237] : memref<320000x128xf32, #tpu.memory_space<hbm>> -> memref<128x128xf32, #tpu.memory_space<hbm>>
        %dma_start3A_239 = tpu.memref_slice %arg8[%dma_start3A_232] : memref<7x!tpu.dma_semaphore, #tpu.memory_space<semaphore_mem>> -> memref<1x!tpu.dma_semaphore, #tpu.memory_space<semaphore_mem>>
        %dma_start3A_240 = tpu.memref_squeeze %dma_start3A_239 : memref<1x!tpu.dma_semaphore, #tpu.memory_space<semaphore_mem>> -> memref<!tpu.dma_semaphore, #tpu.memory_space<semaphore_mem>>
        %dma_start3A_241 = arith.constant 0 : i32
        %dma_start3A_242 = tpu.memref_slice %arg4[%multiple_of3A, %dma_start3A_241] : memref<320000x128xf32, #tpu.memory_space<hbm>> -> memref<128x128xf32, #tpu.memory_space<hbm>>
        %dma_start3A_243 = arith.constant 0 : i32
        %dma_start3A_244 = arith.constant 0 : i32
        %dma_start3A_245 = tpu.memref_slice %arg6[%dma_start3A, %dma_start3A_243, %dma_start3A_244] : memref<7x128x128xf32, #tpu.memory_space<vmem>> -> memref<1x128x128xf32, #tpu.memory_space<vmem>>
        %dma_start3A_246 = tpu.memref_squeeze %dma_start3A_245 : memref<1x128x128xf32, #tpu.memory_space<vmem>> -> memref<128x128xf32, #tpu.memory_space<vmem>>
        tpu.enqueue_dma source(%dma_start3A_246 : memref<128x128xf32, #tpu.memory_space<vmem>>) target(%dma_start3A_242 : memref<128x128xf32, #tpu.memory_space<hbm>>) target_semaphore(%dma_start3A_240 : memref<!tpu.dma_semaphore, #tpu.memory_space<semaphore_mem>>)
      } else {
      }
      %add3A_127 = arith.constant 5 : i32
      %add3A_128 = arith.addi %add3A_9, %add3A_127 : i32
      %mul3A_129 = arith.constant 32 : i32
      %mul3A_130 = arith.muli %mul3A_129, %add3A_128 : i32
      %add3A_131 = arith.addi %add3A, %mul3A_130 : i32
      %lt3A_132 = arith.constant 2500 : i32
      %lt3A_133 = arith.cmpi slt, %add3A_131, %lt3A_132 : i32
      %convert_element_type3A_134 = arith.extui %lt3A_133 : i1 to i32
      %cond3A_135 = arith.constant 0 : i32
      %cond3A_136 = arith.cmpi ne, %convert_element_type3A_134, %cond3A_135 : i32
      scf.if %cond3A_136 {
        %dma_wait3A = arith.constant 5 : i32
        %dma_wait3A_217 = arith.constant 5 : i32
        %dma_wait3A_218 = arith.constant 0 : i32
        %dma_wait3A_219 = arith.constant 0 : i32
        %dma_wait3A_220 = tpu.memref_slice %arg6[%dma_wait3A, %dma_wait3A_218, %dma_wait3A_219] : memref<7x128x128xf32, #tpu.memory_space<vmem>> -> memref<1x128x128xf32, #tpu.memory_space<vmem>>
        %dma_wait3A_221 = tpu.memref_squeeze %dma_wait3A_220 : memref<1x128x128xf32, #tpu.memory_space<vmem>> -> memref<128x128xf32, #tpu.memory_space<vmem>>
        %dma_wait3A_222 = arith.constant 0 : i32
        %dma_wait3A_223 = tpu.memref_slice %arg5[%add3A_128, %dma_wait3A_222] : memref<80x128xi32, #tpu.memory_space<vmem>> -> memref<1x128xi32, #tpu.memory_space<vmem>>
        %dma_wait3A_224 = tpu.memref_squeeze %dma_wait3A_223 : memref<1x128xi32, #tpu.memory_space<vmem>> -> memref<128xi32, #tpu.memory_space<vmem>>
        %dma_wait3A_225 = arith.constant 0 : i32
        %dma_wait3A_226 = arith.constant 0 : i32
        %dma_wait3A_227 = tpu.memref_slice %arg2[%dma_wait3A_225, %dma_wait3A_226] : memref<10000x128xf32, #tpu.memory_space<hbm>> -> memref<10000x128xf32, #tpu.memory_space<hbm>>
        %dma_wait3A_228 = tpu.memref_slice %arg7[%dma_wait3A_217] : memref<7x!tpu.dma_semaphore, #tpu.memory_space<semaphore_mem>> -> memref<1x!tpu.dma_semaphore, #tpu.memory_space<semaphore_mem>>
        %dma_wait3A_229 = tpu.memref_squeeze %dma_wait3A_228 : memref<1x!tpu.dma_semaphore, #tpu.memory_space<semaphore_mem>> -> memref<!tpu.dma_semaphore, #tpu.memory_space<semaphore_mem>>
        tpu.wait_indirect_dma semaphore(%dma_wait3A_229 : memref<!tpu.dma_semaphore, #tpu.memory_space<semaphore_mem>>) src(%dma_wait3A_227 : memref<10000x128xf32, #tpu.memory_space<hbm>>) dst(%dma_wait3A_221 : memref<128x128xf32, #tpu.memory_space<vmem>>)
        %mul3A_230 = arith.constant 128 : i32
        %mul3A_231 = arith.muli %add3A_131, %mul3A_230 : i32
        %multiple_of3A = tpu.assume_multiple %mul3A_231, 128 : i32
        %dma_start3A = arith.constant 5 : i32
        %dma_start3A_232 = arith.constant 5 : i32
        %dma_start3A_233 = arith.constant 0 : i32
        %dma_start3A_234 = arith.constant 0 : i32
        %dma_start3A_235 = tpu.memref_slice %arg6[%dma_start3A, %dma_start3A_233, %dma_start3A_234] : memref<7x128x128xf32, #tpu.memory_space<vmem>> -> memref<1x128x128xf32, #tpu.memory_space<vmem>>
        %dma_start3A_236 = tpu.memref_squeeze %dma_start3A_235 : memref<1x128x128xf32, #tpu.memory_space<vmem>> -> memref<128x128xf32, #tpu.memory_space<vmem>>
        %dma_start3A_237 = arith.constant 0 : i32
        %dma_start3A_238 = tpu.memref_slice %arg4[%multiple_of3A, %dma_start3A_237] : memref<320000x128xf32, #tpu.memory_space<hbm>> -> memref<128x128xf32, #tpu.memory_space<hbm>>
        %dma_start3A_239 = tpu.memref_slice %arg8[%dma_start3A_232] : memref<7x!tpu.dma_semaphore, #tpu.memory_space<semaphore_mem>> -> memref<1x!tpu.dma_semaphore, #tpu.memory_space<semaphore_mem>>
        %dma_start3A_240 = tpu.memref_squeeze %dma_start3A_239 : memref<1x!tpu.dma_semaphore, #tpu.memory_space<semaphore_mem>> -> memref<!tpu.dma_semaphore, #tpu.memory_space<semaphore_mem>>
        %dma_start3A_241 = arith.constant 0 : i32
        %dma_start3A_242 = tpu.memref_slice %arg4[%multiple_of3A, %dma_start3A_241] : memref<320000x128xf32, #tpu.memory_space<hbm>> -> memref<128x128xf32, #tpu.memory_space<hbm>>
        %dma_start3A_243 = arith.constant 0 : i32
        %dma_start3A_244 = arith.constant 0 : i32
        %dma_start3A_245 = tpu.memref_slice %arg6[%dma_start3A, %dma_start3A_243, %dma_start3A_244] : memref<7x128x128xf32, #tpu.memory_space<vmem>> -> memref<1x128x128xf32, #tpu.memory_space<vmem>>
        %dma_start3A_246 = tpu.memref_squeeze %dma_start3A_245 : memref<1x128x128xf32, #tpu.memory_space<vmem>> -> memref<128x128xf32, #tpu.memory_space<vmem>>
        tpu.enqueue_dma source(%dma_start3A_246 : memref<128x128xf32, #tpu.memory_space<vmem>>) target(%dma_start3A_242 : memref<128x128xf32, #tpu.memory_space<hbm>>) target_semaphore(%dma_start3A_240 : memref<!tpu.dma_semaphore, #tpu.memory_space<semaphore_mem>>)
      } else {
      }
      %add3A_137 = arith.constant 6 : i32
      %add3A_138 = arith.addi %add3A_9, %add3A_137 : i32
      %mul3A_139 = arith.constant 32 : i32
      %mul3A_140 = arith.muli %mul3A_139, %add3A_138 : i32
      %add3A_141 = arith.addi %add3A, %mul3A_140 : i32
      %lt3A_142 = arith.constant 2500 : i32
      %lt3A_143 = arith.cmpi slt, %add3A_141, %lt3A_142 : i32
      %convert_element_type3A_144 = arith.extui %lt3A_143 : i1 to i32
      %cond3A_145 = arith.constant 0 : i32
      %cond3A_146 = arith.cmpi ne, %convert_element_type3A_144, %cond3A_145 : i32
      scf.if %cond3A_146 {
        %dma_wait3A = arith.constant 6 : i32
        %dma_wait3A_217 = arith.constant 6 : i32
        %dma_wait3A_218 = arith.constant 0 : i32
        %dma_wait3A_219 = arith.constant 0 : i32
        %dma_wait3A_220 = tpu.memref_slice %arg6[%dma_wait3A, %dma_wait3A_218, %dma_wait3A_219] : memref<7x128x128xf32, #tpu.memory_space<vmem>> -> memref<1x128x128xf32, #tpu.memory_space<vmem>>
        %dma_wait3A_221 = tpu.memref_squeeze %dma_wait3A_220 : memref<1x128x128xf32, #tpu.memory_space<vmem>> -> memref<128x128xf32, #tpu.memory_space<vmem>>
        %dma_wait3A_222 = arith.constant 0 : i32
        %dma_wait3A_223 = tpu.memref_slice %arg5[%add3A_138, %dma_wait3A_222] : memref<80x128xi32, #tpu.memory_space<vmem>> -> memref<1x128xi32, #tpu.memory_space<vmem>>
        %dma_wait3A_224 = tpu.memref_squeeze %dma_wait3A_223 : memref<1x128xi32, #tpu.memory_space<vmem>> -> memref<128xi32, #tpu.memory_space<vmem>>
        %dma_wait3A_225 = arith.constant 0 : i32
        %dma_wait3A_226 = arith.constant 0 : i32
        %dma_wait3A_227 = tpu.memref_slice %arg2[%dma_wait3A_225, %dma_wait3A_226] : memref<10000x128xf32, #tpu.memory_space<hbm>> -> memref<10000x128xf32, #tpu.memory_space<hbm>>
        %dma_wait3A_228 = tpu.memref_slice %arg7[%dma_wait3A_217] : memref<7x!tpu.dma_semaphore, #tpu.memory_space<semaphore_mem>> -> memref<1x!tpu.dma_semaphore, #tpu.memory_space<semaphore_mem>>
        %dma_wait3A_229 = tpu.memref_squeeze %dma_wait3A_228 : memref<1x!tpu.dma_semaphore, #tpu.memory_space<semaphore_mem>> -> memref<!tpu.dma_semaphore, #tpu.memory_space<semaphore_mem>>
        tpu.wait_indirect_dma semaphore(%dma_wait3A_229 : memref<!tpu.dma_semaphore, #tpu.memory_space<semaphore_mem>>) src(%dma_wait3A_227 : memref<10000x128xf32, #tpu.memory_space<hbm>>) dst(%dma_wait3A_221 : memref<128x128xf32, #tpu.memory_space<vmem>>)
        %mul3A_230 = arith.constant 128 : i32
        %mul3A_231 = arith.muli %add3A_141, %mul3A_230 : i32
        %multiple_of3A = tpu.assume_multiple %mul3A_231, 128 : i32
        %dma_start3A = arith.constant 6 : i32
        %dma_start3A_232 = arith.constant 6 : i32
        %dma_start3A_233 = arith.constant 0 : i32
        %dma_start3A_234 = arith.constant 0 : i32
        %dma_start3A_235 = tpu.memref_slice %arg6[%dma_start3A, %dma_start3A_233, %dma_start3A_234] : memref<7x128x128xf32, #tpu.memory_space<vmem>> -> memref<1x128x128xf32, #tpu.memory_space<vmem>>
        %dma_start3A_236 = tpu.memref_squeeze %dma_start3A_235 : memref<1x128x128xf32, #tpu.memory_space<vmem>> -> memref<128x128xf32, #tpu.memory_space<vmem>>
        %dma_start3A_237 = arith.constant 0 : i32
        %dma_start3A_238 = tpu.memref_slice %arg4[%multiple_of3A, %dma_start3A_237] : memref<320000x128xf32, #tpu.memory_space<hbm>> -> memref<128x128xf32, #tpu.memory_space<hbm>>
        %dma_start3A_239 = tpu.memref_slice %arg8[%dma_start3A_232] : memref<7x!tpu.dma_semaphore, #tpu.memory_space<semaphore_mem>> -> memref<1x!tpu.dma_semaphore, #tpu.memory_space<semaphore_mem>>
        %dma_start3A_240 = tpu.memref_squeeze %dma_start3A_239 : memref<1x!tpu.dma_semaphore, #tpu.memory_space<semaphore_mem>> -> memref<!tpu.dma_semaphore, #tpu.memory_space<semaphore_mem>>
        %dma_start3A_241 = arith.constant 0 : i32
        %dma_start3A_242 = tpu.memref_slice %arg4[%multiple_of3A, %dma_start3A_241] : memref<320000x128xf32, #tpu.memory_space<hbm>> -> memref<128x128xf32, #tpu.memory_space<hbm>>
        %dma_start3A_243 = arith.constant 0 : i32
        %dma_start3A_244 = arith.constant 0 : i32
        %dma_start3A_245 = tpu.memref_slice %arg6[%dma_start3A, %dma_start3A_243, %dma_start3A_244] : memref<7x128x128xf32, #tpu.memory_space<vmem>> -> memref<1x128x128xf32, #tpu.memory_space<vmem>>
        %dma_start3A_246 = tpu.memref_squeeze %dma_start3A_245 : memref<1x128x128xf32, #tpu.memory_space<vmem>> -> memref<128x128xf32, #tpu.memory_space<vmem>>
        tpu.enqueue_dma source(%dma_start3A_246 : memref<128x128xf32, #tpu.memory_space<vmem>>) target(%dma_start3A_242 : memref<128x128xf32, #tpu.memory_space<hbm>>) target_semaphore(%dma_start3A_240 : memref<!tpu.dma_semaphore, #tpu.memory_space<semaphore_mem>>)
      } else {
      }
      %add3A_147 = arith.constant 0 : i32
      %add3A_148 = arith.addi %add3A_9, %add3A_147 : i32
      %mul3A_149 = arith.constant 32 : i32
      %mul3A_150 = arith.muli %mul3A_149, %add3A_148 : i32
      %add3A_151 = arith.addi %add3A, %mul3A_150 : i32
      %lt3A_152 = arith.constant 2500 : i32
      %lt3A_153 = arith.cmpi slt, %add3A_151, %lt3A_152 : i32
      %convert_element_type3A_154 = arith.extui %lt3A_153 : i1 to i32
      %cond3A_155 = arith.constant 0 : i32
      %cond3A_156 = arith.cmpi ne, %convert_element_type3A_154, %cond3A_155 : i32
      scf.if %cond3A_156 {
        %mul3A_217 = arith.constant 128 : i32
        %mul3A_218 = arith.muli %add3A_151, %mul3A_217 : i32
        %multiple_of3A = tpu.assume_multiple %mul3A_218, 128 : i32
        %dma_wait3A = arith.constant 0 : i32
        %dma_wait3A_219 = arith.constant 0 : i32
        %dma_wait3A_220 = arith.constant 0 : i32
        %dma_wait3A_221 = arith.constant 0 : i32
        %dma_wait3A_222 = tpu.memref_slice %arg6[%dma_wait3A, %dma_wait3A_220, %dma_wait3A_221] : memref<7x128x128xf32, #tpu.memory_space<vmem>> -> memref<1x128x128xf32, #tpu.memory_space<vmem>>
        %dma_wait3A_223 = tpu.memref_squeeze %dma_wait3A_222 : memref<1x128x128xf32, #tpu.memory_space<vmem>> -> memref<128x128xf32, #tpu.memory_space<vmem>>
        %dma_wait3A_224 = arith.constant 0 : i32
        %dma_wait3A_225 = tpu.memref_slice %arg4[%multiple_of3A, %dma_wait3A_224] : memref<320000x128xf32, #tpu.memory_space<hbm>> -> memref<128x128xf32, #tpu.memory_space<hbm>>
        %dma_wait3A_226 = tpu.memref_slice %arg8[%dma_wait3A_219] : memref<7x!tpu.dma_semaphore, #tpu.memory_space<semaphore_mem>> -> memref<1x!tpu.dma_semaphore, #tpu.memory_space<semaphore_mem>>
        %dma_wait3A_227 = tpu.memref_squeeze %dma_wait3A_226 : memref<1x!tpu.dma_semaphore, #tpu.memory_space<semaphore_mem>> -> memref<!tpu.dma_semaphore, #tpu.memory_space<semaphore_mem>>
        %dma_wait3A_228 = arith.constant 0 : i32
        %dma_wait3A_229 = tpu.memref_slice %arg4[%multiple_of3A, %dma_wait3A_228] : memref<320000x128xf32, #tpu.memory_space<hbm>> -> memref<128x128xf32, #tpu.memory_space<hbm>>
        %dma_wait3A_230 = arith.constant 0 : i32
        %dma_wait3A_231 = arith.constant 0 : i32
        %dma_wait3A_232 = tpu.memref_slice %arg6[%dma_wait3A, %dma_wait3A_230, %dma_wait3A_231] : memref<7x128x128xf32, #tpu.memory_space<vmem>> -> memref<1x128x128xf32, #tpu.memory_space<vmem>>
        %dma_wait3A_233 = tpu.memref_squeeze %dma_wait3A_232 : memref<1x128x128xf32, #tpu.memory_space<vmem>> -> memref<128x128xf32, #tpu.memory_space<vmem>>
        tpu.wait_dma2 semaphore(%dma_wait3A_227 : memref<!tpu.dma_semaphore, #tpu.memory_space<semaphore_mem>>) src(%dma_wait3A_233 : memref<128x128xf32, #tpu.memory_space<vmem>>) dst(%dma_wait3A_229 : memref<128x128xf32, #tpu.memory_space<hbm>>)
      } else {
      }
      %add3A_157 = arith.constant 1 : i32
      %add3A_158 = arith.addi %add3A_9, %add3A_157 : i32
      %mul3A_159 = arith.constant 32 : i32
      %mul3A_160 = arith.muli %mul3A_159, %add3A_158 : i32
      %add3A_161 = arith.addi %add3A, %mul3A_160 : i32
      %lt3A_162 = arith.constant 2500 : i32
      %lt3A_163 = arith.cmpi slt, %add3A_161, %lt3A_162 : i32
      %convert_element_type3A_164 = arith.extui %lt3A_163 : i1 to i32
      %cond3A_165 = arith.constant 0 : i32
      %cond3A_166 = arith.cmpi ne, %convert_element_type3A_164, %cond3A_165 : i32
      scf.if %cond3A_166 {
        %mul3A_217 = arith.constant 128 : i32
        %mul3A_218 = arith.muli %add3A_161, %mul3A_217 : i32
        %multiple_of3A = tpu.assume_multiple %mul3A_218, 128 : i32
        %dma_wait3A = arith.constant 1 : i32
        %dma_wait3A_219 = arith.constant 1 : i32
        %dma_wait3A_220 = arith.constant 0 : i32
        %dma_wait3A_221 = arith.constant 0 : i32
        %dma_wait3A_222 = tpu.memref_slice %arg6[%dma_wait3A, %dma_wait3A_220, %dma_wait3A_221] : memref<7x128x128xf32, #tpu.memory_space<vmem>> -> memref<1x128x128xf32, #tpu.memory_space<vmem>>
        %dma_wait3A_223 = tpu.memref_squeeze %dma_wait3A_222 : memref<1x128x128xf32, #tpu.memory_space<vmem>> -> memref<128x128xf32, #tpu.memory_space<vmem>>
        %dma_wait3A_224 = arith.constant 0 : i32
        %dma_wait3A_225 = tpu.memref_slice %arg4[%multiple_of3A, %dma_wait3A_224] : memref<320000x128xf32, #tpu.memory_space<hbm>> -> memref<128x128xf32, #tpu.memory_space<hbm>>
        %dma_wait3A_226 = tpu.memref_slice %arg8[%dma_wait3A_219] : memref<7x!tpu.dma_semaphore, #tpu.memory_space<semaphore_mem>> -> memref<1x!tpu.dma_semaphore, #tpu.memory_space<semaphore_mem>>
        %dma_wait3A_227 = tpu.memref_squeeze %dma_wait3A_226 : memref<1x!tpu.dma_semaphore, #tpu.memory_space<semaphore_mem>> -> memref<!tpu.dma_semaphore, #tpu.memory_space<semaphore_mem>>
        %dma_wait3A_228 = arith.constant 0 : i32
        %dma_wait3A_229 = tpu.memref_slice %arg4[%multiple_of3A, %dma_wait3A_228] : memref<320000x128xf32, #tpu.memory_space<hbm>> -> memref<128x128xf32, #tpu.memory_space<hbm>>
        %dma_wait3A_230 = arith.constant 0 : i32
        %dma_wait3A_231 = arith.constant 0 : i32
        %dma_wait3A_232 = tpu.memref_slice %arg6[%dma_wait3A, %dma_wait3A_230, %dma_wait3A_231] : memref<7x128x128xf32, #tpu.memory_space<vmem>> -> memref<1x128x128xf32, #tpu.memory_space<vmem>>
        %dma_wait3A_233 = tpu.memref_squeeze %dma_wait3A_232 : memref<1x128x128xf32, #tpu.memory_space<vmem>> -> memref<128x128xf32, #tpu.memory_space<vmem>>
        tpu.wait_dma2 semaphore(%dma_wait3A_227 : memref<!tpu.dma_semaphore, #tpu.memory_space<semaphore_mem>>) src(%dma_wait3A_233 : memref<128x128xf32, #tpu.memory_space<vmem>>) dst(%dma_wait3A_229 : memref<128x128xf32, #tpu.memory_space<hbm>>)
      } else {
      }
      %add3A_167 = arith.constant 2 : i32
      %add3A_168 = arith.addi %add3A_9, %add3A_167 : i32
      %mul3A_169 = arith.constant 32 : i32
      %mul3A_170 = arith.muli %mul3A_169, %add3A_168 : i32
      %add3A_171 = arith.addi %add3A, %mul3A_170 : i32
      %lt3A_172 = arith.constant 2500 : i32
      %lt3A_173 = arith.cmpi slt, %add3A_171, %lt3A_172 : i32
      %convert_element_type3A_174 = arith.extui %lt3A_173 : i1 to i32
      %cond3A_175 = arith.constant 0 : i32
      %cond3A_176 = arith.cmpi ne, %convert_element_type3A_174, %cond3A_175 : i32
      scf.if %cond3A_176 {
        %mul3A_217 = arith.constant 128 : i32
        %mul3A_218 = arith.muli %add3A_171, %mul3A_217 : i32
        %multiple_of3A = tpu.assume_multiple %mul3A_218, 128 : i32
        %dma_wait3A = arith.constant 2 : i32
        %dma_wait3A_219 = arith.constant 2 : i32
        %dma_wait3A_220 = arith.constant 0 : i32
        %dma_wait3A_221 = arith.constant 0 : i32
        %dma_wait3A_222 = tpu.memref_slice %arg6[%dma_wait3A, %dma_wait3A_220, %dma_wait3A_221] : memref<7x128x128xf32, #tpu.memory_space<vmem>> -> memref<1x128x128xf32, #tpu.memory_space<vmem>>
        %dma_wait3A_223 = tpu.memref_squeeze %dma_wait3A_222 : memref<1x128x128xf32, #tpu.memory_space<vmem>> -> memref<128x128xf32, #tpu.memory_space<vmem>>
        %dma_wait3A_224 = arith.constant 0 : i32
        %dma_wait3A_225 = tpu.memref_slice %arg4[%multiple_of3A, %dma_wait3A_224] : memref<320000x128xf32, #tpu.memory_space<hbm>> -> memref<128x128xf32, #tpu.memory_space<hbm>>
        %dma_wait3A_226 = tpu.memref_slice %arg8[%dma_wait3A_219] : memref<7x!tpu.dma_semaphore, #tpu.memory_space<semaphore_mem>> -> memref<1x!tpu.dma_semaphore, #tpu.memory_space<semaphore_mem>>
        %dma_wait3A_227 = tpu.memref_squeeze %dma_wait3A_226 : memref<1x!tpu.dma_semaphore, #tpu.memory_space<semaphore_mem>> -> memref<!tpu.dma_semaphore, #tpu.memory_space<semaphore_mem>>
        %dma_wait3A_228 = arith.constant 0 : i32
        %dma_wait3A_229 = tpu.memref_slice %arg4[%multiple_of3A, %dma_wait3A_228] : memref<320000x128xf32, #tpu.memory_space<hbm>> -> memref<128x128xf32, #tpu.memory_space<hbm>>
        %dma_wait3A_230 = arith.constant 0 : i32
        %dma_wait3A_231 = arith.constant 0 : i32
        %dma_wait3A_232 = tpu.memref_slice %arg6[%dma_wait3A, %dma_wait3A_230, %dma_wait3A_231] : memref<7x128x128xf32, #tpu.memory_space<vmem>> -> memref<1x128x128xf32, #tpu.memory_space<vmem>>
        %dma_wait3A_233 = tpu.memref_squeeze %dma_wait3A_232 : memref<1x128x128xf32, #tpu.memory_space<vmem>> -> memref<128x128xf32, #tpu.memory_space<vmem>>
        tpu.wait_dma2 semaphore(%dma_wait3A_227 : memref<!tpu.dma_semaphore, #tpu.memory_space<semaphore_mem>>) src(%dma_wait3A_233 : memref<128x128xf32, #tpu.memory_space<vmem>>) dst(%dma_wait3A_229 : memref<128x128xf32, #tpu.memory_space<hbm>>)
      } else {
      }
      %add3A_177 = arith.constant 3 : i32
      %add3A_178 = arith.addi %add3A_9, %add3A_177 : i32
      %mul3A_179 = arith.constant 32 : i32
      %mul3A_180 = arith.muli %mul3A_179, %add3A_178 : i32
      %add3A_181 = arith.addi %add3A, %mul3A_180 : i32
      %lt3A_182 = arith.constant 2500 : i32
      %lt3A_183 = arith.cmpi slt, %add3A_181, %lt3A_182 : i32
      %convert_element_type3A_184 = arith.extui %lt3A_183 : i1 to i32
      %cond3A_185 = arith.constant 0 : i32
      %cond3A_186 = arith.cmpi ne, %convert_element_type3A_184, %cond3A_185 : i32
      scf.if %cond3A_186 {
        %mul3A_217 = arith.constant 128 : i32
        %mul3A_218 = arith.muli %add3A_181, %mul3A_217 : i32
        %multiple_of3A = tpu.assume_multiple %mul3A_218, 128 : i32
        %dma_wait3A = arith.constant 3 : i32
        %dma_wait3A_219 = arith.constant 3 : i32
        %dma_wait3A_220 = arith.constant 0 : i32
        %dma_wait3A_221 = arith.constant 0 : i32
        %dma_wait3A_222 = tpu.memref_slice %arg6[%dma_wait3A, %dma_wait3A_220, %dma_wait3A_221] : memref<7x128x128xf32, #tpu.memory_space<vmem>> -> memref<1x128x128xf32, #tpu.memory_space<vmem>>
        %dma_wait3A_223 = tpu.memref_squeeze %dma_wait3A_222 : memref<1x128x128xf32, #tpu.memory_space<vmem>> -> memref<128x128xf32, #tpu.memory_space<vmem>>
        %dma_wait3A_224 = arith.constant 0 : i32
        %dma_wait3A_225 = tpu.memref_slice %arg4[%multiple_of3A, %dma_wait3A_224] : memref<320000x128xf32, #tpu.memory_space<hbm>> -> memref<128x128xf32, #tpu.memory_space<hbm>>
        %dma_wait3A_226 = tpu.memref_slice %arg8[%dma_wait3A_219] : memref<7x!tpu.dma_semaphore, #tpu.memory_space<semaphore_mem>> -> memref<1x!tpu.dma_semaphore, #tpu.memory_space<semaphore_mem>>
        %dma_wait3A_227 = tpu.memref_squeeze %dma_wait3A_226 : memref<1x!tpu.dma_semaphore, #tpu.memory_space<semaphore_mem>> -> memref<!tpu.dma_semaphore, #tpu.memory_space<semaphore_mem>>
        %dma_wait3A_228 = arith.constant 0 : i32
        %dma_wait3A_229 = tpu.memref_slice %arg4[%multiple_of3A, %dma_wait3A_228] : memref<320000x128xf32, #tpu.memory_space<hbm>> -> memref<128x128xf32, #tpu.memory_space<hbm>>
        %dma_wait3A_230 = arith.constant 0 : i32
        %dma_wait3A_231 = arith.constant 0 : i32
        %dma_wait3A_232 = tpu.memref_slice %arg6[%dma_wait3A, %dma_wait3A_230, %dma_wait3A_231] : memref<7x128x128xf32, #tpu.memory_space<vmem>> -> memref<1x128x128xf32, #tpu.memory_space<vmem>>
        %dma_wait3A_233 = tpu.memref_squeeze %dma_wait3A_232 : memref<1x128x128xf32, #tpu.memory_space<vmem>> -> memref<128x128xf32, #tpu.memory_space<vmem>>
        tpu.wait_dma2 semaphore(%dma_wait3A_227 : memref<!tpu.dma_semaphore, #tpu.memory_space<semaphore_mem>>) src(%dma_wait3A_233 : memref<128x128xf32, #tpu.memory_space<vmem>>) dst(%dma_wait3A_229 : memref<128x128xf32, #tpu.memory_space<hbm>>)
      } else {
      }
      %add3A_187 = arith.constant 4 : i32
      %add3A_188 = arith.addi %add3A_9, %add3A_187 : i32
      %mul3A_189 = arith.constant 32 : i32
      %mul3A_190 = arith.muli %mul3A_189, %add3A_188 : i32
      %add3A_191 = arith.addi %add3A, %mul3A_190 : i32
      %lt3A_192 = arith.constant 2500 : i32
      %lt3A_193 = arith.cmpi slt, %add3A_191, %lt3A_192 : i32
      %convert_element_type3A_194 = arith.extui %lt3A_193 : i1 to i32
      %cond3A_195 = arith.constant 0 : i32
      %cond3A_196 = arith.cmpi ne, %convert_element_type3A_194, %cond3A_195 : i32
      scf.if %cond3A_196 {
        %mul3A_217 = arith.constant 128 : i32
        %mul3A_218 = arith.muli %add3A_191, %mul3A_217 : i32
        %multiple_of3A = tpu.assume_multiple %mul3A_218, 128 : i32
        %dma_wait3A = arith.constant 4 : i32
        %dma_wait3A_219 = arith.constant 4 : i32
        %dma_wait3A_220 = arith.constant 0 : i32
        %dma_wait3A_221 = arith.constant 0 : i32
        %dma_wait3A_222 = tpu.memref_slice %arg6[%dma_wait3A, %dma_wait3A_220, %dma_wait3A_221] : memref<7x128x128xf32, #tpu.memory_space<vmem>> -> memref<1x128x128xf32, #tpu.memory_space<vmem>>
        %dma_wait3A_223 = tpu.memref_squeeze %dma_wait3A_222 : memref<1x128x128xf32, #tpu.memory_space<vmem>> -> memref<128x128xf32, #tpu.memory_space<vmem>>
        %dma_wait3A_224 = arith.constant 0 : i32
        %dma_wait3A_225 = tpu.memref_slice %arg4[%multiple_of3A, %dma_wait3A_224] : memref<320000x128xf32, #tpu.memory_space<hbm>> -> memref<128x128xf32, #tpu.memory_space<hbm>>
        %dma_wait3A_226 = tpu.memref_slice %arg8[%dma_wait3A_219] : memref<7x!tpu.dma_semaphore, #tpu.memory_space<semaphore_mem>> -> memref<1x!tpu.dma_semaphore, #tpu.memory_space<semaphore_mem>>
        %dma_wait3A_227 = tpu.memref_squeeze %dma_wait3A_226 : memref<1x!tpu.dma_semaphore, #tpu.memory_space<semaphore_mem>> -> memref<!tpu.dma_semaphore, #tpu.memory_space<semaphore_mem>>
        %dma_wait3A_228 = arith.constant 0 : i32
        %dma_wait3A_229 = tpu.memref_slice %arg4[%multiple_of3A, %dma_wait3A_228] : memref<320000x128xf32, #tpu.memory_space<hbm>> -> memref<128x128xf32, #tpu.memory_space<hbm>>
        %dma_wait3A_230 = arith.constant 0 : i32
        %dma_wait3A_231 = arith.constant 0 : i32
        %dma_wait3A_232 = tpu.memref_slice %arg6[%dma_wait3A, %dma_wait3A_230, %dma_wait3A_231] : memref<7x128x128xf32, #tpu.memory_space<vmem>> -> memref<1x128x128xf32, #tpu.memory_space<vmem>>
        %dma_wait3A_233 = tpu.memref_squeeze %dma_wait3A_232 : memref<1x128x128xf32, #tpu.memory_space<vmem>> -> memref<128x128xf32, #tpu.memory_space<vmem>>
        tpu.wait_dma2 semaphore(%dma_wait3A_227 : memref<!tpu.dma_semaphore, #tpu.memory_space<semaphore_mem>>) src(%dma_wait3A_233 : memref<128x128xf32, #tpu.memory_space<vmem>>) dst(%dma_wait3A_229 : memref<128x128xf32, #tpu.memory_space<hbm>>)
      } else {
      }
      %add3A_197 = arith.constant 5 : i32
      %add3A_198 = arith.addi %add3A_9, %add3A_197 : i32
      %mul3A_199 = arith.constant 32 : i32
      %mul3A_200 = arith.muli %mul3A_199, %add3A_198 : i32
      %add3A_201 = arith.addi %add3A, %mul3A_200 : i32
      %lt3A_202 = arith.constant 2500 : i32
      %lt3A_203 = arith.cmpi slt, %add3A_201, %lt3A_202 : i32
      %convert_element_type3A_204 = arith.extui %lt3A_203 : i1 to i32
      %cond3A_205 = arith.constant 0 : i32
      %cond3A_206 = arith.cmpi ne, %convert_element_type3A_204, %cond3A_205 : i32
      scf.if %cond3A_206 {
        %mul3A_217 = arith.constant 128 : i32
        %mul3A_218 = arith.muli %add3A_201, %mul3A_217 : i32
        %multiple_of3A = tpu.assume_multiple %mul3A_218, 128 : i32
        %dma_wait3A = arith.constant 5 : i32
        %dma_wait3A_219 = arith.constant 5 : i32
        %dma_wait3A_220 = arith.constant 0 : i32
        %dma_wait3A_221 = arith.constant 0 : i32
        %dma_wait3A_222 = tpu.memref_slice %arg6[%dma_wait3A, %dma_wait3A_220, %dma_wait3A_221] : memref<7x128x128xf32, #tpu.memory_space<vmem>> -> memref<1x128x128xf32, #tpu.memory_space<vmem>>
        %dma_wait3A_223 = tpu.memref_squeeze %dma_wait3A_222 : memref<1x128x128xf32, #tpu.memory_space<vmem>> -> memref<128x128xf32, #tpu.memory_space<vmem>>
        %dma_wait3A_224 = arith.constant 0 : i32
        %dma_wait3A_225 = tpu.memref_slice %arg4[%multiple_of3A, %dma_wait3A_224] : memref<320000x128xf32, #tpu.memory_space<hbm>> -> memref<128x128xf32, #tpu.memory_space<hbm>>
        %dma_wait3A_226 = tpu.memref_slice %arg8[%dma_wait3A_219] : memref<7x!tpu.dma_semaphore, #tpu.memory_space<semaphore_mem>> -> memref<1x!tpu.dma_semaphore, #tpu.memory_space<semaphore_mem>>
        %dma_wait3A_227 = tpu.memref_squeeze %dma_wait3A_226 : memref<1x!tpu.dma_semaphore, #tpu.memory_space<semaphore_mem>> -> memref<!tpu.dma_semaphore, #tpu.memory_space<semaphore_mem>>
        %dma_wait3A_228 = arith.constant 0 : i32
        %dma_wait3A_229 = tpu.memref_slice %arg4[%multiple_of3A, %dma_wait3A_228] : memref<320000x128xf32, #tpu.memory_space<hbm>> -> memref<128x128xf32, #tpu.memory_space<hbm>>
        %dma_wait3A_230 = arith.constant 0 : i32
        %dma_wait3A_231 = arith.constant 0 : i32
        %dma_wait3A_232 = tpu.memref_slice %arg6[%dma_wait3A, %dma_wait3A_230, %dma_wait3A_231] : memref<7x128x128xf32, #tpu.memory_space<vmem>> -> memref<1x128x128xf32, #tpu.memory_space<vmem>>
        %dma_wait3A_233 = tpu.memref_squeeze %dma_wait3A_232 : memref<1x128x128xf32, #tpu.memory_space<vmem>> -> memref<128x128xf32, #tpu.memory_space<vmem>>
        tpu.wait_dma2 semaphore(%dma_wait3A_227 : memref<!tpu.dma_semaphore, #tpu.memory_space<semaphore_mem>>) src(%dma_wait3A_233 : memref<128x128xf32, #tpu.memory_space<vmem>>) dst(%dma_wait3A_229 : memref<128x128xf32, #tpu.memory_space<hbm>>)
      } else {
      }
      %add3A_207 = arith.constant 6 : i32
      %add3A_208 = arith.addi %add3A_9, %add3A_207 : i32
      %mul3A_209 = arith.constant 32 : i32
      %mul3A_210 = arith.muli %mul3A_209, %add3A_208 : i32
      %add3A_211 = arith.addi %add3A, %mul3A_210 : i32
      %lt3A_212 = arith.constant 2500 : i32
      %lt3A_213 = arith.cmpi slt, %add3A_211, %lt3A_212 : i32
      %convert_element_type3A_214 = arith.extui %lt3A_213 : i1 to i32
      %cond3A_215 = arith.constant 0 : i32
      %cond3A_216 = arith.cmpi ne, %convert_element_type3A_214, %cond3A_215 : i32
      scf.if %cond3A_216 {
        %mul3A_217 = arith.constant 128 : i32
        %mul3A_218 = arith.muli %add3A_211, %mul3A_217 : i32
        %multiple_of3A = tpu.assume_multiple %mul3A_218, 128 : i32
        %dma_wait3A = arith.constant 6 : i32
        %dma_wait3A_219 = arith.constant 6 : i32
        %dma_wait3A_220 = arith.constant 0 : i32
        %dma_wait3A_221 = arith.constant 0 : i32
        %dma_wait3A_222 = tpu.memref_slice %arg6[%dma_wait3A, %dma_wait3A_220, %dma_wait3A_221] : memref<7x128x128xf32, #tpu.memory_space<vmem>> -> memref<1x128x128xf32, #tpu.memory_space<vmem>>
        %dma_wait3A_223 = tpu.memref_squeeze %dma_wait3A_222 : memref<1x128x128xf32, #tpu.memory_space<vmem>> -> memref<128x128xf32, #tpu.memory_space<vmem>>
        %dma_wait3A_224 = arith.constant 0 : i32
        %dma_wait3A_225 = tpu.memref_slice %arg4[%multiple_of3A, %dma_wait3A_224] : memref<320000x128xf32, #tpu.memory_space<hbm>> -> memref<128x128xf32, #tpu.memory_space<hbm>>
        %dma_wait3A_226 = tpu.memref_slice %arg8[%dma_wait3A_219] : memref<7x!tpu.dma_semaphore, #tpu.memory_space<semaphore_mem>> -> memref<1x!tpu.dma_semaphore, #tpu.memory_space<semaphore_mem>>
        %dma_wait3A_227 = tpu.memref_squeeze %dma_wait3A_226 : memref<1x!tpu.dma_semaphore, #tpu.memory_space<semaphore_mem>> -> memref<!tpu.dma_semaphore, #tpu.memory_space<semaphore_mem>>
        %dma_wait3A_228 = arith.constant 0 : i32
        %dma_wait3A_229 = tpu.memref_slice %arg4[%multiple_of3A, %dma_wait3A_228] : memref<320000x128xf32, #tpu.memory_space<hbm>> -> memref<128x128xf32, #tpu.memory_space<hbm>>
        %dma_wait3A_230 = arith.constant 0 : i32
        %dma_wait3A_231 = arith.constant 0 : i32
        %dma_wait3A_232 = tpu.memref_slice %arg6[%dma_wait3A, %dma_wait3A_230, %dma_wait3A_231] : memref<7x128x128xf32, #tpu.memory_space<vmem>> -> memref<1x128x128xf32, #tpu.memory_space<vmem>>
        %dma_wait3A_233 = tpu.memref_squeeze %dma_wait3A_232 : memref<1x128x128xf32, #tpu.memory_space<vmem>> -> memref<128x128xf32, #tpu.memory_space<vmem>>
        tpu.wait_dma2 semaphore(%dma_wait3A_227 : memref<!tpu.dma_semaphore, #tpu.memory_space<semaphore_mem>>) src(%dma_wait3A_233 : memref<128x128xf32, #tpu.memory_space<vmem>>) dst(%dma_wait3A_229 : memref<128x128xf32, #tpu.memory_space<hbm>>)
      } else {
      }
    }
    %scan3A_4 = arith.constant 12 : i32
    return
  }
}

#map = affine_map<(d0, d1) -> (0, 0)>
#map1 = affine_map<(d0, d1) -> (0, 0, 0)>
module attributes {stable_mosaic.version = 14 : i64} {
  func.func @k(%arg0: i32, %arg1: i32, %arg2: memref<10000x128xf32, #tpu.memory_space<hbm>>, %arg3: memref<32x80x128xi32, #tpu.memory_space<hbm>>, %arg4: memref<320000x128xf32, #tpu.memory_space<hbm>>, %arg5: memref<80x128xi32, #tpu.memory_space<vmem>>, %arg6: memref<7x128x128xf32, #tpu.memory_space<vmem>>, %arg7: memref<7x!tpu.dma_semaphore, #tpu.memory_space<semaphore_mem>>, %arg8: memref<7x!tpu.dma_semaphore, #tpu.memory_space<semaphore_mem>>) attributes {dimension_semantics = [#tpu.dimension_semantics<core_parallel>, #tpu.dimension_semantics<subcore_parallel>], iteration_bounds = array<i64: 2, 16>, scalar_prefetch = 0 : i64, scratch_operands = 4 : i64, tpu.core_type = #tpu.core_type<sc_vector_subcore>, window_params = [{transform_indices = #map}, {transform_indices = #map1}, {transform_indices = #map}]} {
    %mul3A = arith.constant 2 : i32
    %mul3A_0 = arith.muli %arg1, %mul3A : i32
    %add3A = arith.addi %mul3A_0, %arg0 : i32
    "tpu.region"() ({
      %run_scoped3A = tpu.sem_alloc : memref<!tpu.dma_semaphore, #tpu.memory_space<semaphore_mem>>
      %dma_start3A = arith.constant 0 : i32
      %dma_start3A_5 = arith.constant 0 : i32
      %dma_start3A_6 = tpu.memref_slice %arg3[%add3A, %dma_start3A, %dma_start3A_5] : memref<32x80x128xi32, #tpu.memory_space<hbm>> -> memref<1x80x128xi32, #tpu.memory_space<hbm>>
      %dma_start3A_7 = tpu.memref_squeeze %dma_start3A_6 : memref<1x80x128xi32, #tpu.memory_space<hbm>> -> memref<80x128xi32, #tpu.memory_space<hbm>>
      %dma_start3A_8 = arith.constant 0 : i32
      %dma_start3A_9 = arith.constant 0 : i32
      %dma_start3A_10 = tpu.memref_slice %arg3[%add3A, %dma_start3A_8, %dma_start3A_9] : memref<32x80x128xi32, #tpu.memory_space<hbm>> -> memref<1x80x128xi32, #tpu.memory_space<hbm>>
      %dma_start3A_11 = tpu.memref_squeeze %dma_start3A_10 : memref<1x80x128xi32, #tpu.memory_space<hbm>> -> memref<80x128xi32, #tpu.memory_space<hbm>>
      tpu.enqueue_dma source(%dma_start3A_11 : memref<80x128xi32, #tpu.memory_space<hbm>>) target(%arg5 : memref<80x128xi32, #tpu.memory_space<vmem>>) target_semaphore(%run_scoped3A : memref<!tpu.dma_semaphore, #tpu.memory_space<semaphore_mem>>)
      %dma_wait3A = arith.constant 0 : i32
      %dma_wait3A_12 = arith.constant 0 : i32
      %dma_wait3A_13 = tpu.memref_slice %arg3[%add3A, %dma_wait3A, %dma_wait3A_12] : memref<32x80x128xi32, #tpu.memory_space<hbm>> -> memref<1x80x128xi32, #tpu.memory_space<hbm>>
      %dma_wait3A_14 = tpu.memref_squeeze %dma_wait3A_13 : memref<1x80x128xi32, #tpu.memory_space<hbm>> -> memref<80x128xi32, #tpu.memory_space<hbm>>
      %dma_wait3A_15 = arith.constant 0 : i32
      %dma_wait3A_16 = arith.constant 0 : i32
      %dma_wait3A_17 = tpu.memref_slice %arg3[%add3A, %dma_wait3A_15, %dma_wait3A_16] : memref<32x80x128xi32, #tpu.memory_space<hbm>> -> memref<1x80x128xi32, #tpu.memory_space<hbm>>
      %dma_wait3A_18 = tpu.memref_squeeze %dma_wait3A_17 : memref<1x80x128xi32, #tpu.memory_space<hbm>> -> memref<80x128xi32, #tpu.memory_space<hbm>>
      tpu.wait_dma2 semaphore(%run_scoped3A : memref<!tpu.dma_semaphore, #tpu.memory_space<semaphore_mem>>) src(%dma_wait3A_18 : memref<80x128xi32, #tpu.memory_space<hbm>>) dst(%arg5 : memref<80x128xi32, #tpu.memory_space<vmem>>)
      tpu.yield
    }) : () -> ()
    %scan3A = arith.constant 0 : i32
    %scan3A_1 = arith.constant 12 : i32
    %scan3A_2 = arith.addi %scan3A, %scan3A_1 : i32
    %scan3A_3 = arith.constant 1 : i32
    scf.for %scan3A_5 = %scan3A to %scan3A_2 step %scan3A_3  : i32 {
      %mul3A_6 = arith.constant 7 : i32
      %mul3A_7 = arith.muli %scan3A_5, %mul3A_6 : i32
      %add3A_8 = arith.constant 0 : i32
      %add3A_9 = arith.addi %add3A_8, %mul3A_7 : i32
      %add3A_10 = arith.constant 0 : i32
      %add3A_11 = arith.addi %add3A_9, %add3A_10 : i32
      %mul3A_12 = arith.constant 32 : i32
      %mul3A_13 = arith.muli %mul3A_12, %add3A_11 : i32
      %add3A_14 = arith.addi %add3A, %mul3A_13 : i32
      %lt3A = arith.constant 2500 : i32
      %lt3A_15 = arith.cmpi slt, %add3A_14, %lt3A : i32
      %convert_element_type3A = arith.extui %lt3A_15 : i1 to i32
      %cond3A = arith.constant 0 : i32
      %cond3A_16 = arith.cmpi ne, %convert_element_type3A, %cond3A : i32
      scf.if %cond3A_16 {
        %dma_start3A = arith.constant 0 : i32
        %dma_start3A_217 = arith.constant 0 : i32
        %dma_start3A_218 = arith.constant 0 : i32
        %dma_start3A_219 = arith.constant 0 : i32
        %dma_start3A_220 = tpu.memref_slice %arg6[%dma_start3A, %dma_start3A_218, %dma_start3A_219] : memref<7x128x128xf32, #tpu.memory_space<vmem>> -> memref<1x128x128xf32, #tpu.memory_space<vmem>>
        %dma_start3A_221 = tpu.memref_squeeze %dma_start3A_220 : memref<1x128x128xf32, #tpu.memory_space<vmem>> -> memref<128x128xf32, #tpu.memory_space<vmem>>
        %dma_start3A_222 = arith.constant 0 : i32
        %dma_start3A_223 = tpu.memref_slice %arg5[%add3A_11, %dma_start3A_222] : memref<80x128xi32, #tpu.memory_space<vmem>> -> memref<1x128xi32, #tpu.memory_space<vmem>>
        %dma_start3A_224 = tpu.memref_squeeze %dma_start3A_223 : memref<1x128xi32, #tpu.memory_space<vmem>> -> memref<128xi32, #tpu.memory_space<vmem>>
        %dma_start3A_225 = arith.constant 0 : i32
        %dma_start3A_226 = arith.constant 0 : i32
        %dma_start3A_227 = tpu.memref_slice %arg2[%dma_start3A_225, %dma_start3A_226] : memref<10000x128xf32, #tpu.memory_space<hbm>> -> memref<10000x128xf32, #tpu.memory_space<hbm>>
        %dma_start3A_228 = tpu.memref_slice %arg7[%dma_start3A_217] : memref<7x!tpu.dma_semaphore, #tpu.memory_space<semaphore_mem>> -> memref<1x!tpu.dma_semaphore, #tpu.memory_space<semaphore_mem>>
        %dma_start3A_229 = tpu.memref_squeeze %dma_start3A_228 : memref<1x!tpu.dma_semaphore, #tpu.memory_space<semaphore_mem>> -> memref<!tpu.dma_semaphore, #tpu.memory_space<semaphore_mem>>
        tpu.enqueue_indirect_dma source(%dma_start3A_227 : memref<10000x128xf32, #tpu.memory_space<hbm>>) target(%dma_start3A_221 : memref<128x128xf32, #tpu.memory_space<vmem>>) offsets(%dma_start3A_224 : memref<128xi32, #tpu.memory_space<vmem>>) semaphore(%dma_start3A_229 : memref<!tpu.dma_semaphore, #tpu.memory_space<semaphore_mem>>)
      } else {
      }
      %add3A_17 = arith.constant 1 : i32
      %add3A_18 = arith.addi %add3A_9, %add3A_17 : i32
      %mul3A_19 = arith.constant 32 : i32
      %mul3A_20 = arith.muli %mul3A_19, %add3A_18 : i32
      %add3A_21 = arith.addi %add3A, %mul3A_20 : i32
      %lt3A_22 = arith.constant 2500 : i32
      %lt3A_23 = arith.cmpi slt, %add3A_21, %lt3A_22 : i32
      %convert_element_type3A_24 = arith.extui %lt3A_23 : i1 to i32
      %cond3A_25 = arith.constant 0 : i32
      %cond3A_26 = arith.cmpi ne, %convert_element_type3A_24, %cond3A_25 : i32
      scf.if %cond3A_26 {
        %dma_start3A = arith.constant 1 : i32
        %dma_start3A_217 = arith.constant 1 : i32
        %dma_start3A_218 = arith.constant 0 : i32
        %dma_start3A_219 = arith.constant 0 : i32
        %dma_start3A_220 = tpu.memref_slice %arg6[%dma_start3A, %dma_start3A_218, %dma_start3A_219] : memref<7x128x128xf32, #tpu.memory_space<vmem>> -> memref<1x128x128xf32, #tpu.memory_space<vmem>>
        %dma_start3A_221 = tpu.memref_squeeze %dma_start3A_220 : memref<1x128x128xf32, #tpu.memory_space<vmem>> -> memref<128x128xf32, #tpu.memory_space<vmem>>
        %dma_start3A_222 = arith.constant 0 : i32
        %dma_start3A_223 = tpu.memref_slice %arg5[%add3A_18, %dma_start3A_222] : memref<80x128xi32, #tpu.memory_space<vmem>> -> memref<1x128xi32, #tpu.memory_space<vmem>>
        %dma_start3A_224 = tpu.memref_squeeze %dma_start3A_223 : memref<1x128xi32, #tpu.memory_space<vmem>> -> memref<128xi32, #tpu.memory_space<vmem>>
        %dma_start3A_225 = arith.constant 0 : i32
        %dma_start3A_226 = arith.constant 0 : i32
        %dma_start3A_227 = tpu.memref_slice %arg2[%dma_start3A_225, %dma_start3A_226] : memref<10000x128xf32, #tpu.memory_space<hbm>> -> memref<10000x128xf32, #tpu.memory_space<hbm>>
        %dma_start3A_228 = tpu.memref_slice %arg7[%dma_start3A_217] : memref<7x!tpu.dma_semaphore, #tpu.memory_space<semaphore_mem>> -> memref<1x!tpu.dma_semaphore, #tpu.memory_space<semaphore_mem>>
        %dma_start3A_229 = tpu.memref_squeeze %dma_start3A_228 : memref<1x!tpu.dma_semaphore, #tpu.memory_space<semaphore_mem>> -> memref<!tpu.dma_semaphore, #tpu.memory_space<semaphore_mem>>
        tpu.enqueue_indirect_dma source(%dma_start3A_227 : memref<10000x128xf32, #tpu.memory_space<hbm>>) target(%dma_start3A_221 : memref<128x128xf32, #tpu.memory_space<vmem>>) offsets(%dma_start3A_224 : memref<128xi32, #tpu.memory_space<vmem>>) semaphore(%dma_start3A_229 : memref<!tpu.dma_semaphore, #tpu.memory_space<semaphore_mem>>)
      } else {
      }
      %add3A_27 = arith.constant 2 : i32
      %add3A_28 = arith.addi %add3A_9, %add3A_27 : i32
      %mul3A_29 = arith.constant 32 : i32
      %mul3A_30 = arith.muli %mul3A_29, %add3A_28 : i32
      %add3A_31 = arith.addi %add3A, %mul3A_30 : i32
      %lt3A_32 = arith.constant 2500 : i32
      %lt3A_33 = arith.cmpi slt, %add3A_31, %lt3A_32 : i32
      %convert_element_type3A_34 = arith.extui %lt3A_33 : i1 to i32
      %cond3A_35 = arith.constant 0 : i32
      %cond3A_36 = arith.cmpi ne, %convert_element_type3A_34, %cond3A_35 : i32
      scf.if %cond3A_36 {
        %dma_start3A = arith.constant 2 : i32
        %dma_start3A_217 = arith.constant 2 : i32
        %dma_start3A_218 = arith.constant 0 : i32
        %dma_start3A_219 = arith.constant 0 : i32
        %dma_start3A_220 = tpu.memref_slice %arg6[%dma_start3A, %dma_start3A_218, %dma_start3A_219] : memref<7x128x128xf32, #tpu.memory_space<vmem>> -> memref<1x128x128xf32, #tpu.memory_space<vmem>>
        %dma_start3A_221 = tpu.memref_squeeze %dma_start3A_220 : memref<1x128x128xf32, #tpu.memory_space<vmem>> -> memref<128x128xf32, #tpu.memory_space<vmem>>
        %dma_start3A_222 = arith.constant 0 : i32
        %dma_start3A_223 = tpu.memref_slice %arg5[%add3A_28, %dma_start3A_222] : memref<80x128xi32, #tpu.memory_space<vmem>> -> memref<1x128xi32, #tpu.memory_space<vmem>>
        %dma_start3A_224 = tpu.memref_squeeze %dma_start3A_223 : memref<1x128xi32, #tpu.memory_space<vmem>> -> memref<128xi32, #tpu.memory_space<vmem>>
        %dma_start3A_225 = arith.constant 0 : i32
        %dma_start3A_226 = arith.constant 0 : i32
        %dma_start3A_227 = tpu.memref_slice %arg2[%dma_start3A_225, %dma_start3A_226] : memref<10000x128xf32, #tpu.memory_space<hbm>> -> memref<10000x128xf32, #tpu.memory_space<hbm>>
        %dma_start3A_228 = tpu.memref_slice %arg7[%dma_start3A_217] : memref<7x!tpu.dma_semaphore, #tpu.memory_space<semaphore_mem>> -> memref<1x!tpu.dma_semaphore, #tpu.memory_space<semaphore_mem>>
        %dma_start3A_229 = tpu.memref_squeeze %dma_start3A_228 : memref<1x!tpu.dma_semaphore, #tpu.memory_space<semaphore_mem>> -> memref<!tpu.dma_semaphore, #tpu.memory_space<semaphore_mem>>
        tpu.enqueue_indirect_dma source(%dma_start3A_227 : memref<10000x128xf32, #tpu.memory_space<hbm>>) target(%dma_start3A_221 : memref<128x128xf32, #tpu.memory_space<vmem>>) offsets(%dma_start3A_224 : memref<128xi32, #tpu.memory_space<vmem>>) semaphore(%dma_start3A_229 : memref<!tpu.dma_semaphore, #tpu.memory_space<semaphore_mem>>)
      } else {
      }
      %add3A_37 = arith.constant 3 : i32
      %add3A_38 = arith.addi %add3A_9, %add3A_37 : i32
      %mul3A_39 = arith.constant 32 : i32
      %mul3A_40 = arith.muli %mul3A_39, %add3A_38 : i32
      %add3A_41 = arith.addi %add3A, %mul3A_40 : i32
      %lt3A_42 = arith.constant 2500 : i32
      %lt3A_43 = arith.cmpi slt, %add3A_41, %lt3A_42 : i32
      %convert_element_type3A_44 = arith.extui %lt3A_43 : i1 to i32
      %cond3A_45 = arith.constant 0 : i32
      %cond3A_46 = arith.cmpi ne, %convert_element_type3A_44, %cond3A_45 : i32
      scf.if %cond3A_46 {
        %dma_start3A = arith.constant 3 : i32
        %dma_start3A_217 = arith.constant 3 : i32
        %dma_start3A_218 = arith.constant 0 : i32
        %dma_start3A_219 = arith.constant 0 : i32
        %dma_start3A_220 = tpu.memref_slice %arg6[%dma_start3A, %dma_start3A_218, %dma_start3A_219] : memref<7x128x128xf32, #tpu.memory_space<vmem>> -> memref<1x128x128xf32, #tpu.memory_space<vmem>>
        %dma_start3A_221 = tpu.memref_squeeze %dma_start3A_220 : memref<1x128x128xf32, #tpu.memory_space<vmem>> -> memref<128x128xf32, #tpu.memory_space<vmem>>
        %dma_start3A_222 = arith.constant 0 : i32
        %dma_start3A_223 = tpu.memref_slice %arg5[%add3A_38, %dma_start3A_222] : memref<80x128xi32, #tpu.memory_space<vmem>> -> memref<1x128xi32, #tpu.memory_space<vmem>>
        %dma_start3A_224 = tpu.memref_squeeze %dma_start3A_223 : memref<1x128xi32, #tpu.memory_space<vmem>> -> memref<128xi32, #tpu.memory_space<vmem>>
        %dma_start3A_225 = arith.constant 0 : i32
        %dma_start3A_226 = arith.constant 0 : i32
        %dma_start3A_227 = tpu.memref_slice %arg2[%dma_start3A_225, %dma_start3A_226] : memref<10000x128xf32, #tpu.memory_space<hbm>> -> memref<10000x128xf32, #tpu.memory_space<hbm>>
        %dma_start3A_228 = tpu.memref_slice %arg7[%dma_start3A_217] : memref<7x!tpu.dma_semaphore, #tpu.memory_space<semaphore_mem>> -> memref<1x!tpu.dma_semaphore, #tpu.memory_space<semaphore_mem>>
        %dma_start3A_229 = tpu.memref_squeeze %dma_start3A_228 : memref<1x!tpu.dma_semaphore, #tpu.memory_space<semaphore_mem>> -> memref<!tpu.dma_semaphore, #tpu.memory_space<semaphore_mem>>
        tpu.enqueue_indirect_dma source(%dma_start3A_227 : memref<10000x128xf32, #tpu.memory_space<hbm>>) target(%dma_start3A_221 : memref<128x128xf32, #tpu.memory_space<vmem>>) offsets(%dma_start3A_224 : memref<128xi32, #tpu.memory_space<vmem>>) semaphore(%dma_start3A_229 : memref<!tpu.dma_semaphore, #tpu.memory_space<semaphore_mem>>)
      } else {
      }
      %add3A_47 = arith.constant 4 : i32
      %add3A_48 = arith.addi %add3A_9, %add3A_47 : i32
      %mul3A_49 = arith.constant 32 : i32
      %mul3A_50 = arith.muli %mul3A_49, %add3A_48 : i32
      %add3A_51 = arith.addi %add3A, %mul3A_50 : i32
      %lt3A_52 = arith.constant 2500 : i32
      %lt3A_53 = arith.cmpi slt, %add3A_51, %lt3A_52 : i32
      %convert_element_type3A_54 = arith.extui %lt3A_53 : i1 to i32
      %cond3A_55 = arith.constant 0 : i32
      %cond3A_56 = arith.cmpi ne, %convert_element_type3A_54, %cond3A_55 : i32
      scf.if %cond3A_56 {
        %dma_start3A = arith.constant 4 : i32
        %dma_start3A_217 = arith.constant 4 : i32
        %dma_start3A_218 = arith.constant 0 : i32
        %dma_start3A_219 = arith.constant 0 : i32
        %dma_start3A_220 = tpu.memref_slice %arg6[%dma_start3A, %dma_start3A_218, %dma_start3A_219] : memref<7x128x128xf32, #tpu.memory_space<vmem>> -> memref<1x128x128xf32, #tpu.memory_space<vmem>>
        %dma_start3A_221 = tpu.memref_squeeze %dma_start3A_220 : memref<1x128x128xf32, #tpu.memory_space<vmem>> -> memref<128x128xf32, #tpu.memory_space<vmem>>
        %dma_start3A_222 = arith.constant 0 : i32
        %dma_start3A_223 = tpu.memref_slice %arg5[%add3A_48, %dma_start3A_222] : memref<80x128xi32, #tpu.memory_space<vmem>> -> memref<1x128xi32, #tpu.memory_space<vmem>>
        %dma_start3A_224 = tpu.memref_squeeze %dma_start3A_223 : memref<1x128xi32, #tpu.memory_space<vmem>> -> memref<128xi32, #tpu.memory_space<vmem>>
        %dma_start3A_225 = arith.constant 0 : i32
        %dma_start3A_226 = arith.constant 0 : i32
        %dma_start3A_227 = tpu.memref_slice %arg2[%dma_start3A_225, %dma_start3A_226] : memref<10000x128xf32, #tpu.memory_space<hbm>> -> memref<10000x128xf32, #tpu.memory_space<hbm>>
        %dma_start3A_228 = tpu.memref_slice %arg7[%dma_start3A_217] : memref<7x!tpu.dma_semaphore, #tpu.memory_space<semaphore_mem>> -> memref<1x!tpu.dma_semaphore, #tpu.memory_space<semaphore_mem>>
        %dma_start3A_229 = tpu.memref_squeeze %dma_start3A_228 : memref<1x!tpu.dma_semaphore, #tpu.memory_space<semaphore_mem>> -> memref<!tpu.dma_semaphore, #tpu.memory_space<semaphore_mem>>
        tpu.enqueue_indirect_dma source(%dma_start3A_227 : memref<10000x128xf32, #tpu.memory_space<hbm>>) target(%dma_start3A_221 : memref<128x128xf32, #tpu.memory_space<vmem>>) offsets(%dma_start3A_224 : memref<128xi32, #tpu.memory_space<vmem>>) semaphore(%dma_start3A_229 : memref<!tpu.dma_semaphore, #tpu.memory_space<semaphore_mem>>)
      } else {
      }
      %add3A_57 = arith.constant 5 : i32
      %add3A_58 = arith.addi %add3A_9, %add3A_57 : i32
      %mul3A_59 = arith.constant 32 : i32
      %mul3A_60 = arith.muli %mul3A_59, %add3A_58 : i32
      %add3A_61 = arith.addi %add3A, %mul3A_60 : i32
      %lt3A_62 = arith.constant 2500 : i32
      %lt3A_63 = arith.cmpi slt, %add3A_61, %lt3A_62 : i32
      %convert_element_type3A_64 = arith.extui %lt3A_63 : i1 to i32
      %cond3A_65 = arith.constant 0 : i32
      %cond3A_66 = arith.cmpi ne, %convert_element_type3A_64, %cond3A_65 : i32
      scf.if %cond3A_66 {
        %dma_start3A = arith.constant 5 : i32
        %dma_start3A_217 = arith.constant 5 : i32
        %dma_start3A_218 = arith.constant 0 : i32
        %dma_start3A_219 = arith.constant 0 : i32
        %dma_start3A_220 = tpu.memref_slice %arg6[%dma_start3A, %dma_start3A_218, %dma_start3A_219] : memref<7x128x128xf32, #tpu.memory_space<vmem>> -> memref<1x128x128xf32, #tpu.memory_space<vmem>>
        %dma_start3A_221 = tpu.memref_squeeze %dma_start3A_220 : memref<1x128x128xf32, #tpu.memory_space<vmem>> -> memref<128x128xf32, #tpu.memory_space<vmem>>
        %dma_start3A_222 = arith.constant 0 : i32
        %dma_start3A_223 = tpu.memref_slice %arg5[%add3A_58, %dma_start3A_222] : memref<80x128xi32, #tpu.memory_space<vmem>> -> memref<1x128xi32, #tpu.memory_space<vmem>>
        %dma_start3A_224 = tpu.memref_squeeze %dma_start3A_223 : memref<1x128xi32, #tpu.memory_space<vmem>> -> memref<128xi32, #tpu.memory_space<vmem>>
        %dma_start3A_225 = arith.constant 0 : i32
        %dma_start3A_226 = arith.constant 0 : i32
        %dma_start3A_227 = tpu.memref_slice %arg2[%dma_start3A_225, %dma_start3A_226] : memref<10000x128xf32, #tpu.memory_space<hbm>> -> memref<10000x128xf32, #tpu.memory_space<hbm>>
        %dma_start3A_228 = tpu.memref_slice %arg7[%dma_start3A_217] : memref<7x!tpu.dma_semaphore, #tpu.memory_space<semaphore_mem>> -> memref<1x!tpu.dma_semaphore, #tpu.memory_space<semaphore_mem>>
        %dma_start3A_229 = tpu.memref_squeeze %dma_start3A_228 : memref<1x!tpu.dma_semaphore, #tpu.memory_space<semaphore_mem>> -> memref<!tpu.dma_semaphore, #tpu.memory_space<semaphore_mem>>
        tpu.enqueue_indirect_dma source(%dma_start3A_227 : memref<10000x128xf32, #tpu.memory_space<hbm>>) target(%dma_start3A_221 : memref<128x128xf32, #tpu.memory_space<vmem>>) offsets(%dma_start3A_224 : memref<128xi32, #tpu.memory_space<vmem>>) semaphore(%dma_start3A_229 : memref<!tpu.dma_semaphore, #tpu.memory_space<semaphore_mem>>)
      } else {
      }
      %add3A_67 = arith.constant 6 : i32
      %add3A_68 = arith.addi %add3A_9, %add3A_67 : i32
      %mul3A_69 = arith.constant 32 : i32
      %mul3A_70 = arith.muli %mul3A_69, %add3A_68 : i32
      %add3A_71 = arith.addi %add3A, %mul3A_70 : i32
      %lt3A_72 = arith.constant 2500 : i32
      %lt3A_73 = arith.cmpi slt, %add3A_71, %lt3A_72 : i32
      %convert_element_type3A_74 = arith.extui %lt3A_73 : i1 to i32
      %cond3A_75 = arith.constant 0 : i32
      %cond3A_76 = arith.cmpi ne, %convert_element_type3A_74, %cond3A_75 : i32
      scf.if %cond3A_76 {
        %dma_start3A = arith.constant 6 : i32
        %dma_start3A_217 = arith.constant 6 : i32
        %dma_start3A_218 = arith.constant 0 : i32
        %dma_start3A_219 = arith.constant 0 : i32
        %dma_start3A_220 = tpu.memref_slice %arg6[%dma_start3A, %dma_start3A_218, %dma_start3A_219] : memref<7x128x128xf32, #tpu.memory_space<vmem>> -> memref<1x128x128xf32, #tpu.memory_space<vmem>>
        %dma_start3A_221 = tpu.memref_squeeze %dma_start3A_220 : memref<1x128x128xf32, #tpu.memory_space<vmem>> -> memref<128x128xf32, #tpu.memory_space<vmem>>
        %dma_start3A_222 = arith.constant 0 : i32
        %dma_start3A_223 = tpu.memref_slice %arg5[%add3A_68, %dma_start3A_222] : memref<80x128xi32, #tpu.memory_space<vmem>> -> memref<1x128xi32, #tpu.memory_space<vmem>>
        %dma_start3A_224 = tpu.memref_squeeze %dma_start3A_223 : memref<1x128xi32, #tpu.memory_space<vmem>> -> memref<128xi32, #tpu.memory_space<vmem>>
        %dma_start3A_225 = arith.constant 0 : i32
        %dma_start3A_226 = arith.constant 0 : i32
        %dma_start3A_227 = tpu.memref_slice %arg2[%dma_start3A_225, %dma_start3A_226] : memref<10000x128xf32, #tpu.memory_space<hbm>> -> memref<10000x128xf32, #tpu.memory_space<hbm>>
        %dma_start3A_228 = tpu.memref_slice %arg7[%dma_start3A_217] : memref<7x!tpu.dma_semaphore, #tpu.memory_space<semaphore_mem>> -> memref<1x!tpu.dma_semaphore, #tpu.memory_space<semaphore_mem>>
        %dma_start3A_229 = tpu.memref_squeeze %dma_start3A_228 : memref<1x!tpu.dma_semaphore, #tpu.memory_space<semaphore_mem>> -> memref<!tpu.dma_semaphore, #tpu.memory_space<semaphore_mem>>
        tpu.enqueue_indirect_dma source(%dma_start3A_227 : memref<10000x128xf32, #tpu.memory_space<hbm>>) target(%dma_start3A_221 : memref<128x128xf32, #tpu.memory_space<vmem>>) offsets(%dma_start3A_224 : memref<128xi32, #tpu.memory_space<vmem>>) semaphore(%dma_start3A_229 : memref<!tpu.dma_semaphore, #tpu.memory_space<semaphore_mem>>)
      } else {
      }
      %add3A_77 = arith.constant 0 : i32
      %add3A_78 = arith.addi %add3A_9, %add3A_77 : i32
      %mul3A_79 = arith.constant 32 : i32
      %mul3A_80 = arith.muli %mul3A_79, %add3A_78 : i32
      %add3A_81 = arith.addi %add3A, %mul3A_80 : i32
      %lt3A_82 = arith.constant 2500 : i32
      %lt3A_83 = arith.cmpi slt, %add3A_81, %lt3A_82 : i32
      %convert_element_type3A_84 = arith.extui %lt3A_83 : i1 to i32
      %cond3A_85 = arith.constant 0 : i32
      %cond3A_86 = arith.cmpi ne, %convert_element_type3A_84, %cond3A_85 : i32
      scf.if %cond3A_86 {
        %dma_wait3A = arith.constant 0 : i32
        %dma_wait3A_217 = arith.constant 0 : i32
        %dma_wait3A_218 = arith.constant 0 : i32
        %dma_wait3A_219 = arith.constant 0 : i32
        %dma_wait3A_220 = tpu.memref_slice %arg6[%dma_wait3A, %dma_wait3A_218, %dma_wait3A_219] : memref<7x128x128xf32, #tpu.memory_space<vmem>> -> memref<1x128x128xf32, #tpu.memory_space<vmem>>
        %dma_wait3A_221 = tpu.memref_squeeze %dma_wait3A_220 : memref<1x128x128xf32, #tpu.memory_space<vmem>> -> memref<128x128xf32, #tpu.memory_space<vmem>>
        %dma_wait3A_222 = arith.constant 0 : i32
        %dma_wait3A_223 = tpu.memref_slice %arg5[%add3A_78, %dma_wait3A_222] : memref<80x128xi32, #tpu.memory_space<vmem>> -> memref<1x128xi32, #tpu.memory_space<vmem>>
        %dma_wait3A_224 = tpu.memref_squeeze %dma_wait3A_223 : memref<1x128xi32, #tpu.memory_space<vmem>> -> memref<128xi32, #tpu.memory_space<vmem>>
        %dma_wait3A_225 = arith.constant 0 : i32
        %dma_wait3A_226 = arith.constant 0 : i32
        %dma_wait3A_227 = tpu.memref_slice %arg2[%dma_wait3A_225, %dma_wait3A_226] : memref<10000x128xf32, #tpu.memory_space<hbm>> -> memref<10000x128xf32, #tpu.memory_space<hbm>>
        %dma_wait3A_228 = tpu.memref_slice %arg7[%dma_wait3A_217] : memref<7x!tpu.dma_semaphore, #tpu.memory_space<semaphore_mem>> -> memref<1x!tpu.dma_semaphore, #tpu.memory_space<semaphore_mem>>
        %dma_wait3A_229 = tpu.memref_squeeze %dma_wait3A_228 : memref<1x!tpu.dma_semaphore, #tpu.memory_space<semaphore_mem>> -> memref<!tpu.dma_semaphore, #tpu.memory_space<semaphore_mem>>
        tpu.wait_indirect_dma semaphore(%dma_wait3A_229 : memref<!tpu.dma_semaphore, #tpu.memory_space<semaphore_mem>>) src(%dma_wait3A_227 : memref<10000x128xf32, #tpu.memory_space<hbm>>) dst(%dma_wait3A_221 : memref<128x128xf32, #tpu.memory_space<vmem>>)
        %mul3A_230 = arith.constant 128 : i32
        %mul3A_231 = arith.muli %add3A_81, %mul3A_230 : i32
        %multiple_of3A = tpu.assume_multiple %mul3A_231, 128 : i32
        %dma_start3A = arith.constant 0 : i32
        %dma_start3A_232 = arith.constant 0 : i32
        %dma_start3A_233 = arith.constant 0 : i32
        %dma_start3A_234 = arith.constant 0 : i32
        %dma_start3A_235 = tpu.memref_slice %arg6[%dma_start3A, %dma_start3A_233, %dma_start3A_234] : memref<7x128x128xf32, #tpu.memory_space<vmem>> -> memref<1x128x128xf32, #tpu.memory_space<vmem>>
        %dma_start3A_236 = tpu.memref_squeeze %dma_start3A_235 : memref<1x128x128xf32, #tpu.memory_space<vmem>> -> memref<128x128xf32, #tpu.memory_space<vmem>>
        %dma_start3A_237 = arith.constant 0 : i32
        %dma_start3A_238 = tpu.memref_slice %arg4[%multiple_of3A, %dma_start3A_237] : memref<320000x128xf32, #tpu.memory_space<hbm>> -> memref<128x128xf32, #tpu.memory_space<hbm>>
        %dma_start3A_239 = tpu.memref_slice %arg8[%dma_start3A_232] : memref<7x!tpu.dma_semaphore, #tpu.memory_space<semaphore_mem>> -> memref<1x!tpu.dma_semaphore, #tpu.memory_space<semaphore_mem>>
        %dma_start3A_240 = tpu.memref_squeeze %dma_start3A_239 : memref<1x!tpu.dma_semaphore, #tpu.memory_space<semaphore_mem>> -> memref<!tpu.dma_semaphore, #tpu.memory_space<semaphore_mem>>
        %dma_start3A_241 = arith.constant 0 : i32
        %dma_start3A_242 = tpu.memref_slice %arg4[%multiple_of3A, %dma_start3A_241] : memref<320000x128xf32, #tpu.memory_space<hbm>> -> memref<128x128xf32, #tpu.memory_space<hbm>>
        %dma_start3A_243 = arith.constant 0 : i32
        %dma_start3A_244 = arith.constant 0 : i32
        %dma_start3A_245 = tpu.memref_slice %arg6[%dma_start3A, %dma_start3A_243, %dma_start3A_244] : memref<7x128x128xf32, #tpu.memory_space<vmem>> -> memref<1x128x128xf32, #tpu.memory_space<vmem>>
        %dma_start3A_246 = tpu.memref_squeeze %dma_start3A_245 : memref<1x128x128xf32, #tpu.memory_space<vmem>> -> memref<128x128xf32, #tpu.memory_space<vmem>>
        tpu.enqueue_dma source(%dma_start3A_246 : memref<128x128xf32, #tpu.memory_space<vmem>>) target(%dma_start3A_242 : memref<128x128xf32, #tpu.memory_space<hbm>>) target_semaphore(%dma_start3A_240 : memref<!tpu.dma_semaphore, #tpu.memory_space<semaphore_mem>>)
      } else {
      }
      %add3A_87 = arith.constant 1 : i32
      %add3A_88 = arith.addi %add3A_9, %add3A_87 : i32
      %mul3A_89 = arith.constant 32 : i32
      %mul3A_90 = arith.muli %mul3A_89, %add3A_88 : i32
      %add3A_91 = arith.addi %add3A, %mul3A_90 : i32
      %lt3A_92 = arith.constant 2500 : i32
      %lt3A_93 = arith.cmpi slt, %add3A_91, %lt3A_92 : i32
      %convert_element_type3A_94 = arith.extui %lt3A_93 : i1 to i32
      %cond3A_95 = arith.constant 0 : i32
      %cond3A_96 = arith.cmpi ne, %convert_element_type3A_94, %cond3A_95 : i32
      scf.if %cond3A_96 {
        %dma_wait3A = arith.constant 1 : i32
        %dma_wait3A_217 = arith.constant 1 : i32
        %dma_wait3A_218 = arith.constant 0 : i32
        %dma_wait3A_219 = arith.constant 0 : i32
        %dma_wait3A_220 = tpu.memref_slice %arg6[%dma_wait3A, %dma_wait3A_218, %dma_wait3A_219] : memref<7x128x128xf32, #tpu.memory_space<vmem>> -> memref<1x128x128xf32, #tpu.memory_space<vmem>>
        %dma_wait3A_221 = tpu.memref_squeeze %dma_wait3A_220 : memref<1x128x128xf32, #tpu.memory_space<vmem>> -> memref<128x128xf32, #tpu.memory_space<vmem>>
        %dma_wait3A_222 = arith.constant 0 : i32
        %dma_wait3A_223 = tpu.memref_slice %arg5[%add3A_88, %dma_wait3A_222] : memref<80x128xi32, #tpu.memory_space<vmem>> -> memref<1x128xi32, #tpu.memory_space<vmem>>
        %dma_wait3A_224 = tpu.memref_squeeze %dma_wait3A_223 : memref<1x128xi32, #tpu.memory_space<vmem>> -> memref<128xi32, #tpu.memory_space<vmem>>
        %dma_wait3A_225 = arith.constant 0 : i32
        %dma_wait3A_226 = arith.constant 0 : i32
        %dma_wait3A_227 = tpu.memref_slice %arg2[%dma_wait3A_225, %dma_wait3A_226] : memref<10000x128xf32, #tpu.memory_space<hbm>> -> memref<10000x128xf32, #tpu.memory_space<hbm>>
        %dma_wait3A_228 = tpu.memref_slice %arg7[%dma_wait3A_217] : memref<7x!tpu.dma_semaphore, #tpu.memory_space<semaphore_mem>> -> memref<1x!tpu.dma_semaphore, #tpu.memory_space<semaphore_mem>>
        %dma_wait3A_229 = tpu.memref_squeeze %dma_wait3A_228 : memref<1x!tpu.dma_semaphore, #tpu.memory_space<semaphore_mem>> -> memref<!tpu.dma_semaphore, #tpu.memory_space<semaphore_mem>>
        tpu.wait_indirect_dma semaphore(%dma_wait3A_229 : memref<!tpu.dma_semaphore, #tpu.memory_space<semaphore_mem>>) src(%dma_wait3A_227 : memref<10000x128xf32, #tpu.memory_space<hbm>>) dst(%dma_wait3A_221 : memref<128x128xf32, #tpu.memory_space<vmem>>)
        %mul3A_230 = arith.constant 128 : i32
        %mul3A_231 = arith.muli %add3A_91, %mul3A_230 : i32
        %multiple_of3A = tpu.assume_multiple %mul3A_231, 128 : i32
        %dma_start3A = arith.constant 1 : i32
        %dma_start3A_232 = arith.constant 1 : i32
        %dma_start3A_233 = arith.constant 0 : i32
        %dma_start3A_234 = arith.constant 0 : i32
        %dma_start3A_235 = tpu.memref_slice %arg6[%dma_start3A, %dma_start3A_233, %dma_start3A_234] : memref<7x128x128xf32, #tpu.memory_space<vmem>> -> memref<1x128x128xf32, #tpu.memory_space<vmem>>
        %dma_start3A_236 = tpu.memref_squeeze %dma_start3A_235 : memref<1x128x128xf32, #tpu.memory_space<vmem>> -> memref<128x128xf32, #tpu.memory_space<vmem>>
        %dma_start3A_237 = arith.constant 0 : i32
        %dma_start3A_238 = tpu.memref_slice %arg4[%multiple_of3A, %dma_start3A_237] : memref<320000x128xf32, #tpu.memory_space<hbm>> -> memref<128x128xf32, #tpu.memory_space<hbm>>
        %dma_start3A_239 = tpu.memref_slice %arg8[%dma_start3A_232] : memref<7x!tpu.dma_semaphore, #tpu.memory_space<semaphore_mem>> -> memref<1x!tpu.dma_semaphore, #tpu.memory_space<semaphore_mem>>
        %dma_start3A_240 = tpu.memref_squeeze %dma_start3A_239 : memref<1x!tpu.dma_semaphore, #tpu.memory_space<semaphore_mem>> -> memref<!tpu.dma_semaphore, #tpu.memory_space<semaphore_mem>>
        %dma_start3A_241 = arith.constant 0 : i32
        %dma_start3A_242 = tpu.memref_slice %arg4[%multiple_of3A, %dma_start3A_241] : memref<320000x128xf32, #tpu.memory_space<hbm>> -> memref<128x128xf32, #tpu.memory_space<hbm>>
        %dma_start3A_243 = arith.constant 0 : i32
        %dma_start3A_244 = arith.constant 0 : i32
        %dma_start3A_245 = tpu.memref_slice %arg6[%dma_start3A, %dma_start3A_243, %dma_start3A_244] : memref<7x128x128xf32, #tpu.memory_space<vmem>> -> memref<1x128x128xf32, #tpu.memory_space<vmem>>
        %dma_start3A_246 = tpu.memref_squeeze %dma_start3A_245 : memref<1x128x128xf32, #tpu.memory_space<vmem>> -> memref<128x128xf32, #tpu.memory_space<vmem>>
        tpu.enqueue_dma source(%dma_start3A_246 : memref<128x128xf32, #tpu.memory_space<vmem>>) target(%dma_start3A_242 : memref<128x128xf32, #tpu.memory_space<hbm>>) target_semaphore(%dma_start3A_240 : memref<!tpu.dma_semaphore, #tpu.memory_space<semaphore_mem>>)
      } else {
      }
      %add3A_97 = arith.constant 2 : i32
      %add3A_98 = arith.addi %add3A_9, %add3A_97 : i32
      %mul3A_99 = arith.constant 32 : i32
      %mul3A_100 = arith.muli %mul3A_99, %add3A_98 : i32
      %add3A_101 = arith.addi %add3A, %mul3A_100 : i32
      %lt3A_102 = arith.constant 2500 : i32
      %lt3A_103 = arith.cmpi slt, %add3A_101, %lt3A_102 : i32
      %convert_element_type3A_104 = arith.extui %lt3A_103 : i1 to i32
      %cond3A_105 = arith.constant 0 : i32
      %cond3A_106 = arith.cmpi ne, %convert_element_type3A_104, %cond3A_105 : i32
      scf.if %cond3A_106 {
        %dma_wait3A = arith.constant 2 : i32
        %dma_wait3A_217 = arith.constant 2 : i32
        %dma_wait3A_218 = arith.constant 0 : i32
        %dma_wait3A_219 = arith.constant 0 : i32
        %dma_wait3A_220 = tpu.memref_slice %arg6[%dma_wait3A, %dma_wait3A_218, %dma_wait3A_219] : memref<7x128x128xf32, #tpu.memory_space<vmem>> -> memref<1x128x128xf32, #tpu.memory_space<vmem>>
        %dma_wait3A_221 = tpu.memref_squeeze %dma_wait3A_220 : memref<1x128x128xf32, #tpu.memory_space<vmem>> -> memref<128x128xf32, #tpu.memory_space<vmem>>
        %dma_wait3A_222 = arith.constant 0 : i32
        %dma_wait3A_223 = tpu.memref_slice %arg5[%add3A_98, %dma_wait3A_222] : memref<80x128xi32, #tpu.memory_space<vmem>> -> memref<1x128xi32, #tpu.memory_space<vmem>>
        %dma_wait3A_224 = tpu.memref_squeeze %dma_wait3A_223 : memref<1x128xi32, #tpu.memory_space<vmem>> -> memref<128xi32, #tpu.memory_space<vmem>>
        %dma_wait3A_225 = arith.constant 0 : i32
        %dma_wait3A_226 = arith.constant 0 : i32
        %dma_wait3A_227 = tpu.memref_slice %arg2[%dma_wait3A_225, %dma_wait3A_226] : memref<10000x128xf32, #tpu.memory_space<hbm>> -> memref<10000x128xf32, #tpu.memory_space<hbm>>
        %dma_wait3A_228 = tpu.memref_slice %arg7[%dma_wait3A_217] : memref<7x!tpu.dma_semaphore, #tpu.memory_space<semaphore_mem>> -> memref<1x!tpu.dma_semaphore, #tpu.memory_space<semaphore_mem>>
        %dma_wait3A_229 = tpu.memref_squeeze %dma_wait3A_228 : memref<1x!tpu.dma_semaphore, #tpu.memory_space<semaphore_mem>> -> memref<!tpu.dma_semaphore, #tpu.memory_space<semaphore_mem>>
        tpu.wait_indirect_dma semaphore(%dma_wait3A_229 : memref<!tpu.dma_semaphore, #tpu.memory_space<semaphore_mem>>) src(%dma_wait3A_227 : memref<10000x128xf32, #tpu.memory_space<hbm>>) dst(%dma_wait3A_221 : memref<128x128xf32, #tpu.memory_space<vmem>>)
        %mul3A_230 = arith.constant 128 : i32
        %mul3A_231 = arith.muli %add3A_101, %mul3A_230 : i32
        %multiple_of3A = tpu.assume_multiple %mul3A_231, 128 : i32
        %dma_start3A = arith.constant 2 : i32
        %dma_start3A_232 = arith.constant 2 : i32
        %dma_start3A_233 = arith.constant 0 : i32
        %dma_start3A_234 = arith.constant 0 : i32
        %dma_start3A_235 = tpu.memref_slice %arg6[%dma_start3A, %dma_start3A_233, %dma_start3A_234] : memref<7x128x128xf32, #tpu.memory_space<vmem>> -> memref<1x128x128xf32, #tpu.memory_space<vmem>>
        %dma_start3A_236 = tpu.memref_squeeze %dma_start3A_235 : memref<1x128x128xf32, #tpu.memory_space<vmem>> -> memref<128x128xf32, #tpu.memory_space<vmem>>
        %dma_start3A_237 = arith.constant 0 : i32
        %dma_start3A_238 = tpu.memref_slice %arg4[%multiple_of3A, %dma_start3A_237] : memref<320000x128xf32, #tpu.memory_space<hbm>> -> memref<128x128xf32, #tpu.memory_space<hbm>>
        %dma_start3A_239 = tpu.memref_slice %arg8[%dma_start3A_232] : memref<7x!tpu.dma_semaphore, #tpu.memory_space<semaphore_mem>> -> memref<1x!tpu.dma_semaphore, #tpu.memory_space<semaphore_mem>>
        %dma_start3A_240 = tpu.memref_squeeze %dma_start3A_239 : memref<1x!tpu.dma_semaphore, #tpu.memory_space<semaphore_mem>> -> memref<!tpu.dma_semaphore, #tpu.memory_space<semaphore_mem>>
        %dma_start3A_241 = arith.constant 0 : i32
        %dma_start3A_242 = tpu.memref_slice %arg4[%multiple_of3A, %dma_start3A_241] : memref<320000x128xf32, #tpu.memory_space<hbm>> -> memref<128x128xf32, #tpu.memory_space<hbm>>
        %dma_start3A_243 = arith.constant 0 : i32
        %dma_start3A_244 = arith.constant 0 : i32
        %dma_start3A_245 = tpu.memref_slice %arg6[%dma_start3A, %dma_start3A_243, %dma_start3A_244] : memref<7x128x128xf32, #tpu.memory_space<vmem>> -> memref<1x128x128xf32, #tpu.memory_space<vmem>>
        %dma_start3A_246 = tpu.memref_squeeze %dma_start3A_245 : memref<1x128x128xf32, #tpu.memory_space<vmem>> -> memref<128x128xf32, #tpu.memory_space<vmem>>
        tpu.enqueue_dma source(%dma_start3A_246 : memref<128x128xf32, #tpu.memory_space<vmem>>) target(%dma_start3A_242 : memref<128x128xf32, #tpu.memory_space<hbm>>) target_semaphore(%dma_start3A_240 : memref<!tpu.dma_semaphore, #tpu.memory_space<semaphore_mem>>)
      } else {
      }
      %add3A_107 = arith.constant 3 : i32
      %add3A_108 = arith.addi %add3A_9, %add3A_107 : i32
      %mul3A_109 = arith.constant 32 : i32
      %mul3A_110 = arith.muli %mul3A_109, %add3A_108 : i32
      %add3A_111 = arith.addi %add3A, %mul3A_110 : i32
      %lt3A_112 = arith.constant 2500 : i32
      %lt3A_113 = arith.cmpi slt, %add3A_111, %lt3A_112 : i32
      %convert_element_type3A_114 = arith.extui %lt3A_113 : i1 to i32
      %cond3A_115 = arith.constant 0 : i32
      %cond3A_116 = arith.cmpi ne, %convert_element_type3A_114, %cond3A_115 : i32
      scf.if %cond3A_116 {
        %dma_wait3A = arith.constant 3 : i32
        %dma_wait3A_217 = arith.constant 3 : i32
        %dma_wait3A_218 = arith.constant 0 : i32
        %dma_wait3A_219 = arith.constant 0 : i32
        %dma_wait3A_220 = tpu.memref_slice %arg6[%dma_wait3A, %dma_wait3A_218, %dma_wait3A_219] : memref<7x128x128xf32, #tpu.memory_space<vmem>> -> memref<1x128x128xf32, #tpu.memory_space<vmem>>
        %dma_wait3A_221 = tpu.memref_squeeze %dma_wait3A_220 : memref<1x128x128xf32, #tpu.memory_space<vmem>> -> memref<128x128xf32, #tpu.memory_space<vmem>>
        %dma_wait3A_222 = arith.constant 0 : i32
        %dma_wait3A_223 = tpu.memref_slice %arg5[%add3A_108, %dma_wait3A_222] : memref<80x128xi32, #tpu.memory_space<vmem>> -> memref<1x128xi32, #tpu.memory_space<vmem>>
        %dma_wait3A_224 = tpu.memref_squeeze %dma_wait3A_223 : memref<1x128xi32, #tpu.memory_space<vmem>> -> memref<128xi32, #tpu.memory_space<vmem>>
        %dma_wait3A_225 = arith.constant 0 : i32
        %dma_wait3A_226 = arith.constant 0 : i32
        %dma_wait3A_227 = tpu.memref_slice %arg2[%dma_wait3A_225, %dma_wait3A_226] : memref<10000x128xf32, #tpu.memory_space<hbm>> -> memref<10000x128xf32, #tpu.memory_space<hbm>>
        %dma_wait3A_228 = tpu.memref_slice %arg7[%dma_wait3A_217] : memref<7x!tpu.dma_semaphore, #tpu.memory_space<semaphore_mem>> -> memref<1x!tpu.dma_semaphore, #tpu.memory_space<semaphore_mem>>
        %dma_wait3A_229 = tpu.memref_squeeze %dma_wait3A_228 : memref<1x!tpu.dma_semaphore, #tpu.memory_space<semaphore_mem>> -> memref<!tpu.dma_semaphore, #tpu.memory_space<semaphore_mem>>
        tpu.wait_indirect_dma semaphore(%dma_wait3A_229 : memref<!tpu.dma_semaphore, #tpu.memory_space<semaphore_mem>>) src(%dma_wait3A_227 : memref<10000x128xf32, #tpu.memory_space<hbm>>) dst(%dma_wait3A_221 : memref<128x128xf32, #tpu.memory_space<vmem>>)
        %mul3A_230 = arith.constant 128 : i32
        %mul3A_231 = arith.muli %add3A_111, %mul3A_230 : i32
        %multiple_of3A = tpu.assume_multiple %mul3A_231, 128 : i32
        %dma_start3A = arith.constant 3 : i32
        %dma_start3A_232 = arith.constant 3 : i32
        %dma_start3A_233 = arith.constant 0 : i32
        %dma_start3A_234 = arith.constant 0 : i32
        %dma_start3A_235 = tpu.memref_slice %arg6[%dma_start3A, %dma_start3A_233, %dma_start3A_234] : memref<7x128x128xf32, #tpu.memory_space<vmem>> -> memref<1x128x128xf32, #tpu.memory_space<vmem>>
        %dma_start3A_236 = tpu.memref_squeeze %dma_start3A_235 : memref<1x128x128xf32, #tpu.memory_space<vmem>> -> memref<128x128xf32, #tpu.memory_space<vmem>>
        %dma_start3A_237 = arith.constant 0 : i32
        %dma_start3A_238 = tpu.memref_slice %arg4[%multiple_of3A, %dma_start3A_237] : memref<320000x128xf32, #tpu.memory_space<hbm>> -> memref<128x128xf32, #tpu.memory_space<hbm>>
        %dma_start3A_239 = tpu.memref_slice %arg8[%dma_start3A_232] : memref<7x!tpu.dma_semaphore, #tpu.memory_space<semaphore_mem>> -> memref<1x!tpu.dma_semaphore, #tpu.memory_space<semaphore_mem>>
        %dma_start3A_240 = tpu.memref_squeeze %dma_start3A_239 : memref<1x!tpu.dma_semaphore, #tpu.memory_space<semaphore_mem>> -> memref<!tpu.dma_semaphore, #tpu.memory_space<semaphore_mem>>
        %dma_start3A_241 = arith.constant 0 : i32
        %dma_start3A_242 = tpu.memref_slice %arg4[%multiple_of3A, %dma_start3A_241] : memref<320000x128xf32, #tpu.memory_space<hbm>> -> memref<128x128xf32, #tpu.memory_space<hbm>>
        %dma_start3A_243 = arith.constant 0 : i32
        %dma_start3A_244 = arith.constant 0 : i32
        %dma_start3A_245 = tpu.memref_slice %arg6[%dma_start3A, %dma_start3A_243, %dma_start3A_244] : memref<7x128x128xf32, #tpu.memory_space<vmem>> -> memref<1x128x128xf32, #tpu.memory_space<vmem>>
        %dma_start3A_246 = tpu.memref_squeeze %dma_start3A_245 : memref<1x128x128xf32, #tpu.memory_space<vmem>> -> memref<128x128xf32, #tpu.memory_space<vmem>>
        tpu.enqueue_dma source(%dma_start3A_246 : memref<128x128xf32, #tpu.memory_space<vmem>>) target(%dma_start3A_242 : memref<128x128xf32, #tpu.memory_space<hbm>>) target_semaphore(%dma_start3A_240 : memref<!tpu.dma_semaphore, #tpu.memory_space<semaphore_mem>>)
      } else {
      }
      %add3A_117 = arith.constant 4 : i32
      %add3A_118 = arith.addi %add3A_9, %add3A_117 : i32
      %mul3A_119 = arith.constant 32 : i32
      %mul3A_120 = arith.muli %mul3A_119, %add3A_118 : i32
      %add3A_121 = arith.addi %add3A, %mul3A_120 : i32
      %lt3A_122 = arith.constant 2500 : i32
      %lt3A_123 = arith.cmpi slt, %add3A_121, %lt3A_122 : i32
      %convert_element_type3A_124 = arith.extui %lt3A_123 : i1 to i32
      %cond3A_125 = arith.constant 0 : i32
      %cond3A_126 = arith.cmpi ne, %convert_element_type3A_124, %cond3A_125 : i32
      scf.if %cond3A_126 {
        %dma_wait3A = arith.constant 4 : i32
        %dma_wait3A_217 = arith.constant 4 : i32
        %dma_wait3A_218 = arith.constant 0 : i32
        %dma_wait3A_219 = arith.constant 0 : i32
        %dma_wait3A_220 = tpu.memref_slice %arg6[%dma_wait3A, %dma_wait3A_218, %dma_wait3A_219] : memref<7x128x128xf32, #tpu.memory_space<vmem>> -> memref<1x128x128xf32, #tpu.memory_space<vmem>>
        %dma_wait3A_221 = tpu.memref_squeeze %dma_wait3A_220 : memref<1x128x128xf32, #tpu.memory_space<vmem>> -> memref<128x128xf32, #tpu.memory_space<vmem>>
        %dma_wait3A_222 = arith.constant 0 : i32
        %dma_wait3A_223 = tpu.memref_slice %arg5[%add3A_118, %dma_wait3A_222] : memref<80x128xi32, #tpu.memory_space<vmem>> -> memref<1x128xi32, #tpu.memory_space<vmem>>
        %dma_wait3A_224 = tpu.memref_squeeze %dma_wait3A_223 : memref<1x128xi32, #tpu.memory_space<vmem>> -> memref<128xi32, #tpu.memory_space<vmem>>
        %dma_wait3A_225 = arith.constant 0 : i32
        %dma_wait3A_226 = arith.constant 0 : i32
        %dma_wait3A_227 = tpu.memref_slice %arg2[%dma_wait3A_225, %dma_wait3A_226] : memref<10000x128xf32, #tpu.memory_space<hbm>> -> memref<10000x128xf32, #tpu.memory_space<hbm>>
        %dma_wait3A_228 = tpu.memref_slice %arg7[%dma_wait3A_217] : memref<7x!tpu.dma_semaphore, #tpu.memory_space<semaphore_mem>> -> memref<1x!tpu.dma_semaphore, #tpu.memory_space<semaphore_mem>>
        %dma_wait3A_229 = tpu.memref_squeeze %dma_wait3A_228 : memref<1x!tpu.dma_semaphore, #tpu.memory_space<semaphore_mem>> -> memref<!tpu.dma_semaphore, #tpu.memory_space<semaphore_mem>>
        tpu.wait_indirect_dma semaphore(%dma_wait3A_229 : memref<!tpu.dma_semaphore, #tpu.memory_space<semaphore_mem>>) src(%dma_wait3A_227 : memref<10000x128xf32, #tpu.memory_space<hbm>>) dst(%dma_wait3A_221 : memref<128x128xf32, #tpu.memory_space<vmem>>)
        %mul3A_230 = arith.constant 128 : i32
        %mul3A_231 = arith.muli %add3A_121, %mul3A_230 : i32
        %multiple_of3A = tpu.assume_multiple %mul3A_231, 128 : i32
        %dma_start3A = arith.constant 4 : i32
        %dma_start3A_232 = arith.constant 4 : i32
        %dma_start3A_233 = arith.constant 0 : i32
        %dma_start3A_234 = arith.constant 0 : i32
        %dma_start3A_235 = tpu.memref_slice %arg6[%dma_start3A, %dma_start3A_233, %dma_start3A_234] : memref<7x128x128xf32, #tpu.memory_space<vmem>> -> memref<1x128x128xf32, #tpu.memory_space<vmem>>
        %dma_start3A_236 = tpu.memref_squeeze %dma_start3A_235 : memref<1x128x128xf32, #tpu.memory_space<vmem>> -> memref<128x128xf32, #tpu.memory_space<vmem>>
        %dma_start3A_237 = arith.constant 0 : i32
        %dma_start3A_238 = tpu.memref_slice %arg4[%multiple_of3A, %dma_start3A_237] : memref<320000x128xf32, #tpu.memory_space<hbm>> -> memref<128x128xf32, #tpu.memory_space<hbm>>
        %dma_start3A_239 = tpu.memref_slice %arg8[%dma_start3A_232] : memref<7x!tpu.dma_semaphore, #tpu.memory_space<semaphore_mem>> -> memref<1x!tpu.dma_semaphore, #tpu.memory_space<semaphore_mem>>
        %dma_start3A_240 = tpu.memref_squeeze %dma_start3A_239 : memref<1x!tpu.dma_semaphore, #tpu.memory_space<semaphore_mem>> -> memref<!tpu.dma_semaphore, #tpu.memory_space<semaphore_mem>>
        %dma_start3A_241 = arith.constant 0 : i32
        %dma_start3A_242 = tpu.memref_slice %arg4[%multiple_of3A, %dma_start3A_241] : memref<320000x128xf32, #tpu.memory_space<hbm>> -> memref<128x128xf32, #tpu.memory_space<hbm>>
        %dma_start3A_243 = arith.constant 0 : i32
        %dma_start3A_244 = arith.constant 0 : i32
        %dma_start3A_245 = tpu.memref_slice %arg6[%dma_start3A, %dma_start3A_243, %dma_start3A_244] : memref<7x128x128xf32, #tpu.memory_space<vmem>> -> memref<1x128x128xf32, #tpu.memory_space<vmem>>
        %dma_start3A_246 = tpu.memref_squeeze %dma_start3A_245 : memref<1x128x128xf32, #tpu.memory_space<vmem>> -> memref<128x128xf32, #tpu.memory_space<vmem>>
        tpu.enqueue_dma source(%dma_start3A_246 : memref<128x128xf32, #tpu.memory_space<vmem>>) target(%dma_start3A_242 : memref<128x128xf32, #tpu.memory_space<hbm>>) target_semaphore(%dma_start3A_240 : memref<!tpu.dma_semaphore, #tpu.memory_space<semaphore_mem>>)
      } else {
      }
      %add3A_127 = arith.constant 5 : i32
      %add3A_128 = arith.addi %add3A_9, %add3A_127 : i32
      %mul3A_129 = arith.constant 32 : i32
      %mul3A_130 = arith.muli %mul3A_129, %add3A_128 : i32
      %add3A_131 = arith.addi %add3A, %mul3A_130 : i32
      %lt3A_132 = arith.constant 2500 : i32
      %lt3A_133 = arith.cmpi slt, %add3A_131, %lt3A_132 : i32
      %convert_element_type3A_134 = arith.extui %lt3A_133 : i1 to i32
      %cond3A_135 = arith.constant 0 : i32
      %cond3A_136 = arith.cmpi ne, %convert_element_type3A_134, %cond3A_135 : i32
      scf.if %cond3A_136 {
        %dma_wait3A = arith.constant 5 : i32
        %dma_wait3A_217 = arith.constant 5 : i32
        %dma_wait3A_218 = arith.constant 0 : i32
        %dma_wait3A_219 = arith.constant 0 : i32
        %dma_wait3A_220 = tpu.memref_slice %arg6[%dma_wait3A, %dma_wait3A_218, %dma_wait3A_219] : memref<7x128x128xf32, #tpu.memory_space<vmem>> -> memref<1x128x128xf32, #tpu.memory_space<vmem>>
        %dma_wait3A_221 = tpu.memref_squeeze %dma_wait3A_220 : memref<1x128x128xf32, #tpu.memory_space<vmem>> -> memref<128x128xf32, #tpu.memory_space<vmem>>
        %dma_wait3A_222 = arith.constant 0 : i32
        %dma_wait3A_223 = tpu.memref_slice %arg5[%add3A_128, %dma_wait3A_222] : memref<80x128xi32, #tpu.memory_space<vmem>> -> memref<1x128xi32, #tpu.memory_space<vmem>>
        %dma_wait3A_224 = tpu.memref_squeeze %dma_wait3A_223 : memref<1x128xi32, #tpu.memory_space<vmem>> -> memref<128xi32, #tpu.memory_space<vmem>>
        %dma_wait3A_225 = arith.constant 0 : i32
        %dma_wait3A_226 = arith.constant 0 : i32
        %dma_wait3A_227 = tpu.memref_slice %arg2[%dma_wait3A_225, %dma_wait3A_226] : memref<10000x128xf32, #tpu.memory_space<hbm>> -> memref<10000x128xf32, #tpu.memory_space<hbm>>
        %dma_wait3A_228 = tpu.memref_slice %arg7[%dma_wait3A_217] : memref<7x!tpu.dma_semaphore, #tpu.memory_space<semaphore_mem>> -> memref<1x!tpu.dma_semaphore, #tpu.memory_space<semaphore_mem>>
        %dma_wait3A_229 = tpu.memref_squeeze %dma_wait3A_228 : memref<1x!tpu.dma_semaphore, #tpu.memory_space<semaphore_mem>> -> memref<!tpu.dma_semaphore, #tpu.memory_space<semaphore_mem>>
        tpu.wait_indirect_dma semaphore(%dma_wait3A_229 : memref<!tpu.dma_semaphore, #tpu.memory_space<semaphore_mem>>) src(%dma_wait3A_227 : memref<10000x128xf32, #tpu.memory_space<hbm>>) dst(%dma_wait3A_221 : memref<128x128xf32, #tpu.memory_space<vmem>>)
        %mul3A_230 = arith.constant 128 : i32
        %mul3A_231 = arith.muli %add3A_131, %mul3A_230 : i32
        %multiple_of3A = tpu.assume_multiple %mul3A_231, 128 : i32
        %dma_start3A = arith.constant 5 : i32
        %dma_start3A_232 = arith.constant 5 : i32
        %dma_start3A_233 = arith.constant 0 : i32
        %dma_start3A_234 = arith.constant 0 : i32
        %dma_start3A_235 = tpu.memref_slice %arg6[%dma_start3A, %dma_start3A_233, %dma_start3A_234] : memref<7x128x128xf32, #tpu.memory_space<vmem>> -> memref<1x128x128xf32, #tpu.memory_space<vmem>>
        %dma_start3A_236 = tpu.memref_squeeze %dma_start3A_235 : memref<1x128x128xf32, #tpu.memory_space<vmem>> -> memref<128x128xf32, #tpu.memory_space<vmem>>
        %dma_start3A_237 = arith.constant 0 : i32
        %dma_start3A_238 = tpu.memref_slice %arg4[%multiple_of3A, %dma_start3A_237] : memref<320000x128xf32, #tpu.memory_space<hbm>> -> memref<128x128xf32, #tpu.memory_space<hbm>>
        %dma_start3A_239 = tpu.memref_slice %arg8[%dma_start3A_232] : memref<7x!tpu.dma_semaphore, #tpu.memory_space<semaphore_mem>> -> memref<1x!tpu.dma_semaphore, #tpu.memory_space<semaphore_mem>>
        %dma_start3A_240 = tpu.memref_squeeze %dma_start3A_239 : memref<1x!tpu.dma_semaphore, #tpu.memory_space<semaphore_mem>> -> memref<!tpu.dma_semaphore, #tpu.memory_space<semaphore_mem>>
        %dma_start3A_241 = arith.constant 0 : i32
        %dma_start3A_242 = tpu.memref_slice %arg4[%multiple_of3A, %dma_start3A_241] : memref<320000x128xf32, #tpu.memory_space<hbm>> -> memref<128x128xf32, #tpu.memory_space<hbm>>
        %dma_start3A_243 = arith.constant 0 : i32
        %dma_start3A_244 = arith.constant 0 : i32
        %dma_start3A_245 = tpu.memref_slice %arg6[%dma_start3A, %dma_start3A_243, %dma_start3A_244] : memref<7x128x128xf32, #tpu.memory_space<vmem>> -> memref<1x128x128xf32, #tpu.memory_space<vmem>>
        %dma_start3A_246 = tpu.memref_squeeze %dma_start3A_245 : memref<1x128x128xf32, #tpu.memory_space<vmem>> -> memref<128x128xf32, #tpu.memory_space<vmem>>
        tpu.enqueue_dma source(%dma_start3A_246 : memref<128x128xf32, #tpu.memory_space<vmem>>) target(%dma_start3A_242 : memref<128x128xf32, #tpu.memory_space<hbm>>) target_semaphore(%dma_start3A_240 : memref<!tpu.dma_semaphore, #tpu.memory_space<semaphore_mem>>)
      } else {
      }
      %add3A_137 = arith.constant 6 : i32
      %add3A_138 = arith.addi %add3A_9, %add3A_137 : i32
      %mul3A_139 = arith.constant 32 : i32
      %mul3A_140 = arith.muli %mul3A_139, %add3A_138 : i32
      %add3A_141 = arith.addi %add3A, %mul3A_140 : i32
      %lt3A_142 = arith.constant 2500 : i32
      %lt3A_143 = arith.cmpi slt, %add3A_141, %lt3A_142 : i32
      %convert_element_type3A_144 = arith.extui %lt3A_143 : i1 to i32
      %cond3A_145 = arith.constant 0 : i32
      %cond3A_146 = arith.cmpi ne, %convert_element_type3A_144, %cond3A_145 : i32
      scf.if %cond3A_146 {
        %dma_wait3A = arith.constant 6 : i32
        %dma_wait3A_217 = arith.constant 6 : i32
        %dma_wait3A_218 = arith.constant 0 : i32
        %dma_wait3A_219 = arith.constant 0 : i32
        %dma_wait3A_220 = tpu.memref_slice %arg6[%dma_wait3A, %dma_wait3A_218, %dma_wait3A_219] : memref<7x128x128xf32, #tpu.memory_space<vmem>> -> memref<1x128x128xf32, #tpu.memory_space<vmem>>
        %dma_wait3A_221 = tpu.memref_squeeze %dma_wait3A_220 : memref<1x128x128xf32, #tpu.memory_space<vmem>> -> memref<128x128xf32, #tpu.memory_space<vmem>>
        %dma_wait3A_222 = arith.constant 0 : i32
        %dma_wait3A_223 = tpu.memref_slice %arg5[%add3A_138, %dma_wait3A_222] : memref<80x128xi32, #tpu.memory_space<vmem>> -> memref<1x128xi32, #tpu.memory_space<vmem>>
        %dma_wait3A_224 = tpu.memref_squeeze %dma_wait3A_223 : memref<1x128xi32, #tpu.memory_space<vmem>> -> memref<128xi32, #tpu.memory_space<vmem>>
        %dma_wait3A_225 = arith.constant 0 : i32
        %dma_wait3A_226 = arith.constant 0 : i32
        %dma_wait3A_227 = tpu.memref_slice %arg2[%dma_wait3A_225, %dma_wait3A_226] : memref<10000x128xf32, #tpu.memory_space<hbm>> -> memref<10000x128xf32, #tpu.memory_space<hbm>>
        %dma_wait3A_228 = tpu.memref_slice %arg7[%dma_wait3A_217] : memref<7x!tpu.dma_semaphore, #tpu.memory_space<semaphore_mem>> -> memref<1x!tpu.dma_semaphore, #tpu.memory_space<semaphore_mem>>
        %dma_wait3A_229 = tpu.memref_squeeze %dma_wait3A_228 : memref<1x!tpu.dma_semaphore, #tpu.memory_space<semaphore_mem>> -> memref<!tpu.dma_semaphore, #tpu.memory_space<semaphore_mem>>
        tpu.wait_indirect_dma semaphore(%dma_wait3A_229 : memref<!tpu.dma_semaphore, #tpu.memory_space<semaphore_mem>>) src(%dma_wait3A_227 : memref<10000x128xf32, #tpu.memory_space<hbm>>) dst(%dma_wait3A_221 : memref<128x128xf32, #tpu.memory_space<vmem>>)
        %mul3A_230 = arith.constant 128 : i32
        %mul3A_231 = arith.muli %add3A_141, %mul3A_230 : i32
        %multiple_of3A = tpu.assume_multiple %mul3A_231, 128 : i32
        %dma_start3A = arith.constant 6 : i32
        %dma_start3A_232 = arith.constant 6 : i32
        %dma_start3A_233 = arith.constant 0 : i32
        %dma_start3A_234 = arith.constant 0 : i32
        %dma_start3A_235 = tpu.memref_slice %arg6[%dma_start3A, %dma_start3A_233, %dma_start3A_234] : memref<7x128x128xf32, #tpu.memory_space<vmem>> -> memref<1x128x128xf32, #tpu.memory_space<vmem>>
        %dma_start3A_236 = tpu.memref_squeeze %dma_start3A_235 : memref<1x128x128xf32, #tpu.memory_space<vmem>> -> memref<128x128xf32, #tpu.memory_space<vmem>>
        %dma_start3A_237 = arith.constant 0 : i32
        %dma_start3A_238 = tpu.memref_slice %arg4[%multiple_of3A, %dma_start3A_237] : memref<320000x128xf32, #tpu.memory_space<hbm>> -> memref<128x128xf32, #tpu.memory_space<hbm>>
        %dma_start3A_239 = tpu.memref_slice %arg8[%dma_start3A_232] : memref<7x!tpu.dma_semaphore, #tpu.memory_space<semaphore_mem>> -> memref<1x!tpu.dma_semaphore, #tpu.memory_space<semaphore_mem>>
        %dma_start3A_240 = tpu.memref_squeeze %dma_start3A_239 : memref<1x!tpu.dma_semaphore, #tpu.memory_space<semaphore_mem>> -> memref<!tpu.dma_semaphore, #tpu.memory_space<semaphore_mem>>
        %dma_start3A_241 = arith.constant 0 : i32
        %dma_start3A_242 = tpu.memref_slice %arg4[%multiple_of3A, %dma_start3A_241] : memref<320000x128xf32, #tpu.memory_space<hbm>> -> memref<128x128xf32, #tpu.memory_space<hbm>>
        %dma_start3A_243 = arith.constant 0 : i32
        %dma_start3A_244 = arith.constant 0 : i32
        %dma_start3A_245 = tpu.memref_slice %arg6[%dma_start3A, %dma_start3A_243, %dma_start3A_244] : memref<7x128x128xf32, #tpu.memory_space<vmem>> -> memref<1x128x128xf32, #tpu.memory_space<vmem>>
        %dma_start3A_246 = tpu.memref_squeeze %dma_start3A_245 : memref<1x128x128xf32, #tpu.memory_space<vmem>> -> memref<128x128xf32, #tpu.memory_space<vmem>>
        tpu.enqueue_dma source(%dma_start3A_246 : memref<128x128xf32, #tpu.memory_space<vmem>>) target(%dma_start3A_242 : memref<128x128xf32, #tpu.memory_space<hbm>>) target_semaphore(%dma_start3A_240 : memref<!tpu.dma_semaphore, #tpu.memory_space<semaphore_mem>>)
      } else {
      }
      %add3A_147 = arith.constant 0 : i32
      %add3A_148 = arith.addi %add3A_9, %add3A_147 : i32
      %mul3A_149 = arith.constant 32 : i32
      %mul3A_150 = arith.muli %mul3A_149, %add3A_148 : i32
      %add3A_151 = arith.addi %add3A, %mul3A_150 : i32
      %lt3A_152 = arith.constant 2500 : i32
      %lt3A_153 = arith.cmpi slt, %add3A_151, %lt3A_152 : i32
      %convert_element_type3A_154 = arith.extui %lt3A_153 : i1 to i32
      %cond3A_155 = arith.constant 0 : i32
      %cond3A_156 = arith.cmpi ne, %convert_element_type3A_154, %cond3A_155 : i32
      scf.if %cond3A_156 {
        %mul3A_217 = arith.constant 128 : i32
        %mul3A_218 = arith.muli %add3A_151, %mul3A_217 : i32
        %multiple_of3A = tpu.assume_multiple %mul3A_218, 128 : i32
        %dma_wait3A = arith.constant 0 : i32
        %dma_wait3A_219 = arith.constant 0 : i32
        %dma_wait3A_220 = arith.constant 0 : i32
        %dma_wait3A_221 = arith.constant 0 : i32
        %dma_wait3A_222 = tpu.memref_slice %arg6[%dma_wait3A, %dma_wait3A_220, %dma_wait3A_221] : memref<7x128x128xf32, #tpu.memory_space<vmem>> -> memref<1x128x128xf32, #tpu.memory_space<vmem>>
        %dma_wait3A_223 = tpu.memref_squeeze %dma_wait3A_222 : memref<1x128x128xf32, #tpu.memory_space<vmem>> -> memref<128x128xf32, #tpu.memory_space<vmem>>
        %dma_wait3A_224 = arith.constant 0 : i32
        %dma_wait3A_225 = tpu.memref_slice %arg4[%multiple_of3A, %dma_wait3A_224] : memref<320000x128xf32, #tpu.memory_space<hbm>> -> memref<128x128xf32, #tpu.memory_space<hbm>>
        %dma_wait3A_226 = tpu.memref_slice %arg8[%dma_wait3A_219] : memref<7x!tpu.dma_semaphore, #tpu.memory_space<semaphore_mem>> -> memref<1x!tpu.dma_semaphore, #tpu.memory_space<semaphore_mem>>
        %dma_wait3A_227 = tpu.memref_squeeze %dma_wait3A_226 : memref<1x!tpu.dma_semaphore, #tpu.memory_space<semaphore_mem>> -> memref<!tpu.dma_semaphore, #tpu.memory_space<semaphore_mem>>
        %dma_wait3A_228 = arith.constant 0 : i32
        %dma_wait3A_229 = tpu.memref_slice %arg4[%multiple_of3A, %dma_wait3A_228] : memref<320000x128xf32, #tpu.memory_space<hbm>> -> memref<128x128xf32, #tpu.memory_space<hbm>>
        %dma_wait3A_230 = arith.constant 0 : i32
        %dma_wait3A_231 = arith.constant 0 : i32
        %dma_wait3A_232 = tpu.memref_slice %arg6[%dma_wait3A, %dma_wait3A_230, %dma_wait3A_231] : memref<7x128x128xf32, #tpu.memory_space<vmem>> -> memref<1x128x128xf32, #tpu.memory_space<vmem>>
        %dma_wait3A_233 = tpu.memref_squeeze %dma_wait3A_232 : memref<1x128x128xf32, #tpu.memory_space<vmem>> -> memref<128x128xf32, #tpu.memory_space<vmem>>
        tpu.wait_dma2 semaphore(%dma_wait3A_227 : memref<!tpu.dma_semaphore, #tpu.memory_space<semaphore_mem>>) src(%dma_wait3A_233 : memref<128x128xf32, #tpu.memory_space<vmem>>) dst(%dma_wait3A_229 : memref<128x128xf32, #tpu.memory_space<hbm>>)
      } else {
      }
      %add3A_157 = arith.constant 1 : i32
      %add3A_158 = arith.addi %add3A_9, %add3A_157 : i32
      %mul3A_159 = arith.constant 32 : i32
      %mul3A_160 = arith.muli %mul3A_159, %add3A_158 : i32
      %add3A_161 = arith.addi %add3A, %mul3A_160 : i32
      %lt3A_162 = arith.constant 2500 : i32
      %lt3A_163 = arith.cmpi slt, %add3A_161, %lt3A_162 : i32
      %convert_element_type3A_164 = arith.extui %lt3A_163 : i1 to i32
      %cond3A_165 = arith.constant 0 : i32
      %cond3A_166 = arith.cmpi ne, %convert_element_type3A_164, %cond3A_165 : i32
      scf.if %cond3A_166 {
        %mul3A_217 = arith.constant 128 : i32
        %mul3A_218 = arith.muli %add3A_161, %mul3A_217 : i32
        %multiple_of3A = tpu.assume_multiple %mul3A_218, 128 : i32
        %dma_wait3A = arith.constant 1 : i32
        %dma_wait3A_219 = arith.constant 1 : i32
        %dma_wait3A_220 = arith.constant 0 : i32
        %dma_wait3A_221 = arith.constant 0 : i32
        %dma_wait3A_222 = tpu.memref_slice %arg6[%dma_wait3A, %dma_wait3A_220, %dma_wait3A_221] : memref<7x128x128xf32, #tpu.memory_space<vmem>> -> memref<1x128x128xf32, #tpu.memory_space<vmem>>
        %dma_wait3A_223 = tpu.memref_squeeze %dma_wait3A_222 : memref<1x128x128xf32, #tpu.memory_space<vmem>> -> memref<128x128xf32, #tpu.memory_space<vmem>>
        %dma_wait3A_224 = arith.constant 0 : i32
        %dma_wait3A_225 = tpu.memref_slice %arg4[%multiple_of3A, %dma_wait3A_224] : memref<320000x128xf32, #tpu.memory_space<hbm>> -> memref<128x128xf32, #tpu.memory_space<hbm>>
        %dma_wait3A_226 = tpu.memref_slice %arg8[%dma_wait3A_219] : memref<7x!tpu.dma_semaphore, #tpu.memory_space<semaphore_mem>> -> memref<1x!tpu.dma_semaphore, #tpu.memory_space<semaphore_mem>>
        %dma_wait3A_227 = tpu.memref_squeeze %dma_wait3A_226 : memref<1x!tpu.dma_semaphore, #tpu.memory_space<semaphore_mem>> -> memref<!tpu.dma_semaphore, #tpu.memory_space<semaphore_mem>>
        %dma_wait3A_228 = arith.constant 0 : i32
        %dma_wait3A_229 = tpu.memref_slice %arg4[%multiple_of3A, %dma_wait3A_228] : memref<320000x128xf32, #tpu.memory_space<hbm>> -> memref<128x128xf32, #tpu.memory_space<hbm>>
        %dma_wait3A_230 = arith.constant 0 : i32
        %dma_wait3A_231 = arith.constant 0 : i32
        %dma_wait3A_232 = tpu.memref_slice %arg6[%dma_wait3A, %dma_wait3A_230, %dma_wait3A_231] : memref<7x128x128xf32, #tpu.memory_space<vmem>> -> memref<1x128x128xf32, #tpu.memory_space<vmem>>
        %dma_wait3A_233 = tpu.memref_squeeze %dma_wait3A_232 : memref<1x128x128xf32, #tpu.memory_space<vmem>> -> memref<128x128xf32, #tpu.memory_space<vmem>>
        tpu.wait_dma2 semaphore(%dma_wait3A_227 : memref<!tpu.dma_semaphore, #tpu.memory_space<semaphore_mem>>) src(%dma_wait3A_233 : memref<128x128xf32, #tpu.memory_space<vmem>>) dst(%dma_wait3A_229 : memref<128x128xf32, #tpu.memory_space<hbm>>)
      } else {
      }
      %add3A_167 = arith.constant 2 : i32
      %add3A_168 = arith.addi %add3A_9, %add3A_167 : i32
      %mul3A_169 = arith.constant 32 : i32
      %mul3A_170 = arith.muli %mul3A_169, %add3A_168 : i32
      %add3A_171 = arith.addi %add3A, %mul3A_170 : i32
      %lt3A_172 = arith.constant 2500 : i32
      %lt3A_173 = arith.cmpi slt, %add3A_171, %lt3A_172 : i32
      %convert_element_type3A_174 = arith.extui %lt3A_173 : i1 to i32
      %cond3A_175 = arith.constant 0 : i32
      %cond3A_176 = arith.cmpi ne, %convert_element_type3A_174, %cond3A_175 : i32
      scf.if %cond3A_176 {
        %mul3A_217 = arith.constant 128 : i32
        %mul3A_218 = arith.muli %add3A_171, %mul3A_217 : i32
        %multiple_of3A = tpu.assume_multiple %mul3A_218, 128 : i32
        %dma_wait3A = arith.constant 2 : i32
        %dma_wait3A_219 = arith.constant 2 : i32
        %dma_wait3A_220 = arith.constant 0 : i32
        %dma_wait3A_221 = arith.constant 0 : i32
        %dma_wait3A_222 = tpu.memref_slice %arg6[%dma_wait3A, %dma_wait3A_220, %dma_wait3A_221] : memref<7x128x128xf32, #tpu.memory_space<vmem>> -> memref<1x128x128xf32, #tpu.memory_space<vmem>>
        %dma_wait3A_223 = tpu.memref_squeeze %dma_wait3A_222 : memref<1x128x128xf32, #tpu.memory_space<vmem>> -> memref<128x128xf32, #tpu.memory_space<vmem>>
        %dma_wait3A_224 = arith.constant 0 : i32
        %dma_wait3A_225 = tpu.memref_slice %arg4[%multiple_of3A, %dma_wait3A_224] : memref<320000x128xf32, #tpu.memory_space<hbm>> -> memref<128x128xf32, #tpu.memory_space<hbm>>
        %dma_wait3A_226 = tpu.memref_slice %arg8[%dma_wait3A_219] : memref<7x!tpu.dma_semaphore, #tpu.memory_space<semaphore_mem>> -> memref<1x!tpu.dma_semaphore, #tpu.memory_space<semaphore_mem>>
        %dma_wait3A_227 = tpu.memref_squeeze %dma_wait3A_226 : memref<1x!tpu.dma_semaphore, #tpu.memory_space<semaphore_mem>> -> memref<!tpu.dma_semaphore, #tpu.memory_space<semaphore_mem>>
        %dma_wait3A_228 = arith.constant 0 : i32
        %dma_wait3A_229 = tpu.memref_slice %arg4[%multiple_of3A, %dma_wait3A_228] : memref<320000x128xf32, #tpu.memory_space<hbm>> -> memref<128x128xf32, #tpu.memory_space<hbm>>
        %dma_wait3A_230 = arith.constant 0 : i32
        %dma_wait3A_231 = arith.constant 0 : i32
        %dma_wait3A_232 = tpu.memref_slice %arg6[%dma_wait3A, %dma_wait3A_230, %dma_wait3A_231] : memref<7x128x128xf32, #tpu.memory_space<vmem>> -> memref<1x128x128xf32, #tpu.memory_space<vmem>>
        %dma_wait3A_233 = tpu.memref_squeeze %dma_wait3A_232 : memref<1x128x128xf32, #tpu.memory_space<vmem>> -> memref<128x128xf32, #tpu.memory_space<vmem>>
        tpu.wait_dma2 semaphore(%dma_wait3A_227 : memref<!tpu.dma_semaphore, #tpu.memory_space<semaphore_mem>>) src(%dma_wait3A_233 : memref<128x128xf32, #tpu.memory_space<vmem>>) dst(%dma_wait3A_229 : memref<128x128xf32, #tpu.memory_space<hbm>>)
      } else {
      }
      %add3A_177 = arith.constant 3 : i32
      %add3A_178 = arith.addi %add3A_9, %add3A_177 : i32
      %mul3A_179 = arith.constant 32 : i32
      %mul3A_180 = arith.muli %mul3A_179, %add3A_178 : i32
      %add3A_181 = arith.addi %add3A, %mul3A_180 : i32
      %lt3A_182 = arith.constant 2500 : i32
      %lt3A_183 = arith.cmpi slt, %add3A_181, %lt3A_182 : i32
      %convert_element_type3A_184 = arith.extui %lt3A_183 : i1 to i32
      %cond3A_185 = arith.constant 0 : i32
      %cond3A_186 = arith.cmpi ne, %convert_element_type3A_184, %cond3A_185 : i32
      scf.if %cond3A_186 {
        %mul3A_217 = arith.constant 128 : i32
        %mul3A_218 = arith.muli %add3A_181, %mul3A_217 : i32
        %multiple_of3A = tpu.assume_multiple %mul3A_218, 128 : i32
        %dma_wait3A = arith.constant 3 : i32
        %dma_wait3A_219 = arith.constant 3 : i32
        %dma_wait3A_220 = arith.constant 0 : i32
        %dma_wait3A_221 = arith.constant 0 : i32
        %dma_wait3A_222 = tpu.memref_slice %arg6[%dma_wait3A, %dma_wait3A_220, %dma_wait3A_221] : memref<7x128x128xf32, #tpu.memory_space<vmem>> -> memref<1x128x128xf32, #tpu.memory_space<vmem>>
        %dma_wait3A_223 = tpu.memref_squeeze %dma_wait3A_222 : memref<1x128x128xf32, #tpu.memory_space<vmem>> -> memref<128x128xf32, #tpu.memory_space<vmem>>
        %dma_wait3A_224 = arith.constant 0 : i32
        %dma_wait3A_225 = tpu.memref_slice %arg4[%multiple_of3A, %dma_wait3A_224] : memref<320000x128xf32, #tpu.memory_space<hbm>> -> memref<128x128xf32, #tpu.memory_space<hbm>>
        %dma_wait3A_226 = tpu.memref_slice %arg8[%dma_wait3A_219] : memref<7x!tpu.dma_semaphore, #tpu.memory_space<semaphore_mem>> -> memref<1x!tpu.dma_semaphore, #tpu.memory_space<semaphore_mem>>
        %dma_wait3A_227 = tpu.memref_squeeze %dma_wait3A_226 : memref<1x!tpu.dma_semaphore, #tpu.memory_space<semaphore_mem>> -> memref<!tpu.dma_semaphore, #tpu.memory_space<semaphore_mem>>
        %dma_wait3A_228 = arith.constant 0 : i32
        %dma_wait3A_229 = tpu.memref_slice %arg4[%multiple_of3A, %dma_wait3A_228] : memref<320000x128xf32, #tpu.memory_space<hbm>> -> memref<128x128xf32, #tpu.memory_space<hbm>>
        %dma_wait3A_230 = arith.constant 0 : i32
        %dma_wait3A_231 = arith.constant 0 : i32
        %dma_wait3A_232 = tpu.memref_slice %arg6[%dma_wait3A, %dma_wait3A_230, %dma_wait3A_231] : memref<7x128x128xf32, #tpu.memory_space<vmem>> -> memref<1x128x128xf32, #tpu.memory_space<vmem>>
        %dma_wait3A_233 = tpu.memref_squeeze %dma_wait3A_232 : memref<1x128x128xf32, #tpu.memory_space<vmem>> -> memref<128x128xf32, #tpu.memory_space<vmem>>
        tpu.wait_dma2 semaphore(%dma_wait3A_227 : memref<!tpu.dma_semaphore, #tpu.memory_space<semaphore_mem>>) src(%dma_wait3A_233 : memref<128x128xf32, #tpu.memory_space<vmem>>) dst(%dma_wait3A_229 : memref<128x128xf32, #tpu.memory_space<hbm>>)
      } else {
      }
      %add3A_187 = arith.constant 4 : i32
      %add3A_188 = arith.addi %add3A_9, %add3A_187 : i32
      %mul3A_189 = arith.constant 32 : i32
      %mul3A_190 = arith.muli %mul3A_189, %add3A_188 : i32
      %add3A_191 = arith.addi %add3A, %mul3A_190 : i32
      %lt3A_192 = arith.constant 2500 : i32
      %lt3A_193 = arith.cmpi slt, %add3A_191, %lt3A_192 : i32
      %convert_element_type3A_194 = arith.extui %lt3A_193 : i1 to i32
      %cond3A_195 = arith.constant 0 : i32
      %cond3A_196 = arith.cmpi ne, %convert_element_type3A_194, %cond3A_195 : i32
      scf.if %cond3A_196 {
        %mul3A_217 = arith.constant 128 : i32
        %mul3A_218 = arith.muli %add3A_191, %mul3A_217 : i32
        %multiple_of3A = tpu.assume_multiple %mul3A_218, 128 : i32
        %dma_wait3A = arith.constant 4 : i32
        %dma_wait3A_219 = arith.constant 4 : i32
        %dma_wait3A_220 = arith.constant 0 : i32
        %dma_wait3A_221 = arith.constant 0 : i32
        %dma_wait3A_222 = tpu.memref_slice %arg6[%dma_wait3A, %dma_wait3A_220, %dma_wait3A_221] : memref<7x128x128xf32, #tpu.memory_space<vmem>> -> memref<1x128x128xf32, #tpu.memory_space<vmem>>
        %dma_wait3A_223 = tpu.memref_squeeze %dma_wait3A_222 : memref<1x128x128xf32, #tpu.memory_space<vmem>> -> memref<128x128xf32, #tpu.memory_space<vmem>>
        %dma_wait3A_224 = arith.constant 0 : i32
        %dma_wait3A_225 = tpu.memref_slice %arg4[%multiple_of3A, %dma_wait3A_224] : memref<320000x128xf32, #tpu.memory_space<hbm>> -> memref<128x128xf32, #tpu.memory_space<hbm>>
        %dma_wait3A_226 = tpu.memref_slice %arg8[%dma_wait3A_219] : memref<7x!tpu.dma_semaphore, #tpu.memory_space<semaphore_mem>> -> memref<1x!tpu.dma_semaphore, #tpu.memory_space<semaphore_mem>>
        %dma_wait3A_227 = tpu.memref_squeeze %dma_wait3A_226 : memref<1x!tpu.dma_semaphore, #tpu.memory_space<semaphore_mem>> -> memref<!tpu.dma_semaphore, #tpu.memory_space<semaphore_mem>>
        %dma_wait3A_228 = arith.constant 0 : i32
        %dma_wait3A_229 = tpu.memref_slice %arg4[%multiple_of3A, %dma_wait3A_228] : memref<320000x128xf32, #tpu.memory_space<hbm>> -> memref<128x128xf32, #tpu.memory_space<hbm>>
        %dma_wait3A_230 = arith.constant 0 : i32
        %dma_wait3A_231 = arith.constant 0 : i32
        %dma_wait3A_232 = tpu.memref_slice %arg6[%dma_wait3A, %dma_wait3A_230, %dma_wait3A_231] : memref<7x128x128xf32, #tpu.memory_space<vmem>> -> memref<1x128x128xf32, #tpu.memory_space<vmem>>
        %dma_wait3A_233 = tpu.memref_squeeze %dma_wait3A_232 : memref<1x128x128xf32, #tpu.memory_space<vmem>> -> memref<128x128xf32, #tpu.memory_space<vmem>>
        tpu.wait_dma2 semaphore(%dma_wait3A_227 : memref<!tpu.dma_semaphore, #tpu.memory_space<semaphore_mem>>) src(%dma_wait3A_233 : memref<128x128xf32, #tpu.memory_space<vmem>>) dst(%dma_wait3A_229 : memref<128x128xf32, #tpu.memory_space<hbm>>)
      } else {
      }
      %add3A_197 = arith.constant 5 : i32
      %add3A_198 = arith.addi %add3A_9, %add3A_197 : i32
      %mul3A_199 = arith.constant 32 : i32
      %mul3A_200 = arith.muli %mul3A_199, %add3A_198 : i32
      %add3A_201 = arith.addi %add3A, %mul3A_200 : i32
      %lt3A_202 = arith.constant 2500 : i32
      %lt3A_203 = arith.cmpi slt, %add3A_201, %lt3A_202 : i32
      %convert_element_type3A_204 = arith.extui %lt3A_203 : i1 to i32
      %cond3A_205 = arith.constant 0 : i32
      %cond3A_206 = arith.cmpi ne, %convert_element_type3A_204, %cond3A_205 : i32
      scf.if %cond3A_206 {
        %mul3A_217 = arith.constant 128 : i32
        %mul3A_218 = arith.muli %add3A_201, %mul3A_217 : i32
        %multiple_of3A = tpu.assume_multiple %mul3A_218, 128 : i32
        %dma_wait3A = arith.constant 5 : i32
        %dma_wait3A_219 = arith.constant 5 : i32
        %dma_wait3A_220 = arith.constant 0 : i32
        %dma_wait3A_221 = arith.constant 0 : i32
        %dma_wait3A_222 = tpu.memref_slice %arg6[%dma_wait3A, %dma_wait3A_220, %dma_wait3A_221] : memref<7x128x128xf32, #tpu.memory_space<vmem>> -> memref<1x128x128xf32, #tpu.memory_space<vmem>>
        %dma_wait3A_223 = tpu.memref_squeeze %dma_wait3A_222 : memref<1x128x128xf32, #tpu.memory_space<vmem>> -> memref<128x128xf32, #tpu.memory_space<vmem>>
        %dma_wait3A_224 = arith.constant 0 : i32
        %dma_wait3A_225 = tpu.memref_slice %arg4[%multiple_of3A, %dma_wait3A_224] : memref<320000x128xf32, #tpu.memory_space<hbm>> -> memref<128x128xf32, #tpu.memory_space<hbm>>
        %dma_wait3A_226 = tpu.memref_slice %arg8[%dma_wait3A_219] : memref<7x!tpu.dma_semaphore, #tpu.memory_space<semaphore_mem>> -> memref<1x!tpu.dma_semaphore, #tpu.memory_space<semaphore_mem>>
        %dma_wait3A_227 = tpu.memref_squeeze %dma_wait3A_226 : memref<1x!tpu.dma_semaphore, #tpu.memory_space<semaphore_mem>> -> memref<!tpu.dma_semaphore, #tpu.memory_space<semaphore_mem>>
        %dma_wait3A_228 = arith.constant 0 : i32
        %dma_wait3A_229 = tpu.memref_slice %arg4[%multiple_of3A, %dma_wait3A_228] : memref<320000x128xf32, #tpu.memory_space<hbm>> -> memref<128x128xf32, #tpu.memory_space<hbm>>
        %dma_wait3A_230 = arith.constant 0 : i32
        %dma_wait3A_231 = arith.constant 0 : i32
        %dma_wait3A_232 = tpu.memref_slice %arg6[%dma_wait3A, %dma_wait3A_230, %dma_wait3A_231] : memref<7x128x128xf32, #tpu.memory_space<vmem>> -> memref<1x128x128xf32, #tpu.memory_space<vmem>>
        %dma_wait3A_233 = tpu.memref_squeeze %dma_wait3A_232 : memref<1x128x128xf32, #tpu.memory_space<vmem>> -> memref<128x128xf32, #tpu.memory_space<vmem>>
        tpu.wait_dma2 semaphore(%dma_wait3A_227 : memref<!tpu.dma_semaphore, #tpu.memory_space<semaphore_mem>>) src(%dma_wait3A_233 : memref<128x128xf32, #tpu.memory_space<vmem>>) dst(%dma_wait3A_229 : memref<128x128xf32, #tpu.memory_space<hbm>>)
      } else {
      }
      %add3A_207 = arith.constant 6 : i32
      %add3A_208 = arith.addi %add3A_9, %add3A_207 : i32
      %mul3A_209 = arith.constant 32 : i32
      %mul3A_210 = arith.muli %mul3A_209, %add3A_208 : i32
      %add3A_211 = arith.addi %add3A, %mul3A_210 : i32
      %lt3A_212 = arith.constant 2500 : i32
      %lt3A_213 = arith.cmpi slt, %add3A_211, %lt3A_212 : i32
      %convert_element_type3A_214 = arith.extui %lt3A_213 : i1 to i32
      %cond3A_215 = arith.constant 0 : i32
      %cond3A_216 = arith.cmpi ne, %convert_element_type3A_214, %cond3A_215 : i32
      scf.if %cond3A_216 {
        %mul3A_217 = arith.constant 128 : i32
        %mul3A_218 = arith.muli %add3A_211, %mul3A_217 : i32
        %multiple_of3A = tpu.assume_multiple %mul3A_218, 128 : i32
        %dma_wait3A = arith.constant 6 : i32
        %dma_wait3A_219 = arith.constant 6 : i32
        %dma_wait3A_220 = arith.constant 0 : i32
        %dma_wait3A_221 = arith.constant 0 : i32
        %dma_wait3A_222 = tpu.memref_slice %arg6[%dma_wait3A, %dma_wait3A_220, %dma_wait3A_221] : memref<7x128x128xf32, #tpu.memory_space<vmem>> -> memref<1x128x128xf32, #tpu.memory_space<vmem>>
        %dma_wait3A_223 = tpu.memref_squeeze %dma_wait3A_222 : memref<1x128x128xf32, #tpu.memory_space<vmem>> -> memref<128x128xf32, #tpu.memory_space<vmem>>
        %dma_wait3A_224 = arith.constant 0 : i32
        %dma_wait3A_225 = tpu.memref_slice %arg4[%multiple_of3A, %dma_wait3A_224] : memref<320000x128xf32, #tpu.memory_space<hbm>> -> memref<128x128xf32, #tpu.memory_space<hbm>>
        %dma_wait3A_226 = tpu.memref_slice %arg8[%dma_wait3A_219] : memref<7x!tpu.dma_semaphore, #tpu.memory_space<semaphore_mem>> -> memref<1x!tpu.dma_semaphore, #tpu.memory_space<semaphore_mem>>
        %dma_wait3A_227 = tpu.memref_squeeze %dma_wait3A_226 : memref<1x!tpu.dma_semaphore, #tpu.memory_space<semaphore_mem>> -> memref<!tpu.dma_semaphore, #tpu.memory_space<semaphore_mem>>
        %dma_wait3A_228 = arith.constant 0 : i32
        %dma_wait3A_229 = tpu.memref_slice %arg4[%multiple_of3A, %dma_wait3A_228] : memref<320000x128xf32, #tpu.memory_space<hbm>> -> memref<128x128xf32, #tpu.memory_space<hbm>>
        %dma_wait3A_230 = arith.constant 0 : i32
        %dma_wait3A_231 = arith.constant 0 : i32
        %dma_wait3A_232 = tpu.memref_slice %arg6[%dma_wait3A, %dma_wait3A_230, %dma_wait3A_231] : memref<7x128x128xf32, #tpu.memory_space<vmem>> -> memref<1x128x128xf32, #tpu.memory_space<vmem>>
        %dma_wait3A_233 = tpu.memref_squeeze %dma_wait3A_232 : memref<1x128x128xf32, #tpu.memory_space<vmem>> -> memref<128x128xf32, #tpu.memory_space<vmem>>
        tpu.wait_dma2 semaphore(%dma_wait3A_227 : memref<!tpu.dma_semaphore, #tpu.memory_space<semaphore_mem>>) src(%dma_wait3A_233 : memref<128x128xf32, #tpu.memory_space<vmem>>) dst(%dma_wait3A_229 : memref<128x128xf32, #tpu.memory_space<hbm>>)
      } else {
      }
    }
    %scan3A_4 = arith.constant 12 : i32
    return
  }
}

#map = affine_map<(d0, d1) -> (0, 0)>
#map1 = affine_map<(d0, d1) -> (0, 0, 0)>
module attributes {stable_mosaic.version = 14 : i64} {
  func.func @k(%arg0: i32, %arg1: i32, %arg2: memref<320000x128xf32, #tpu.memory_space<hbm>>, %arg3: memref<32x80x128xi32, #tpu.memory_space<hbm>>, %arg4: memref<10000x128xf32, #tpu.memory_space<hbm>>, %arg5: memref<2x10000x128xf32, #tpu.memory_space<hbm>>, %arg6: memref<80x128xi32, #tpu.memory_space<vmem>>, %arg7: memref<2x128x128xf32, #tpu.memory_space<vmem>>, %arg8: memref<2x!tpu.dma_semaphore, #tpu.memory_space<semaphore_mem>>, %arg9: memref<2x!tpu.dma_semaphore, #tpu.memory_space<semaphore_mem>>, %arg10: memref<10000x128xf32, #tpu.memory_space<vmem_shared>>) attributes {dimension_semantics = [#tpu.dimension_semantics<core_parallel>, #tpu.dimension_semantics<subcore_parallel>], iteration_bounds = array<i64: 2, 16>, scalar_prefetch = 0 : i64, scratch_operands = 5 : i64, tpu.core_type = #tpu.core_type<sc_vector_subcore>, window_params = [{transform_indices = #map}, {transform_indices = #map1}, {transform_indices = #map}, {transform_indices = #map1}]} {
    %mul3A = arith.constant 2 : i32
    %mul3A_0 = arith.muli %arg1, %mul3A : i32
    %add3A = arith.addi %mul3A_0, %arg0 : i32
    %mul3A_1 = arith.constant 632 : i32
    %mul3A_2 = arith.muli %arg1, %mul3A_1 : i32
    %multiple_of3A = tpu.assume_multiple %mul3A_2, 8 : i32
    "tpu.region"() ({
      %run_scoped3A = tpu.sem_alloc : memref<!tpu.dma_semaphore, #tpu.memory_space<semaphore_mem>>
      %dma_start3A = arith.constant 0 : i32
      %dma_start3A_24 = arith.constant 0 : i32
      %dma_start3A_25 = tpu.memref_slice %arg3[%add3A, %dma_start3A, %dma_start3A_24] : memref<32x80x128xi32, #tpu.memory_space<hbm>> -> memref<1x80x128xi32, #tpu.memory_space<hbm>>
      %dma_start3A_26 = tpu.memref_squeeze %dma_start3A_25 : memref<1x80x128xi32, #tpu.memory_space<hbm>> -> memref<80x128xi32, #tpu.memory_space<hbm>>
      %dma_start3A_27 = arith.constant 0 : i32
      %dma_start3A_28 = arith.constant 0 : i32
      %dma_start3A_29 = tpu.memref_slice %arg3[%add3A, %dma_start3A_27, %dma_start3A_28] : memref<32x80x128xi32, #tpu.memory_space<hbm>> -> memref<1x80x128xi32, #tpu.memory_space<hbm>>
      %dma_start3A_30 = tpu.memref_squeeze %dma_start3A_29 : memref<1x80x128xi32, #tpu.memory_space<hbm>> -> memref<80x128xi32, #tpu.memory_space<hbm>>
      tpu.enqueue_dma source(%dma_start3A_30 : memref<80x128xi32, #tpu.memory_space<hbm>>) target(%arg6 : memref<80x128xi32, #tpu.memory_space<vmem>>) target_semaphore(%run_scoped3A : memref<!tpu.dma_semaphore, #tpu.memory_space<semaphore_mem>>)
      %dma_wait3A = arith.constant 0 : i32
      %dma_wait3A_31 = arith.constant 0 : i32
      %dma_wait3A_32 = tpu.memref_slice %arg3[%add3A, %dma_wait3A, %dma_wait3A_31] : memref<32x80x128xi32, #tpu.memory_space<hbm>> -> memref<1x80x128xi32, #tpu.memory_space<hbm>>
      %dma_wait3A_33 = tpu.memref_squeeze %dma_wait3A_32 : memref<1x80x128xi32, #tpu.memory_space<hbm>> -> memref<80x128xi32, #tpu.memory_space<hbm>>
      %dma_wait3A_34 = arith.constant 0 : i32
      %dma_wait3A_35 = arith.constant 0 : i32
      %dma_wait3A_36 = tpu.memref_slice %arg3[%add3A, %dma_wait3A_34, %dma_wait3A_35] : memref<32x80x128xi32, #tpu.memory_space<hbm>> -> memref<1x80x128xi32, #tpu.memory_space<hbm>>
      %dma_wait3A_37 = tpu.memref_squeeze %dma_wait3A_36 : memref<1x80x128xi32, #tpu.memory_space<hbm>> -> memref<80x128xi32, #tpu.memory_space<hbm>>
      tpu.wait_dma2 semaphore(%run_scoped3A : memref<!tpu.dma_semaphore, #tpu.memory_space<semaphore_mem>>) src(%dma_wait3A_37 : memref<80x128xi32, #tpu.memory_space<hbm>>) dst(%arg6 : memref<80x128xi32, #tpu.memory_space<vmem>>)
      tpu.yield
    }) : () -> ()
    %lt3A = arith.constant 15 : i32
    %lt3A_3 = arith.cmpi slt, %arg1, %lt3A : i32
    %convert_element_type3A = arith.extui %lt3A_3 : i1 to i32
    %cond3A = arith.constant 0 : i32
    %cond3A_4 = arith.cmpi ne, %convert_element_type3A, %cond3A : i32
    scf.if %cond3A_4 {
      "tpu.region"() ({
        %run_scoped3A = tpu.sem_alloc : memref<!tpu.dma_semaphore, #tpu.memory_space<semaphore_mem>>
        %dma_start3A = arith.constant 0 : i32
        %dma_start3A_24 = tpu.memref_slice %arg10[%multiple_of3A, %dma_start3A] : memref<10000x128xf32, #tpu.memory_space<vmem_shared>> -> memref<632x128xf32, #tpu.memory_space<vmem_shared>>
        %dma_start3A_25 = arith.constant 0 : i32
        %dma_start3A_26 = tpu.memref_slice %arg4[%multiple_of3A, %dma_start3A_25] : memref<10000x128xf32, #tpu.memory_space<hbm>> -> memref<632x128xf32, #tpu.memory_space<hbm>>
        tpu.enqueue_dma source(%dma_start3A_26 : memref<632x128xf32, #tpu.memory_space<hbm>>) target(%dma_start3A_24 : memref<632x128xf32, #tpu.memory_space<vmem_shared>>) target_semaphore(%run_scoped3A : memref<!tpu.dma_semaphore, #tpu.memory_space<semaphore_mem>>)
        %dma_wait3A = arith.constant 0 : i32
        %dma_wait3A_27 = tpu.memref_slice %arg10[%multiple_of3A, %dma_wait3A] : memref<10000x128xf32, #tpu.memory_space<vmem_shared>> -> memref<632x128xf32, #tpu.memory_space<vmem_shared>>
        %dma_wait3A_28 = arith.constant 0 : i32
        %dma_wait3A_29 = tpu.memref_slice %arg4[%multiple_of3A, %dma_wait3A_28] : memref<10000x128xf32, #tpu.memory_space<hbm>> -> memref<632x128xf32, #tpu.memory_space<hbm>>
        tpu.wait_dma2 semaphore(%run_scoped3A : memref<!tpu.dma_semaphore, #tpu.memory_space<semaphore_mem>>) src(%dma_wait3A_29 : memref<632x128xf32, #tpu.memory_space<hbm>>) dst(%dma_wait3A_27 : memref<632x128xf32, #tpu.memory_space<vmem_shared>>)
        tpu.yield
      }) : () -> ()
    } else {
    }
    %eq3A = arith.constant 15 : i32
    %eq3A_5 = arith.cmpi eq, %arg1, %eq3A : i32
    %convert_element_type3A_6 = arith.extui %eq3A_5 : i1 to i32
    %cond3A_7 = arith.constant 0 : i32
    %cond3A_8 = arith.cmpi ne, %convert_element_type3A_6, %cond3A_7 : i32
    scf.if %cond3A_8 {
      "tpu.region"() ({
        %run_scoped3A = tpu.sem_alloc : memref<!tpu.dma_semaphore, #tpu.memory_space<semaphore_mem>>
        %dma_start3A = arith.constant 9480 : i32
        %dma_start3A_24 = arith.constant 0 : i32
        %dma_start3A_25 = tpu.memref_slice %arg10[%dma_start3A, %dma_start3A_24] : memref<10000x128xf32, #tpu.memory_space<vmem_shared>> -> memref<520x128xf32, #tpu.memory_space<vmem_shared>>
        %dma_start3A_26 = arith.constant 9480 : i32
        %dma_start3A_27 = arith.constant 0 : i32
        %dma_start3A_28 = tpu.memref_slice %arg4[%dma_start3A_26, %dma_start3A_27] : memref<10000x128xf32, #tpu.memory_space<hbm>> -> memref<520x128xf32, #tpu.memory_space<hbm>>
        tpu.enqueue_dma source(%dma_start3A_28 : memref<520x128xf32, #tpu.memory_space<hbm>>) target(%dma_start3A_25 : memref<520x128xf32, #tpu.memory_space<vmem_shared>>) target_semaphore(%run_scoped3A : memref<!tpu.dma_semaphore, #tpu.memory_space<semaphore_mem>>)
        %dma_wait3A = arith.constant 9480 : i32
        %dma_wait3A_29 = arith.constant 0 : i32
        %dma_wait3A_30 = tpu.memref_slice %arg10[%dma_wait3A, %dma_wait3A_29] : memref<10000x128xf32, #tpu.memory_space<vmem_shared>> -> memref<520x128xf32, #tpu.memory_space<vmem_shared>>
        %dma_wait3A_31 = arith.constant 9480 : i32
        %dma_wait3A_32 = arith.constant 0 : i32
        %dma_wait3A_33 = tpu.memref_slice %arg4[%dma_wait3A_31, %dma_wait3A_32] : memref<10000x128xf32, #tpu.memory_space<hbm>> -> memref<520x128xf32, #tpu.memory_space<hbm>>
        tpu.wait_dma2 semaphore(%run_scoped3A : memref<!tpu.dma_semaphore, #tpu.memory_space<semaphore_mem>>) src(%dma_wait3A_33 : memref<520x128xf32, #tpu.memory_space<hbm>>) dst(%dma_wait3A_30 : memref<520x128xf32, #tpu.memory_space<vmem_shared>>)
        tpu.yield
      }) : () -> ()
    } else {
    }
    %barrier3A = arith.constant 0 : index
    tpu.barrier barrier_id(%barrier3A)
    %scan3A = arith.constant 0 : i32
    %scan3A_9 = arith.constant 40 : i32
    %scan3A_10 = arith.addi %scan3A, %scan3A_9 : i32
    %scan3A_11 = arith.constant 1 : i32
    scf.for %scan3A_24 = %scan3A to %scan3A_10 step %scan3A_11  : i32 {
      %mul3A_25 = arith.constant 2 : i32
      %mul3A_26 = arith.muli %scan3A_24, %mul3A_25 : i32
      %add3A_27 = arith.constant 0 : i32
      %add3A_28 = arith.addi %add3A_27, %mul3A_26 : i32
      %add3A_29 = arith.constant 0 : i32
      %add3A_30 = arith.addi %add3A_28, %add3A_29 : i32
      %mul3A_31 = arith.constant 32 : i32
      %mul3A_32 = arith.muli %mul3A_31, %add3A_30 : i32
      %add3A_33 = arith.addi %add3A, %mul3A_32 : i32
      %lt3A_34 = arith.constant 2500 : i32
      %lt3A_35 = arith.cmpi slt, %add3A_33, %lt3A_34 : i32
      %convert_element_type3A_36 = arith.extui %lt3A_35 : i1 to i32
      %cond3A_37 = arith.constant 0 : i32
      %cond3A_38 = arith.cmpi ne, %convert_element_type3A_36, %cond3A_37 : i32
      scf.if %cond3A_38 {
        %mul3A_89 = arith.constant 128 : i32
        %mul3A_90 = arith.muli %add3A_33, %mul3A_89 : i32
        %multiple_of3A_91 = tpu.assume_multiple %mul3A_90, 128 : i32
        %dma_start3A = arith.constant 0 : i32
        %dma_start3A_92 = arith.constant 0 : i32
        %dma_start3A_93 = arith.constant 0 : i32
        %dma_start3A_94 = arith.constant 0 : i32
        %dma_start3A_95 = tpu.memref_slice %arg7[%dma_start3A, %dma_start3A_93, %dma_start3A_94] : memref<2x128x128xf32, #tpu.memory_space<vmem>> -> memref<1x128x128xf32, #tpu.memory_space<vmem>>
        %dma_start3A_96 = tpu.memref_squeeze %dma_start3A_95 : memref<1x128x128xf32, #tpu.memory_space<vmem>> -> memref<128x128xf32, #tpu.memory_space<vmem>>
        %dma_start3A_97 = arith.constant 0 : i32
        %dma_start3A_98 = tpu.memref_slice %arg2[%multiple_of3A_91, %dma_start3A_97] : memref<320000x128xf32, #tpu.memory_space<hbm>> -> memref<128x128xf32, #tpu.memory_space<hbm>>
        %dma_start3A_99 = tpu.memref_slice %arg8[%dma_start3A_92] : memref<2x!tpu.dma_semaphore, #tpu.memory_space<semaphore_mem>> -> memref<1x!tpu.dma_semaphore, #tpu.memory_space<semaphore_mem>>
        %dma_start3A_100 = tpu.memref_squeeze %dma_start3A_99 : memref<1x!tpu.dma_semaphore, #tpu.memory_space<semaphore_mem>> -> memref<!tpu.dma_semaphore, #tpu.memory_space<semaphore_mem>>
        %dma_start3A_101 = arith.constant 0 : i32
        %dma_start3A_102 = arith.constant 0 : i32
        %dma_start3A_103 = tpu.memref_slice %arg7[%dma_start3A, %dma_start3A_101, %dma_start3A_102] : memref<2x128x128xf32, #tpu.memory_space<vmem>> -> memref<1x128x128xf32, #tpu.memory_space<vmem>>
        %dma_start3A_104 = tpu.memref_squeeze %dma_start3A_103 : memref<1x128x128xf32, #tpu.memory_space<vmem>> -> memref<128x128xf32, #tpu.memory_space<vmem>>
        %dma_start3A_105 = arith.constant 0 : i32
        %dma_start3A_106 = tpu.memref_slice %arg2[%multiple_of3A_91, %dma_start3A_105] : memref<320000x128xf32, #tpu.memory_space<hbm>> -> memref<128x128xf32, #tpu.memory_space<hbm>>
        tpu.enqueue_dma source(%dma_start3A_106 : memref<128x128xf32, #tpu.memory_space<hbm>>) target(%dma_start3A_104 : memref<128x128xf32, #tpu.memory_space<vmem>>) target_semaphore(%dma_start3A_100 : memref<!tpu.dma_semaphore, #tpu.memory_space<semaphore_mem>>)
      } else {
      }
      %add3A_39 = arith.constant 1 : i32
      %add3A_40 = arith.addi %add3A_28, %add3A_39 : i32
      %mul3A_41 = arith.constant 32 : i32
      %mul3A_42 = arith.muli %mul3A_41, %add3A_40 : i32
      %add3A_43 = arith.addi %add3A, %mul3A_42 : i32
      %lt3A_44 = arith.constant 2500 : i32
      %lt3A_45 = arith.cmpi slt, %add3A_43, %lt3A_44 : i32
      %convert_element_type3A_46 = arith.extui %lt3A_45 : i1 to i32
      %cond3A_47 = arith.constant 0 : i32
      %cond3A_48 = arith.cmpi ne, %convert_element_type3A_46, %cond3A_47 : i32
      scf.if %cond3A_48 {
        %mul3A_89 = arith.constant 128 : i32
        %mul3A_90 = arith.muli %add3A_43, %mul3A_89 : i32
        %multiple_of3A_91 = tpu.assume_multiple %mul3A_90, 128 : i32
        %dma_start3A = arith.constant 1 : i32
        %dma_start3A_92 = arith.constant 1 : i32
        %dma_start3A_93 = arith.constant 0 : i32
        %dma_start3A_94 = arith.constant 0 : i32
        %dma_start3A_95 = tpu.memref_slice %arg7[%dma_start3A, %dma_start3A_93, %dma_start3A_94] : memref<2x128x128xf32, #tpu.memory_space<vmem>> -> memref<1x128x128xf32, #tpu.memory_space<vmem>>
        %dma_start3A_96 = tpu.memref_squeeze %dma_start3A_95 : memref<1x128x128xf32, #tpu.memory_space<vmem>> -> memref<128x128xf32, #tpu.memory_space<vmem>>
        %dma_start3A_97 = arith.constant 0 : i32
        %dma_start3A_98 = tpu.memref_slice %arg2[%multiple_of3A_91, %dma_start3A_97] : memref<320000x128xf32, #tpu.memory_space<hbm>> -> memref<128x128xf32, #tpu.memory_space<hbm>>
        %dma_start3A_99 = tpu.memref_slice %arg8[%dma_start3A_92] : memref<2x!tpu.dma_semaphore, #tpu.memory_space<semaphore_mem>> -> memref<1x!tpu.dma_semaphore, #tpu.memory_space<semaphore_mem>>
        %dma_start3A_100 = tpu.memref_squeeze %dma_start3A_99 : memref<1x!tpu.dma_semaphore, #tpu.memory_space<semaphore_mem>> -> memref<!tpu.dma_semaphore, #tpu.memory_space<semaphore_mem>>
        %dma_start3A_101 = arith.constant 0 : i32
        %dma_start3A_102 = arith.constant 0 : i32
        %dma_start3A_103 = tpu.memref_slice %arg7[%dma_start3A, %dma_start3A_101, %dma_start3A_102] : memref<2x128x128xf32, #tpu.memory_space<vmem>> -> memref<1x128x128xf32, #tpu.memory_space<vmem>>
        %dma_start3A_104 = tpu.memref_squeeze %dma_start3A_103 : memref<1x128x128xf32, #tpu.memory_space<vmem>> -> memref<128x128xf32, #tpu.memory_space<vmem>>
        %dma_start3A_105 = arith.constant 0 : i32
        %dma_start3A_106 = tpu.memref_slice %arg2[%multiple_of3A_91, %dma_start3A_105] : memref<320000x128xf32, #tpu.memory_space<hbm>> -> memref<128x128xf32, #tpu.memory_space<hbm>>
        tpu.enqueue_dma source(%dma_start3A_106 : memref<128x128xf32, #tpu.memory_space<hbm>>) target(%dma_start3A_104 : memref<128x128xf32, #tpu.memory_space<vmem>>) target_semaphore(%dma_start3A_100 : memref<!tpu.dma_semaphore, #tpu.memory_space<semaphore_mem>>)
      } else {
      }
      %add3A_49 = arith.constant 0 : i32
      %add3A_50 = arith.addi %add3A_28, %add3A_49 : i32
      %mul3A_51 = arith.constant 32 : i32
      %mul3A_52 = arith.muli %mul3A_51, %add3A_50 : i32
      %add3A_53 = arith.addi %add3A, %mul3A_52 : i32
      %lt3A_54 = arith.constant 2500 : i32
      %lt3A_55 = arith.cmpi slt, %add3A_53, %lt3A_54 : i32
      %convert_element_type3A_56 = arith.extui %lt3A_55 : i1 to i32
      %cond3A_57 = arith.constant 0 : i32
      %cond3A_58 = arith.cmpi ne, %convert_element_type3A_56, %cond3A_57 : i32
      scf.if %cond3A_58 {
        %mul3A_89 = arith.constant 128 : i32
        %mul3A_90 = arith.muli %add3A_53, %mul3A_89 : i32
        %multiple_of3A_91 = tpu.assume_multiple %mul3A_90, 128 : i32
        %dma_wait3A = arith.constant 0 : i32
        %dma_wait3A_92 = arith.constant 0 : i32
        %dma_wait3A_93 = arith.constant 0 : i32
        %dma_wait3A_94 = arith.constant 0 : i32
        %dma_wait3A_95 = tpu.memref_slice %arg7[%dma_wait3A, %dma_wait3A_93, %dma_wait3A_94] : memref<2x128x128xf32, #tpu.memory_space<vmem>> -> memref<1x128x128xf32, #tpu.memory_space<vmem>>
        %dma_wait3A_96 = tpu.memref_squeeze %dma_wait3A_95 : memref<1x128x128xf32, #tpu.memory_space<vmem>> -> memref<128x128xf32, #tpu.memory_space<vmem>>
        %dma_wait3A_97 = arith.constant 0 : i32
        %dma_wait3A_98 = tpu.memref_slice %arg2[%multiple_of3A_91, %dma_wait3A_97] : memref<320000x128xf32, #tpu.memory_space<hbm>> -> memref<128x128xf32, #tpu.memory_space<hbm>>
        %dma_wait3A_99 = tpu.memref_slice %arg8[%dma_wait3A_92] : memref<2x!tpu.dma_semaphore, #tpu.memory_space<semaphore_mem>> -> memref<1x!tpu.dma_semaphore, #tpu.memory_space<semaphore_mem>>
        %dma_wait3A_100 = tpu.memref_squeeze %dma_wait3A_99 : memref<1x!tpu.dma_semaphore, #tpu.memory_space<semaphore_mem>> -> memref<!tpu.dma_semaphore, #tpu.memory_space<semaphore_mem>>
        %dma_wait3A_101 = arith.constant 0 : i32
        %dma_wait3A_102 = arith.constant 0 : i32
        %dma_wait3A_103 = tpu.memref_slice %arg7[%dma_wait3A, %dma_wait3A_101, %dma_wait3A_102] : memref<2x128x128xf32, #tpu.memory_space<vmem>> -> memref<1x128x128xf32, #tpu.memory_space<vmem>>
        %dma_wait3A_104 = tpu.memref_squeeze %dma_wait3A_103 : memref<1x128x128xf32, #tpu.memory_space<vmem>> -> memref<128x128xf32, #tpu.memory_space<vmem>>
        %dma_wait3A_105 = arith.constant 0 : i32
        %dma_wait3A_106 = tpu.memref_slice %arg2[%multiple_of3A_91, %dma_wait3A_105] : memref<320000x128xf32, #tpu.memory_space<hbm>> -> memref<128x128xf32, #tpu.memory_space<hbm>>
        tpu.wait_dma2 semaphore(%dma_wait3A_100 : memref<!tpu.dma_semaphore, #tpu.memory_space<semaphore_mem>>) src(%dma_wait3A_106 : memref<128x128xf32, #tpu.memory_space<hbm>>) dst(%dma_wait3A_104 : memref<128x128xf32, #tpu.memory_space<vmem>>)
        %dma_start3A = arith.constant 0 : i32
        %dma_start3A_107 = arith.constant 0 : i32
        %dma_start3A_108 = arith.constant 0 : i32
        %dma_start3A_109 = arith.constant 0 : i32
        %dma_start3A_110 = tpu.memref_slice %arg7[%dma_start3A, %dma_start3A_108, %dma_start3A_109] : memref<2x128x128xf32, #tpu.memory_space<vmem>> -> memref<1x128x128xf32, #tpu.memory_space<vmem>>
        %dma_start3A_111 = tpu.memref_squeeze %dma_start3A_110 : memref<1x128x128xf32, #tpu.memory_space<vmem>> -> memref<128x128xf32, #tpu.memory_space<vmem>>
        %dma_start3A_112 = arith.constant 0 : i32
        %dma_start3A_113 = tpu.memref_slice %arg6[%add3A_50, %dma_start3A_112] : memref<80x128xi32, #tpu.memory_space<vmem>> -> memref<1x128xi32, #tpu.memory_space<vmem>>
        %dma_start3A_114 = tpu.memref_squeeze %dma_start3A_113 : memref<1x128xi32, #tpu.memory_space<vmem>> -> memref<128xi32, #tpu.memory_space<vmem>>
        %dma_start3A_115 = arith.constant 0 : i32
        %dma_start3A_116 = arith.constant 0 : i32
        %dma_start3A_117 = tpu.memref_slice %arg10[%dma_start3A_115, %dma_start3A_116] : memref<10000x128xf32, #tpu.memory_space<vmem_shared>> -> memref<10000x128xf32, #tpu.memory_space<vmem_shared>>
        %dma_start3A_118 = tpu.memref_slice %arg9[%dma_start3A_107] : memref<2x!tpu.dma_semaphore, #tpu.memory_space<semaphore_mem>> -> memref<1x!tpu.dma_semaphore, #tpu.memory_space<semaphore_mem>>
        %dma_start3A_119 = tpu.memref_squeeze %dma_start3A_118 : memref<1x!tpu.dma_semaphore, #tpu.memory_space<semaphore_mem>> -> memref<!tpu.dma_semaphore, #tpu.memory_space<semaphore_mem>>
        tpu.enqueue_indirect_dma source(%dma_start3A_111 : memref<128x128xf32, #tpu.memory_space<vmem>>) target(%dma_start3A_117 : memref<10000x128xf32, #tpu.memory_space<vmem_shared>>) offsets(%dma_start3A_114 : memref<128xi32, #tpu.memory_space<vmem>>) semaphore(%dma_start3A_119 : memref<!tpu.dma_semaphore, #tpu.memory_space<semaphore_mem>>) {add = true}
      } else {
      }
      %add3A_59 = arith.constant 1 : i32
      %add3A_60 = arith.addi %add3A_28, %add3A_59 : i32
      %mul3A_61 = arith.constant 32 : i32
      %mul3A_62 = arith.muli %mul3A_61, %add3A_60 : i32
      %add3A_63 = arith.addi %add3A, %mul3A_62 : i32
      %lt3A_64 = arith.constant 2500 : i32
      %lt3A_65 = arith.cmpi slt, %add3A_63, %lt3A_64 : i32
      %convert_element_type3A_66 = arith.extui %lt3A_65 : i1 to i32
      %cond3A_67 = arith.constant 0 : i32
      %cond3A_68 = arith.cmpi ne, %convert_element_type3A_66, %cond3A_67 : i32
      scf.if %cond3A_68 {
        %mul3A_89 = arith.constant 128 : i32
        %mul3A_90 = arith.muli %add3A_63, %mul3A_89 : i32
        %multiple_of3A_91 = tpu.assume_multiple %mul3A_90, 128 : i32
        %dma_wait3A = arith.constant 1 : i32
        %dma_wait3A_92 = arith.constant 1 : i32
        %dma_wait3A_93 = arith.constant 0 : i32
        %dma_wait3A_94 = arith.constant 0 : i32
        %dma_wait3A_95 = tpu.memref_slice %arg7[%dma_wait3A, %dma_wait3A_93, %dma_wait3A_94] : memref<2x128x128xf32, #tpu.memory_space<vmem>> -> memref<1x128x128xf32, #tpu.memory_space<vmem>>
        %dma_wait3A_96 = tpu.memref_squeeze %dma_wait3A_95 : memref<1x128x128xf32, #tpu.memory_space<vmem>> -> memref<128x128xf32, #tpu.memory_space<vmem>>
        %dma_wait3A_97 = arith.constant 0 : i32
        %dma_wait3A_98 = tpu.memref_slice %arg2[%multiple_of3A_91, %dma_wait3A_97] : memref<320000x128xf32, #tpu.memory_space<hbm>> -> memref<128x128xf32, #tpu.memory_space<hbm>>
        %dma_wait3A_99 = tpu.memref_slice %arg8[%dma_wait3A_92] : memref<2x!tpu.dma_semaphore, #tpu.memory_space<semaphore_mem>> -> memref<1x!tpu.dma_semaphore, #tpu.memory_space<semaphore_mem>>
        %dma_wait3A_100 = tpu.memref_squeeze %dma_wait3A_99 : memref<1x!tpu.dma_semaphore, #tpu.memory_space<semaphore_mem>> -> memref<!tpu.dma_semaphore, #tpu.memory_space<semaphore_mem>>
        %dma_wait3A_101 = arith.constant 0 : i32
        %dma_wait3A_102 = arith.constant 0 : i32
        %dma_wait3A_103 = tpu.memref_slice %arg7[%dma_wait3A, %dma_wait3A_101, %dma_wait3A_102] : memref<2x128x128xf32, #tpu.memory_space<vmem>> -> memref<1x128x128xf32, #tpu.memory_space<vmem>>
        %dma_wait3A_104 = tpu.memref_squeeze %dma_wait3A_103 : memref<1x128x128xf32, #tpu.memory_space<vmem>> -> memref<128x128xf32, #tpu.memory_space<vmem>>
        %dma_wait3A_105 = arith.constant 0 : i32
        %dma_wait3A_106 = tpu.memref_slice %arg2[%multiple_of3A_91, %dma_wait3A_105] : memref<320000x128xf32, #tpu.memory_space<hbm>> -> memref<128x128xf32, #tpu.memory_space<hbm>>
        tpu.wait_dma2 semaphore(%dma_wait3A_100 : memref<!tpu.dma_semaphore, #tpu.memory_space<semaphore_mem>>) src(%dma_wait3A_106 : memref<128x128xf32, #tpu.memory_space<hbm>>) dst(%dma_wait3A_104 : memref<128x128xf32, #tpu.memory_space<vmem>>)
        %dma_start3A = arith.constant 1 : i32
        %dma_start3A_107 = arith.constant 1 : i32
        %dma_start3A_108 = arith.constant 0 : i32
        %dma_start3A_109 = arith.constant 0 : i32
        %dma_start3A_110 = tpu.memref_slice %arg7[%dma_start3A, %dma_start3A_108, %dma_start3A_109] : memref<2x128x128xf32, #tpu.memory_space<vmem>> -> memref<1x128x128xf32, #tpu.memory_space<vmem>>
        %dma_start3A_111 = tpu.memref_squeeze %dma_start3A_110 : memref<1x128x128xf32, #tpu.memory_space<vmem>> -> memref<128x128xf32, #tpu.memory_space<vmem>>
        %dma_start3A_112 = arith.constant 0 : i32
        %dma_start3A_113 = tpu.memref_slice %arg6[%add3A_60, %dma_start3A_112] : memref<80x128xi32, #tpu.memory_space<vmem>> -> memref<1x128xi32, #tpu.memory_space<vmem>>
        %dma_start3A_114 = tpu.memref_squeeze %dma_start3A_113 : memref<1x128xi32, #tpu.memory_space<vmem>> -> memref<128xi32, #tpu.memory_space<vmem>>
        %dma_start3A_115 = arith.constant 0 : i32
        %dma_start3A_116 = arith.constant 0 : i32
        %dma_start3A_117 = tpu.memref_slice %arg10[%dma_start3A_115, %dma_start3A_116] : memref<10000x128xf32, #tpu.memory_space<vmem_shared>> -> memref<10000x128xf32, #tpu.memory_space<vmem_shared>>
        %dma_start3A_118 = tpu.memref_slice %arg9[%dma_start3A_107] : memref<2x!tpu.dma_semaphore, #tpu.memory_space<semaphore_mem>> -> memref<1x!tpu.dma_semaphore, #tpu.memory_space<semaphore_mem>>
        %dma_start3A_119 = tpu.memref_squeeze %dma_start3A_118 : memref<1x!tpu.dma_semaphore, #tpu.memory_space<semaphore_mem>> -> memref<!tpu.dma_semaphore, #tpu.memory_space<semaphore_mem>>
        tpu.enqueue_indirect_dma source(%dma_start3A_111 : memref<128x128xf32, #tpu.memory_space<vmem>>) target(%dma_start3A_117 : memref<10000x128xf32, #tpu.memory_space<vmem_shared>>) offsets(%dma_start3A_114 : memref<128xi32, #tpu.memory_space<vmem>>) semaphore(%dma_start3A_119 : memref<!tpu.dma_semaphore, #tpu.memory_space<semaphore_mem>>) {add = true}
      } else {
      }
      %add3A_69 = arith.constant 0 : i32
      %add3A_70 = arith.addi %add3A_28, %add3A_69 : i32
      %mul3A_71 = arith.constant 32 : i32
      %mul3A_72 = arith.muli %mul3A_71, %add3A_70 : i32
      %add3A_73 = arith.addi %add3A, %mul3A_72 : i32
      %lt3A_74 = arith.constant 2500 : i32
      %lt3A_75 = arith.cmpi slt, %add3A_73, %lt3A_74 : i32
      %convert_element_type3A_76 = arith.extui %lt3A_75 : i1 to i32
      %cond3A_77 = arith.constant 0 : i32
      %cond3A_78 = arith.cmpi ne, %convert_element_type3A_76, %cond3A_77 : i32
      scf.if %cond3A_78 {
        %dma_wait3A = arith.constant 0 : i32
        %dma_wait3A_89 = arith.constant 0 : i32
        %dma_wait3A_90 = arith.constant 0 : i32
        %dma_wait3A_91 = arith.constant 0 : i32
        %dma_wait3A_92 = tpu.memref_slice %arg7[%dma_wait3A, %dma_wait3A_90, %dma_wait3A_91] : memref<2x128x128xf32, #tpu.memory_space<vmem>> -> memref<1x128x128xf32, #tpu.memory_space<vmem>>
        %dma_wait3A_93 = tpu.memref_squeeze %dma_wait3A_92 : memref<1x128x128xf32, #tpu.memory_space<vmem>> -> memref<128x128xf32, #tpu.memory_space<vmem>>
        %dma_wait3A_94 = arith.constant 0 : i32
        %dma_wait3A_95 = tpu.memref_slice %arg6[%add3A_70, %dma_wait3A_94] : memref<80x128xi32, #tpu.memory_space<vmem>> -> memref<1x128xi32, #tpu.memory_space<vmem>>
        %dma_wait3A_96 = tpu.memref_squeeze %dma_wait3A_95 : memref<1x128xi32, #tpu.memory_space<vmem>> -> memref<128xi32, #tpu.memory_space<vmem>>
        %dma_wait3A_97 = arith.constant 0 : i32
        %dma_wait3A_98 = arith.constant 0 : i32
        %dma_wait3A_99 = tpu.memref_slice %arg10[%dma_wait3A_97, %dma_wait3A_98] : memref<10000x128xf32, #tpu.memory_space<vmem_shared>> -> memref<10000x128xf32, #tpu.memory_space<vmem_shared>>
        %dma_wait3A_100 = tpu.memref_slice %arg9[%dma_wait3A_89] : memref<2x!tpu.dma_semaphore, #tpu.memory_space<semaphore_mem>> -> memref<1x!tpu.dma_semaphore, #tpu.memory_space<semaphore_mem>>
        %dma_wait3A_101 = tpu.memref_squeeze %dma_wait3A_100 : memref<1x!tpu.dma_semaphore, #tpu.memory_space<semaphore_mem>> -> memref<!tpu.dma_semaphore, #tpu.memory_space<semaphore_mem>>
        tpu.wait_indirect_dma semaphore(%dma_wait3A_101 : memref<!tpu.dma_semaphore, #tpu.memory_space<semaphore_mem>>) src(%dma_wait3A_93 : memref<128x128xf32, #tpu.memory_space<vmem>>) dst(%dma_wait3A_99 : memref<10000x128xf32, #tpu.memory_space<vmem_shared>>)
      } else {
      }
      %add3A_79 = arith.constant 1 : i32
      %add3A_80 = arith.addi %add3A_28, %add3A_79 : i32
      %mul3A_81 = arith.constant 32 : i32
      %mul3A_82 = arith.muli %mul3A_81, %add3A_80 : i32
      %add3A_83 = arith.addi %add3A, %mul3A_82 : i32
      %lt3A_84 = arith.constant 2500 : i32
      %lt3A_85 = arith.cmpi slt, %add3A_83, %lt3A_84 : i32
      %convert_element_type3A_86 = arith.extui %lt3A_85 : i1 to i32
      %cond3A_87 = arith.constant 0 : i32
      %cond3A_88 = arith.cmpi ne, %convert_element_type3A_86, %cond3A_87 : i32
      scf.if %cond3A_88 {
        %dma_wait3A = arith.constant 1 : i32
        %dma_wait3A_89 = arith.constant 1 : i32
        %dma_wait3A_90 = arith.constant 0 : i32
        %dma_wait3A_91 = arith.constant 0 : i32
        %dma_wait3A_92 = tpu.memref_slice %arg7[%dma_wait3A, %dma_wait3A_90, %dma_wait3A_91] : memref<2x128x128xf32, #tpu.memory_space<vmem>> -> memref<1x128x128xf32, #tpu.memory_space<vmem>>
        %dma_wait3A_93 = tpu.memref_squeeze %dma_wait3A_92 : memref<1x128x128xf32, #tpu.memory_space<vmem>> -> memref<128x128xf32, #tpu.memory_space<vmem>>
        %dma_wait3A_94 = arith.constant 0 : i32
        %dma_wait3A_95 = tpu.memref_slice %arg6[%add3A_80, %dma_wait3A_94] : memref<80x128xi32, #tpu.memory_space<vmem>> -> memref<1x128xi32, #tpu.memory_space<vmem>>
        %dma_wait3A_96 = tpu.memref_squeeze %dma_wait3A_95 : memref<1x128xi32, #tpu.memory_space<vmem>> -> memref<128xi32, #tpu.memory_space<vmem>>
        %dma_wait3A_97 = arith.constant 0 : i32
        %dma_wait3A_98 = arith.constant 0 : i32
        %dma_wait3A_99 = tpu.memref_slice %arg10[%dma_wait3A_97, %dma_wait3A_98] : memref<10000x128xf32, #tpu.memory_space<vmem_shared>> -> memref<10000x128xf32, #tpu.memory_space<vmem_shared>>
        %dma_wait3A_100 = tpu.memref_slice %arg9[%dma_wait3A_89] : memref<2x!tpu.dma_semaphore, #tpu.memory_space<semaphore_mem>> -> memref<1x!tpu.dma_semaphore, #tpu.memory_space<semaphore_mem>>
        %dma_wait3A_101 = tpu.memref_squeeze %dma_wait3A_100 : memref<1x!tpu.dma_semaphore, #tpu.memory_space<semaphore_mem>> -> memref<!tpu.dma_semaphore, #tpu.memory_space<semaphore_mem>>
        tpu.wait_indirect_dma semaphore(%dma_wait3A_101 : memref<!tpu.dma_semaphore, #tpu.memory_space<semaphore_mem>>) src(%dma_wait3A_93 : memref<128x128xf32, #tpu.memory_space<vmem>>) dst(%dma_wait3A_99 : memref<10000x128xf32, #tpu.memory_space<vmem_shared>>)
      } else {
      }
    }
    %scan3A_12 = arith.constant 40 : i32
    %barrier3A_13 = arith.constant 0 : index
    tpu.barrier barrier_id(%barrier3A_13)
    %lt3A_14 = arith.constant 15 : i32
    %lt3A_15 = arith.cmpi slt, %arg1, %lt3A_14 : i32
    %convert_element_type3A_16 = arith.extui %lt3A_15 : i1 to i32
    %cond3A_17 = arith.constant 0 : i32
    %cond3A_18 = arith.cmpi ne, %convert_element_type3A_16, %cond3A_17 : i32
    scf.if %cond3A_18 {
      "tpu.region"() ({
        %run_scoped3A = tpu.sem_alloc : memref<!tpu.dma_semaphore, #tpu.memory_space<semaphore_mem>>
        %dma_start3A = arith.constant 0 : i32
        %dma_start3A_24 = arith.constant 0 : i32
        %dma_start3A_25 = tpu.memref_slice %arg5[%arg0, %dma_start3A, %dma_start3A_24] : memref<2x10000x128xf32, #tpu.memory_space<hbm>> -> memref<1x10000x128xf32, #tpu.memory_space<hbm>>
        %dma_start3A_26 = tpu.memref_squeeze %dma_start3A_25 : memref<1x10000x128xf32, #tpu.memory_space<hbm>> -> memref<10000x128xf32, #tpu.memory_space<hbm>>
        %dma_start3A_27 = arith.constant 0 : i32
        %dma_start3A_28 = tpu.memref_slice %dma_start3A_26[%multiple_of3A, %dma_start3A_27] : memref<10000x128xf32, #tpu.memory_space<hbm>> -> memref<632x128xf32, #tpu.memory_space<hbm>>
        %dma_start3A_29 = arith.constant 0 : i32
        %dma_start3A_30 = tpu.memref_slice %arg10[%multiple_of3A, %dma_start3A_29] : memref<10000x128xf32, #tpu.memory_space<vmem_shared>> -> memref<632x128xf32, #tpu.memory_space<vmem_shared>>
        tpu.enqueue_dma source(%dma_start3A_30 : memref<632x128xf32, #tpu.memory_space<vmem_shared>>) target(%dma_start3A_28 : memref<632x128xf32, #tpu.memory_space<hbm>>) target_semaphore(%run_scoped3A : memref<!tpu.dma_semaphore, #tpu.memory_space<semaphore_mem>>)
        %dma_wait3A = arith.constant 0 : i32
        %dma_wait3A_31 = arith.constant 0 : i32
        %dma_wait3A_32 = tpu.memref_slice %arg5[%arg0, %dma_wait3A, %dma_wait3A_31] : memref<2x10000x128xf32, #tpu.memory_space<hbm>> -> memref<1x10000x128xf32, #tpu.memory_space<hbm>>
        %dma_wait3A_33 = tpu.memref_squeeze %dma_wait3A_32 : memref<1x10000x128xf32, #tpu.memory_space<hbm>> -> memref<10000x128xf32, #tpu.memory_space<hbm>>
        %dma_wait3A_34 = arith.constant 0 : i32
        %dma_wait3A_35 = tpu.memref_slice %dma_wait3A_33[%multiple_of3A, %dma_wait3A_34] : memref<10000x128xf32, #tpu.memory_space<hbm>> -> memref<632x128xf32, #tpu.memory_space<hbm>>
        %dma_wait3A_36 = arith.constant 0 : i32
        %dma_wait3A_37 = tpu.memref_slice %arg10[%multiple_of3A, %dma_wait3A_36] : memref<10000x128xf32, #tpu.memory_space<vmem_shared>> -> memref<632x128xf32, #tpu.memory_space<vmem_shared>>
        tpu.wait_dma2 semaphore(%run_scoped3A : memref<!tpu.dma_semaphore, #tpu.memory_space<semaphore_mem>>) src(%dma_wait3A_37 : memref<632x128xf32, #tpu.memory_space<vmem_shared>>) dst(%dma_wait3A_35 : memref<632x128xf32, #tpu.memory_space<hbm>>)
        tpu.yield
      }) : () -> ()
    } else {
    }
    %eq3A_19 = arith.constant 15 : i32
    %eq3A_20 = arith.cmpi eq, %arg1, %eq3A_19 : i32
    %convert_element_type3A_21 = arith.extui %eq3A_20 : i1 to i32
    %cond3A_22 = arith.constant 0 : i32
    %cond3A_23 = arith.cmpi ne, %convert_element_type3A_21, %cond3A_22 : i32
    scf.if %cond3A_23 {
      "tpu.region"() ({
        %run_scoped3A = tpu.sem_alloc : memref<!tpu.dma_semaphore, #tpu.memory_space<semaphore_mem>>
        %dma_start3A = arith.constant 0 : i32
        %dma_start3A_24 = arith.constant 0 : i32
        %dma_start3A_25 = tpu.memref_slice %arg5[%arg0, %dma_start3A, %dma_start3A_24] : memref<2x10000x128xf32, #tpu.memory_space<hbm>> -> memref<1x10000x128xf32, #tpu.memory_space<hbm>>
        %dma_start3A_26 = tpu.memref_squeeze %dma_start3A_25 : memref<1x10000x128xf32, #tpu.memory_space<hbm>> -> memref<10000x128xf32, #tpu.memory_space<hbm>>
        %dma_start3A_27 = arith.constant 9480 : i32
        %dma_start3A_28 = arith.constant 0 : i32
        %dma_start3A_29 = tpu.memref_slice %dma_start3A_26[%dma_start3A_27, %dma_start3A_28] : memref<10000x128xf32, #tpu.memory_space<hbm>> -> memref<520x128xf32, #tpu.memory_space<hbm>>
        %dma_start3A_30 = arith.constant 9480 : i32
        %dma_start3A_31 = arith.constant 0 : i32
        %dma_start3A_32 = tpu.memref_slice %arg10[%dma_start3A_30, %dma_start3A_31] : memref<10000x128xf32, #tpu.memory_space<vmem_shared>> -> memref<520x128xf32, #tpu.memory_space<vmem_shared>>
        tpu.enqueue_dma source(%dma_start3A_32 : memref<520x128xf32, #tpu.memory_space<vmem_shared>>) target(%dma_start3A_29 : memref<520x128xf32, #tpu.memory_space<hbm>>) target_semaphore(%run_scoped3A : memref<!tpu.dma_semaphore, #tpu.memory_space<semaphore_mem>>)
        %dma_wait3A = arith.constant 0 : i32
        %dma_wait3A_33 = arith.constant 0 : i32
        %dma_wait3A_34 = tpu.memref_slice %arg5[%arg0, %dma_wait3A, %dma_wait3A_33] : memref<2x10000x128xf32, #tpu.memory_space<hbm>> -> memref<1x10000x128xf32, #tpu.memory_space<hbm>>
        %dma_wait3A_35 = tpu.memref_squeeze %dma_wait3A_34 : memref<1x10000x128xf32, #tpu.memory_space<hbm>> -> memref<10000x128xf32, #tpu.memory_space<hbm>>
        %dma_wait3A_36 = arith.constant 9480 : i32
        %dma_wait3A_37 = arith.constant 0 : i32
        %dma_wait3A_38 = tpu.memref_slice %dma_wait3A_35[%dma_wait3A_36, %dma_wait3A_37] : memref<10000x128xf32, #tpu.memory_space<hbm>> -> memref<520x128xf32, #tpu.memory_space<hbm>>
        %dma_wait3A_39 = arith.constant 9480 : i32
        %dma_wait3A_40 = arith.constant 0 : i32
        %dma_wait3A_41 = tpu.memref_slice %arg10[%dma_wait3A_39, %dma_wait3A_40] : memref<10000x128xf32, #tpu.memory_space<vmem_shared>> -> memref<520x128xf32, #tpu.memory_space<vmem_shared>>
        tpu.wait_dma2 semaphore(%run_scoped3A : memref<!tpu.dma_semaphore, #tpu.memory_space<semaphore_mem>>) src(%dma_wait3A_41 : memref<520x128xf32, #tpu.memory_space<vmem_shared>>) dst(%dma_wait3A_38 : memref<520x128xf32, #tpu.memory_space<hbm>>)
        tpu.yield
      }) : () -> ()
    } else {
    }
    return
  }
}

module attributes {stable_mosaic.version = 14 : i64} {
  func.func @_node_mm_body(%arg0: i32, %arg1: memref<2000x128xf32, #tpu.memory_space<vmem>>, %arg2: memref<128x128xf32, #tpu.memory_space<vmem>>, %arg3: memref<128x128xf32, #tpu.memory_space<vmem>>, %arg4: memref<2000x128xf32, #tpu.memory_space<vmem>>, %arg5: memref<2000x128xf32, #tpu.memory_space<vmem>>) attributes {dimension_semantics = [#tpu.dimension_semantics<arbitrary>], iteration_bounds = array<i64: 5>, scalar_prefetch = 0 : i64, scratch_operands = 0 : i64, tpu.core_type = #tpu.core_type<tc>, window_params = [{transform_indices = @transform_0, window_bounds = array<i64: 2000, 128>}, {pipeline_mode = #tpu.pipeline_mode<synchronous>, transform_indices = @transform_1, window_bounds = array<i64: 128, 128>}, {pipeline_mode = #tpu.pipeline_mode<synchronous>, transform_indices = @transform_2, window_bounds = array<i64: 128, 128>}, {transform_indices = @transform_3, window_bounds = array<i64: 2000, 128>}, {transform_indices = @transform_4, window_bounds = array<i64: 2000, 128>}]} {
    %get3A = arith.constant 0 : index
    %get3A_0 = arith.constant 0 : index
    %get3A_1 = vector.load %arg1[%get3A, %get3A_0] : memref<2000x128xf32, #tpu.memory_space<vmem>>, vector<2000x128xf32>
    %get3A_2 = arith.constant 0 : index
    %get3A_3 = arith.constant 0 : index
    %get3A_4 = vector.load %arg2[%get3A_2, %get3A_3] : memref<128x128xf32, #tpu.memory_space<vmem>>, vector<128x128xf32>
    %dot_general3A = arith.constant dense<0.000000e+00> : vector<2000x128xf32>
    %dot_general3A_5 = tpu.matmul %get3A_1, %get3A_4, %dot_general3A {dimension_numbers = #tpu.dot_dimension_numbers<[1], [0], [0], [1], [0, 0, 1, 1], [], []>, transpose_lhs_hint = false} : vector<2000x128xf32>, vector<128x128xf32>, vector<2000x128xf32> -> vector<2000x128xf32>
    %swap3A = arith.constant 0 : index
    %swap3A_6 = arith.constant 0 : index
    %swap3A_7 = vector.load %arg4[%swap3A, %swap3A_6] : memref<2000x128xf32, #tpu.memory_space<vmem>>, vector<2000x128xf32>
    tpu.vector_store %arg4[%swap3A, %swap3A_6], %dot_general3A_5 {strides = array<i32>} : memref<2000x128xf32, #tpu.memory_space<vmem>>, vector<2000x128xf32>,
    %get3A_8 = arith.constant 0 : index
    %get3A_9 = arith.constant 0 : index
    %get3A_10 = vector.load %arg3[%get3A_8, %get3A_9] : memref<128x128xf32, #tpu.memory_space<vmem>>, vector<128x128xf32>
    %dot_general3A_11 = arith.constant dense<0.000000e+00> : vector<2000x128xf32>
    %dot_general3A_12 = tpu.matmul %get3A_1, %get3A_10, %dot_general3A_11 {dimension_numbers = #tpu.dot_dimension_numbers<[1], [0], [0], [1], [0, 0, 1, 1], [], []>, transpose_lhs_hint = false} : vector<2000x128xf32>, vector<128x128xf32>, vector<2000x128xf32> -> vector<2000x128xf32>
    %swap3A_13 = arith.constant 0 : index
    %swap3A_14 = arith.constant 0 : index
    %swap3A_15 = vector.load %arg5[%swap3A_13, %swap3A_14] : memref<2000x128xf32, #tpu.memory_space<vmem>>, vector<2000x128xf32>
    tpu.vector_store %arg5[%swap3A_13, %swap3A_14], %dot_general3A_12 {strides = array<i32>} : memref<2000x128xf32, #tpu.memory_space<vmem>>, vector<2000x128xf32>,
    return
  }
  func.func @transform_0(%arg0: i32) -> (i32, i32) {
    %c0_i32 = arith.constant 0 : i32
    %c0_i32_0 = arith.constant 0 : i32
    return %arg0, %c0_i32 : i32, i32
  }
  func.func @transform_1(%arg0: i32) -> (i32, i32) {
    %c0_i32 = arith.constant 0 : i32
    %c0_i32_0 = arith.constant 0 : i32
    %c0_i32_1 = arith.constant 0 : i32
    return %c0_i32, %c0_i32_0 : i32, i32
  }
  func.func @transform_2(%arg0: i32) -> (i32, i32) {
    %c0_i32 = arith.constant 0 : i32
    %c0_i32_0 = arith.constant 0 : i32
    %c0_i32_1 = arith.constant 0 : i32
    return %c0_i32, %c0_i32_0 : i32, i32
  }
  func.func @transform_3(%arg0: i32) -> (i32, i32) {
    %c0_i32 = arith.constant 0 : i32
    %c0_i32_0 = arith.constant 0 : i32
    return %arg0, %c0_i32 : i32, i32
  }
  func.func @transform_4(%arg0: i32) -> (i32, i32) {
    %c0_i32 = arith.constant 0 : i32
    %c0_i32_0 = arith.constant 0 : i32
    return %arg0, %c0_i32 : i32, i32
  }
}

module attributes {stable_mosaic.version = 14 : i64} {
  func.func @_edge_init_body(%arg0: i32, %arg1: memref<2000x128xf32, #tpu.memory_space<vmem>>, %arg2: memref<2000x16xf32, #tpu.memory_space<vmem>>, %arg3: memref<16x128xf32, #tpu.memory_space<vmem>>, %arg4: memref<128x128xf32, #tpu.memory_space<vmem>>, %arg5: memref<2000x128xbf16, #tpu.memory_space<vmem>>, %arg6: memref<2000x128xf32, #tpu.memory_space<vmem>>) attributes {dimension_semantics = [#tpu.dimension_semantics<arbitrary>], iteration_bounds = array<i64: 160>, scalar_prefetch = 0 : i64, scratch_operands = 0 : i64, tpu.core_type = #tpu.core_type<tc>, window_params = [{transform_indices = @transform_0, window_bounds = array<i64: 2000, 128>}, {transform_indices = @transform_1, window_bounds = array<i64: 2000, 16>}, {pipeline_mode = #tpu.pipeline_mode<synchronous>, transform_indices = @transform_2, window_bounds = array<i64: 16, 128>}, {pipeline_mode = #tpu.pipeline_mode<synchronous>, transform_indices = @transform_3, window_bounds = array<i64: 128, 128>}, {transform_indices = @transform_4, window_bounds = array<i64: 2000, 128>}, {transform_indices = @transform_5, window_bounds = array<i64: 2000, 128>}]} {
    %get3A = arith.constant 0 : index
    %get3A_0 = arith.constant 0 : index
    %get3A_1 = vector.load %arg1[%get3A, %get3A_0] : memref<2000x128xf32, #tpu.memory_space<vmem>>, vector<2000x128xf32>
    %get3A_2 = arith.constant 0 : index
    %get3A_3 = arith.constant 0 : index
    %get3A_4 = vector.load %arg2[%get3A_2, %get3A_3] : memref<2000x16xf32, #tpu.memory_space<vmem>>, vector<2000x16xf32>
    %get3A_5 = arith.constant 0 : index
    %get3A_6 = arith.constant 0 : index
    %get3A_7 = vector.load %arg3[%get3A_5, %get3A_6] : memref<16x128xf32, #tpu.memory_space<vmem>>, vector<16x128xf32>
    %dot_general3A = arith.constant dense<0.000000e+00> : vector<2000x128xf32>
    %dot_general3A_8 = tpu.matmul %get3A_4, %get3A_7, %dot_general3A {dimension_numbers = #tpu.dot_dimension_numbers<[1], [0], [0], [1], [0, 0, 1, 1], [], []>, transpose_lhs_hint = false} : vector<2000x16xf32>, vector<16x128xf32>, vector<2000x128xf32> -> vector<2000x128xf32>
    %add3A = arith.addf %get3A_1, %dot_general3A_8 : vector<2000x128xf32>
    %max3A = arith.constant 0.000000e+00 : f32
    %max3A_9 = vector.broadcast %max3A : f32 to vector<2000x128xf32>
    %max3A_10 = arith.maximumf %add3A, %max3A_9 : vector<2000x128xf32>
    %convert_element_type3A = arith.truncf %max3A_10 : vector<2000x128xf32> to vector<2000x128xbf16>
    %swap3A = arith.constant 0 : index
    %swap3A_11 = arith.constant 0 : index
    %swap3A_12 = vector.load %arg5[%swap3A, %swap3A_11] : memref<2000x128xbf16, #tpu.memory_space<vmem>>, vector<2000x128xbf16>
    tpu.vector_store %arg5[%swap3A, %swap3A_11], %convert_element_type3A {strides = array<i32>} : memref<2000x128xbf16, #tpu.memory_space<vmem>>, vector<2000x128xbf16>,
    %convert_element_type3A_13 = arith.truncf %max3A_10 : vector<2000x128xf32> to vector<2000x128xbf16>
    %get3A_14 = arith.constant 0 : index
    %get3A_15 = arith.constant 0 : index
    %get3A_16 = vector.load %arg4[%get3A_14, %get3A_15] : memref<128x128xf32, #tpu.memory_space<vmem>>, vector<128x128xf32>
    %convert_element_type3A_17 = arith.truncf %get3A_16 : vector<128x128xf32> to vector<128x128xbf16>
    %dot_general3A_18 = arith.constant dense<0.000000e+00> : vector<2000x128xf32>
    %dot_general3A_19 = tpu.matmul %convert_element_type3A_13, %convert_element_type3A_17, %dot_general3A_18 {dimension_numbers = #tpu.dot_dimension_numbers<[1], [0], [0], [1], [0, 0, 1, 1], [], []>, transpose_lhs_hint = false} : vector<2000x128xbf16>, vector<128x128xbf16>, vector<2000x128xf32> -> vector<2000x128xf32>
    %swap3A_20 = arith.constant 0 : index
    %swap3A_21 = arith.constant 0 : index
    %swap3A_22 = vector.load %arg6[%swap3A_20, %swap3A_21] : memref<2000x128xf32, #tpu.memory_space<vmem>>, vector<2000x128xf32>
    tpu.vector_store %arg6[%swap3A_20, %swap3A_21], %dot_general3A_19 {strides = array<i32>} : memref<2000x128xf32, #tpu.memory_space<vmem>>, vector<2000x128xf32>,
    return
  }
  func.func @transform_0(%arg0: i32) -> (i32, i32) {
    %c0_i32 = arith.constant 0 : i32
    %c0_i32_0 = arith.constant 0 : i32
    return %arg0, %c0_i32 : i32, i32
  }
  func.func @transform_1(%arg0: i32) -> (i32, i32) {
    %c0_i32 = arith.constant 0 : i32
    %c0_i32_0 = arith.constant 0 : i32
    return %arg0, %c0_i32 : i32, i32
  }
  func.func @transform_2(%arg0: i32) -> (i32, i32) {
    %c0_i32 = arith.constant 0 : i32
    %c0_i32_0 = arith.constant 0 : i32
    %c0_i32_1 = arith.constant 0 : i32
    return %c0_i32, %c0_i32_0 : i32, i32
  }
  func.func @transform_3(%arg0: i32) -> (i32, i32) {
    %c0_i32 = arith.constant 0 : i32
    %c0_i32_0 = arith.constant 0 : i32
    %c0_i32_1 = arith.constant 0 : i32
    return %c0_i32, %c0_i32_0 : i32, i32
  }
  func.func @transform_4(%arg0: i32) -> (i32, i32) {
    %c0_i32 = arith.constant 0 : i32
    %c0_i32_0 = arith.constant 0 : i32
    return %arg0, %c0_i32 : i32, i32
  }
  func.func @transform_5(%arg0: i32) -> (i32, i32) {
    %c0_i32 = arith.constant 0 : i32
    %c0_i32_0 = arith.constant 0 : i32
    return %arg0, %c0_i32 : i32, i32
  }
}

module attributes {stable_mosaic.version = 14 : i64} {
  func.func @_add2_body(%arg0: i32, %arg1: memref<2000x128xf32, #tpu.memory_space<vmem>>, %arg2: memref<2000x128xf32, #tpu.memory_space<vmem>>, %arg3: memref<2000x128xf32, #tpu.memory_space<vmem>>) attributes {dimension_semantics = [#tpu.dimension_semantics<arbitrary>], iteration_bounds = array<i64: 5>, scalar_prefetch = 0 : i64, scratch_operands = 0 : i64, tpu.core_type = #tpu.core_type<tc>, window_params = [{transform_indices = @transform_0, window_bounds = array<i64: 2000, 128>}, {transform_indices = @transform_1, window_bounds = array<i64: 2000, 128>}, {transform_indices = @transform_2, window_bounds = array<i64: 2000, 128>}]} {
    %get3A = arith.constant 0 : index
    %get3A_0 = arith.constant 0 : index
    %get3A_1 = vector.load %arg1[%get3A, %get3A_0] : memref<2000x128xf32, #tpu.memory_space<vmem>>, vector<2000x128xf32>
    %get3A_2 = arith.constant 0 : index
    %get3A_3 = arith.constant 0 : index
    %get3A_4 = vector.load %arg2[%get3A_2, %get3A_3] : memref<2000x128xf32, #tpu.memory_space<vmem>>, vector<2000x128xf32>
    %add3A = arith.addf %get3A_1, %get3A_4 : vector<2000x128xf32>
    %swap3A = arith.constant 0 : index
    %swap3A_5 = arith.constant 0 : index
    %swap3A_6 = vector.load %arg3[%swap3A, %swap3A_5] : memref<2000x128xf32, #tpu.memory_space<vmem>>, vector<2000x128xf32>
    tpu.vector_store %arg3[%swap3A, %swap3A_5], %add3A {strides = array<i32>} : memref<2000x128xf32, #tpu.memory_space<vmem>>, vector<2000x128xf32>,
    return
  }
  func.func @transform_0(%arg0: i32) -> (i32, i32) {
    %c0_i32 = arith.constant 0 : i32
    %c0_i32_0 = arith.constant 0 : i32
    return %arg0, %c0_i32 : i32, i32
  }
  func.func @transform_1(%arg0: i32) -> (i32, i32) {
    %c0_i32 = arith.constant 0 : i32
    %c0_i32_0 = arith.constant 0 : i32
    return %arg0, %c0_i32 : i32, i32
  }
  func.func @transform_2(%arg0: i32) -> (i32, i32) {
    %c0_i32 = arith.constant 0 : i32
    %c0_i32_0 = arith.constant 0 : i32
    return %arg0, %c0_i32 : i32, i32
  }
}

module attributes {stable_mosaic.version = 14 : i64} {
  func.func @_edge_final_body(%arg0: i32, %arg1: memref<2000x128xbf16, #tpu.memory_space<vmem>>, %arg2: memref<2000x128xf32, #tpu.memory_space<vmem>>, %arg3: memref<2000x128xf32, #tpu.memory_space<vmem>>, %arg4: memref<2000x128xf32, #tpu.memory_space<vmem>>) attributes {dimension_semantics = [#tpu.dimension_semantics<arbitrary>], iteration_bounds = array<i64: 160>, scalar_prefetch = 0 : i64, scratch_operands = 0 : i64, tpu.core_type = #tpu.core_type<tc>, window_params = [{transform_indices = @transform_0, window_bounds = array<i64: 2000, 128>}, {transform_indices = @transform_1, window_bounds = array<i64: 2000, 128>}, {transform_indices = @transform_2, window_bounds = array<i64: 2000, 128>}, {transform_indices = @transform_3, window_bounds = array<i64: 2000, 128>}]} {
    %get3A = arith.constant 0 : index
    %get3A_0 = arith.constant 0 : index
    %get3A_1 = vector.load %arg1[%get3A, %get3A_0] : memref<2000x128xbf16, #tpu.memory_space<vmem>>, vector<2000x128xbf16>
    %convert_element_type3A = arith.extf %get3A_1 : vector<2000x128xbf16> to vector<2000x128xf32>
    %get3A_2 = arith.constant 0 : index
    %get3A_3 = arith.constant 0 : index
    %get3A_4 = vector.load %arg2[%get3A_2, %get3A_3] : memref<2000x128xf32, #tpu.memory_space<vmem>>, vector<2000x128xf32>
    %add3A = arith.addf %convert_element_type3A, %get3A_4 : vector<2000x128xf32>
    %get3A_5 = arith.constant 0 : index
    %get3A_6 = arith.constant 0 : index
    %get3A_7 = vector.load %arg3[%get3A_5, %get3A_6] : memref<2000x128xf32, #tpu.memory_space<vmem>>, vector<2000x128xf32>
    %iota3A = tpu.iota {dimensions = array<i32: 0>} : vector<2000x128xi32>
    %jit3A = arith.constant 2 : i32
    %eq3A = arith.constant 0 : i32
    %eq3A_8 = arith.cmpi eq, %jit3A, %eq3A : i32
    %jit3A_9 = arith.constant 1 : i32
    %select_n3A = arith.select %eq3A_8, %jit3A_9, %jit3A : i32
    %rem3A = vector.broadcast %select_n3A : i32 to vector<2000x128xi32>
    %rem3A_10 = arith.remsi %iota3A, %rem3A : vector<2000x128xi32>
    %ne3A = arith.constant 0 : i32
    %ne3A_11 = vector.broadcast %ne3A : i32 to vector<2000x128xi32>
    %ne3A_12 = arith.cmpi ne, %rem3A_10, %ne3A_11 : vector<2000x128xi32>
    %lt3A = arith.constant 0 : i32
    %lt3A_13 = vector.broadcast %lt3A : i32 to vector<2000x128xi32>
    %lt3A_14 = arith.cmpi slt, %rem3A_10, %lt3A_13 : vector<2000x128xi32>
    %lt3A_15 = arith.constant 0 : i32
    %lt3A_16 = arith.cmpi slt, %select_n3A, %lt3A_15 : i32
    %ne3A_17 = vector.broadcast %lt3A_16 : i1 to vector<2000x128xi1>
    %ne3A_18 = vector.broadcast %ne3A_17 : vector<2000x128xi1> to vector<2000x128xi1>
    %ne3A_19 = arith.xori %lt3A_14, %ne3A_18 : vector<2000x128xi1>
    %and3A = arith.andi %ne3A_19, %ne3A_12 : vector<2000x128xi1>
    %add3A_20 = vector.broadcast %select_n3A : i32 to vector<2000x128xi32>
    %add3A_21 = arith.addi %rem3A_10, %add3A_20 : vector<2000x128xi32>
    %select_n3A_22 = arith.select %and3A, %add3A_21, %rem3A_10 : vector<2000x128xi1>, vector<2000x128xi32>
    %eq3A_23 = arith.constant 0 : i32
    %eq3A_24 = vector.broadcast %eq3A_23 : i32 to vector<2000x128xi32>
    %eq3A_25 = arith.cmpi eq, %select_n3A_22, %eq3A_24 : vector<2000x128xi32>
    %slice3A = vector.extract_strided_slice %get3A_7 {offsets = [1, 0], sizes = [1999, 128], strides = [1, 1]} : vector<2000x128xf32> to vector<1999x128xf32>
    %slice3A_26 = vector.extract_strided_slice %get3A_7 {offsets = [0, 0], sizes = [1, 128], strides = [1, 1]} : vector<2000x128xf32> to vector<1x128xf32>
    %concatenate3A = tpu.concatenate %slice3A, %slice3A_26 in 0 : vector<1999x128xf32>, vector<1x128xf32> -> vector<2000x128xf32>
    %slice3A_27 = vector.extract_strided_slice %get3A_7 {offsets = [1999, 0], sizes = [1, 128], strides = [1, 1]} : vector<2000x128xf32> to vector<1x128xf32>
    %slice3A_28 = vector.extract_strided_slice %get3A_7 {offsets = [0, 0], sizes = [1999, 128], strides = [1, 1]} : vector<2000x128xf32> to vector<1999x128xf32>
    %concatenate3A_29 = tpu.concatenate %slice3A_27, %slice3A_28 in 0 : vector<1x128xf32>, vector<1999x128xf32> -> vector<2000x128xf32>
    %select_n3A_30 = arith.select %eq3A_25, %concatenate3A, %concatenate3A_29 : vector<2000x128xi1>, vector<2000x128xf32>
    %sub3A = arith.subf %add3A, %select_n3A_30 : vector<2000x128xf32>
    %max3A = arith.constant 0.000000e+00 : f32
    %max3A_31 = vector.broadcast %max3A : f32 to vector<2000x128xf32>
    %max3A_32 = arith.maximumf %sub3A, %max3A_31 : vector<2000x128xf32>
    %swap3A = arith.constant 0 : index
    %swap3A_33 = arith.constant 0 : index
    %swap3A_34 = vector.load %arg4[%swap3A, %swap3A_33] : memref<2000x128xf32, #tpu.memory_space<vmem>>, vector<2000x128xf32>
    tpu.vector_store %arg4[%swap3A, %swap3A_33], %max3A_32 {strides = array<i32>} : memref<2000x128xf32, #tpu.memory_space<vmem>>, vector<2000x128xf32>,
    return
  }
  func.func @transform_0(%arg0: i32) -> (i32, i32) {
    %c0_i32 = arith.constant 0 : i32
    %c0_i32_0 = arith.constant 0 : i32
    return %arg0, %c0_i32 : i32, i32
  }
  func.func @transform_1(%arg0: i32) -> (i32, i32) {
    %c0_i32 = arith.constant 0 : i32
    %c0_i32_0 = arith.constant 0 : i32
    return %arg0, %c0_i32 : i32, i32
  }
  func.func @transform_2(%arg0: i32) -> (i32, i32) {
    %c0_i32 = arith.constant 0 : i32
    %c0_i32_0 = arith.constant 0 : i32
    return %arg0, %c0_i32 : i32, i32
  }
  func.func @transform_3(%arg0: i32) -> (i32, i32) {
    %c0_i32 = arith.constant 0 : i32
    %c0_i32_0 = arith.constant 0 : i32
    return %arg0, %c0_i32 : i32, i32
  }
}

module attributes {stable_mosaic.version = 14 : i64} {
  func.func @_edge_round_body(%arg0: i32, %arg1: memref<2000x128xbf16, #tpu.memory_space<vmem>>, %arg2: memref<2000x128xf32, #tpu.memory_space<vmem>>, %arg3: memref<2000x128xf32, #tpu.memory_space<vmem>>, %arg4: memref<128x128xf32, #tpu.memory_space<vmem>>, %arg5: memref<2000x128xf32, #tpu.memory_space<vmem>>) attributes {dimension_semantics = [#tpu.dimension_semantics<arbitrary>], iteration_bounds = array<i64: 160>, scalar_prefetch = 0 : i64, scratch_operands = 0 : i64, tpu.core_type = #tpu.core_type<tc>, window_params = [{transform_indices = @transform_0, window_bounds = array<i64: 2000, 128>}, {transform_indices = @transform_1, window_bounds = array<i64: 2000, 128>}, {transform_indices = @transform_2, window_bounds = array<i64: 2000, 128>}, {pipeline_mode = #tpu.pipeline_mode<synchronous>, transform_indices = @transform_3, window_bounds = array<i64: 128, 128>}, {transform_indices = @transform_4, window_bounds = array<i64: 2000, 128>}]} {
    %get3A = arith.constant 0 : index
    %get3A_0 = arith.constant 0 : index
    %get3A_1 = vector.load %arg1[%get3A, %get3A_0] : memref<2000x128xbf16, #tpu.memory_space<vmem>>, vector<2000x128xbf16>
    %convert_element_type3A = arith.extf %get3A_1 : vector<2000x128xbf16> to vector<2000x128xf32>
    %get3A_2 = arith.constant 0 : index
    %get3A_3 = arith.constant 0 : index
    %get3A_4 = vector.load %arg2[%get3A_2, %get3A_3] : memref<2000x128xf32, #tpu.memory_space<vmem>>, vector<2000x128xf32>
    %add3A = arith.addf %convert_element_type3A, %get3A_4 : vector<2000x128xf32>
    %get3A_5 = arith.constant 0 : index
    %get3A_6 = arith.constant 0 : index
    %get3A_7 = vector.load %arg3[%get3A_5, %get3A_6] : memref<2000x128xf32, #tpu.memory_space<vmem>>, vector<2000x128xf32>
    %iota3A = tpu.iota {dimensions = array<i32: 0>} : vector<2000x128xi32>
    %jit3A = arith.constant 2 : i32
    %eq3A = arith.constant 0 : i32
    %eq3A_8 = arith.cmpi eq, %jit3A, %eq3A : i32
    %jit3A_9 = arith.constant 1 : i32
    %select_n3A = arith.select %eq3A_8, %jit3A_9, %jit3A : i32
    %rem3A = vector.broadcast %select_n3A : i32 to vector<2000x128xi32>
    %rem3A_10 = arith.remsi %iota3A, %rem3A : vector<2000x128xi32>
    %ne3A = arith.constant 0 : i32
    %ne3A_11 = vector.broadcast %ne3A : i32 to vector<2000x128xi32>
    %ne3A_12 = arith.cmpi ne, %rem3A_10, %ne3A_11 : vector<2000x128xi32>
    %lt3A = arith.constant 0 : i32
    %lt3A_13 = vector.broadcast %lt3A : i32 to vector<2000x128xi32>
    %lt3A_14 = arith.cmpi slt, %rem3A_10, %lt3A_13 : vector<2000x128xi32>
    %lt3A_15 = arith.constant 0 : i32
    %lt3A_16 = arith.cmpi slt, %select_n3A, %lt3A_15 : i32
    %ne3A_17 = vector.broadcast %lt3A_16 : i1 to vector<2000x128xi1>
    %ne3A_18 = vector.broadcast %ne3A_17 : vector<2000x128xi1> to vector<2000x128xi1>
    %ne3A_19 = arith.xori %lt3A_14, %ne3A_18 : vector<2000x128xi1>
    %and3A = arith.andi %ne3A_19, %ne3A_12 : vector<2000x128xi1>
    %add3A_20 = vector.broadcast %select_n3A : i32 to vector<2000x128xi32>
    %add3A_21 = arith.addi %rem3A_10, %add3A_20 : vector<2000x128xi32>
    %select_n3A_22 = arith.select %and3A, %add3A_21, %rem3A_10 : vector<2000x128xi1>, vector<2000x128xi32>
    %eq3A_23 = arith.constant 0 : i32
    %eq3A_24 = vector.broadcast %eq3A_23 : i32 to vector<2000x128xi32>
    %eq3A_25 = arith.cmpi eq, %select_n3A_22, %eq3A_24 : vector<2000x128xi32>
    %slice3A = vector.extract_strided_slice %get3A_7 {offsets = [1, 0], sizes = [1999, 128], strides = [1, 1]} : vector<2000x128xf32> to vector<1999x128xf32>
    %slice3A_26 = vector.extract_strided_slice %get3A_7 {offsets = [0, 0], sizes = [1, 128], strides = [1, 1]} : vector<2000x128xf32> to vector<1x128xf32>
    %concatenate3A = tpu.concatenate %slice3A, %slice3A_26 in 0 : vector<1999x128xf32>, vector<1x128xf32> -> vector<2000x128xf32>
    %slice3A_27 = vector.extract_strided_slice %get3A_7 {offsets = [1999, 0], sizes = [1, 128], strides = [1, 1]} : vector<2000x128xf32> to vector<1x128xf32>
    %slice3A_28 = vector.extract_strided_slice %get3A_7 {offsets = [0, 0], sizes = [1999, 128], strides = [1, 1]} : vector<2000x128xf32> to vector<1999x128xf32>
    %concatenate3A_29 = tpu.concatenate %slice3A_27, %slice3A_28 in 0 : vector<1x128xf32>, vector<1999x128xf32> -> vector<2000x128xf32>
    %select_n3A_30 = arith.select %eq3A_25, %concatenate3A, %concatenate3A_29 : vector<2000x128xi1>, vector<2000x128xf32>
    %sub3A = arith.subf %add3A, %select_n3A_30 : vector<2000x128xf32>
    %max3A = arith.constant 0.000000e+00 : f32
    %max3A_31 = vector.broadcast %max3A : f32 to vector<2000x128xf32>
    %max3A_32 = arith.maximumf %sub3A, %max3A_31 : vector<2000x128xf32>
    %convert_element_type3A_33 = arith.truncf %max3A_32 : vector<2000x128xf32> to vector<2000x128xbf16>
    %get3A_34 = arith.constant 0 : index
    %get3A_35 = arith.constant 0 : index
    %get3A_36 = vector.load %arg4[%get3A_34, %get3A_35] : memref<128x128xf32, #tpu.memory_space<vmem>>, vector<128x128xf32>
    %convert_element_type3A_37 = arith.truncf %get3A_36 : vector<128x128xf32> to vector<128x128xbf16>
    %dot_general3A = arith.constant dense<0.000000e+00> : vector<2000x128xf32>
    %dot_general3A_38 = tpu.matmul %convert_element_type3A_33, %convert_element_type3A_37, %dot_general3A {dimension_numbers = #tpu.dot_dimension_numbers<[1], [0], [0], [1], [0, 0, 1, 1], [], []>, transpose_lhs_hint = false} : vector<2000x128xbf16>, vector<128x128xbf16>, vector<2000x128xf32> -> vector<2000x128xf32>
    %swap3A = arith.constant 0 : index
    %swap3A_39 = arith.constant 0 : index
    %swap3A_40 = vector.load %arg5[%swap3A, %swap3A_39] : memref<2000x128xf32, #tpu.memory_space<vmem>>, vector<2000x128xf32>
    tpu.vector_store %arg5[%swap3A, %swap3A_39], %dot_general3A_38 {strides = array<i32>} : memref<2000x128xf32, #tpu.memory_space<vmem>>, vector<2000x128xf32>,
    return
  }
  func.func @transform_0(%arg0: i32) -> (i32, i32) {
    %c0_i32 = arith.constant 0 : i32
    %c0_i32_0 = arith.constant 0 : i32
    return %arg0, %c0_i32 : i32, i32
  }
  func.func @transform_1(%arg0: i32) -> (i32, i32) {
    %c0_i32 = arith.constant 0 : i32
    %c0_i32_0 = arith.constant 0 : i32
    return %arg0, %c0_i32 : i32, i32
  }
  func.func @transform_2(%arg0: i32) -> (i32, i32) {
    %c0_i32 = arith.constant 0 : i32
    %c0_i32_0 = arith.constant 0 : i32
    return %arg0, %c0_i32 : i32, i32
  }
  func.func @transform_3(%arg0: i32) -> (i32, i32) {
    %c0_i32 = arith.constant 0 : i32
    %c0_i32_0 = arith.constant 0 : i32
    %c0_i32_1 = arith.constant 0 : i32
    return %c0_i32, %c0_i32_0 : i32, i32
  }
  func.func @transform_4(%arg0: i32) -> (i32, i32) {
    %c0_i32 = arith.constant 0 : i32
    %c0_i32_0 = arith.constant 0 : i32
    return %arg0, %c0_i32 : i32, i32
  }
}

module attributes {stable_mosaic.version = 14 : i64} {
  func.func @_node_out_body(%arg0: i32, %arg1: memref<2000x128xf32, #tpu.memory_space<vmem>>, %arg2: memref<2000x128xf32, #tpu.memory_space<vmem>>, %arg3: memref<128x128xf32, #tpu.memory_space<vmem>>, %arg4: memref<2000x1xi32, #tpu.memory_space<vmem>>, %arg5: memref<64x128xf32, #tpu.memory_space<vmem>>) attributes {dimension_semantics = [#tpu.dimension_semantics<arbitrary>], iteration_bounds = array<i64: 5>, scalar_prefetch = 0 : i64, scratch_operands = 0 : i64, tpu.core_type = #tpu.core_type<tc>, window_params = [{transform_indices = @transform_0, window_bounds = array<i64: 2000, 128>}, {transform_indices = @transform_1, window_bounds = array<i64: 2000, 128>}, {pipeline_mode = #tpu.pipeline_mode<synchronous>, transform_indices = @transform_2, window_bounds = array<i64: 128, 128>}, {transform_indices = @transform_3, window_bounds = array<i64: 2000, 1>}, {pipeline_mode = #tpu.pipeline_mode<synchronous>, transform_indices = @transform_4, window_bounds = array<i64: 64, 128>}]} {
    %eq3A = arith.constant 0 : i32
    %eq3A_0 = arith.cmpi eq, %arg0, %eq3A : i32
    %convert_element_type3A = arith.extui %eq3A_0 : i1 to i32
    %cond3A = arith.constant 0 : i32
    %cond3A_1 = arith.cmpi ne, %convert_element_type3A, %cond3A : i32
    scf.if %cond3A_1 {
      %broadcast_in_dim3A = arith.constant 0.000000e+00 : f32
      %broadcast_in_dim3A_28 = vector.broadcast %broadcast_in_dim3A : f32 to vector<64x128xf32>
      %swap3A_29 = arith.constant 0 : index
      %swap3A_30 = arith.constant 0 : index
      %swap3A_31 = vector.load %arg5[%swap3A_29, %swap3A_30] : memref<64x128xf32, #tpu.memory_space<vmem>>, vector<64x128xf32>
      tpu.vector_store %arg5[%swap3A_29, %swap3A_30], %broadcast_in_dim3A_28 {strides = array<i32>} : memref<64x128xf32, #tpu.memory_space<vmem>>, vector<64x128xf32>,
    } else {
    }
    %get3A = arith.constant 0 : index
    %get3A_2 = arith.constant 0 : index
    %get3A_3 = vector.load %arg1[%get3A, %get3A_2] : memref<2000x128xf32, #tpu.memory_space<vmem>>, vector<2000x128xf32>
    %get3A_4 = arith.constant 0 : index
    %get3A_5 = arith.constant 0 : index
    %get3A_6 = vector.load %arg2[%get3A_4, %get3A_5] : memref<2000x128xf32, #tpu.memory_space<vmem>>, vector<2000x128xf32>
    %get3A_7 = arith.constant 0 : index
    %get3A_8 = arith.constant 0 : index
    %get3A_9 = vector.load %arg3[%get3A_7, %get3A_8] : memref<128x128xf32, #tpu.memory_space<vmem>>, vector<128x128xf32>
    %dot_general3A = arith.constant dense<0.000000e+00> : vector<2000x128xf32>
    %dot_general3A_10 = tpu.matmul %get3A_6, %get3A_9, %dot_general3A {dimension_numbers = #tpu.dot_dimension_numbers<[1], [0], [0], [1], [0, 0, 1, 1], [], []>, transpose_lhs_hint = false} : vector<2000x128xf32>, vector<128x128xf32>, vector<2000x128xf32> -> vector<2000x128xf32>
    %add3A = arith.addf %get3A_3, %dot_general3A_10 : vector<2000x128xf32>
    %max3A = arith.constant 0.000000e+00 : f32
    %max3A_11 = vector.broadcast %max3A : f32 to vector<2000x128xf32>
    %max3A_12 = arith.maximumf %add3A, %max3A_11 : vector<2000x128xf32>
    %iota3A = tpu.iota {dimensions = array<i32: 1>} : vector<2000x64xi32>
    %get3A_13 = arith.constant 0 : index
    %get3A_14 = arith.constant 0 : index
    %get3A_15 = vector.load %arg4[%get3A_13, %get3A_14] : memref<2000x1xi32, #tpu.memory_space<vmem>>, vector<2000x1xi32>
    %eq3A_16 = vector.broadcast %get3A_15 : vector<2000x1xi32> to vector<2000x64xi32>
    %eq3A_17 = arith.cmpi eq, %eq3A_16, %iota3A : vector<2000x64xi32>
    %convert_element_type3A_18 = arith.extui %eq3A_17 : vector<2000x64xi1> to vector<2000x64xi32>
    %convert_element_type3A_19 = arith.sitofp %convert_element_type3A_18 : vector<2000x64xi32> to vector<2000x64xf32>
    %get3A_20 = arith.constant 0 : index
    %get3A_21 = arith.constant 0 : index
    %get3A_22 = vector.load %arg5[%get3A_20, %get3A_21] : memref<64x128xf32, #tpu.memory_space<vmem>>, vector<64x128xf32>
    %dot_general3A_23 = arith.constant dense<0.000000e+00> : vector<64x128xf32>
    %dot_general3A_24 = tpu.matmul %convert_element_type3A_19, %max3A_12, %dot_general3A_23 {dimension_numbers = #tpu.dot_dimension_numbers<[0], [0], [1], [1], [0, 1, 1, 1], [], []>, transpose_lhs_hint = false} : vector<2000x64xf32>, vector<2000x128xf32>, vector<64x128xf32> -> vector<64x128xf32>
    %add3A_25 = arith.addf %get3A_22, %dot_general3A_24 : vector<64x128xf32>
    %swap3A = arith.constant 0 : index
    %swap3A_26 = arith.constant 0 : index
    %swap3A_27 = vector.load %arg5[%swap3A, %swap3A_26] : memref<64x128xf32, #tpu.memory_space<vmem>>, vector<64x128xf32>
    tpu.vector_store %arg5[%swap3A, %swap3A_26], %add3A_25 {strides = array<i32>} : memref<64x128xf32, #tpu.memory_space<vmem>>, vector<64x128xf32>,
    return
  }
  func.func @transform_0(%arg0: i32) -> (i32, i32) {
    %c0_i32 = arith.constant 0 : i32
    %c0_i32_0 = arith.constant 0 : i32
    return %arg0, %c0_i32 : i32, i32
  }
  func.func @transform_1(%arg0: i32) -> (i32, i32) {
    %c0_i32 = arith.constant 0 : i32
    %c0_i32_0 = arith.constant 0 : i32
    return %arg0, %c0_i32 : i32, i32
  }
  func.func @transform_2(%arg0: i32) -> (i32, i32) {
    %c0_i32 = arith.constant 0 : i32
    %c0_i32_0 = arith.constant 0 : i32
    %c0_i32_1 = arith.constant 0 : i32
    return %c0_i32, %c0_i32_0 : i32, i32
  }
  func.func @transform_3(%arg0: i32) -> (i32, i32) {
    %c0_i32 = arith.constant 0 : i32
    %c0_i32_0 = arith.constant 0 : i32
    return %arg0, %c0_i32 : i32, i32
  }
  func.func @transform_4(%arg0: i32) -> (i32, i32) {
    %c0_i32 = arith.constant 0 : i32
    %c0_i32_0 = arith.constant 0 : i32
    %c0_i32_1 = arith.constant 0 : i32
    return %c0_i32, %c0_i32_0 : i32, i32
  }
}

</mosaic_0001>

<sc_bundles>
// kernel: kernel.16.cloned.1.call-start
scs
__scs_entry_jumppad:
0x0: {  	(pc) =	sbr.rel $0x88, $3  }
0x1: {  	(tag) =	ssettag $0x0;
	lr =	simm.s32 $0x1  }
0x2: {  	[smem:$0x3F9A] =	sst lr;
	_ =	strace $0xD0000000  }
0x3: {  	_ = 	snop  }
0x4: {  	_ = 	snop  }
0x5: {  	_ = 	snop  }
0x6: {  	_ = 	snop  }
0x7: {  	_ = 	snop  }
__scs_overlays_trampoline_lowered:
0x8: {  	[smem:$0x3FA9] =	sst s0  }
0x9: {  	[smem:$0x3FAA] =	sst s1  }
0xa: {  	[smem:$0x3FAB] =	sst s2  }
0xb: {  	[smem:$0x3FAC] =	sst s3  }
0xc: {  	[smem:$0x3FAD] =	sst s4  }
0xd: {  	[smem:$0x3FAE] =	sst s5  }
0xe: {  	[smem:$0x3FAF] =	sst s6  }
0xf: {  	[smem:$0x3FB0] =	sst s7  }
0x10: {  	[smem:$0x3FB1] =	sst s8  }
0x11: {  	[smem:$0x3FB2] =	sst s9;
	s0 =	simm.s32 @!p0 $0x0  }
0x12: {  	s1 =	sld [smem:$0x3F98];
	s0 =	simm.s32 @p0 $0x1  }
0x13: {  	[smem:$0x3FB3] =	sst s0;
	s0 =	simm.s32 @!p1 $0x0  }
0x14: {  	s2 =	sld [smem:$0x3F97];
	s0 =	simm.s32 @p1 $0x1  }
0x15: {  	[smem:$0x3FB4] =	sst s0;
	s0 =	simm.s32 @!p2 $0x0  }
0x16: {  	s3 =	sld [smem:$0x3FDB];
	s0 =	simm.s32 @p2 $0x1  }
0x17: {  	s4 =	simm.s32 $0x1BF5;
	[smem:$0x3FB6] =	sst s0  }
0x18: {  	s0 =	sld [smem:$0x3F99];
	_ =	swait.ge [sflag:s4], $0x0  }
0x19: {  	s7 =	sld [smem:$0x3F9A]  }
0x1a: {  	s8 =	sadd.s32 $0xFFFFE003, lr  }
0x1b: {  	s9 =	sadd.s32 $0xFFFFFEF7, lr;
	s5 =	simm.s32 $0xFFFFFFFF;
	p2 =	slt.u32 s8, $0xFFFFF086  }
0x1c: {  	p1 =	slt.u32 s9, $0xF7A;
	s5 =	simm.s32 @!p2 $0x0  }
0x1d: {  	s5 =	simm.s32 @p1 $0x1;
	p0 =	seq.s32 s7, s2  }
0x1e: {  	s7 =	smul.u32 @!p0 $0xF7A, s2;
	p2 =	seq.s32 @!p0 s5, $0x0  }
0x1f: {  	s9 =	smul.u32 $0xF7A, s1;
	s8 =	simm.s32 @!p0 $0x1BF5;
	p2 =	por !p2, p0  }
0x20: {  	[sflag:s8] =	ssyncset.s32 @!p0 $0xFFFFF086;
	s6 =	sadd.s32 @!p0 s3, s7;
	s7 =	simm.s32 @!p0 $0x108  }
0x21: {  	s3 =	sadd.s32 s3, s9;
	s6 =	sadd.s32 @!p0 $0x88, s6;
	s7 =	simm.s32 @p2 $0x1082  }
0x22: {  	[simem:s7], [sflag:s8] =	dma.local @!p0 [hbm:s6], $0xF7A  }
0x23: {  	s9 =	sor.u32 $0xD0000000, s2;
	s6 =	simm.s32 $0x108;
	_ =	swait.ge @!p0 [sflag:s8], $0x0  }
0x24: {  	s3 =	sadd.s32 $0x88, s3;
	s6 =	simm.s32 @!p1 $0x1082;
	[sflag:s4] =	ssyncset.s32 $0xFFFFF086  }
0x25: {  	[simem:s6], [sflag:s4] =	dma.local [hbm:s3], $0xF7A  }
0x26: {  	[smem:$0x3F9A] =	sst s1;
	(tag) =	ssettag s2;
	_ =	strace s9  }
0x27: {  	s1 =	sld [smem:$0x3FAA]  }
0x28: {  	s2 =	sld [smem:$0x3FAB]  }
0x29: {  	s4 =	sld [smem:$0x3FAD]  }
0x2a: {  	p0 =	seq.s32 s5, $0x0;
	s5 =	sld [smem:$0x3FAE]  }
0x2b: {  	s6 =	sld [smem:$0x3FAF]  }
0x2c: {  	s7 =	sld [smem:$0x3FB0]  }
0x2d: {  	s3 =	simm.s32 $0x108;
	s8 =	sld [smem:$0x3FB1]  }
0x2e: {  	s3 =	simm.s32 @!p0 $0x1082;
	s9 =	sld [smem:$0x3FB2]  }
0x2f: {  	lr =	sadd.s32 s0, s3;
	s0 =	sld [smem:$0x3FA9]  }
0x30: {  	s3 =	sld [smem:$0x3FAC]  }
0x31: {  	[smem:$0x3FB5] =	sst s10  }
0x32: {  	s10 =	sld [smem:$0x3FB3];
	_ =	sdelay $0x3  }
0x33: {  	p0 =	seq.s32 s10, $0x1;
	s10 =	sld [smem:$0x3FB5];
	_ =	sdelay $0x3  }
0x34: {  	[smem:$0x3FB5] =	sst s10  }
0x35: {  	s10 =	sld [smem:$0x3FB4];
	_ =	sdelay $0x3  }
0x36: {  	p1 =	seq.s32 s10, $0x1;
	s10 =	sld [smem:$0x3FB5];
	_ =	sdelay $0x3  }
0x37: {  	[smem:$0x3FB5] =	sst s10  }
0x38: {  	s10 =	sld [smem:$0x3FB6]  }
0x39: {  	_ = 	snop;
	(pc) =	sbr.ind lr, $3  }
0x3a: {  	_ = 	snop  }
0x3b: {  	_ = 	snop  }
0x3c: {  	p2 =	seq.s32 s10, $0x1;
	s10 =	sld [smem:$0x3FB5]  }
0x3d: {  	_ =	shalt  }
0x3e: {  	_ =	shalt  }
0x3f: {  	_ =	shalt  }
0x40: {  	_ =	shalt  }
0x41: {  	_ =	shalt  }
0x42: {  	_ =	shalt  }
0x43: {  	_ =	shalt  }
0x44: {  	_ =	shalt  }
0x45: {  	_ =	shalt  }
0x46: {  	_ =	shalt  }
0x47: {  	_ =	shalt  }
0x48: {  	_ =	shalt  }
0x49: {  	_ =	shalt  }
0x4a: {  	_ =	shalt  }
0x4b: {  	_ =	shalt  }
0x4c: {  	_ =	shalt  }
0x4d: {  	_ =	shalt  }
0x4e: {  	_ =	shalt  }
0x4f: {  	_ =	shalt  }
0x50: {  	_ =	shalt  }
0x51: {  	_ =	shalt  }
0x52: {  	_ =	shalt  }
0x53: {  	_ =	shalt  }
0x54: {  	_ =	shalt  }
0x55: {  	_ =	shalt  }
0x56: {  	_ =	shalt  }
0x57: {  	_ =	shalt  }
0x58: {  	_ =	shalt  }
0x59: {  	_ =	shalt  }
0x5a: {  	_ =	shalt  }
0x5b: {  	_ =	shalt  }
0x5c: {  	_ =	shalt  }
0x5d: {  	_ =	shalt  }
0x5e: {  	_ =	shalt  }
0x5f: {  	_ =	shalt  }
0x60: {  	_ =	shalt  }
0x61: {  	_ =	shalt  }
0x62: {  	_ =	shalt  }
0x63: {  	_ =	shalt  }
0x64: {  	_ =	shalt  }
0x65: {  	_ =	shalt  }
0x66: {  	_ =	shalt  }
0x67: {  	_ =	shalt  }
0x68: {  	_ =	shalt  }
0x69: {  	_ =	shalt  }
0x6a: {  	_ =	shalt  }
0x6b: {  	_ =	shalt  }
0x6c: {  	_ =	shalt  }
0x6d: {  	_ =	shalt  }
0x6e: {  	_ =	shalt  }
0x6f: {  	_ =	shalt  }
0x70: {  	_ =	shalt  }
0x71: {  	_ =	shalt  }
0x72: {  	_ =	shalt  }
0x73: {  	_ =	shalt  }
0x74: {  	_ =	shalt  }
0x75: {  	_ =	shalt  }
0x76: {  	_ =	shalt  }
0x77: {  	_ =	shalt  }
0x78: {  	_ =	shalt  }
0x79: {  	_ =	shalt  }
0x7a: {  	_ =	shalt  }
0x7b: {  	_ =	shalt  }
0x7c: {  	_ =	shalt  }
0x7d: {  	_ =	shalt  }
0x7e: {  	_ =	shalt  }
0x7f: {  	_ =	shalt  }
0x80: {  	_ =	shalt  }
0x81: {  	_ =	shalt  }
0x82: {  	_ =	shalt  }
0x83: {  	_ =	shalt  }
0x84: {  	_ =	shalt  }
0x85: {  	_ =	shalt  }
0x86: {  	_ =	shalt  }
0x87: {  	_ =	shalt  }
.Lfunc_end0:
.L_simem_size_0:
called_computation_lowered:
.L_overlay_start_0:
0x88: {  	s2 =	sld [smem:$0x3FD9]  }
0x89: {  	s3 =	sld [smem:$0x3FFE];
	_ =	sdelay $0x1  }
0x8a: {  	s1 =	srdreg.scid  }
0x8b: {  	s0 =	sand.u32 $0x1, s1  }
0x8c: {  	s16 =	sshll.u32 s0, $0xA;
	s2 =	sadd.s32 s3, s2  }
0x8d: {  	s2 =	sadd.s32 s2, s16  }
0x8e: {  	[smem:$0x3FC1] =	sst s2  }
0x8f: {  	_ = 	snop  }
0x90: {  	(tm) =	ssettm $0x1  }
0x91: {  	s17 =	sld [smem:$0x3FFB];
	_ =	sdelay $0x3  }
0x92: {  	_ =	strace s17  }
0x93: {  	s2 =	sld [smem:$0x3FFC];
	_ =	sdelay $0x3  }
0x94: {  	_ =	strace s2  }
0x95: {  	s2 =	sld [smem:$0x3FFD];
	_ =	sdelay $0x3  }
0x96: {  	_ =	strace s2  }
0x97: {  	_ =	strace $0x8FFFFFFF  }
0x98: {  	s18 =	sld [smem:$0x3FDB];
	_ =	sdelay $0x1  }
0x99: {  	s19 =	simm.s32 $_scs_section_size  }
0x9a: {  	s4 =	simm.s32 $_size__tile_overlayer_lowered;
	s5 =	simm.s32 $_tile_overlayer_lowered  }
0x9b: {  	s22 =	simm.s32 $0x1BFF;
	s21 =	sshll.u32 s5, $0x1;
	s2 =	sadd.s32 s19, s18  }
0x9c: {  	s6 =	simm.s32 $0x0;
	s20 =	sshll.u32 s4, $0x1;
	s4 =	sadd.s32 s21, s2  }
0x9d: {  	[timem:s6], [sflag:s22] =	dma.local [hbm:s4], s20  }
0x9e: {  	_ =	swait.ge [sflag:s22], s20  }
0x9f: {  	s3 =	ssub.s32 $0x0, s20;
	[sflag:s22] =	ssyncset.done $0x0  }
0xa0: {  	[sflag:s22] =	ssyncadd.s32 s3;
	_ =	sdelay $0x1  }
0xa1: {  	s23 =	simm.s32 $0x1B8B  }
0xa2: {  	_ =	swait.ge [sflag:s23], $0x1  }
0xa3: {  	[sflag:s23] =	ssyncset.done $0x0  }
0xa4: {  	s25 =	simm.s32 $0x1B8E;
	s24 =	sld [smem:$0x3FFE];
	[sflag:s23] =	ssyncadd.s32 $0xFFFFFFFF  }
0xa5: {  	s26 =	simm.s32 $execute0_lowered;
	[smem:$0x3FD2] =	sst s25  }
0xa6: {  	s4 =	sshll.u32 s26, $0x1;
	_ =	strace $0x80000046;
	[dreg:$0x1] =	wrdreg $0xFFFFFFFF  }
0xa7: {  	s28 =	simm.s32 $_size_execute0_lowered;
	s2 =	sadd.s32 s2, s4;
	[dreg:$0x0] =	wrdreg $0x0  }
0xa8: {  	s4 =	sshll.u32 s28, $0x1;
	[dreg:$0x2] =	wrdreg s2  }
0xa9: {  	[dreg:$0x3] =	wrdreg s4  }
0xaa: {  	[dreg:$0x4] =	wrdreg $0xC0  }
0xab: {  	_ =	task [dreg:s6], $0x5FFFF  }
0xac: {  	[dreg:$0x1] =	wrdreg $0xFFFFFFFF  }
0xad: {  	[dreg:$0x0] =	wrdreg $0x60  }
0xae: {  	[dreg:$0x2] =	wrdreg s24  }
0xaf: {  	[dreg:$0x3] =	wrdreg $0x9  }
0xb0: {  	_ =	task.clear_ibuf [dreg:s6], $0x4FFFF;
	_ =	strace $0x90000046  }
0xb1: {  	s29 =	simm.s32 $0x9;
	_ =	strace $0x80000048  }
0xb2: {  	_ =	swait.ge [sflag:s29], $0x1  }
0xb3: {  	[sflag:s29] =	ssyncadd.s32 $0xFFFFFFFF  }
0xb4: {  	_ =	strace $0x90000048  }
0xb5: {  	_ =	sfence  }
0xb6: {  	s30 =	sld [smem:$0x0];
	_ =	sdelay $0x2  }
0xb7: {  	s31 =	sshll.u32 s1, $0xD;
	s1 =	sshrl.u32 s1, $0x2  }
0xb8: {  	s3 =	sand.u32 $0x4000, s31;
	s1 =	sadd.s32 s1, s30  }
0xb9: {  	s0 =	sor.u32 s3, s0;
	s1 =	sshll.u32 s1, $0x11  }
0xba: {  	s0 =	sor.u32 s1, s0  }
0xbb: {  	s0 =	sadd.s32 $0x8F2B, s0  }
0xbc: {  	[sflag:s0] =	ssyncadd.remote.s32 $0x1  }
0xbd: {  	_ =	sfence.sel $0xFFFF  }
0xbe: {  	[dreg:$0x0] =	wrdreg $0xFFFFFFFF;
	(pc) =	sbr.abs _section_cstart, $3  }
0xbf: {  	[dreg:$0x1] =	wrdreg $0xFFFFFFFF  }
0xc0: {  	_ =	task.clear_ibuf [dreg:s6], $0x2FFFF;
	_ =	strace $0x9FFFFFFF  }
0xc1: {  	(tm) =	ssettm $0x7FFFFFFF  }
tec
execute0_lowered:
.L_overlay_start_1:
0x0: {  	(tag) =	ssettag $0x1  }
0x1: {  	s1 =	srdreg.scid  }
0x2: {  	s0 =	stileid.u32;
	s4 =	rddreg [dreg:$0x0];
	s2 =	simm.s32 $0x0  }
0x3: {  	s31 =	simm.s32 $0x80;
	s11 =	simm.s32 $0x8;
	s12 =	simm.s32 $0x0  }
0x4: {  	s5 =	sand.u32 $0x1, s1;
	s3 =	sshll.u32 s0, $0x1;
	s1 =	rddreg [dreg:$0x1]  }
0x5: {  	[smem:$0x7FF] =	sst s2;
	s9 =	sshll.u32 s0, $0xC;
	s7 =	sor.u32 s5, s3  }
0x6: {  	_ =	strace $0x80000047;
	s3 =	sadd.s32 $0x18400, s4;
	s8 =	ssub.s32 $0x2, s5  }
0x7: {  	s9 =	sadd.s32 s9, s4;
	s29 =	sshll.u32 s5, $0xB;
	[dreg:$0x2] =	wrdreg s31  }
0x8: {  	s6 =	smul.u32 $0x500, s7;
	s10 =	sshrl.u32 s8, $0x1;
	s30 =	sadd.s32 s29, s9  }
0x9: {  	s7 =	sor.u32 $0xC0, s7;
	s9 =	simm.s32 $0x2800;
	s8 =	ssub.s32 s8, s10  }
0xa: {  	s10 =	simm.s32 $0x1;
	s6 =	sadd.s32 s6, s4;
	s5 =	smax.u32 s8, $0x1  }
0xb: {  	s8 =	simm.s32 $0xF;
	s4 =	sadd.s32 $0xE400, s6;
	s6 =	sadd.s32 $0x66800, s30  }
.LBB2_1:
0xc: {  	[tilespmem:s2], [sflag:$0xF] =	stream.linear.gather [hbm4b:s4+s2], $0x2800, $0x38;
	[tilespmem:$0x1E800] =	vst v63  }
0xd: {  	s13 =	sadd.s32 $0xFFFFFF80, s7  }
0xe: {  	s14 =	sadd.s32 $0xFFFFFFC0, s7;
	s15 =	sadd.s32 $0xFFFFFF60, s7;
	s16 =	sadd.s32 $0xFFFFFFA0, s7  }
0xf: {  	s31 =	simm.s32 $0x0;
	s21 =	sadd.s32 $0xFFFFFFE0, s7;
	p0 =	sgt.u32 s7, $0x9C3  }
0x10: {  	_ =	swait.ge [sflag:s8], $0x2800;
	p4 =	sgt.u32 s15, $0x9C3;
	p3 =	sgt.u32 s13, $0x9C3  }
0x11: {  	p5 =	sgt.u32 s16, $0x9C3;
	p2 =	sgt.u32 s14, $0x9C3;
	[sflag:s8] =	ssyncset.done $0x0  }
0x12: {  	p1 =	sgt.u32 s21, $0x9C3;
	s30 =	rddreg [dreg:$0x2];
	[sflag:s8] =	ssyncadd.s32 $0xFFFFD800  }
0x13: {  	[tilespmem:s9], [sflag:$0x1] =	stream.indirect.gather [hbm4b:s3+s30], $0x80, s31, s30, $0xb8;
	[tilespmem:$0x1E800] =	vst v63  }
0x14: {  	s17 =	simm.s32 @!p4 $0x80;
	s13 =	simm.s32 @!p4 $0x80;
	s15 =	simm.s32 @!p4 $0x6800  }
0x15: {  	[tilespmem:s15], [sflag:$0x2] =	stream.indirect.gather @!p4 [hbm4b:s3+s13], $0x80, s17, s13, $0xb8;
	[tilespmem:$0x1E800] =	vst v63  }
0x16: {  	s18 =	simm.s32 @!p3 $0x80;
	s19 =	simm.s32 @!p3 $0xA800;
	s20 =	simm.s32 @!p3 $0x100  }
0x17: {  	[tilespmem:s19], [sflag:$0x3] =	stream.indirect.gather @!p3 [hbm4b:s3+s18], $0x80, s20, s18, $0xb8;
	[tilespmem:$0x1E800] =	vst v63  }
0x18: {  	s14 =	simm.s32 @!p5 $0x180;
	s16 =	simm.s32 @!p5 $0x80;
	s13 =	simm.s32 @!p5 $0xE800  }
0x19: {  	[tilespmem:s13], [sflag:$0x4] =	stream.indirect.gather @!p5 [hbm4b:s3+s16], $0x80, s14, s16, $0xb8;
	[tilespmem:$0x1E800] =	vst v63  }
0x1a: {  	s17 =	simm.s32 @!p2 $0x12800;
	s14 =	simm.s32 @!p2 $0x200;
	s16 =	simm.s32 @!p2 $0x80  }
0x1b: {  	[tilespmem:s17], [sflag:$0x5] =	stream.indirect.gather @!p2 [hbm4b:s3+s16], $0x80, s14, s16, $0xb8;
	[tilespmem:$0x1E800] =	vst v63  }
0x1c: {  	s18 =	simm.s32 @!p1 $0x280;
	s14 =	simm.s32 @!p1 $0x80;
	s16 =	simm.s32 @!p1 $0x16800  }
0x1d: {  	[tilespmem:s16], [sflag:$0x6] =	stream.indirect.gather @!p1 [hbm4b:s3+s14], $0x80, s18, s14, $0xb8;
	[tilespmem:$0x1E800] =	vst v63  }
0x1e: {  	s20 =	simm.s32 @!p0 $0x80;
	s14 =	simm.s32 @!p0 $0x1A800;
	s18 =	simm.s32 @!p0 $0x300  }
0x1f: {  	[tilespmem:s14], [sflag:$0x7] =	stream.indirect.gather @!p0 [hbm4b:s3+s20], $0x80, s18, s20, $0xb8;
	[tilespmem:$0x1E800] =	vst v63  }
0x20: {  	_ =	swait.ge [sflag:s10], $0x4000  }
0x21: {  	[sflag:s10] =	ssyncset.done $0x0  }
0x22: {  	s18 =	simm.s32 @!p4 $0x2;
	[sflag:s10] =	ssyncadd.s32 $0xFFFFC000  }
0x23: {  	[hbm4b:s6+s2] =	stream.linear.scatter [tilespmem:s9], [sflag:$0x8], $0x4000, $0x38;
	[tilespmem:$0x1E800] =	vst v63  }
0x24: {  	_ =	swait.ge @!p4 [sflag:s18], $0x4000  }
0x25: {  	s21 =	sadd.s32 @!p4 $0x10000, s6;
	[sflag:s18] =	ssyncset.done @!p4 $0x0  }
0x26: {  	s22 =	simm.s32 @!p4 $0x0;
	s20 =	simm.s32 @!p3 $0x3;
	[sflag:s18] =	ssyncadd.s32 @!p4 $0xFFFFC000  }
0x27: {  	[hbm4b:s21+s22] =	stream.linear.scatter @!p4 [tilespmem:s15], [sflag:$0x9], $0x4000, $0x38;
	[tilespmem:$0x1E800] =	vst v63  }
0x28: {  	_ =	swait.ge @!p3 [sflag:s20], $0x4000  }
0x29: {  	s18 =	simm.s32 @!p3 $0x0;
	[sflag:s20] =	ssyncset.done @!p3 $0x0  }
0x2a: {  	s15 =	sadd.s32 @!p3 $0x20000, s6;
	[sflag:s20] =	ssyncadd.s32 @!p3 $0xFFFFC000;
	s20 =	simm.s32 @!p5 $0x4  }
0x2b: {  	[hbm4b:s15+s18] =	stream.linear.scatter @!p3 [tilespmem:s19], [sflag:$0xA], $0x4000, $0x38;
	[tilespmem:$0x1E800] =	vst v63  }
0x2c: {  	_ =	swait.ge @!p5 [sflag:s20], $0x4000  }
0x2d: {  	s15 =	sadd.s32 @!p5 $0x30000, s6;
	[sflag:s20] =	ssyncset.done @!p5 $0x0  }
0x2e: {  	s18 =	simm.s32 @!p5 $0x0;
	s19 =	simm.s32 @!p2 $0x5;
	[sflag:s20] =	ssyncadd.s32 @!p5 $0xFFFFC000  }
0x2f: {  	[hbm4b:s15+s18] =	stream.linear.scatter @!p5 [tilespmem:s13], [sflag:$0xB], $0x4000, $0x38;
	[tilespmem:$0x1E800] =	vst v63  }
0x30: {  	_ =	swait.ge @!p2 [sflag:s19], $0x4000  }
0x31: {  	s13 =	sadd.s32 @!p2 $0x40000, s6;
	[sflag:s19] =	ssyncset.done @!p2 $0x0  }
0x32: {  	s15 =	simm.s32 @!p2 $0x0;
	s18 =	simm.s32 @!p1 $0x6;
	[sflag:s19] =	ssyncadd.s32 @!p2 $0xFFFFC000  }
0x33: {  	[hbm4b:s13+s15] =	stream.linear.scatter @!p2 [tilespmem:s17], [sflag:$0xC], $0x4000, $0x38;
	[tilespmem:$0x1E800] =	vst v63  }
0x34: {  	_ =	swait.ge @!p1 [sflag:s18], $0x4000  }
0x35: {  	s13 =	sadd.s32 @!p1 $0x50000, s6;
	[sflag:s18] =	ssyncset.done @!p1 $0x0  }
0x36: {  	s15 =	simm.s32 @!p1 $0x0;
	s17 =	simm.s32 @!p0 $0x7;
	[sflag:s18] =	ssyncadd.s32 @!p1 $0xFFFFC000  }
0x37: {  	[hbm4b:s13+s15] =	stream.linear.scatter @!p1 [tilespmem:s16], [sflag:$0xD], $0x4000, $0x38;
	[tilespmem:$0x1E800] =	vst v63  }
0x38: {  	_ =	swait.ge @!p0 [sflag:s17], $0x4000  }
0x39: {  	[sflag:s17] =	ssyncset.done @!p0 $0x0  }
0x3a: {  	s13 =	sadd.s32 @!p0 $0x60000, s6;
	s15 =	simm.s32 @!p0 $0x0;
	[sflag:s17] =	ssyncadd.s32 @!p0 $0xFFFFC000  }
0x3b: {  	[hbm4b:s13+s15] =	stream.linear.scatter @!p0 [tilespmem:s14], [sflag:$0xE], $0x4000, $0x38;
	[tilespmem:$0x1E800] =	vst v63  }
0x3c: {  	_ =	swait.ge [sflag:s11], $0x4000  }
0x3d: {  	[sflag:s11] =	ssyncset.done $0x0  }
0x3e: {  	s13 =	simm.s32 @!p4 $0x9;
	[sflag:s11] =	ssyncadd.s32 $0xFFFFC000  }
0x3f: {  	_ =	swait.ge @!p4 [sflag:s13], $0x4000  }
0x40: {  	[sflag:s13] =	ssyncset.done @!p4 $0x0  }
0x41: {  	[sflag:s13] =	ssyncadd.s32 @!p4 $0xFFFFC000;
	s13 =	simm.s32 @!p3 $0xA  }
0x42: {  	_ =	swait.ge @!p3 [sflag:s13], $0x4000  }
0x43: {  	[sflag:s13] =	ssyncset.done @!p3 $0x0  }
0x44: {  	s15 =	simm.s32 @!p5 $0xB;
	[sflag:s13] =	ssyncadd.s32 @!p3 $0xFFFFC000  }
0x45: {  	s19 =	simm.s32 @!p2 $0xC;
	_ =	swait.ge @!p5 [sflag:s15], $0x4000  }
0x46: {  	s18 =	simm.s32 @!p0 $0xE;
	s16 =	simm.s32 $0x1C00;
	[sflag:s15] =	ssyncset.done @!p5 $0x0  }
0x47: {  	s17 =	simm.s32 @!p1 $0xD;
	s14 =	simm.s32 $0xE00;
	[sflag:s15] =	ssyncadd.s32 @!p5 $0xFFFFC000  }
0x48: {  	s13 =	sadd.s32 $0x70000, s6;
	s15 =	sadd.s32 $0xE0, s7;
	_ =	swait.ge @!p2 [sflag:s19], $0x4000  }
.LBB2_2:
0x49: {  	s20 =	sadd.s32 $0xFFFFFF80, s15;
	s22 =	sadd.s32 $0xFFFFFFC0, s15;
	[sflag:s19] =	ssyncset.done @!p2 $0x0  }
0x4a: {  	s23 =	sadd.s32 $0xFFFFFF60, s15;
	s24 =	sadd.s32 $0xFFFFFFA0, s15;
	s25 =	sshra.s32 s14, $0x2  }
0x4b: {  	s28 =	sadd.s32 $0xFFFFFFE0, s15;
	[sflag:s19] =	ssyncadd.s32 @!p2 $0xFFFFC000;
	p4 =	sgt.u32 s23, $0x9C3  }
0x4c: {  	p3 =	sgt.u32 s20, $0x9C3;
	p2 =	sgt.u32 s22, $0x9C3;
	_ =	swait.ge @!p1 [sflag:s17], $0x4000  }
0x4d: {  	p5 =	sgt.u32 s24, $0x9C3;
	s19 =	sshra.s32 @!p4 s14, $0x2;
	[sflag:s17] =	ssyncset.done @!p1 $0x0  }
0x4e: {  	s23 =	simm.s32 @!p3 $0x80;
	s29 =	simm.s32 @!p4 $0x80;
	[sflag:s17] =	ssyncadd.s32 @!p1 $0xFFFFC000  }
0x4f: {  	s30 =	simm.s32 @!p4 $0x6800;
	s24 =	sshra.s32 @!p5 s14, $0x2;
	_ =	swait.ge @!p0 [sflag:s18], $0x4000  }
0x50: {  	s22 =	simm.s32 @!p5 $0xE800;
	s20 =	sadd.s32 @!p4 $0x80, s19;
	[sflag:s18] =	ssyncset.done @!p0 $0x0  }
0x51: {  	s17 =	sshra.s32 @!p3 s14, $0x2;
	s26 =	rddreg [dreg:$0x2];
	[sflag:s18] =	ssyncadd.s32 @!p0 $0xFFFFC000  }
0x52: {  	[tilespmem:s9], [sflag:$0x1] =	stream.indirect.gather [hbm4b:s3+s26], $0x80, s25, s26, $0xb8;
	[tilespmem:$0x1E800] =	vst v63  }
0x53: {  	s19 =	simm.s32 @!p3 $0xA800;
	p1 =	sgt.u32 s28, $0x9C3;
	s17 =	sadd.s32 @!p3 $0x100, s17  }
0x54: {  	[tilespmem:s30], [sflag:$0x2] =	stream.indirect.gather @!p4 [hbm4b:s3+s29], $0x80, s20, s29, $0xb8;
	[tilespmem:$0x1E800] =	vst v63  }
0x55: {  	p0 =	sgt.u32 s15, $0x9C3;
	s25 =	sshra.s32 @!p2 s14, $0x2;
	s26 =	simm.s32 @!p1 $0x80  }
0x56: {  	[tilespmem:s19], [sflag:$0x3] =	stream.indirect.gather @!p3 [hbm4b:s3+s23], $0x80, s17, s23, $0xb8;
	[tilespmem:$0x1E800] =	vst v63  }
0x57: {  	s20 =	sadd.s32 @!p5 $0x180, s24;
	s24 =	simm.s32 @!p5 $0x80;
	s17 =	sadd.s32 @!p2 $0x200, s25  }
0x58: {  	[tilespmem:s22], [sflag:$0x4] =	stream.indirect.gather @!p5 [hbm4b:s3+s24], $0x80, s20, s24, $0xb8;
	[tilespmem:$0x1E800] =	vst v63  }
0x59: {  	s25 =	simm.s32 @!p2 $0x80;
	s23 =	simm.s32 @!p2 $0x12800;
	s24 =	sshra.s32 @!p1 s14, $0x2  }
0x5a: {  	[tilespmem:s23], [sflag:$0x5] =	stream.indirect.gather @!p2 [hbm4b:s3+s25], $0x80, s17, s25, $0xb8;
	[tilespmem:$0x1E800] =	vst v63  }
0x5b: {  	s20 =	simm.s32 @!p1 $0x16800;
	s14 =	sshra.s32 @!p0 s14, $0x2;
	s24 =	sadd.s32 @!p1 $0x280, s24  }
0x5c: {  	[tilespmem:s20], [sflag:$0x6] =	stream.indirect.gather @!p1 [hbm4b:s3+s26], $0x80, s24, s26, $0xb8;
	[tilespmem:$0x1E800] =	vst v63  }
0x5d: {  	s18 =	simm.s32 @!p0 $0x1A800;
	s14 =	sadd.s32 @!p0 $0x300, s14;
	s24 =	simm.s32 @!p0 $0x80  }
0x5e: {  	[tilespmem:s18], [sflag:$0x7] =	stream.indirect.gather @!p0 [hbm4b:s3+s24], $0x80, s14, s24, $0xb8;
	[tilespmem:$0x1E800] =	vst v63  }
0x5f: {  	_ =	swait.ge [sflag:s10], $0x4000  }
0x60: {  	[sflag:s10] =	ssyncset.done $0x0  }
0x61: {  	s24 =	simm.s32 @!p4 $0x2;
	[sflag:s10] =	ssyncadd.s32 $0xFFFFC000  }
0x62: {  	[hbm4b:s13+s2] =	stream.linear.scatter [tilespmem:s9], [sflag:$0x8], $0x4000, $0x38;
	[tilespmem:$0x1E800] =	vst v63  }
0x63: {  	s21 =	smov.u32 s16;
	_ =	swait.ge @!p4 [sflag:s24], $0x4000  }
0x64: {  	s25 =	sadd.s32 @!p4 $0x10000, s13;
	s26 =	simm.s32 @!p4 $0x0;
	[sflag:s24] =	ssyncset.done @!p4 $0x0  }
0x65: {  	s14 =	smov.u32 s21;
	s21 =	simm.s32 @!p3 $0x3;
	[sflag:s24] =	ssyncadd.s32 @!p4 $0xFFFFC000  }
0x66: {  	[hbm4b:s25+s26] =	stream.linear.scatter @!p4 [tilespmem:s30], [sflag:$0x9], $0x4000, $0x38;
	[tilespmem:$0x1E800] =	vst v63  }
0x67: {  	_ =	swait.ge @!p3 [sflag:s21], $0x4000  }
0x68: {  	s24 =	sadd.s32 @!p3 $0x20000, s13;
	[sflag:s21] =	ssyncset.done @!p3 $0x0  }
0x69: {  	s25 =	simm.s32 @!p3 $0x0;
	[sflag:s21] =	ssyncadd.s32 @!p3 $0xFFFFC000;
	s21 =	simm.s32 @!p5 $0x4  }
0x6a: {  	[hbm4b:s24+s25] =	stream.linear.scatter @!p3 [tilespmem:s19], [sflag:$0xA], $0x4000, $0x38;
	[tilespmem:$0x1E800] =	vst v63  }
0x6b: {  	_ =	swait.ge @!p5 [sflag:s21], $0x4000  }
0x6c: {  	s28 =	simm.s32 @!p5 $0x0;
	[sflag:s21] =	ssyncset.done @!p5 $0x0  }
0x6d: {  	s26 =	sadd.s32 @!p5 $0x30000, s13;
	s19 =	simm.s32 @!p2 $0x5;
	[sflag:s21] =	ssyncadd.s32 @!p5 $0xFFFFC000  }
0x6e: {  	[hbm4b:s26+s28] =	stream.linear.scatter @!p5 [tilespmem:s22], [sflag:$0xB], $0x4000, $0x38;
	[tilespmem:$0x1E800] =	vst v63  }
0x6f: {  	_ =	swait.ge @!p2 [sflag:s19], $0x4000  }
0x70: {  	s21 =	sadd.s32 @!p2 $0x40000, s13;
	[sflag:s19] =	ssyncset.done @!p2 $0x0  }
0x71: {  	s22 =	simm.s32 @!p2 $0x0;
	[sflag:s19] =	ssyncadd.s32 @!p2 $0xFFFFC000;
	s19 =	simm.s32 @!p1 $0x6  }
0x72: {  	[hbm4b:s21+s22] =	stream.linear.scatter @!p2 [tilespmem:s23], [sflag:$0xC], $0x4000, $0x38;
	[tilespmem:$0x1E800] =	vst v63  }
0x73: {  	_ =	swait.ge @!p1 [sflag:s19], $0x4000  }
0x74: {  	s21 =	sadd.s32 @!p1 $0x50000, s13;
	[sflag:s19] =	ssyncset.done @!p1 $0x0  }
0x75: {  	s22 =	simm.s32 @!p1 $0x0;
	[sflag:s19] =	ssyncadd.s32 @!p1 $0xFFFFC000;
	s19 =	simm.s32 @!p0 $0x7  }
0x76: {  	[hbm4b:s21+s22] =	stream.linear.scatter @!p1 [tilespmem:s20], [sflag:$0xD], $0x4000, $0x38;
	[tilespmem:$0x1E800] =	vst v63  }
0x77: {  	_ =	swait.ge @!p0 [sflag:s19], $0x4000  }
0x78: {  	[sflag:s19] =	ssyncset.done @!p0 $0x0  }
0x79: {  	s20 =	sadd.s32 @!p0 $0x60000, s13;
	s21 =	simm.s32 @!p0 $0x0;
	[sflag:s19] =	ssyncadd.s32 @!p0 $0xFFFFC000  }
0x7a: {  	[hbm4b:s20+s21] =	stream.linear.scatter @!p0 [tilespmem:s18], [sflag:$0xE], $0x4000, $0x38;
	[tilespmem:$0x1E800] =	vst v63  }
0x7b: {  	_ =	swait.ge [sflag:s11], $0x4000  }
0x7c: {  	[sflag:s11] =	ssyncset.done $0x0  }
0x7d: {  	s18 =	simm.s32 @!p4 $0x9;
	[sflag:s11] =	ssyncadd.s32 $0xFFFFC000  }
0x7e: {  	_ =	swait.ge @!p4 [sflag:s18], $0x4000  }
0x7f: {  	[sflag:s18] =	ssyncset.done @!p4 $0x0  }
0x80: {  	[sflag:s18] =	ssyncadd.s32 @!p4 $0xFFFFC000;
	s18 =	simm.s32 @!p3 $0xA  }
0x81: {  	s16 =	sadd.s32 $0xE00, s16;
	_ =	swait.ge @!p3 [sflag:s18], $0x4000  }
0x82: {  	p6 =	sne.s32 s16, $0xA800;
	[sflag:s18] =	ssyncset.done @!p3 $0x0  }
.Ltmp0:
0x83: {  	s20 =	simm.s32 @!p5 $0xB;
	[sflag:s18] =	ssyncadd.s32 @!p3 $0xFFFFC000;
	(pc) =	sbr.rel @p6 .LBB2_2-.Ltmp0, $4  }
0x84: {  	_ =	swait.ge @!p5 [sflag:s20], $0x4000  }
0x85: {  	s15 =	sadd.s32 $0xE0, s15;
	[sflag:s20] =	ssyncset.done @!p5 $0x0  }
0x86: {  	s17 =	simm.s32 @!p1 $0xD;
	s19 =	simm.s32 @!p2 $0xC;
	[sflag:s20] =	ssyncadd.s32 @!p5 $0xFFFFC000  }
0x87: {  	s13 =	sadd.s32 $0x70000, s13;
	s18 =	simm.s32 @!p0 $0xE;
	_ =	swait.ge @!p2 [sflag:s19], $0x4000  }
0x88: {  	s16 =	sadd.s32 $0xFFFFFF80, s15;
	s20 =	sadd.s32 $0xFFFFFFC0, s15;
	[sflag:s19] =	ssyncset.done @!p2 $0x0  }
0x89: {  	s21 =	sadd.s32 $0xFFFFFF60, s15;
	s22 =	sadd.s32 $0xFFFFFFA0, s15;
	s31 =	sshra.s32 s14, $0x2  }
0x8a: {  	s25 =	sadd.s32 $0xFFFFFFE0, s15;
	[sflag:s19] =	ssyncadd.s32 @!p2 $0xFFFFC000;
	p3 =	sgt.u32 s21, $0x9C3  }
0x8b: {  	p2 =	sgt.u32 s16, $0x9C3;
	p5 =	sgt.u32 s22, $0x9C3;
	_ =	swait.ge @!p1 [sflag:s17], $0x4000  }
0x8c: {  	p4 =	sgt.u32 s25, $0x9C3;
	s21 =	sshra.s32 @!p3 s14, $0x2;
	[sflag:s17] =	ssyncset.done @!p1 $0x0  }
0x8d: {  	s23 =	simm.s32 @!p2 $0xA800;
	s19 =	sshra.s32 @!p5 s14, $0x2;
	[sflag:s17] =	ssyncadd.s32 @!p1 $0xFFFFC000  }
0x8e: {  	s16 =	sadd.s32 @!p3 $0x80, s21;
	s21 =	simm.s32 @!p2 $0x80;
	_ =	swait.ge @!p0 [sflag:s18], $0x4000  }
0x8f: {  	s17 =	sshra.s32 @!p2 s14, $0x2;
	p1 =	sgt.u32 s20, $0x9C3;
	[sflag:s18] =	ssyncset.done @!p0 $0x0  }
0x90: {  	s20 =	simm.s32 @!p5 $0xE800;
	s24 =	rddreg [dreg:$0x2];
	[sflag:s18] =	ssyncadd.s32 @!p0 $0xFFFFC000  }
0x91: {  	[tilespmem:s9], [sflag:$0x1] =	stream.indirect.gather [hbm4b:s3+s24], $0x80, s31, s24, $0xb8;
	[tilespmem:$0x1E800] =	vst v63  }
0x92: {  	s18 =	simm.s32 @!p3 $0x80;
	p0 =	sgt.u32 s15, $0x9C3;
	s15 =	simm.s32 @!p3 $0x6800  }
0x93: {  	[tilespmem:s15], [sflag:$0x2] =	stream.indirect.gather @!p3 [hbm4b:s3+s18], $0x80, s16, s18, $0xb8;
	[tilespmem:$0x1E800] =	vst v63  }
0x94: {  	s17 =	sadd.s32 @!p2 $0x100, s17;
	s16 =	sadd.s32 @!p5 $0x180, s19;
	s18 =	sshra.s32 @!p1 s14, $0x2  }
0x95: {  	[tilespmem:s23], [sflag:$0x3] =	stream.indirect.gather @!p2 [hbm4b:s3+s21], $0x80, s17, s21, $0xb8;
	[tilespmem:$0x1E800] =	vst v63  }
0x96: {  	s19 =	simm.s32 @!p1 $0x80;
	s18 =	sadd.s32 @!p1 $0x200, s18;
	s17 =	simm.s32 @!p5 $0x80  }
0x97: {  	[tilespmem:s20], [sflag:$0x4] =	stream.indirect.gather @!p5 [hbm4b:s3+s17], $0x80, s16, s17, $0xb8;
	[tilespmem:$0x1E800] =	vst v63  }
0x98: {  	s21 =	simm.s32 @!p4 $0x80;
	s16 =	simm.s32 @!p1 $0x12800;
	s17 =	sshra.s32 @!p4 s14, $0x2  }
0x99: {  	[tilespmem:s16], [sflag:$0x5] =	stream.indirect.gather @!p1 [hbm4b:s3+s19], $0x80, s18, s19, $0xb8;
	[tilespmem:$0x1E800] =	vst v63  }
0x9a: {  	s14 =	sshra.s32 @!p0 s14, $0x2;
	s17 =	sadd.s32 @!p4 $0x280, s17;
	s18 =	simm.s32 @!p4 $0x16800  }
0x9b: {  	[tilespmem:s18], [sflag:$0x6] =	stream.indirect.gather @!p4 [hbm4b:s3+s21], $0x80, s17, s21, $0xb8;
	[tilespmem:$0x1E800] =	vst v63  }
0x9c: {  	s14 =	sadd.s32 @!p0 $0x300, s14;
	s19 =	simm.s32 @!p0 $0x80;
	s17 =	simm.s32 @!p0 $0x1A800  }
0x9d: {  	[tilespmem:s17], [sflag:$0x7] =	stream.indirect.gather @!p0 [hbm4b:s3+s19], $0x80, s14, s19, $0xb8;
	[tilespmem:$0x1E800] =	vst v63  }
0x9e: {  	_ =	swait.ge [sflag:s10], $0x4000  }
0x9f: {  	[sflag:s10] =	ssyncset.done $0x0  }
0xa0: {  	s14 =	simm.s32 @!p3 $0x2;
	[sflag:s10] =	ssyncadd.s32 $0xFFFFC000  }
0xa1: {  	[hbm4b:s13+s2] =	stream.linear.scatter [tilespmem:s9], [sflag:$0x8], $0x4000, $0x38;
	[tilespmem:$0x1E800] =	vst v63  }
0xa2: {  	_ =	swait.ge @!p3 [sflag:s14], $0x4000  }
0xa3: {  	s22 =	simm.s32 @!p3 $0x0;
	[sflag:s14] =	ssyncset.done @!p3 $0x0  }
0xa4: {  	s21 =	sadd.s32 @!p3 $0x10000, s13;
	s19 =	simm.s32 @!p2 $0x3;
	[sflag:s14] =	ssyncadd.s32 @!p3 $0xFFFFC000  }
0xa5: {  	[hbm4b:s21+s22] =	stream.linear.scatter @!p3 [tilespmem:s15], [sflag:$0x9], $0x4000, $0x38;
	[tilespmem:$0x1E800] =	vst v63  }
0xa6: {  	_ =	swait.ge @!p2 [sflag:s19], $0x4000  }
0xa7: {  	s14 =	sadd.s32 @!p2 $0x20000, s13;
	[sflag:s19] =	ssyncset.done @!p2 $0x0  }
0xa8: {  	s15 =	simm.s32 @!p2 $0x0;
	[sflag:s19] =	ssyncadd.s32 @!p2 $0xFFFFC000;
	s19 =	simm.s32 @!p5 $0x4  }
0xa9: {  	[hbm4b:s14+s15] =	stream.linear.scatter @!p2 [tilespmem:s23], [sflag:$0xA], $0x4000, $0x38;
	[tilespmem:$0x1E800] =	vst v63  }
0xaa: {  	_ =	swait.ge @!p5 [sflag:s19], $0x4000  }
0xab: {  	s14 =	sadd.s32 @!p5 $0x30000, s13;
	[sflag:s19] =	ssyncset.done @!p5 $0x0  }
0xac: {  	s15 =	simm.s32 @!p5 $0x0;
	[sflag:s19] =	ssyncadd.s32 @!p5 $0xFFFFC000;
	s19 =	simm.s32 @!p1 $0x5  }
0xad: {  	[hbm4b:s14+s15] =	stream.linear.scatter @!p5 [tilespmem:s20], [sflag:$0xB], $0x4000, $0x38;
	[tilespmem:$0x1E800] =	vst v63  }
0xae: {  	_ =	swait.ge @!p1 [sflag:s19], $0x4000  }
0xaf: {  	s14 =	sadd.s32 @!p1 $0x40000, s13;
	[sflag:s19] =	ssyncset.done @!p1 $0x0  }
0xb0: {  	s15 =	simm.s32 @!p1 $0x0;
	[sflag:s19] =	ssyncadd.s32 @!p1 $0xFFFFC000;
	s19 =	simm.s32 @!p4 $0x6  }
0xb1: {  	[hbm4b:s14+s15] =	stream.linear.scatter @!p1 [tilespmem:s16], [sflag:$0xC], $0x4000, $0x38;
	[tilespmem:$0x1E800] =	vst v63  }
0xb2: {  	_ =	swait.ge @!p4 [sflag:s19], $0x4000  }
0xb3: {  	s14 =	sadd.s32 @!p4 $0x50000, s13;
	[sflag:s19] =	ssyncset.done @!p4 $0x0  }
0xb4: {  	s15 =	simm.s32 @!p4 $0x0;
	s16 =	simm.s32 @!p0 $0x7;
	[sflag:s19] =	ssyncadd.s32 @!p4 $0xFFFFC000  }
0xb5: {  	[hbm4b:s14+s15] =	stream.linear.scatter @!p4 [tilespmem:s18], [sflag:$0xD], $0x4000, $0x38;
	[tilespmem:$0x1E800] =	vst v63  }
0xb6: {  	_ =	swait.ge @!p0 [sflag:s16], $0x4000  }
0xb7: {  	[sflag:s16] =	ssyncset.done @!p0 $0x0  }
0xb8: {  	s13 =	sadd.s32 @!p0 $0x60000, s13;
	s14 =	simm.s32 @!p0 $0x0;
	[sflag:s16] =	ssyncadd.s32 @!p0 $0xFFFFC000  }
0xb9: {  	[hbm4b:s13+s14] =	stream.linear.scatter @!p0 [tilespmem:s17], [sflag:$0xE], $0x4000, $0x38;
	[tilespmem:$0x1E800] =	vst v63  }
0xba: {  	_ =	swait.ge [sflag:s11], $0x4000  }
0xbb: {  	[sflag:s11] =	ssyncset.done $0x0  }
0xbc: {  	s13 =	simm.s32 @!p3 $0x9;
	[sflag:s11] =	ssyncadd.s32 $0xFFFFC000  }
0xbd: {  	_ =	swait.ge @!p3 [sflag:s13], $0x4000  }
0xbe: {  	[sflag:s13] =	ssyncset.done @!p3 $0x0  }
0xbf: {  	[sflag:s13] =	ssyncadd.s32 @!p3 $0xFFFFC000;
	s13 =	simm.s32 @!p2 $0xA  }
0xc0: {  	_ =	swait.ge @!p2 [sflag:s13], $0x4000  }
0xc1: {  	[sflag:s13] =	ssyncset.done @!p2 $0x0  }
0xc2: {  	s14 =	simm.s32 @!p5 $0xB;
	[sflag:s13] =	ssyncadd.s32 @!p2 $0xFFFFC000  }
0xc3: {  	_ =	swait.ge @!p5 [sflag:s14], $0x4000  }
0xc4: {  	[sflag:s14] =	ssyncset.done @!p5 $0x0  }
0xc5: {  	s13 =	simm.s32 @!p1 $0xC;
	[sflag:s14] =	ssyncadd.s32 @!p5 $0xFFFFC000  }
0xc6: {  	_ =	swait.ge @!p1 [sflag:s13], $0x4000  }
0xc7: {  	[sflag:s13] =	ssyncset.done @!p1 $0x0  }
0xc8: {  	s12 =	sadd.s32 $0x1, s12;
	s14 =	simm.s32 @!p4 $0xD;
	[sflag:s13] =	ssyncadd.s32 @!p1 $0xFFFFC000  }
0xc9: {  	p1 =	sne.s32 s12, s5;
	_ =	swait.ge @!p4 [sflag:s14], $0x4000  }
.Ltmp1:
0xca: {  	[sflag:s14] =	ssyncset.done @!p4 $0x0;
	(pc) =	sbr.rel @p1 .LBB2_1-.Ltmp1, $4  }
0xcb: {  	s13 =	simm.s32 @!p0 $0xE;
	[sflag:s14] =	ssyncadd.s32 @!p4 $0xFFFFC000  }
0xcc: {  	_ =	swait.ge @!p0 [sflag:s13], $0x4000  }
0xcd: {  	[sflag:s13] =	ssyncset.done @!p0 $0x0  }
0xce: {  	[sflag:s13] =	ssyncadd.s32 @!p0 $0xFFFFC000  }
0xcf: {  	_ =	sfence.sel $0x180000  }
0xd0: {  	[bflag:$0x0] =	sbarrier.arrive $0xFFFF  }
0xd1: {  	p0 =	sne.s32 s0, $0x0;
	_ =	strace $0x90000047  }
0xd2: {  	s0 =	sadd.s32 @!p0 $0x100000, s1;
	[bflag:$0x2] =	sbarrier.arrive $0xFFFF  }
0xd3: {  	[sflag:s0] =	ssyncadd.tile.s32 @!p0 $0x1;
	_ =	shalt  }
.Lfunc_end2:
_tile_overlayer_lowered:
.L_overlay_start_2:
0xd4: {  	(tag) =	ssettag $0x2  }
0xd5: {  	s0 =	rddreg [dreg:$0x0];
	s2 =	stileid.u32  }
0xd6: {  	s1 =	rddreg [dreg:$0x1];
	p0 =	sne.s32 s2, $0x0  }
0xd7: {  	s3 =	rddreg [dreg:$0x2];
	[bflag:$0x3] =	sbarrier.arrive $0xFFFF;
	s2 =	simm.s32 @!p0 $0x1C0F  }
0xd8: {  	[timem:s3], [sflag:s2] =	dma.local @!p0 [hbm:s0], s1  }
0xd9: {  	s0 =	simm.s32 @!p0 $0xF  }
0xda: {  	_ =	swait.ge @!p0 [sflag:s0], s1  }
0xdb: {  	s1 =	ssub.s32 @!p0 $0x0, s1;
	[sflag:s0] =	ssyncset.done @!p0 $0x0  }
0xdc: {  	[sflag:s0] =	ssyncadd.s32 @!p0 s1  }
0xdd: {  	[bflag:$0x3] =	sbarrier.arrive $0xFFFF  }
0xde: {  	_ =	shalt  }

// kernel: kernel.19.cloned.1.call-start
scs
__scs_entry_jumppad:
0x0: {  	(pc) =	sbr.rel $0x88, $3  }
0x1: {  	(tag) =	ssettag $0x0;
	lr =	simm.s32 $0x1  }
0x2: {  	[smem:$0x3F9A] =	sst lr;
	_ =	strace $0xD0000000  }
0x3: {  	_ = 	snop  }
0x4: {  	_ = 	snop  }
0x5: {  	_ = 	snop  }
0x6: {  	_ = 	snop  }
0x7: {  	_ = 	snop  }
__scs_overlays_trampoline_lowered:
0x8: {  	[smem:$0x3FA9] =	sst s0  }
0x9: {  	[smem:$0x3FAA] =	sst s1  }
0xa: {  	[smem:$0x3FAB] =	sst s2  }
0xb: {  	[smem:$0x3FAC] =	sst s3  }
0xc: {  	[smem:$0x3FAD] =	sst s4  }
0xd: {  	[smem:$0x3FAE] =	sst s5  }
0xe: {  	[smem:$0x3FAF] =	sst s6  }
0xf: {  	[smem:$0x3FB0] =	sst s7  }
0x10: {  	[smem:$0x3FB1] =	sst s8  }
0x11: {  	[smem:$0x3FB2] =	sst s9;
	s0 =	simm.s32 @!p0 $0x0  }
0x12: {  	s1 =	sld [smem:$0x3F98];
	s0 =	simm.s32 @p0 $0x1  }
0x13: {  	[smem:$0x3FB3] =	sst s0;
	s0 =	simm.s32 @!p1 $0x0  }
0x14: {  	s2 =	sld [smem:$0x3F97];
	s0 =	simm.s32 @p1 $0x1  }
0x15: {  	[smem:$0x3FB4] =	sst s0;
	s0 =	simm.s32 @!p2 $0x0  }
0x16: {  	s3 =	sld [smem:$0x3FDB];
	s0 =	simm.s32 @p2 $0x1  }
0x17: {  	s4 =	simm.s32 $0x1BF5;
	[smem:$0x3FB6] =	sst s0  }
0x18: {  	s0 =	sld [smem:$0x3F99];
	_ =	swait.ge [sflag:s4], $0x0  }
0x19: {  	s7 =	sld [smem:$0x3F9A]  }
0x1a: {  	s8 =	sadd.s32 $0xFFFFE003, lr  }
0x1b: {  	s9 =	sadd.s32 $0xFFFFFEF7, lr;
	s5 =	simm.s32 $0xFFFFFFFF;
	p2 =	slt.u32 s8, $0xFFFFF086  }
0x1c: {  	p1 =	slt.u32 s9, $0xF7A;
	s5 =	simm.s32 @!p2 $0x0  }
0x1d: {  	s5 =	simm.s32 @p1 $0x1;
	p0 =	seq.s32 s7, s2  }
0x1e: {  	s7 =	smul.u32 @!p0 $0xF7A, s2;
	p2 =	seq.s32 @!p0 s5, $0x0  }
0x1f: {  	s9 =	smul.u32 $0xF7A, s1;
	s8 =	simm.s32 @!p0 $0x1BF5;
	p2 =	por !p2, p0  }
0x20: {  	[sflag:s8] =	ssyncset.s32 @!p0 $0xFFFFF086;
	s6 =	sadd.s32 @!p0 s3, s7;
	s7 =	simm.s32 @!p0 $0x108  }
0x21: {  	s3 =	sadd.s32 s3, s9;
	s6 =	sadd.s32 @!p0 $0x88, s6;
	s7 =	simm.s32 @p2 $0x1082  }
0x22: {  	[simem:s7], [sflag:s8] =	dma.local @!p0 [hbm:s6], $0xF7A  }
0x23: {  	s9 =	sor.u32 $0xD0000000, s2;
	s6 =	simm.s32 $0x108;
	_ =	swait.ge @!p0 [sflag:s8], $0x0  }
0x24: {  	s3 =	sadd.s32 $0x88, s3;
	s6 =	simm.s32 @!p1 $0x1082;
	[sflag:s4] =	ssyncset.s32 $0xFFFFF086  }
0x25: {  	[simem:s6], [sflag:s4] =	dma.local [hbm:s3], $0xF7A  }
0x26: {  	[smem:$0x3F9A] =	sst s1;
	(tag) =	ssettag s2;
	_ =	strace s9  }
0x27: {  	s1 =	sld [smem:$0x3FAA]  }
0x28: {  	s2 =	sld [smem:$0x3FAB]  }
0x29: {  	s4 =	sld [smem:$0x3FAD]  }
0x2a: {  	p0 =	seq.s32 s5, $0x0;
	s5 =	sld [smem:$0x3FAE]  }
0x2b: {  	s6 =	sld [smem:$0x3FAF]  }
0x2c: {  	s7 =	sld [smem:$0x3FB0]  }
0x2d: {  	s3 =	simm.s32 $0x108;
	s8 =	sld [smem:$0x3FB1]  }
0x2e: {  	s3 =	simm.s32 @!p0 $0x1082;
	s9 =	sld [smem:$0x3FB2]  }
0x2f: {  	lr =	sadd.s32 s0, s3;
	s0 =	sld [smem:$0x3FA9]  }
0x30: {  	s3 =	sld [smem:$0x3FAC]  }
0x31: {  	[smem:$0x3FB5] =	sst s10  }
0x32: {  	s10 =	sld [smem:$0x3FB3];
	_ =	sdelay $0x3  }
0x33: {  	p0 =	seq.s32 s10, $0x1;
	s10 =	sld [smem:$0x3FB5];
	_ =	sdelay $0x3  }
0x34: {  	[smem:$0x3FB5] =	sst s10  }
0x35: {  	s10 =	sld [smem:$0x3FB4];
	_ =	sdelay $0x3  }
0x36: {  	p1 =	seq.s32 s10, $0x1;
	s10 =	sld [smem:$0x3FB5];
	_ =	sdelay $0x3  }
0x37: {  	[smem:$0x3FB5] =	sst s10  }
0x38: {  	s10 =	sld [smem:$0x3FB6]  }
0x39: {  	_ = 	snop;
	(pc) =	sbr.ind lr, $3  }
0x3a: {  	_ = 	snop  }
0x3b: {  	_ = 	snop  }
0x3c: {  	p2 =	seq.s32 s10, $0x1;
	s10 =	sld [smem:$0x3FB5]  }
0x3d: {  	_ =	shalt  }
0x3e: {  	_ =	shalt  }
0x3f: {  	_ =	shalt  }
0x40: {  	_ =	shalt  }
0x41: {  	_ =	shalt  }
0x42: {  	_ =	shalt  }
0x43: {  	_ =	shalt  }
0x44: {  	_ =	shalt  }
0x45: {  	_ =	shalt  }
0x46: {  	_ =	shalt  }
0x47: {  	_ =	shalt  }
0x48: {  	_ =	shalt  }
0x49: {  	_ =	shalt  }
0x4a: {  	_ =	shalt  }
0x4b: {  	_ =	shalt  }
0x4c: {  	_ =	shalt  }
0x4d: {  	_ =	shalt  }
0x4e: {  	_ =	shalt  }
0x4f: {  	_ =	shalt  }
0x50: {  	_ =	shalt  }
0x51: {  	_ =	shalt  }
0x52: {  	_ =	shalt  }
0x53: {  	_ =	shalt  }
0x54: {  	_ =	shalt  }
0x55: {  	_ =	shalt  }
0x56: {  	_ =	shalt  }
0x57: {  	_ =	shalt  }
0x58: {  	_ =	shalt  }
0x59: {  	_ =	shalt  }
0x5a: {  	_ =	shalt  }
0x5b: {  	_ =	shalt  }
0x5c: {  	_ =	shalt  }
0x5d: {  	_ =	shalt  }
0x5e: {  	_ =	shalt  }
0x5f: {  	_ =	shalt  }
0x60: {  	_ =	shalt  }
0x61: {  	_ =	shalt  }
0x62: {  	_ =	shalt  }
0x63: {  	_ =	shalt  }
0x64: {  	_ =	shalt  }
0x65: {  	_ =	shalt  }
0x66: {  	_ =	shalt  }
0x67: {  	_ =	shalt  }
0x68: {  	_ =	shalt  }
0x69: {  	_ =	shalt  }
0x6a: {  	_ =	shalt  }
0x6b: {  	_ =	shalt  }
0x6c: {  	_ =	shalt  }
0x6d: {  	_ =	shalt  }
0x6e: {  	_ =	shalt  }
0x6f: {  	_ =	shalt  }
0x70: {  	_ =	shalt  }
0x71: {  	_ =	shalt  }
0x72: {  	_ =	shalt  }
0x73: {  	_ =	shalt  }
0x74: {  	_ =	shalt  }
0x75: {  	_ =	shalt  }
0x76: {  	_ =	shalt  }
0x77: {  	_ =	shalt  }
0x78: {  	_ =	shalt  }
0x79: {  	_ =	shalt  }
0x7a: {  	_ =	shalt  }
0x7b: {  	_ =	shalt  }
0x7c: {  	_ =	shalt  }
0x7d: {  	_ =	shalt  }
0x7e: {  	_ =	shalt  }
0x7f: {  	_ =	shalt  }
0x80: {  	_ =	shalt  }
0x81: {  	_ =	shalt  }
0x82: {  	_ =	shalt  }
0x83: {  	_ =	shalt  }
0x84: {  	_ =	shalt  }
0x85: {  	_ =	shalt  }
0x86: {  	_ =	shalt  }
0x87: {  	_ =	shalt  }
.Lfunc_end0:
.L_simem_size_0:
called_computation.1_lowered:
.L_overlay_start_0:
0x88: {  	s2 =	sld [smem:$0x3FD9]  }
0x89: {  	s3 =	sld [smem:$0x3FFE];
	_ =	sdelay $0x1  }
0x8a: {  	s1 =	srdreg.scid  }
0x8b: {  	s0 =	sand.u32 $0x1, s1  }
0x8c: {  	s16 =	sshll.u32 s0, $0xA;
	s2 =	sadd.s32 s3, s2  }
0x8d: {  	s2 =	sadd.s32 s2, s16  }
0x8e: {  	[smem:$0x3FC1] =	sst s2  }
0x8f: {  	_ = 	snop  }
0x90: {  	(tm) =	ssettm $0x1  }
0x91: {  	s17 =	sld [smem:$0x3FFB];
	_ =	sdelay $0x3  }
0x92: {  	_ =	strace s17  }
0x93: {  	s2 =	sld [smem:$0x3FFC];
	_ =	sdelay $0x3  }
0x94: {  	_ =	strace s2  }
0x95: {  	s2 =	sld [smem:$0x3FFD];
	_ =	sdelay $0x3  }
0x96: {  	_ =	strace s2  }
0x97: {  	_ =	strace $0x8FFFFFFF  }
0x98: {  	s18 =	sld [smem:$0x3FDB];
	_ =	sdelay $0x1  }
0x99: {  	s19 =	simm.s32 $_scs_section_size  }
0x9a: {  	s4 =	simm.s32 $_size__tile_overlayer_lowered;
	s5 =	simm.s32 $_tile_overlayer_lowered  }
0x9b: {  	s22 =	simm.s32 $0x1BFF;
	s21 =	sshll.u32 s5, $0x1;
	s2 =	sadd.s32 s19, s18  }
0x9c: {  	s6 =	simm.s32 $0x0;
	s20 =	sshll.u32 s4, $0x1;
	s4 =	sadd.s32 s21, s2  }
0x9d: {  	[timem:s6], [sflag:s22] =	dma.local [hbm:s4], s20  }
0x9e: {  	_ =	swait.ge [sflag:s22], s20  }
0x9f: {  	s3 =	ssub.s32 $0x0, s20;
	[sflag:s22] =	ssyncset.done $0x0  }
0xa0: {  	[sflag:s22] =	ssyncadd.s32 s3;
	_ =	sdelay $0x1  }
0xa1: {  	s23 =	simm.s32 $0x1B8B  }
0xa2: {  	_ =	swait.ge [sflag:s23], $0x1  }
0xa3: {  	[sflag:s23] =	ssyncset.done $0x0  }
0xa4: {  	s25 =	simm.s32 $0x1B8E;
	s24 =	sld [smem:$0x3FFE];
	[sflag:s23] =	ssyncadd.s32 $0xFFFFFFFF  }
0xa5: {  	s26 =	simm.s32 $execute0_lowered;
	[smem:$0x3FD2] =	sst s25  }
0xa6: {  	s4 =	sshll.u32 s26, $0x1;
	_ =	strace $0x80000049;
	[dreg:$0x1] =	wrdreg $0xFFFFFFFF  }
0xa7: {  	s28 =	simm.s32 $_size_execute0_lowered;
	s2 =	sadd.s32 s2, s4;
	[dreg:$0x0] =	wrdreg $0x0  }
0xa8: {  	s4 =	sshll.u32 s28, $0x1;
	[dreg:$0x2] =	wrdreg s2  }
0xa9: {  	[dreg:$0x3] =	wrdreg s4  }
0xaa: {  	[dreg:$0x4] =	wrdreg $0xC0  }
0xab: {  	_ =	task [dreg:s6], $0x5FFFF  }
0xac: {  	[dreg:$0x1] =	wrdreg $0xFFFFFFFF  }
0xad: {  	[dreg:$0x0] =	wrdreg $0x60  }
0xae: {  	[dreg:$0x2] =	wrdreg s24  }
0xaf: {  	[dreg:$0x3] =	wrdreg $0xA8000  }
0xb0: {  	[dreg:$0x4] =	wrdreg $0x9  }
0xb1: {  	_ =	task.clear_ibuf [dreg:s6], $0x5FFFF;
	_ =	strace $0x90000049  }
0xb2: {  	s29 =	simm.s32 $0x9;
	_ =	strace $0x8000004B  }
0xb3: {  	_ =	swait.ge [sflag:s29], $0x1  }
0xb4: {  	[sflag:s29] =	ssyncadd.s32 $0xFFFFFFFF  }
0xb5: {  	_ =	strace $0x9000004B  }
0xb6: {  	_ =	sfence  }
0xb7: {  	s30 =	sld [smem:$0x0];
	_ =	sdelay $0x2  }
0xb8: {  	s31 =	sshll.u32 s1, $0xD;
	s1 =	sshrl.u32 s1, $0x2  }
0xb9: {  	s3 =	sand.u32 $0x4000, s31;
	s1 =	sadd.s32 s1, s30  }
0xba: {  	s0 =	sor.u32 s3, s0;
	s1 =	sshll.u32 s1, $0x11  }
0xbb: {  	s0 =	sor.u32 s1, s0  }
0xbc: {  	s0 =	sadd.s32 $0x8F2B, s0  }
0xbd: {  	[sflag:s0] =	ssyncadd.remote.s32 $0x1  }
0xbe: {  	_ =	sfence.sel $0xFFFF  }
0xbf: {  	[dreg:$0x0] =	wrdreg $0xFFFFFFFF;
	(pc) =	sbr.abs _section_cstart, $3  }
0xc0: {  	[dreg:$0x1] =	wrdreg $0xFFFFFFFF  }
0xc1: {  	_ =	task.clear_ibuf [dreg:s6], $0x2FFFF;
	_ =	strace $0x9FFFFFFF  }
0xc2: {  	(tm) =	ssettm $0x7FFFFFFF  }
0xc3: {  	_ =	shalt  }
tec
execute0_lowered:
.L_overlay_start_1:
0x0: {  	(tag) =	ssettag $0x1  }
0x1: {  	s1 =	srdreg.scid;
	s7 =	rddreg [dreg:$0x0]  }
0x2: {  	s0 =	stileid.u32;
	s2 =	rddreg [dreg:$0x1]  }
0x3: {  	s3 =	simm.s32 $0x0;
	s17 =	simm.s32 $0x6800;
	s18 =	simm.s32 $0x1  }
0x4: {  	s19 =	simm.s32 $0x80;
	s20 =	simm.s32 $0x2;
	s21 =	simm.s32 $0x3  }
0x5: {  	s22 =	simm.s32 $0x4;
	s11 =	sand.u32 $0x1, s1;
	s28 =	sshll.u32 s0, $0x1  }
0x6: {  	s1 =	rddreg [dreg:$0x2];
	s4 =	smul.u32 $0x2780, s0;
	s12 =	sadd.s32 $0xA34800, s7  }
0x7: {  	[smem:$0x7FF] =	sst s3;
	s9 =	smul.u32 $0x4F000, s0;
	s16 =	sadd.s32 $0x128400, s2  }
0x8: {  	s31 =	sshll.u32 s0, $0xC;
	p0 =	seq.s32 s0, $0xF;
	s8 =	sor.u32 s11, s28  }
0x9: {  	_ =	strace $0x8000004A;
	s6 =	smul.u32 $0x27100, s11;
	s13 =	ssub.s32 $0x2, s11  }
0xa: {  	s11 =	sshll.u32 s11, $0xB;
	s5 =	smul.u32 $0x500, s8;
	s10 =	sadd.s32 s4, s7  }
0xb: {  	s29 =	sshrl.u32 s13, $0x1;
	s9 =	sshrl.u32 s9, $0x2;
	s23 =	sor.u32 $0x9C0, s8  }
0xc: {  	s14 =	sadd.s32 s6, s7;
	s13 =	ssub.s32 s13, s29;
	s15 =	sadd.s32 s9, s2  }
0xd: {  	s6 =	sadd.s32 $0x18400, s10;
	s30 =	sshll.u32 s23, $0xB;
	p1 =	sgt.u32 s23, $0x9C3  }
0xe: {  	s23 =	simm.s32 $0x0;
	s5 =	sadd.s32 s5, s7;
	s7 =	sadd.s32 $0x3D480, s7  }
0xf: {  	s8 =	sadd.s32 $0x66800, s14;
	s9 =	smax.u32 s13, $0x1;
	s10 =	sadd.s32 s12, s30  }
0x10: {  	s12 =	sadd.s32 s31, s12;
	s14 =	sshll.u32 @!p0 s0, $0x6;
	s13 =	sshrl.u32 @p0 s16, $0x3  }
0x11: {  	s15 =	sshrl.u32 @!p0 s15, $0x3;
	s16 =	simm.s32 $0x2800;
	s5 =	sadd.s32 $0xA2A800, s5  }
0x12: {  	s11 =	sadd.s32 s11, s12;
	s12 =	simm.s32 $0x5;
	s14 =	sor.u32 @!p0 $0x1C05, s14  }
.LBB2_1:
0x13: {  	[tilespmem:s3], [sflag:$0x5] =	stream.linear.gather [hbm4b:s5+s3], $0x2800, $0x38;
	[tilespmem:$0x1E080] =	vst v63  }
0x14: {  	_ =	swait.ge [sflag:s12], $0x2800  }
0x15: {  	[sflag:s12] =	ssyncset.done $0x0  }
0x16: {  	s24 =	simm.s32 @p0 $0x1FC5;
	[sflag:s12] =	ssyncadd.s32 $0xFFFFD800  }
0x17: {  	[spmem:s13], [sflag:s24] =	dma.local @p0 [hbm:s7], $0x2080  }
0x18: {  	s24 =	simm.s32 @p0 $0x5  }
0x19: {  	_ =	swait.ge @p0 [sflag:s24], $0x2080  }
0x1a: {  	[sflag:s24] =	ssyncset.done @p0 $0x0  }
0x1b: {  	[sflag:s24] =	ssyncadd.s32 @p0 $0xFFFFDF80;
	s24 =	simm.s32 @!p0 $0x5  }
0x1c: {  	[spmem:s15], [sflag:s14] =	dma.local @!p0 [hbm:s6], $0x2780  }
0x1d: {  	_ =	swait.ge @!p0 [sflag:s24], $0x2780  }
0x1e: {  	[sflag:s24] =	ssyncset.done @!p0 $0x0  }
0x1f: {  	[sflag:s24] =	ssyncadd.s32 @!p0 $0xFFFFD880  }
0x20: {  	[bflag:$0x0] =	sbarrier.arrive $0xFFFF  }
0x21: {  	[tilespmem:s16], [sflag:$0x1] =	stream.linear.gather [hbm4b:s11+s3], $0x4000, $0x38;
	[tilespmem:$0x1E080] =	vst v63  }
0x22: {  	s29 =	sadd.s32 $0x10000, s11  }
0x23: {  	[tilespmem:s17], [sflag:$0x2] =	stream.linear.gather [hbm4b:s29+s3], $0x4000, $0x38;
	[tilespmem:$0x1E080] =	vst v63  }
0x24: {  	_ =	swait.ge [sflag:s18], $0x4000  }
0x25: {  	[sflag:s18] =	ssyncset.done $0x0  }
0x26: {  	s30 =	simm.s32 $0x0;
	[sflag:s18] =	ssyncadd.s32 $0xFFFFC000  }
0x27: {  	[spmem:s2] =	stream.indirect.scatter.add.f32 [tilespmem:s16], [sflag:$0x3], $0x80, s30, s19, $0xb8;
	[tilespmem:$0x1E080] =	vst v63  }
0x28: {  	_ =	swait.ge [sflag:s20], $0x4000  }
0x29: {  	[sflag:s20] =	ssyncset.done $0x0  }
0x2a: {  	s31 =	simm.s32 $0x80;
	[sflag:s20] =	ssyncadd.s32 $0xFFFFC000  }
0x2b: {  	[spmem:s2] =	stream.indirect.scatter.add.f32 [tilespmem:s17], [sflag:$0x4], $0x80, s31, s19, $0xb8;
	[tilespmem:$0x1E080] =	vst v63  }
0x2c: {  	_ =	swait.ge [sflag:s21], $0x4000  }
0x2d: {  	[sflag:s21] =	ssyncset.done $0x0  }
0x2e: {  	[sflag:s21] =	ssyncadd.s32 $0xFFFFC000  }
0x2f: {  	_ =	swait.ge [sflag:s22], $0x4000  }
0x30: {  	s25 =	smov.u32 s11;
	s24 =	simm.s32 $0x400;
	[sflag:s22] =	ssyncset.done $0x0  }
.LBB2_2:
0x31: {  	p2 =	sne.s32 s24, $0x9800;
	[sflag:s22] =	ssyncadd.s32 $0xFFFFC000;
	s25 =	sadd.s32 $0x20000, s25  }
0x32: {  	[tilespmem:s16], [sflag:$0x1] =	stream.linear.gather [hbm4b:s25+s3], $0x4000, $0x38;
	[tilespmem:$0x1E080] =	vst v63  }
0x33: {  	s28 =	smov.u32 s24;
	s24 =	sadd.s32 $0x400, s24;
	s26 =	sadd.s32 $0x10000, s25  }
0x34: {  	[tilespmem:s17], [sflag:$0x2] =	stream.linear.gather [hbm4b:s26+s3], $0x4000, $0x38;
	[tilespmem:$0x1E080] =	vst v63  }
0x35: {  	_ =	swait.ge [sflag:s18], $0x4000  }
0x36: {  	[sflag:s18] =	ssyncset.done $0x0  }
0x37: {  	s26 =	sshra.s32 s28, $0x2;
	[sflag:s18] =	ssyncadd.s32 $0xFFFFC000  }
0x38: {  	[spmem:s2] =	stream.indirect.scatter.add.f32 [tilespmem:s16], [sflag:$0x3], $0x80, s26, s19, $0xb8;
	[tilespmem:$0x1E080] =	vst v63  }
0x39: {  	_ =	swait.ge [sflag:s20], $0x4000  }
0x3a: {  	[sflag:s20] =	ssyncset.done $0x0  }
0x3b: {  	s26 =	sadd.s32 $0x80, s26;
	[sflag:s20] =	ssyncadd.s32 $0xFFFFC000  }
0x3c: {  	[spmem:s2] =	stream.indirect.scatter.add.f32 [tilespmem:s17], [sflag:$0x4], $0x80, s26, s19, $0xb8;
	[tilespmem:$0x1E080] =	vst v63  }
.Ltmp0:
0x3d: {  	_ =	swait.ge [sflag:s21], $0x4000;
	(pc) =	sbr.rel @p2 .LBB2_2-.Ltmp0, $4  }
0x3e: {  	[sflag:s21] =	ssyncset.done $0x0  }
0x3f: {  	[sflag:s21] =	ssyncadd.s32 $0xFFFFC000  }
0x40: {  	_ =	swait.ge [sflag:s22], $0x4000  }
0x41: {  	[sflag:s22] =	ssyncset.done $0x0  }
0x42: {  	[sflag:s22] =	ssyncadd.s32 $0xFFFFC000;
	s24 =	simm.s32 @!p1 $0x0;
	s25 =	simm.s32 @!p1 $0x2800  }
0x43: {  	[tilespmem:s25], [sflag:$0x1] =	stream.linear.gather @!p1 [hbm4b:s10+s24], $0x4000, $0x38;
	[tilespmem:$0x1E080] =	vst v63  }
0x44: {  	s24 =	simm.s32 @!p1 $0x1  }
0x45: {  	_ =	swait.ge @!p1 [sflag:s24], $0x4000  }
0x46: {  	[sflag:s24] =	ssyncset.done @!p1 $0x0  }
0x47: {  	s26 =	simm.s32 @!p1 $0x2700;
	[sflag:s24] =	ssyncadd.s32 @!p1 $0xFFFFC000;
	s24 =	simm.s32 @!p1 $0x80  }
0x48: {  	[spmem:s2] =	stream.indirect.scatter.add.f32 @!p1 [tilespmem:s25], [sflag:$0x3], $0x80, s26, s24, $0xb8;
	[tilespmem:$0x1E080] =	vst v63  }
0x49: {  	s24 =	simm.s32 @!p1 $0x3  }
0x4a: {  	_ =	swait.ge @!p1 [sflag:s24], $0x4000  }
0x4b: {  	[sflag:s24] =	ssyncset.done @!p1 $0x0  }
0x4c: {  	[sflag:s24] =	ssyncadd.s32 @!p1 $0xFFFFC000  }
0x4d: {  	s25 =	simm.s32 @p0 $0x1FC5;
	s24 =	sadd.s32 @p0 $0x25080, s8;
	[bflag:$0x0] =	sbarrier.arrive $0xFFFF  }
0x4e: {  	[hbm:s24], [sflag:s25] =	dma.local @p0 [spmem:s13], $0x2080  }
0x4f: {  	s24 =	simm.s32 @p0 $0x5  }
0x50: {  	_ =	swait.ge @p0 [sflag:s24], $0x2080  }
0x51: {  	s23 =	sadd.s32 $0x1, s23;
	[sflag:s24] =	ssyncset.done @p0 $0x0  }
0x52: {  	p2 =	sne.s32 s23, s9;
	[sflag:s24] =	ssyncadd.s32 @p0 $0xFFFFDF80;
	s24 =	sadd.s32 @!p0 s4, s8  }
0x53: {  	[hbm:s24], [sflag:s14] =	dma.local @!p0 [spmem:s15], $0x2780  }
.Ltmp1:
0x54: {  	_ = 	snop;
	(pc) =	sbr.rel @p2 .LBB2_1-.Ltmp1, $4  }
0x55: {  	s24 =	simm.s32 @!p0 $0x5  }
0x56: {  	_ =	swait.ge @!p0 [sflag:s24], $0x2780  }
0x57: {  	[sflag:s24] =	ssyncset.done @!p0 $0x0  }
0x58: {  	[sflag:s24] =	ssyncadd.s32 @!p0 $0xFFFFD880  }
0x59: {  	_ =	sfence.sel $0x180000  }
0x5a: {  	[bflag:$0x0] =	sbarrier.arrive $0xFFFF  }
0x5b: {  	p0 =	sne.s32 s0, $0x0;
	_ =	strace $0x9000004A  }
0x5c: {  	s0 =	sadd.s32 @!p0 $0x100000, s1;
	[bflag:$0x2] =	sbarrier.arrive $0xFFFF  }
0x5d: {  	[sflag:s0] =	ssyncadd.tile.s32 @!p0 $0x1;
	_ =	shalt  }
.Lfunc_end2:
_tile_overlayer_lowered:
.L_overlay_start_2:
0x5e: {  	(tag) =	ssettag $0x2  }
0x5f: {  	s0 =	rddreg [dreg:$0x0];
	s2 =	stileid.u32  }
0x60: {  	s1 =	rddreg [dreg:$0x1];
	p0 =	sne.s32 s2, $0x0  }
0x61: {  	s3 =	rddreg [dreg:$0x2];
	[bflag:$0x3] =	sbarrier.arrive $0xFFFF;
	s2 =	simm.s32 @!p0 $0x1C05  }
0x62: {  	[timem:s3], [sflag:s2] =	dma.local @!p0 [hbm:s0], s1  }
0x63: {  	s0 =	simm.s32 @!p0 $0x5  }
0x64: {  	_ =	swait.ge @!p0 [sflag:s0], s1  }
0x65: {  	s1 =	ssub.s32 @!p0 $0x0, s1;
	[sflag:s0] =	ssyncset.done @!p0 $0x0  }
0x66: {  	[sflag:s0] =	ssyncadd.s32 @!p0 s1  }
0x67: {  	[bflag:$0x3] =	sbarrier.arrive $0xFFFF  }
0x68: {  	_ =	shalt  }

// kernel: kernel.22.cloned.1.call-start
scs
__scs_entry_jumppad:
0x0: {  	(pc) =	sbr.rel $0x88, $3  }
0x1: {  	(tag) =	ssettag $0x0;
	lr =	simm.s32 $0x1  }
0x2: {  	[smem:$0x3F9A] =	sst lr;
	_ =	strace $0xD0000000  }
0x3: {  	_ = 	snop  }
0x4: {  	_ = 	snop  }
0x5: {  	_ = 	snop  }
0x6: {  	_ = 	snop  }
0x7: {  	_ = 	snop  }
__scs_overlays_trampoline_lowered:
0x8: {  	[smem:$0x3FA9] =	sst s0  }
0x9: {  	[smem:$0x3FAA] =	sst s1  }
0xa: {  	[smem:$0x3FAB] =	sst s2  }
0xb: {  	[smem:$0x3FAC] =	sst s3  }
0xc: {  	[smem:$0x3FAD] =	sst s4  }
0xd: {  	[smem:$0x3FAE] =	sst s5  }
0xe: {  	[smem:$0x3FAF] =	sst s6  }
0xf: {  	[smem:$0x3FB0] =	sst s7  }
0x10: {  	[smem:$0x3FB1] =	sst s8  }
0x11: {  	[smem:$0x3FB2] =	sst s9;
	s0 =	simm.s32 @!p0 $0x0  }
0x12: {  	s1 =	sld [smem:$0x3F98];
	s0 =	simm.s32 @p0 $0x1  }
0x13: {  	[smem:$0x3FB3] =	sst s0;
	s0 =	simm.s32 @!p1 $0x0  }
0x14: {  	s2 =	sld [smem:$0x3F97];
	s0 =	simm.s32 @p1 $0x1  }
0x15: {  	[smem:$0x3FB4] =	sst s0;
	s0 =	simm.s32 @!p2 $0x0  }
0x16: {  	s3 =	sld [smem:$0x3FDB];
	s0 =	simm.s32 @p2 $0x1  }
0x17: {  	s4 =	simm.s32 $0x1BF5;
	[smem:$0x3FB6] =	sst s0  }
0x18: {  	s0 =	sld [smem:$0x3F99];
	_ =	swait.ge [sflag:s4], $0x0  }
0x19: {  	s7 =	sld [smem:$0x3F9A]  }
0x1a: {  	s8 =	sadd.s32 $0xFFFFE003, lr  }
0x1b: {  	s9 =	sadd.s32 $0xFFFFFEF7, lr;
	s5 =	simm.s32 $0xFFFFFFFF;
	p2 =	slt.u32 s8, $0xFFFFF086  }
0x1c: {  	p1 =	slt.u32 s9, $0xF7A;
	s5 =	simm.s32 @!p2 $0x0  }
0x1d: {  	s5 =	simm.s32 @p1 $0x1;
	p0 =	seq.s32 s7, s2  }
0x1e: {  	s7 =	smul.u32 @!p0 $0xF7A, s2;
	p2 =	seq.s32 @!p0 s5, $0x0  }
0x1f: {  	s9 =	smul.u32 $0xF7A, s1;
	s8 =	simm.s32 @!p0 $0x1BF5;
	p2 =	por !p2, p0  }
0x20: {  	[sflag:s8] =	ssyncset.s32 @!p0 $0xFFFFF086;
	s6 =	sadd.s32 @!p0 s3, s7;
	s7 =	simm.s32 @!p0 $0x108  }
0x21: {  	s3 =	sadd.s32 s3, s9;
	s6 =	sadd.s32 @!p0 $0x88, s6;
	s7 =	simm.s32 @p2 $0x1082  }
0x22: {  	[simem:s7], [sflag:s8] =	dma.local @!p0 [hbm:s6], $0xF7A  }
0x23: {  	s9 =	sor.u32 $0xD0000000, s2;
	s6 =	simm.s32 $0x108;
	_ =	swait.ge @!p0 [sflag:s8], $0x0  }
0x24: {  	s3 =	sadd.s32 $0x88, s3;
	s6 =	simm.s32 @!p1 $0x1082;
	[sflag:s4] =	ssyncset.s32 $0xFFFFF086  }
0x25: {  	[simem:s6], [sflag:s4] =	dma.local [hbm:s3], $0xF7A  }
0x26: {  	[smem:$0x3F9A] =	sst s1;
	(tag) =	ssettag s2;
	_ =	strace s9  }
0x27: {  	s1 =	sld [smem:$0x3FAA]  }
0x28: {  	s2 =	sld [smem:$0x3FAB]  }
0x29: {  	s4 =	sld [smem:$0x3FAD]  }
0x2a: {  	p0 =	seq.s32 s5, $0x0;
	s5 =	sld [smem:$0x3FAE]  }
0x2b: {  	s6 =	sld [smem:$0x3FAF]  }
0x2c: {  	s7 =	sld [smem:$0x3FB0]  }
0x2d: {  	s3 =	simm.s32 $0x108;
	s8 =	sld [smem:$0x3FB1]  }
0x2e: {  	s3 =	simm.s32 @!p0 $0x1082;
	s9 =	sld [smem:$0x3FB2]  }
0x2f: {  	lr =	sadd.s32 s0, s3;
	s0 =	sld [smem:$0x3FA9]  }
0x30: {  	s3 =	sld [smem:$0x3FAC]  }
0x31: {  	[smem:$0x3FB5] =	sst s10  }
0x32: {  	s10 =	sld [smem:$0x3FB3];
	_ =	sdelay $0x3  }
0x33: {  	p0 =	seq.s32 s10, $0x1;
	s10 =	sld [smem:$0x3FB5];
	_ =	sdelay $0x3  }
0x34: {  	[smem:$0x3FB5] =	sst s10  }
0x35: {  	s10 =	sld [smem:$0x3FB4];
	_ =	sdelay $0x3  }
0x36: {  	p1 =	seq.s32 s10, $0x1;
	s10 =	sld [smem:$0x3FB5];
	_ =	sdelay $0x3  }
0x37: {  	[smem:$0x3FB5] =	sst s10  }
0x38: {  	s10 =	sld [smem:$0x3FB6]  }
0x39: {  	_ = 	snop;
	(pc) =	sbr.ind lr, $3  }
0x3a: {  	_ = 	snop  }
0x3b: {  	_ = 	snop  }
0x3c: {  	p2 =	seq.s32 s10, $0x1;
	s10 =	sld [smem:$0x3FB5]  }
0x3d: {  	_ =	shalt  }
0x3e: {  	_ =	shalt  }
0x3f: {  	_ =	shalt  }
0x40: {  	_ =	shalt  }
0x41: {  	_ =	shalt  }
0x42: {  	_ =	shalt  }
0x43: {  	_ =	shalt  }
0x44: {  	_ =	shalt  }
0x45: {  	_ =	shalt  }
0x46: {  	_ =	shalt  }
0x47: {  	_ =	shalt  }
0x48: {  	_ =	shalt  }
0x49: {  	_ =	shalt  }
0x4a: {  	_ =	shalt  }
0x4b: {  	_ =	shalt  }
0x4c: {  	_ =	shalt  }
0x4d: {  	_ =	shalt  }
0x4e: {  	_ =	shalt  }
0x4f: {  	_ =	shalt  }
0x50: {  	_ =	shalt  }
0x51: {  	_ =	shalt  }
0x52: {  	_ =	shalt  }
0x53: {  	_ =	shalt  }
0x54: {  	_ =	shalt  }
0x55: {  	_ =	shalt  }
0x56: {  	_ =	shalt  }
0x57: {  	_ =	shalt  }
0x58: {  	_ =	shalt  }
0x59: {  	_ =	shalt  }
0x5a: {  	_ =	shalt  }
0x5b: {  	_ =	shalt  }
0x5c: {  	_ =	shalt  }
0x5d: {  	_ =	shalt  }
0x5e: {  	_ =	shalt  }
0x5f: {  	_ =	shalt  }
0x60: {  	_ =	shalt  }
0x61: {  	_ =	shalt  }
0x62: {  	_ =	shalt  }
0x63: {  	_ =	shalt  }
0x64: {  	_ =	shalt  }
0x65: {  	_ =	shalt  }
0x66: {  	_ =	shalt  }
0x67: {  	_ =	shalt  }
0x68: {  	_ =	shalt  }
0x69: {  	_ =	shalt  }
0x6a: {  	_ =	shalt  }
0x6b: {  	_ =	shalt  }
0x6c: {  	_ =	shalt  }
0x6d: {  	_ =	shalt  }
0x6e: {  	_ =	shalt  }
0x6f: {  	_ =	shalt  }
0x70: {  	_ =	shalt  }
0x71: {  	_ =	shalt  }
0x72: {  	_ =	shalt  }
0x73: {  	_ =	shalt  }
0x74: {  	_ =	shalt  }
0x75: {  	_ =	shalt  }
0x76: {  	_ =	shalt  }
0x77: {  	_ =	shalt  }
0x78: {  	_ =	shalt  }
0x79: {  	_ =	shalt  }
0x7a: {  	_ =	shalt  }
0x7b: {  	_ =	shalt  }
0x7c: {  	_ =	shalt  }
0x7d: {  	_ =	shalt  }
0x7e: {  	_ =	shalt  }
0x7f: {  	_ =	shalt  }
0x80: {  	_ =	shalt  }
0x81: {  	_ =	shalt  }
0x82: {  	_ =	shalt  }
0x83: {  	_ =	shalt  }
0x84: {  	_ =	shalt  }
0x85: {  	_ =	shalt  }
0x86: {  	_ =	shalt  }
0x87: {  	_ =	shalt  }
.Lfunc_end0:
.L_simem_size_0:
called_computation.2_lowered:
.L_overlay_start_0:
0x88: {  	s2 =	sld [smem:$0x3FD9]  }
0x89: {  	s3 =	sld [smem:$0x3FFE];
	_ =	sdelay $0x1  }
0x8a: {  	s1 =	srdreg.scid  }
0x8b: {  	s0 =	sand.u32 $0x1, s1  }
0x8c: {  	s16 =	sshll.u32 s0, $0xA;
	s2 =	sadd.s32 s3, s2  }
0x8d: {  	s2 =	sadd.s32 s2, s16  }
0x8e: {  	[smem:$0x3FC1] =	sst s2  }
0x8f: {  	_ = 	snop  }
0x90: {  	(tm) =	ssettm $0x1  }
0x91: {  	s17 =	sld [smem:$0x3FFB];
	_ =	sdelay $0x3  }
0x92: {  	_ =	strace s17  }
0x93: {  	s2 =	sld [smem:$0x3FFC];
	_ =	sdelay $0x3  }
0x94: {  	_ =	strace s2  }
0x95: {  	s2 =	sld [smem:$0x3FFD];
	_ =	sdelay $0x3  }
0x96: {  	_ =	strace s2  }
0x97: {  	_ =	strace $0x8FFFFFFF  }
0x98: {  	s18 =	sld [smem:$0x3FDB];
	_ =	sdelay $0x1  }
0x99: {  	s19 =	simm.s32 $_scs_section_size  }
0x9a: {  	s4 =	simm.s32 $_size__tile_overlayer_lowered;
	s5 =	simm.s32 $_tile_overlayer_lowered  }
0x9b: {  	s22 =	simm.s32 $0x1BFF;
	s21 =	sshll.u32 s5, $0x1;
	s2 =	sadd.s32 s19, s18  }
0x9c: {  	s6 =	simm.s32 $0x0;
	s20 =	sshll.u32 s4, $0x1;
	s4 =	sadd.s32 s21, s2  }
0x9d: {  	[timem:s6], [sflag:s22] =	dma.local [hbm:s4], s20  }
0x9e: {  	_ =	swait.ge [sflag:s22], s20  }
0x9f: {  	s3 =	ssub.s32 $0x0, s20;
	[sflag:s22] =	ssyncset.done $0x0  }
0xa0: {  	[sflag:s22] =	ssyncadd.s32 s3;
	_ =	sdelay $0x1  }
0xa1: {  	s23 =	simm.s32 $0x1B8B  }
0xa2: {  	_ =	swait.ge [sflag:s23], $0x1  }
0xa3: {  	[sflag:s23] =	ssyncset.done $0x0  }
0xa4: {  	s25 =	simm.s32 $0x1B8E;
	s24 =	sld [smem:$0x3FFE];
	[sflag:s23] =	ssyncadd.s32 $0xFFFFFFFF  }
0xa5: {  	s26 =	simm.s32 $execute0_lowered;
	[smem:$0x3FD2] =	sst s25  }
0xa6: {  	s4 =	sshll.u32 s26, $0x1;
	_ =	strace $0x8000004C;
	[dreg:$0x1] =	wrdreg $0xFFFFFFFF  }
0xa7: {  	s28 =	simm.s32 $_size_execute0_lowered;
	s2 =	sadd.s32 s2, s4;
	[dreg:$0x0] =	wrdreg $0x0  }
0xa8: {  	s4 =	sshll.u32 s28, $0x1;
	[dreg:$0x2] =	wrdreg s2  }
0xa9: {  	[dreg:$0x3] =	wrdreg s4  }
0xaa: {  	[dreg:$0x4] =	wrdreg $0xC0  }
0xab: {  	_ =	task [dreg:s6], $0x5FFFF  }
0xac: {  	[dreg:$0x1] =	wrdreg $0xFFFFFFFF  }
0xad: {  	[dreg:$0x0] =	wrdreg $0x60  }
0xae: {  	[dreg:$0x2] =	wrdreg s24  }
0xaf: {  	[dreg:$0x3] =	wrdreg $0x9  }
0xb0: {  	_ =	task.clear_ibuf [dreg:s6], $0x4FFFF;
	_ =	strace $0x9000004C  }
0xb1: {  	s29 =	simm.s32 $0x9;
	_ =	strace $0x8000004E  }
0xb2: {  	_ =	swait.ge [sflag:s29], $0x1  }
0xb3: {  	[sflag:s29] =	ssyncadd.s32 $0xFFFFFFFF  }
0xb4: {  	_ =	strace $0x9000004E  }
0xb5: {  	_ =	sfence  }
0xb6: {  	s30 =	sld [smem:$0x0];
	_ =	sdelay $0x2  }
0xb7: {  	s31 =	sshll.u32 s1, $0xD;
	s1 =	sshrl.u32 s1, $0x2  }
0xb8: {  	s3 =	sand.u32 $0x4000, s31;
	s1 =	sadd.s32 s1, s30  }
0xb9: {  	s0 =	sor.u32 s3, s0;
	s1 =	sshll.u32 s1, $0x11  }
0xba: {  	s0 =	sor.u32 s1, s0  }
0xbb: {  	s0 =	sadd.s32 $0x8F2B, s0  }
0xbc: {  	[sflag:s0] =	ssyncadd.remote.s32 $0x1  }
0xbd: {  	_ =	sfence.sel $0xFFFF  }
0xbe: {  	[dreg:$0x0] =	wrdreg $0xFFFFFFFF;
	(pc) =	sbr.abs _section_cstart, $3  }
0xbf: {  	[dreg:$0x1] =	wrdreg $0xFFFFFFFF  }
0xc0: {  	_ =	task.clear_ibuf [dreg:s6], $0x2FFFF;
	_ =	strace $0x9FFFFFFF  }
0xc1: {  	(tm) =	ssettm $0x7FFFFFFF  }
tec
execute0_lowered:
.L_overlay_start_1:
0x0: {  	(tag) =	ssettag $0x1  }
0x1: {  	s1 =	srdreg.scid  }
0x2: {  	s0 =	stileid.u32;
	s4 =	rddreg [dreg:$0x0];
	s2 =	simm.s32 $0x0  }
0x3: {  	s31 =	simm.s32 $0x80;
	s11 =	simm.s32 $0x8;
	s12 =	simm.s32 $0x0  }
0x4: {  	s5 =	sand.u32 $0x1, s1;
	s3 =	sshll.u32 s0, $0x1;
	s1 =	rddreg [dreg:$0x1]  }
0x5: {  	[smem:$0x7FF] =	sst s2;
	s9 =	sshll.u32 s0, $0xC;
	s7 =	sor.u32 s5, s3  }
0x6: {  	_ =	strace $0x8000004D;
	s3 =	sadd.s32 $0x66800, s4;
	s8 =	ssub.s32 $0x2, s5  }
0x7: {  	s9 =	sadd.s32 s9, s4;
	s29 =	sshll.u32 s5, $0xB;
	[dreg:$0x2] =	wrdreg s31  }
0x8: {  	s6 =	smul.u32 $0x500, s7;
	s10 =	sshrl.u32 s8, $0x1;
	s30 =	sadd.s32 s29, s9  }
0x9: {  	s7 =	sor.u32 $0xC0, s7;
	s9 =	simm.s32 $0x2800;
	s8 =	ssub.s32 s8, s10  }
0xa: {  	s10 =	simm.s32 $0x1;
	s6 =	sadd.s32 s6, s4;
	s5 =	smax.u32 s8, $0x1  }
0xb: {  	s8 =	simm.s32 $0xF;
	s4 =	sadd.s32 $0xE400, s6;
	s6 =	sadd.s32 $0x8DA00, s30  }
.LBB2_1:
0xc: {  	[tilespmem:s2], [sflag:$0xF] =	stream.linear.gather [hbm4b:s4+s2], $0x2800, $0x38;
	[tilespmem:$0x1E800] =	vst v63  }
0xd: {  	s13 =	sadd.s32 $0xFFFFFF80, s7  }
0xe: {  	s14 =	sadd.s32 $0xFFFFFFC0, s7;
	s15 =	sadd.s32 $0xFFFFFF60, s7;
	s16 =	sadd.s32 $0xFFFFFFA0, s7  }
0xf: {  	s31 =	simm.s32 $0x0;
	s21 =	sadd.s32 $0xFFFFFFE0, s7;
	p0 =	sgt.u32 s7, $0x9C3  }
0x10: {  	_ =	swait.ge [sflag:s8], $0x2800;
	p4 =	sgt.u32 s15, $0x9C3;
	p3 =	sgt.u32 s13, $0x9C3  }
0x11: {  	p5 =	sgt.u32 s16, $0x9C3;
	p2 =	sgt.u32 s14, $0x9C3;
	[sflag:s8] =	ssyncset.done $0x0  }
0x12: {  	p1 =	sgt.u32 s21, $0x9C3;
	s30 =	rddreg [dreg:$0x2];
	[sflag:s8] =	ssyncadd.s32 $0xFFFFD800  }
0x13: {  	[tilespmem:s9], [sflag:$0x1] =	stream.indirect.gather [hbm4b:s3+s30], $0x80, s31, s30, $0xb8;
	[tilespmem:$0x1E800] =	vst v63  }
0x14: {  	s17 =	simm.s32 @!p4 $0x80;
	s13 =	simm.s32 @!p4 $0x80;
	s15 =	simm.s32 @!p4 $0x6800  }
0x15: {  	[tilespmem:s15], [sflag:$0x2] =	stream.indirect.gather @!p4 [hbm4b:s3+s13], $0x80, s17, s13, $0xb8;
	[tilespmem:$0x1E800] =	vst v63  }
0x16: {  	s18 =	simm.s32 @!p3 $0x80;
	s19 =	simm.s32 @!p3 $0xA800;
	s20 =	simm.s32 @!p3 $0x100  }
0x17: {  	[tilespmem:s19], [sflag:$0x3] =	stream.indirect.gather @!p3 [hbm4b:s3+s18], $0x80, s20, s18, $0xb8;
	[tilespmem:$0x1E800] =	vst v63  }
0x18: {  	s14 =	simm.s32 @!p5 $0x180;
	s16 =	simm.s32 @!p5 $0x80;
	s13 =	simm.s32 @!p5 $0xE800  }
0x19: {  	[tilespmem:s13], [sflag:$0x4] =	stream.indirect.gather @!p5 [hbm4b:s3+s16], $0x80, s14, s16, $0xb8;
	[tilespmem:$0x1E800] =	vst v63  }
0x1a: {  	s17 =	simm.s32 @!p2 $0x12800;
	s14 =	simm.s32 @!p2 $0x200;
	s16 =	simm.s32 @!p2 $0x80  }
0x1b: {  	[tilespmem:s17], [sflag:$0x5] =	stream.indirect.gather @!p2 [hbm4b:s3+s16], $0x80, s14, s16, $0xb8;
	[tilespmem:$0x1E800] =	vst v63  }
0x1c: {  	s18 =	simm.s32 @!p1 $0x280;
	s14 =	simm.s32 @!p1 $0x80;
	s16 =	simm.s32 @!p1 $0x16800  }
0x1d: {  	[tilespmem:s16], [sflag:$0x6] =	stream.indirect.gather @!p1 [hbm4b:s3+s14], $0x80, s18, s14, $0xb8;
	[tilespmem:$0x1E800] =	vst v63  }
0x1e: {  	s20 =	simm.s32 @!p0 $0x80;
	s14 =	simm.s32 @!p0 $0x1A800;
	s18 =	simm.s32 @!p0 $0x300  }
0x1f: {  	[tilespmem:s14], [sflag:$0x7] =	stream.indirect.gather @!p0 [hbm4b:s3+s20], $0x80, s18, s20, $0xb8;
	[tilespmem:$0x1E800] =	vst v63  }
0x20: {  	_ =	swait.ge [sflag:s10], $0x4000  }
0x21: {  	[sflag:s10] =	ssyncset.done $0x0  }
0x22: {  	s18 =	simm.s32 @!p4 $0x2;
	[sflag:s10] =	ssyncadd.s32 $0xFFFFC000  }
0x23: {  	[hbm4b:s6+s2] =	stream.linear.scatter [tilespmem:s9], [sflag:$0x8], $0x4000, $0x38;
	[tilespmem:$0x1E800] =	vst v63  }
0x24: {  	_ =	swait.ge @!p4 [sflag:s18], $0x4000  }
0x25: {  	s21 =	sadd.s32 @!p4 $0x10000, s6;
	[sflag:s18] =	ssyncset.done @!p4 $0x0  }
0x26: {  	s22 =	simm.s32 @!p4 $0x0;
	s20 =	simm.s32 @!p3 $0x3;
	[sflag:s18] =	ssyncadd.s32 @!p4 $0xFFFFC000  }
0x27: {  	[hbm4b:s21+s22] =	stream.linear.scatter @!p4 [tilespmem:s15], [sflag:$0x9], $0x4000, $0x38;
	[tilespmem:$0x1E800] =	vst v63  }
0x28: {  	_ =	swait.ge @!p3 [sflag:s20], $0x4000  }
0x29: {  	s18 =	simm.s32 @!p3 $0x0;
	[sflag:s20] =	ssyncset.done @!p3 $0x0  }
0x2a: {  	s15 =	sadd.s32 @!p3 $0x20000, s6;
	[sflag:s20] =	ssyncadd.s32 @!p3 $0xFFFFC000;
	s20 =	simm.s32 @!p5 $0x4  }
0x2b: {  	[hbm4b:s15+s18] =	stream.linear.scatter @!p3 [tilespmem:s19], [sflag:$0xA], $0x4000, $0x38;
	[tilespmem:$0x1E800] =	vst v63  }
0x2c: {  	_ =	swait.ge @!p5 [sflag:s20], $0x4000  }
0x2d: {  	s15 =	sadd.s32 @!p5 $0x30000, s6;
	[sflag:s20] =	ssyncset.done @!p5 $0x0  }
0x2e: {  	s18 =	simm.s32 @!p5 $0x0;
	s19 =	simm.s32 @!p2 $0x5;
	[sflag:s20] =	ssyncadd.s32 @!p5 $0xFFFFC000  }
0x2f: {  	[hbm4b:s15+s18] =	stream.linear.scatter @!p5 [tilespmem:s13], [sflag:$0xB], $0x4000, $0x38;
	[tilespmem:$0x1E800] =	vst v63  }
0x30: {  	_ =	swait.ge @!p2 [sflag:s19], $0x4000  }
0x31: {  	s13 =	sadd.s32 @!p2 $0x40000, s6;
	[sflag:s19] =	ssyncset.done @!p2 $0x0  }
0x32: {  	s15 =	simm.s32 @!p2 $0x0;
	s18 =	simm.s32 @!p1 $0x6;
	[sflag:s19] =	ssyncadd.s32 @!p2 $0xFFFFC000  }
0x33: {  	[hbm4b:s13+s15] =	stream.linear.scatter @!p2 [tilespmem:s17], [sflag:$0xC], $0x4000, $0x38;
	[tilespmem:$0x1E800] =	vst v63  }
0x34: {  	_ =	swait.ge @!p1 [sflag:s18], $0x4000  }
0x35: {  	s13 =	sadd.s32 @!p1 $0x50000, s6;
	[sflag:s18] =	ssyncset.done @!p1 $0x0  }
0x36: {  	s15 =	simm.s32 @!p1 $0x0;
	s17 =	simm.s32 @!p0 $0x7;
	[sflag:s18] =	ssyncadd.s32 @!p1 $0xFFFFC000  }
0x37: {  	[hbm4b:s13+s15] =	stream.linear.scatter @!p1 [tilespmem:s16], [sflag:$0xD], $0x4000, $0x38;
	[tilespmem:$0x1E800] =	vst v63  }
0x38: {  	_ =	swait.ge @!p0 [sflag:s17], $0x4000  }
0x39: {  	[sflag:s17] =	ssyncset.done @!p0 $0x0  }
0x3a: {  	s13 =	sadd.s32 @!p0 $0x60000, s6;
	s15 =	simm.s32 @!p0 $0x0;
	[sflag:s17] =	ssyncadd.s32 @!p0 $0xFFFFC000  }
0x3b: {  	[hbm4b:s13+s15] =	stream.linear.scatter @!p0 [tilespmem:s14], [sflag:$0xE], $0x4000, $0x38;
	[tilespmem:$0x1E800] =	vst v63  }
0x3c: {  	_ =	swait.ge [sflag:s11], $0x4000  }
0x3d: {  	[sflag:s11] =	ssyncset.done $0x0  }
0x3e: {  	s13 =	simm.s32 @!p4 $0x9;
	[sflag:s11] =	ssyncadd.s32 $0xFFFFC000  }
0x3f: {  	_ =	swait.ge @!p4 [sflag:s13], $0x4000  }
0x40: {  	[sflag:s13] =	ssyncset.done @!p4 $0x0  }
0x41: {  	[sflag:s13] =	ssyncadd.s32 @!p4 $0xFFFFC000;
	s13 =	simm.s32 @!p3 $0xA  }
0x42: {  	_ =	swait.ge @!p3 [sflag:s13], $0x4000  }
0x43: {  	[sflag:s13] =	ssyncset.done @!p3 $0x0  }
0x44: {  	s15 =	simm.s32 @!p5 $0xB;
	[sflag:s13] =	ssyncadd.s32 @!p3 $0xFFFFC000  }
0x45: {  	s19 =	simm.s32 @!p2 $0xC;
	_ =	swait.ge @!p5 [sflag:s15], $0x4000  }
0x46: {  	s18 =	simm.s32 @!p0 $0xE;
	s16 =	simm.s32 $0x1C00;
	[sflag:s15] =	ssyncset.done @!p5 $0x0  }
0x47: {  	s17 =	simm.s32 @!p1 $0xD;
	s14 =	simm.s32 $0xE00;
	[sflag:s15] =	ssyncadd.s32 @!p5 $0xFFFFC000  }
0x48: {  	s13 =	sadd.s32 $0x70000, s6;
	s15 =	sadd.s32 $0xE0, s7;
	_ =	swait.ge @!p2 [sflag:s19], $0x4000  }
.LBB2_2:
0x49: {  	s20 =	sadd.s32 $0xFFFFFF80, s15;
	s22 =	sadd.s32 $0xFFFFFFC0, s15;
	[sflag:s19] =	ssyncset.done @!p2 $0x0  }
0x4a: {  	s23 =	sadd.s32 $0xFFFFFF60, s15;
	s24 =	sadd.s32 $0xFFFFFFA0, s15;
	s25 =	sshra.s32 s14, $0x2  }
0x4b: {  	s28 =	sadd.s32 $0xFFFFFFE0, s15;
	[sflag:s19] =	ssyncadd.s32 @!p2 $0xFFFFC000;
	p4 =	sgt.u32 s23, $0x9C3  }
0x4c: {  	p3 =	sgt.u32 s20, $0x9C3;
	p2 =	sgt.u32 s22, $0x9C3;
	_ =	swait.ge @!p1 [sflag:s17], $0x4000  }
0x4d: {  	p5 =	sgt.u32 s24, $0x9C3;
	s19 =	sshra.s32 @!p4 s14, $0x2;
	[sflag:s17] =	ssyncset.done @!p1 $0x0  }
0x4e: {  	s23 =	simm.s32 @!p3 $0x80;
	s29 =	simm.s32 @!p4 $0x80;
	[sflag:s17] =	ssyncadd.s32 @!p1 $0xFFFFC000  }
0x4f: {  	s30 =	simm.s32 @!p4 $0x6800;
	s24 =	sshra.s32 @!p5 s14, $0x2;
	_ =	swait.ge @!p0 [sflag:s18], $0x4000  }
0x50: {  	s22 =	simm.s32 @!p5 $0xE800;
	s20 =	sadd.s32 @!p4 $0x80, s19;
	[sflag:s18] =	ssyncset.done @!p0 $0x0  }
0x51: {  	s17 =	sshra.s32 @!p3 s14, $0x2;
	s26 =	rddreg [dreg:$0x2];
	[sflag:s18] =	ssyncadd.s32 @!p0 $0xFFFFC000  }
0x52: {  	[tilespmem:s9], [sflag:$0x1] =	stream.indirect.gather [hbm4b:s3+s26], $0x80, s25, s26, $0xb8;
	[tilespmem:$0x1E800] =	vst v63  }
0x53: {  	s19 =	simm.s32 @!p3 $0xA800;
	p1 =	sgt.u32 s28, $0x9C3;
	s17 =	sadd.s32 @!p3 $0x100, s17  }
0x54: {  	[tilespmem:s30], [sflag:$0x2] =	stream.indirect.gather @!p4 [hbm4b:s3+s29], $0x80, s20, s29, $0xb8;
	[tilespmem:$0x1E800] =	vst v63  }
0x55: {  	p0 =	sgt.u32 s15, $0x9C3;
	s25 =	sshra.s32 @!p2 s14, $0x2;
	s26 =	simm.s32 @!p1 $0x80  }
0x56: {  	[tilespmem:s19], [sflag:$0x3] =	stream.indirect.gather @!p3 [hbm4b:s3+s23], $0x80, s17, s23, $0xb8;
	[tilespmem:$0x1E800] =	vst v63  }
0x57: {  	s20 =	sadd.s32 @!p5 $0x180, s24;
	s24 =	simm.s32 @!p5 $0x80;
	s17 =	sadd.s32 @!p2 $0x200, s25  }
0x58: {  	[tilespmem:s22], [sflag:$0x4] =	stream.indirect.gather @!p5 [hbm4b:s3+s24], $0x80, s20, s24, $0xb8;
	[tilespmem:$0x1E800] =	vst v63  }
0x59: {  	s25 =	simm.s32 @!p2 $0x80;
	s23 =	simm.s32 @!p2 $0x12800;
	s24 =	sshra.s32 @!p1 s14, $0x2  }
0x5a: {  	[tilespmem:s23], [sflag:$0x5] =	stream.indirect.gather @!p2 [hbm4b:s3+s25], $0x80, s17, s25, $0xb8;
	[tilespmem:$0x1E800] =	vst v63  }
0x5b: {  	s20 =	simm.s32 @!p1 $0x16800;
	s14 =	sshra.s32 @!p0 s14, $0x2;
	s24 =	sadd.s32 @!p1 $0x280, s24  }
0x5c: {  	[tilespmem:s20], [sflag:$0x6] =	stream.indirect.gather @!p1 [hbm4b:s3+s26], $0x80, s24, s26, $0xb8;
	[tilespmem:$0x1E800] =	vst v63  }
0x5d: {  	s18 =	simm.s32 @!p0 $0x1A800;
	s14 =	sadd.s32 @!p0 $0x300, s14;
	s24 =	simm.s32 @!p0 $0x80  }
0x5e: {  	[tilespmem:s18], [sflag:$0x7] =	stream.indirect.gather @!p0 [hbm4b:s3+s24], $0x80, s14, s24, $0xb8;
	[tilespmem:$0x1E800] =	vst v63  }
0x5f: {  	_ =	swait.ge [sflag:s10], $0x4000  }
0x60: {  	[sflag:s10] =	ssyncset.done $0x0  }
0x61: {  	s24 =	simm.s32 @!p4 $0x2;
	[sflag:s10] =	ssyncadd.s32 $0xFFFFC000  }
0x62: {  	[hbm4b:s13+s2] =	stream.linear.scatter [tilespmem:s9], [sflag:$0x8], $0x4000, $0x38;
	[tilespmem:$0x1E800] =	vst v63  }
0x63: {  	s21 =	smov.u32 s16;
	_ =	swait.ge @!p4 [sflag:s24], $0x4000  }
0x64: {  	s25 =	sadd.s32 @!p4 $0x10000, s13;
	s26 =	simm.s32 @!p4 $0x0;
	[sflag:s24] =	ssyncset.done @!p4 $0x0  }
0x65: {  	s14 =	smov.u32 s21;
	s21 =	simm.s32 @!p3 $0x3;
	[sflag:s24] =	ssyncadd.s32 @!p4 $0xFFFFC000  }
0x66: {  	[hbm4b:s25+s26] =	stream.linear.scatter @!p4 [tilespmem:s30], [sflag:$0x9], $0x4000, $0x38;
	[tilespmem:$0x1E800] =	vst v63  }
0x67: {  	_ =	swait.ge @!p3 [sflag:s21], $0x4000  }
0x68: {  	s24 =	sadd.s32 @!p3 $0x20000, s13;
	[sflag:s21] =	ssyncset.done @!p3 $0x0  }
0x69: {  	s25 =	simm.s32 @!p3 $0x0;
	[sflag:s21] =	ssyncadd.s32 @!p3 $0xFFFFC000;
	s21 =	simm.s32 @!p5 $0x4  }
0x6a: {  	[hbm4b:s24+s25] =	stream.linear.scatter @!p3 [tilespmem:s19], [sflag:$0xA], $0x4000, $0x38;
	[tilespmem:$0x1E800] =	vst v63  }
0x6b: {  	_ =	swait.ge @!p5 [sflag:s21], $0x4000  }
0x6c: {  	s28 =	simm.s32 @!p5 $0x0;
	[sflag:s21] =	ssyncset.done @!p5 $0x0  }
0x6d: {  	s26 =	sadd.s32 @!p5 $0x30000, s13;
	s19 =	simm.s32 @!p2 $0x5;
	[sflag:s21] =	ssyncadd.s32 @!p5 $0xFFFFC000  }
0x6e: {  	[hbm4b:s26+s28] =	stream.linear.scatter @!p5 [tilespmem:s22], [sflag:$0xB], $0x4000, $0x38;
	[tilespmem:$0x1E800] =	vst v63  }
0x6f: {  	_ =	swait.ge @!p2 [sflag:s19], $0x4000  }
0x70: {  	s21 =	sadd.s32 @!p2 $0x40000, s13;
	[sflag:s19] =	ssyncset.done @!p2 $0x0  }
0x71: {  	s22 =	simm.s32 @!p2 $0x0;
	[sflag:s19] =	ssyncadd.s32 @!p2 $0xFFFFC000;
	s19 =	simm.s32 @!p1 $0x6  }
0x72: {  	[hbm4b:s21+s22] =	stream.linear.scatter @!p2 [tilespmem:s23], [sflag:$0xC], $0x4000, $0x38;
	[tilespmem:$0x1E800] =	vst v63  }
0x73: {  	_ =	swait.ge @!p1 [sflag:s19], $0x4000  }
0x74: {  	s21 =	sadd.s32 @!p1 $0x50000, s13;
	[sflag:s19] =	ssyncset.done @!p1 $0x0  }
0x75: {  	s22 =	simm.s32 @!p1 $0x0;
	[sflag:s19] =	ssyncadd.s32 @!p1 $0xFFFFC000;
	s19 =	simm.s32 @!p0 $0x7  }
0x76: {  	[hbm4b:s21+s22] =	stream.linear.scatter @!p1 [tilespmem:s20], [sflag:$0xD], $0x4000, $0x38;
	[tilespmem:$0x1E800] =	vst v63  }
0x77: {  	_ =	swait.ge @!p0 [sflag:s19], $0x4000  }
0x78: {  	[sflag:s19] =	ssyncset.done @!p0 $0x0  }
0x79: {  	s20 =	sadd.s32 @!p0 $0x60000, s13;
	s21 =	simm.s32 @!p0 $0x0;
	[sflag:s19] =	ssyncadd.s32 @!p0 $0xFFFFC000  }
0x7a: {  	[hbm4b:s20+s21] =	stream.linear.scatter @!p0 [tilespmem:s18], [sflag:$0xE], $0x4000, $0x38;
	[tilespmem:$0x1E800] =	vst v63  }
0x7b: {  	_ =	swait.ge [sflag:s11], $0x4000  }
0x7c: {  	[sflag:s11] =	ssyncset.done $0x0  }
0x7d: {  	s18 =	simm.s32 @!p4 $0x9;
	[sflag:s11] =	ssyncadd.s32 $0xFFFFC000  }
0x7e: {  	_ =	swait.ge @!p4 [sflag:s18], $0x4000  }
0x7f: {  	[sflag:s18] =	ssyncset.done @!p4 $0x0  }
0x80: {  	[sflag:s18] =	ssyncadd.s32 @!p4 $0xFFFFC000;
	s18 =	simm.s32 @!p3 $0xA  }
0x81: {  	s16 =	sadd.s32 $0xE00, s16;
	_ =	swait.ge @!p3 [sflag:s18], $0x4000  }
0x82: {  	p6 =	sne.s32 s16, $0xA800;
	[sflag:s18] =	ssyncset.done @!p3 $0x0  }
.Ltmp0:
0x83: {  	s20 =	simm.s32 @!p5 $0xB;
	[sflag:s18] =	ssyncadd.s32 @!p3 $0xFFFFC000;
	(pc) =	sbr.rel @p6 .LBB2_2-.Ltmp0, $4  }
0x84: {  	_ =	swait.ge @!p5 [sflag:s20], $0x4000  }
0x85: {  	s15 =	sadd.s32 $0xE0, s15;
	[sflag:s20] =	ssyncset.done @!p5 $0x0  }
0x86: {  	s17 =	simm.s32 @!p1 $0xD;
	s19 =	simm.s32 @!p2 $0xC;
	[sflag:s20] =	ssyncadd.s32 @!p5 $0xFFFFC000  }
0x87: {  	s13 =	sadd.s32 $0x70000, s13;
	s18 =	simm.s32 @!p0 $0xE;
	_ =	swait.ge @!p2 [sflag:s19], $0x4000  }
0x88: {  	s16 =	sadd.s32 $0xFFFFFF80, s15;
	s20 =	sadd.s32 $0xFFFFFFC0, s15;
	[sflag:s19] =	ssyncset.done @!p2 $0x0  }
0x89: {  	s21 =	sadd.s32 $0xFFFFFF60, s15;
	s22 =	sadd.s32 $0xFFFFFFA0, s15;
	s31 =	sshra.s32 s14, $0x2  }
0x8a: {  	s25 =	sadd.s32 $0xFFFFFFE0, s15;
	[sflag:s19] =	ssyncadd.s32 @!p2 $0xFFFFC000;
	p3 =	sgt.u32 s21, $0x9C3  }
0x8b: {  	p2 =	sgt.u32 s16, $0x9C3;
	p5 =	sgt.u32 s22, $0x9C3;
	_ =	swait.ge @!p1 [sflag:s17], $0x4000  }
0x8c: {  	p4 =	sgt.u32 s25, $0x9C3;
	s21 =	sshra.s32 @!p3 s14, $0x2;
	[sflag:s17] =	ssyncset.done @!p1 $0x0  }
0x8d: {  	s23 =	simm.s32 @!p2 $0xA800;
	s19 =	sshra.s32 @!p5 s14, $0x2;
	[sflag:s17] =	ssyncadd.s32 @!p1 $0xFFFFC000  }
0x8e: {  	s16 =	sadd.s32 @!p3 $0x80, s21;
	s21 =	simm.s32 @!p2 $0x80;
	_ =	swait.ge @!p0 [sflag:s18], $0x4000  }
0x8f: {  	s17 =	sshra.s32 @!p2 s14, $0x2;
	p1 =	sgt.u32 s20, $0x9C3;
	[sflag:s18] =	ssyncset.done @!p0 $0x0  }
0x90: {  	s20 =	simm.s32 @!p5 $0xE800;
	s24 =	rddreg [dreg:$0x2];
	[sflag:s18] =	ssyncadd.s32 @!p0 $0xFFFFC000  }
0x91: {  	[tilespmem:s9], [sflag:$0x1] =	stream.indirect.gather [hbm4b:s3+s24], $0x80, s31, s24, $0xb8;
	[tilespmem:$0x1E800] =	vst v63  }
0x92: {  	s18 =	simm.s32 @!p3 $0x80;
	p0 =	sgt.u32 s15, $0x9C3;
	s15 =	simm.s32 @!p3 $0x6800  }
0x93: {  	[tilespmem:s15], [sflag:$0x2] =	stream.indirect.gather @!p3 [hbm4b:s3+s18], $0x80, s16, s18, $0xb8;
	[tilespmem:$0x1E800] =	vst v63  }
0x94: {  	s17 =	sadd.s32 @!p2 $0x100, s17;
	s16 =	sadd.s32 @!p5 $0x180, s19;
	s18 =	sshra.s32 @!p1 s14, $0x2  }
0x95: {  	[tilespmem:s23], [sflag:$0x3] =	stream.indirect.gather @!p2 [hbm4b:s3+s21], $0x80, s17, s21, $0xb8;
	[tilespmem:$0x1E800] =	vst v63  }
0x96: {  	s19 =	simm.s32 @!p1 $0x80;
	s18 =	sadd.s32 @!p1 $0x200, s18;
	s17 =	simm.s32 @!p5 $0x80  }
0x97: {  	[tilespmem:s20], [sflag:$0x4] =	stream.indirect.gather @!p5 [hbm4b:s3+s17], $0x80, s16, s17, $0xb8;
	[tilespmem:$0x1E800] =	vst v63  }
0x98: {  	s21 =	simm.s32 @!p4 $0x80;
	s16 =	simm.s32 @!p1 $0x12800;
	s17 =	sshra.s32 @!p4 s14, $0x2  }
0x99: {  	[tilespmem:s16], [sflag:$0x5] =	stream.indirect.gather @!p1 [hbm4b:s3+s19], $0x80, s18, s19, $0xb8;
	[tilespmem:$0x1E800] =	vst v63  }
0x9a: {  	s14 =	sshra.s32 @!p0 s14, $0x2;
	s17 =	sadd.s32 @!p4 $0x280, s17;
	s18 =	simm.s32 @!p4 $0x16800  }
0x9b: {  	[tilespmem:s18], [sflag:$0x6] =	stream.indirect.gather @!p4 [hbm4b:s3+s21], $0x80, s17, s21, $0xb8;
	[tilespmem:$0x1E800] =	vst v63  }
0x9c: {  	s14 =	sadd.s32 @!p0 $0x300, s14;
	s19 =	simm.s32 @!p0 $0x80;
	s17 =	simm.s32 @!p0 $0x1A800  }
0x9d: {  	[tilespmem:s17], [sflag:$0x7] =	stream.indirect.gather @!p0 [hbm4b:s3+s19], $0x80, s14, s19, $0xb8;
	[tilespmem:$0x1E800] =	vst v63  }
0x9e: {  	_ =	swait.ge [sflag:s10], $0x4000  }
0x9f: {  	[sflag:s10] =	ssyncset.done $0x0  }
0xa0: {  	s14 =	simm.s32 @!p3 $0x2;
	[sflag:s10] =	ssyncadd.s32 $0xFFFFC000  }
0xa1: {  	[hbm4b:s13+s2] =	stream.linear.scatter [tilespmem:s9], [sflag:$0x8], $0x4000, $0x38;
	[tilespmem:$0x1E800] =	vst v63  }
0xa2: {  	_ =	swait.ge @!p3 [sflag:s14], $0x4000  }
0xa3: {  	s22 =	simm.s32 @!p3 $0x0;
	[sflag:s14] =	ssyncset.done @!p3 $0x0  }
0xa4: {  	s21 =	sadd.s32 @!p3 $0x10000, s13;
	s19 =	simm.s32 @!p2 $0x3;
	[sflag:s14] =	ssyncadd.s32 @!p3 $0xFFFFC000  }
0xa5: {  	[hbm4b:s21+s22] =	stream.linear.scatter @!p3 [tilespmem:s15], [sflag:$0x9], $0x4000, $0x38;
	[tilespmem:$0x1E800] =	vst v63  }
0xa6: {  	_ =	swait.ge @!p2 [sflag:s19], $0x4000  }
0xa7: {  	s14 =	sadd.s32 @!p2 $0x20000, s13;
	[sflag:s19] =	ssyncset.done @!p2 $0x0  }
0xa8: {  	s15 =	simm.s32 @!p2 $0x0;
	[sflag:s19] =	ssyncadd.s32 @!p2 $0xFFFFC000;
	s19 =	simm.s32 @!p5 $0x4  }
0xa9: {  	[hbm4b:s14+s15] =	stream.linear.scatter @!p2 [tilespmem:s23], [sflag:$0xA], $0x4000, $0x38;
	[tilespmem:$0x1E800] =	vst v63  }
0xaa: {  	_ =	swait.ge @!p5 [sflag:s19], $0x4000  }
0xab: {  	s14 =	sadd.s32 @!p5 $0x30000, s13;
	[sflag:s19] =	ssyncset.done @!p5 $0x0  }
0xac: {  	s15 =	simm.s32 @!p5 $0x0;
	[sflag:s19] =	ssyncadd.s32 @!p5 $0xFFFFC000;
	s19 =	simm.s32 @!p1 $0x5  }
0xad: {  	[hbm4b:s14+s15] =	stream.linear.scatter @!p5 [tilespmem:s20], [sflag:$0xB], $0x4000, $0x38;
	[tilespmem:$0x1E800] =	vst v63  }
0xae: {  	_ =	swait.ge @!p1 [sflag:s19], $0x4000  }
0xaf: {  	s14 =	sadd.s32 @!p1 $0x40000, s13;
	[sflag:s19] =	ssyncset.done @!p1 $0x0  }
0xb0: {  	s15 =	simm.s32 @!p1 $0x0;
	[sflag:s19] =	ssyncadd.s32 @!p1 $0xFFFFC000;
	s19 =	simm.s32 @!p4 $0x6  }
0xb1: {  	[hbm4b:s14+s15] =	stream.linear.scatter @!p1 [tilespmem:s16], [sflag:$0xC], $0x4000, $0x38;
	[tilespmem:$0x1E800] =	vst v63  }
0xb2: {  	_ =	swait.ge @!p4 [sflag:s19], $0x4000  }
0xb3: {  	s14 =	sadd.s32 @!p4 $0x50000, s13;
	[sflag:s19] =	ssyncset.done @!p4 $0x0  }
0xb4: {  	s15 =	simm.s32 @!p4 $0x0;
	s16 =	simm.s32 @!p0 $0x7;
	[sflag:s19] =	ssyncadd.s32 @!p4 $0xFFFFC000  }
0xb5: {  	[hbm4b:s14+s15] =	stream.linear.scatter @!p4 [tilespmem:s18], [sflag:$0xD], $0x4000, $0x38;
	[tilespmem:$0x1E800] =	vst v63  }
0xb6: {  	_ =	swait.ge @!p0 [sflag:s16], $0x4000  }
0xb7: {  	[sflag:s16] =	ssyncset.done @!p0 $0x0  }
0xb8: {  	s13 =	sadd.s32 @!p0 $0x60000, s13;
	s14 =	simm.s32 @!p0 $0x0;
	[sflag:s16] =	ssyncadd.s32 @!p0 $0xFFFFC000  }
0xb9: {  	[hbm4b:s13+s14] =	stream.linear.scatter @!p0 [tilespmem:s17], [sflag:$0xE], $0x4000, $0x38;
	[tilespmem:$0x1E800] =	vst v63  }
0xba: {  	_ =	swait.ge [sflag:s11], $0x4000  }
0xbb: {  	[sflag:s11] =	ssyncset.done $0x0  }
0xbc: {  	s13 =	simm.s32 @!p3 $0x9;
	[sflag:s11] =	ssyncadd.s32 $0xFFFFC000  }
0xbd: {  	_ =	swait.ge @!p3 [sflag:s13], $0x4000  }
0xbe: {  	[sflag:s13] =	ssyncset.done @!p3 $0x0  }
0xbf: {  	[sflag:s13] =	ssyncadd.s32 @!p3 $0xFFFFC000;
	s13 =	simm.s32 @!p2 $0xA  }
0xc0: {  	_ =	swait.ge @!p2 [sflag:s13], $0x4000  }
0xc1: {  	[sflag:s13] =	ssyncset.done @!p2 $0x0  }
0xc2: {  	s14 =	simm.s32 @!p5 $0xB;
	[sflag:s13] =	ssyncadd.s32 @!p2 $0xFFFFC000  }
0xc3: {  	_ =	swait.ge @!p5 [sflag:s14], $0x4000  }
0xc4: {  	[sflag:s14] =	ssyncset.done @!p5 $0x0  }
0xc5: {  	s13 =	simm.s32 @!p1 $0xC;
	[sflag:s14] =	ssyncadd.s32 @!p5 $0xFFFFC000  }
0xc6: {  	_ =	swait.ge @!p1 [sflag:s13], $0x4000  }
0xc7: {  	[sflag:s13] =	ssyncset.done @!p1 $0x0  }
0xc8: {  	s12 =	sadd.s32 $0x1, s12;
	s14 =	simm.s32 @!p4 $0xD;
	[sflag:s13] =	ssyncadd.s32 @!p1 $0xFFFFC000  }
0xc9: {  	p1 =	sne.s32 s12, s5;
	_ =	swait.ge @!p4 [sflag:s14], $0x4000  }
.Ltmp1:
0xca: {  	[sflag:s14] =	ssyncset.done @!p4 $0x0;
	(pc) =	sbr.rel @p1 .LBB2_1-.Ltmp1, $4  }
0xcb: {  	s13 =	simm.s32 @!p0 $0xE;
	[sflag:s14] =	ssyncadd.s32 @!p4 $0xFFFFC000  }
0xcc: {  	_ =	swait.ge @!p0 [sflag:s13], $0x4000  }
0xcd: {  	[sflag:s13] =	ssyncset.done @!p0 $0x0  }
0xce: {  	[sflag:s13] =	ssyncadd.s32 @!p0 $0xFFFFC000  }
0xcf: {  	_ =	sfence.sel $0x180000  }
0xd0: {  	[bflag:$0x0] =	sbarrier.arrive $0xFFFF  }
0xd1: {  	p0 =	sne.s32 s0, $0x0;
	_ =	strace $0x9000004D  }
0xd2: {  	s0 =	sadd.s32 @!p0 $0x100000, s1;
	[bflag:$0x2] =	sbarrier.arrive $0xFFFF  }
0xd3: {  	[sflag:s0] =	ssyncadd.tile.s32 @!p0 $0x1;
	_ =	shalt  }
.Lfunc_end2:
_tile_overlayer_lowered:
.L_overlay_start_2:
0xd4: {  	(tag) =	ssettag $0x2  }
0xd5: {  	s0 =	rddreg [dreg:$0x0];
	s2 =	stileid.u32  }
0xd6: {  	s1 =	rddreg [dreg:$0x1];
	p0 =	sne.s32 s2, $0x0  }
0xd7: {  	s3 =	rddreg [dreg:$0x2];
	[bflag:$0x3] =	sbarrier.arrive $0xFFFF;
	s2 =	simm.s32 @!p0 $0x1C0F  }
0xd8: {  	[timem:s3], [sflag:s2] =	dma.local @!p0 [hbm:s0], s1  }
0xd9: {  	s0 =	simm.s32 @!p0 $0xF  }
0xda: {  	_ =	swait.ge @!p0 [sflag:s0], s1  }
0xdb: {  	s1 =	ssub.s32 @!p0 $0x0, s1;
	[sflag:s0] =	ssyncset.done @!p0 $0x0  }
0xdc: {  	[sflag:s0] =	ssyncadd.s32 @!p0 s1  }
0xdd: {  	[bflag:$0x3] =	sbarrier.arrive $0xFFFF  }
0xde: {  	_ =	shalt  }

// kernel: kernel.25.cloned.1.call-start
scs
__scs_entry_jumppad:
0x0: {  	(pc) =	sbr.rel $0x88, $3  }
0x1: {  	(tag) =	ssettag $0x0;
	lr =	simm.s32 $0x1  }
0x2: {  	[smem:$0x3F9A] =	sst lr;
	_ =	strace $0xD0000000  }
0x3: {  	_ = 	snop  }
0x4: {  	_ = 	snop  }
0x5: {  	_ = 	snop  }
0x6: {  	_ = 	snop  }
0x7: {  	_ = 	snop  }
__scs_overlays_trampoline_lowered:
0x8: {  	[smem:$0x3FA9] =	sst s0  }
0x9: {  	[smem:$0x3FAA] =	sst s1  }
0xa: {  	[smem:$0x3FAB] =	sst s2  }
0xb: {  	[smem:$0x3FAC] =	sst s3  }
0xc: {  	[smem:$0x3FAD] =	sst s4  }
0xd: {  	[smem:$0x3FAE] =	sst s5  }
0xe: {  	[smem:$0x3FAF] =	sst s6  }
0xf: {  	[smem:$0x3FB0] =	sst s7  }
0x10: {  	[smem:$0x3FB1] =	sst s8  }
0x11: {  	[smem:$0x3FB2] =	sst s9;
	s0 =	simm.s32 @!p0 $0x0  }
0x12: {  	s1 =	sld [smem:$0x3F98];
	s0 =	simm.s32 @p0 $0x1  }
0x13: {  	[smem:$0x3FB3] =	sst s0;
	s0 =	simm.s32 @!p1 $0x0  }
0x14: {  	s2 =	sld [smem:$0x3F97];
	s0 =	simm.s32 @p1 $0x1  }
0x15: {  	[smem:$0x3FB4] =	sst s0;
	s0 =	simm.s32 @!p2 $0x0  }
0x16: {  	s3 =	sld [smem:$0x3FDB];
	s0 =	simm.s32 @p2 $0x1  }
0x17: {  	s4 =	simm.s32 $0x1BF5;
	[smem:$0x3FB6] =	sst s0  }
0x18: {  	s0 =	sld [smem:$0x3F99];
	_ =	swait.ge [sflag:s4], $0x0  }
0x19: {  	s7 =	sld [smem:$0x3F9A]  }
0x1a: {  	s8 =	sadd.s32 $0xFFFFE003, lr  }
0x1b: {  	s9 =	sadd.s32 $0xFFFFFEF7, lr;
	s5 =	simm.s32 $0xFFFFFFFF;
	p2 =	slt.u32 s8, $0xFFFFF086  }
0x1c: {  	p1 =	slt.u32 s9, $0xF7A;
	s5 =	simm.s32 @!p2 $0x0  }
0x1d: {  	s5 =	simm.s32 @p1 $0x1;
	p0 =	seq.s32 s7, s2  }
0x1e: {  	s7 =	smul.u32 @!p0 $0xF7A, s2;
	p2 =	seq.s32 @!p0 s5, $0x0  }
0x1f: {  	s9 =	smul.u32 $0xF7A, s1;
	s8 =	simm.s32 @!p0 $0x1BF5;
	p2 =	por !p2, p0  }
0x20: {  	[sflag:s8] =	ssyncset.s32 @!p0 $0xFFFFF086;
	s6 =	sadd.s32 @!p0 s3, s7;
	s7 =	simm.s32 @!p0 $0x108  }
0x21: {  	s3 =	sadd.s32 s3, s9;
	s6 =	sadd.s32 @!p0 $0x88, s6;
	s7 =	simm.s32 @p2 $0x1082  }
0x22: {  	[simem:s7], [sflag:s8] =	dma.local @!p0 [hbm:s6], $0xF7A  }
0x23: {  	s9 =	sor.u32 $0xD0000000, s2;
	s6 =	simm.s32 $0x108;
	_ =	swait.ge @!p0 [sflag:s8], $0x0  }
0x24: {  	s3 =	sadd.s32 $0x88, s3;
	s6 =	simm.s32 @!p1 $0x1082;
	[sflag:s4] =	ssyncset.s32 $0xFFFFF086  }
0x25: {  	[simem:s6], [sflag:s4] =	dma.local [hbm:s3], $0xF7A  }
0x26: {  	[smem:$0x3F9A] =	sst s1;
	(tag) =	ssettag s2;
	_ =	strace s9  }
0x27: {  	s1 =	sld [smem:$0x3FAA]  }
0x28: {  	s2 =	sld [smem:$0x3FAB]  }
0x29: {  	s4 =	sld [smem:$0x3FAD]  }
0x2a: {  	p0 =	seq.s32 s5, $0x0;
	s5 =	sld [smem:$0x3FAE]  }
0x2b: {  	s6 =	sld [smem:$0x3FAF]  }
0x2c: {  	s7 =	sld [smem:$0x3FB0]  }
0x2d: {  	s3 =	simm.s32 $0x108;
	s8 =	sld [smem:$0x3FB1]  }
0x2e: {  	s3 =	simm.s32 @!p0 $0x1082;
	s9 =	sld [smem:$0x3FB2]  }
0x2f: {  	lr =	sadd.s32 s0, s3;
	s0 =	sld [smem:$0x3FA9]  }
0x30: {  	s3 =	sld [smem:$0x3FAC]  }
0x31: {  	[smem:$0x3FB5] =	sst s10  }
0x32: {  	s10 =	sld [smem:$0x3FB3];
	_ =	sdelay $0x3  }
0x33: {  	p0 =	seq.s32 s10, $0x1;
	s10 =	sld [smem:$0x3FB5];
	_ =	sdelay $0x3  }
0x34: {  	[smem:$0x3FB5] =	sst s10  }
0x35: {  	s10 =	sld [smem:$0x3FB4];
	_ =	sdelay $0x3  }
0x36: {  	p1 =	seq.s32 s10, $0x1;
	s10 =	sld [smem:$0x3FB5];
	_ =	sdelay $0x3  }
0x37: {  	[smem:$0x3FB5] =	sst s10  }
0x38: {  	s10 =	sld [smem:$0x3FB6]  }
0x39: {  	_ = 	snop;
	(pc) =	sbr.ind lr, $3  }
0x3a: {  	_ = 	snop  }
0x3b: {  	_ = 	snop  }
0x3c: {  	p2 =	seq.s32 s10, $0x1;
	s10 =	sld [smem:$0x3FB5]  }
0x3d: {  	_ =	shalt  }
0x3e: {  	_ =	shalt  }
0x3f: {  	_ =	shalt  }
0x40: {  	_ =	shalt  }
0x41: {  	_ =	shalt  }
0x42: {  	_ =	shalt  }
0x43: {  	_ =	shalt  }
0x44: {  	_ =	shalt  }
0x45: {  	_ =	shalt  }
0x46: {  	_ =	shalt  }
0x47: {  	_ =	shalt  }
0x48: {  	_ =	shalt  }
0x49: {  	_ =	shalt  }
0x4a: {  	_ =	shalt  }
0x4b: {  	_ =	shalt  }
0x4c: {  	_ =	shalt  }
0x4d: {  	_ =	shalt  }
0x4e: {  	_ =	shalt  }
0x4f: {  	_ =	shalt  }
0x50: {  	_ =	shalt  }
0x51: {  	_ =	shalt  }
0x52: {  	_ =	shalt  }
0x53: {  	_ =	shalt  }
0x54: {  	_ =	shalt  }
0x55: {  	_ =	shalt  }
0x56: {  	_ =	shalt  }
0x57: {  	_ =	shalt  }
0x58: {  	_ =	shalt  }
0x59: {  	_ =	shalt  }
0x5a: {  	_ =	shalt  }
0x5b: {  	_ =	shalt  }
0x5c: {  	_ =	shalt  }
0x5d: {  	_ =	shalt  }
0x5e: {  	_ =	shalt  }
0x5f: {  	_ =	shalt  }
0x60: {  	_ =	shalt  }
0x61: {  	_ =	shalt  }
0x62: {  	_ =	shalt  }
0x63: {  	_ =	shalt  }
0x64: {  	_ =	shalt  }
0x65: {  	_ =	shalt  }
0x66: {  	_ =	shalt  }
0x67: {  	_ =	shalt  }
0x68: {  	_ =	shalt  }
0x69: {  	_ =	shalt  }
0x6a: {  	_ =	shalt  }
0x6b: {  	_ =	shalt  }
0x6c: {  	_ =	shalt  }
0x6d: {  	_ =	shalt  }
0x6e: {  	_ =	shalt  }
0x6f: {  	_ =	shalt  }
0x70: {  	_ =	shalt  }
0x71: {  	_ =	shalt  }
0x72: {  	_ =	shalt  }
0x73: {  	_ =	shalt  }
0x74: {  	_ =	shalt  }
0x75: {  	_ =	shalt  }
0x76: {  	_ =	shalt  }
0x77: {  	_ =	shalt  }
0x78: {  	_ =	shalt  }
0x79: {  	_ =	shalt  }
0x7a: {  	_ =	shalt  }
0x7b: {  	_ =	shalt  }
0x7c: {  	_ =	shalt  }
0x7d: {  	_ =	shalt  }
0x7e: {  	_ =	shalt  }
0x7f: {  	_ =	shalt  }
0x80: {  	_ =	shalt  }
0x81: {  	_ =	shalt  }
0x82: {  	_ =	shalt  }
0x83: {  	_ =	shalt  }
0x84: {  	_ =	shalt  }
0x85: {  	_ =	shalt  }
0x86: {  	_ =	shalt  }
0x87: {  	_ =	shalt  }
.Lfunc_end0:
.L_simem_size_0:
called_computation.3_lowered:
.L_overlay_start_0:
0x88: {  	s2 =	sld [smem:$0x3FD9]  }
0x89: {  	s3 =	sld [smem:$0x3FFE];
	_ =	sdelay $0x1  }
0x8a: {  	s1 =	srdreg.scid  }
0x8b: {  	s0 =	sand.u32 $0x1, s1  }
0x8c: {  	s16 =	sshll.u32 s0, $0xA;
	s2 =	sadd.s32 s3, s2  }
0x8d: {  	s2 =	sadd.s32 s2, s16  }
0x8e: {  	[smem:$0x3FC1] =	sst s2  }
0x8f: {  	_ = 	snop  }
0x90: {  	(tm) =	ssettm $0x1  }
0x91: {  	s17 =	sld [smem:$0x3FFB];
	_ =	sdelay $0x3  }
0x92: {  	_ =	strace s17  }
0x93: {  	s2 =	sld [smem:$0x3FFC];
	_ =	sdelay $0x3  }
0x94: {  	_ =	strace s2  }
0x95: {  	s2 =	sld [smem:$0x3FFD];
	_ =	sdelay $0x3  }
0x96: {  	_ =	strace s2  }
0x97: {  	_ =	strace $0x8FFFFFFF  }
0x98: {  	s18 =	sld [smem:$0x3FDB];
	_ =	sdelay $0x1  }
0x99: {  	s19 =	simm.s32 $_scs_section_size  }
0x9a: {  	s4 =	simm.s32 $_size__tile_overlayer_lowered;
	s5 =	simm.s32 $_tile_overlayer_lowered  }
0x9b: {  	s22 =	simm.s32 $0x1BFF;
	s21 =	sshll.u32 s5, $0x1;
	s2 =	sadd.s32 s19, s18  }
0x9c: {  	s6 =	simm.s32 $0x0;
	s20 =	sshll.u32 s4, $0x1;
	s4 =	sadd.s32 s21, s2  }
0x9d: {  	[timem:s6], [sflag:s22] =	dma.local [hbm:s4], s20  }
0x9e: {  	_ =	swait.ge [sflag:s22], s20  }
0x9f: {  	s3 =	ssub.s32 $0x0, s20;
	[sflag:s22] =	ssyncset.done $0x0  }
0xa0: {  	[sflag:s22] =	ssyncadd.s32 s3;
	_ =	sdelay $0x1  }
0xa1: {  	s23 =	simm.s32 $0x1B8B  }
0xa2: {  	_ =	swait.ge [sflag:s23], $0x1  }
0xa3: {  	[sflag:s23] =	ssyncset.done $0x0  }
0xa4: {  	s25 =	simm.s32 $0x1B8E;
	s24 =	sld [smem:$0x3FFE];
	[sflag:s23] =	ssyncadd.s32 $0xFFFFFFFF  }
0xa5: {  	s26 =	simm.s32 $execute0_lowered;
	[smem:$0x3FD2] =	sst s25  }
0xa6: {  	s4 =	sshll.u32 s26, $0x1;
	_ =	strace $0x8000004F;
	[dreg:$0x1] =	wrdreg $0xFFFFFFFF  }
0xa7: {  	s28 =	simm.s32 $_size_execute0_lowered;
	s2 =	sadd.s32 s2, s4;
	[dreg:$0x0] =	wrdreg $0x0  }
0xa8: {  	s4 =	sshll.u32 s28, $0x1;
	[dreg:$0x2] =	wrdreg s2  }
0xa9: {  	[dreg:$0x3] =	wrdreg s4  }
0xaa: {  	[dreg:$0x4] =	wrdreg $0xC0  }
0xab: {  	_ =	task [dreg:s6], $0x5FFFF  }
0xac: {  	[dreg:$0x1] =	wrdreg $0xFFFFFFFF  }
0xad: {  	[dreg:$0x0] =	wrdreg $0x60  }
0xae: {  	[dreg:$0x2] =	wrdreg s24  }
0xaf: {  	[dreg:$0x3] =	wrdreg $0xA8000  }
0xb0: {  	[dreg:$0x4] =	wrdreg $0x9  }
0xb1: {  	_ =	task.clear_ibuf [dreg:s6], $0x5FFFF;
	_ =	strace $0x9000004F  }
0xb2: {  	s29 =	simm.s32 $0x9;
	_ =	strace $0x80000051  }
0xb3: {  	_ =	swait.ge [sflag:s29], $0x1  }
0xb4: {  	[sflag:s29] =	ssyncadd.s32 $0xFFFFFFFF  }
0xb5: {  	_ =	strace $0x90000051  }
0xb6: {  	_ =	sfence  }
0xb7: {  	s30 =	sld [smem:$0x0];
	_ =	sdelay $0x2  }
0xb8: {  	s31 =	sshll.u32 s1, $0xD;
	s1 =	sshrl.u32 s1, $0x2  }
0xb9: {  	s3 =	sand.u32 $0x4000, s31;
	s1 =	sadd.s32 s1, s30  }
0xba: {  	s0 =	sor.u32 s3, s0;
	s1 =	sshll.u32 s1, $0x11  }
0xbb: {  	s0 =	sor.u32 s1, s0  }
0xbc: {  	s0 =	sadd.s32 $0x8F2B, s0  }
0xbd: {  	[sflag:s0] =	ssyncadd.remote.s32 $0x1  }
0xbe: {  	_ =	sfence.sel $0xFFFF  }
0xbf: {  	[dreg:$0x0] =	wrdreg $0xFFFFFFFF;
	(pc) =	sbr.abs _section_cstart, $3  }
0xc0: {  	[dreg:$0x1] =	wrdreg $0xFFFFFFFF  }
0xc1: {  	_ =	task.clear_ibuf [dreg:s6], $0x2FFFF;
	_ =	strace $0x9FFFFFFF  }
0xc2: {  	(tm) =	ssettm $0x7FFFFFFF  }
0xc3: {  	_ =	shalt  }
tec
execute0_lowered:
.L_overlay_start_1:
0x0: {  	(tag) =	ssettag $0x1  }
0x1: {  	s1 =	srdreg.scid;
	s7 =	rddreg [dreg:$0x0]  }
0x2: {  	s0 =	stileid.u32;
	s2 =	rddreg [dreg:$0x1]  }
0x3: {  	s3 =	simm.s32 $0x0;
	s17 =	simm.s32 $0x6800;
	s18 =	simm.s32 $0x1  }
0x4: {  	s19 =	simm.s32 $0x80;
	s20 =	simm.s32 $0x2;
	s21 =	simm.s32 $0x3  }
0x5: {  	s22 =	simm.s32 $0x4;
	s11 =	sand.u32 $0x1, s1;
	s28 =	sshll.u32 s0, $0x1  }
0x6: {  	s1 =	rddreg [dreg:$0x2];
	s4 =	smul.u32 $0x2780, s0;
	s12 =	sadd.s32 $0x1187800, s7  }
0x7: {  	[smem:$0x7FF] =	sst s3;
	s9 =	smul.u32 $0x4F000, s0;
	s16 =	sadd.s32 $0x128400, s2  }
0x8: {  	s31 =	sshll.u32 s0, $0xC;
	p0 =	seq.s32 s0, $0xF;
	s8 =	sor.u32 s11, s28  }
0x9: {  	_ =	strace $0x80000050;
	s6 =	smul.u32 $0x27100, s11;
	s13 =	ssub.s32 $0x2, s11  }
0xa: {  	s11 =	sshll.u32 s11, $0xB;
	s5 =	smul.u32 $0x500, s8;
	s10 =	sadd.s32 s4, s7  }
0xb: {  	s29 =	sshrl.u32 s13, $0x1;
	s9 =	sshrl.u32 s9, $0x2;
	s23 =	sor.u32 $0x9C0, s8  }
0xc: {  	s14 =	sadd.s32 s6, s7;
	s13 =	ssub.s32 s13, s29;
	s15 =	sadd.s32 s9, s2  }
0xd: {  	s6 =	sadd.s32 $0x18400, s10;
	s30 =	sshll.u32 s23, $0xB;
	p1 =	sgt.u32 s23, $0x9C3  }
0xe: {  	s23 =	simm.s32 $0x0;
	s5 =	sadd.s32 s5, s7;
	s7 =	sadd.s32 $0x3D480, s7  }
0xf: {  	s8 =	sadd.s32 $0xA34800, s14;
	s9 =	smax.u32 s13, $0x1;
	s10 =	sadd.s32 s12, s30  }
0x10: {  	s12 =	sadd.s32 s31, s12;
	s14 =	sshll.u32 @!p0 s0, $0x6;
	s13 =	sshrl.u32 @p0 s16, $0x3  }
0x11: {  	s15 =	sshrl.u32 @!p0 s15, $0x3;
	s16 =	simm.s32 $0x2800;
	s5 =	sadd.s32 $0xA2A800, s5  }
0x12: {  	s11 =	sadd.s32 s11, s12;
	s12 =	simm.s32 $0x5;
	s14 =	sor.u32 @!p0 $0x1C05, s14  }
.LBB2_1:
0x13: {  	[tilespmem:s3], [sflag:$0x5] =	stream.linear.gather [hbm4b:s5+s3], $0x2800, $0x38;
	[tilespmem:$0x1E080] =	vst v63  }
0x14: {  	_ =	swait.ge [sflag:s12], $0x2800  }
0x15: {  	[sflag:s12] =	ssyncset.done $0x0  }
0x16: {  	s24 =	simm.s32 @p0 $0x1FC5;
	[sflag:s12] =	ssyncadd.s32 $0xFFFFD800  }
0x17: {  	[spmem:s13], [sflag:s24] =	dma.local @p0 [hbm:s7], $0x2080  }
0x18: {  	s24 =	simm.s32 @p0 $0x5  }
0x19: {  	_ =	swait.ge @p0 [sflag:s24], $0x2080  }
0x1a: {  	[sflag:s24] =	ssyncset.done @p0 $0x0  }
0x1b: {  	[sflag:s24] =	ssyncadd.s32 @p0 $0xFFFFDF80;
	s24 =	simm.s32 @!p0 $0x5  }
0x1c: {  	[spmem:s15], [sflag:s14] =	dma.local @!p0 [hbm:s6], $0x2780  }
0x1d: {  	_ =	swait.ge @!p0 [sflag:s24], $0x2780  }
0x1e: {  	[sflag:s24] =	ssyncset.done @!p0 $0x0  }
0x1f: {  	[sflag:s24] =	ssyncadd.s32 @!p0 $0xFFFFD880  }
0x20: {  	[bflag:$0x0] =	sbarrier.arrive $0xFFFF  }
0x21: {  	[tilespmem:s16], [sflag:$0x1] =	stream.linear.gather [hbm4b:s11+s3], $0x4000, $0x38;
	[tilespmem:$0x1E080] =	vst v63  }
0x22: {  	s29 =	sadd.s32 $0x10000, s11  }
0x23: {  	[tilespmem:s17], [sflag:$0x2] =	stream.linear.gather [hbm4b:s29+s3], $0x4000, $0x38;
	[tilespmem:$0x1E080] =	vst v63  }
0x24: {  	_ =	swait.ge [sflag:s18], $0x4000  }
0x25: {  	[sflag:s18] =	ssyncset.done $0x0  }
0x26: {  	s30 =	simm.s32 $0x0;
	[sflag:s18] =	ssyncadd.s32 $0xFFFFC000  }
0x27: {  	[spmem:s2] =	stream.indirect.scatter.add.f32 [tilespmem:s16], [sflag:$0x3], $0x80, s30, s19, $0xb8;
	[tilespmem:$0x1E080] =	vst v63  }
0x28: {  	_ =	swait.ge [sflag:s20], $0x4000  }
0x29: {  	[sflag:s20] =	ssyncset.done $0x0  }
0x2a: {  	s31 =	simm.s32 $0x80;
	[sflag:s20] =	ssyncadd.s32 $0xFFFFC000  }
0x2b: {  	[spmem:s2] =	stream.indirect.scatter.add.f32 [tilespmem:s17], [sflag:$0x4], $0x80, s31, s19, $0xb8;
	[tilespmem:$0x1E080] =	vst v63  }
0x2c: {  	_ =	swait.ge [sflag:s21], $0x4000  }
0x2d: {  	[sflag:s21] =	ssyncset.done $0x0  }
0x2e: {  	[sflag:s21] =	ssyncadd.s32 $0xFFFFC000  }
0x2f: {  	_ =	swait.ge [sflag:s22], $0x4000  }
0x30: {  	s25 =	smov.u32 s11;
	s24 =	simm.s32 $0x400;
	[sflag:s22] =	ssyncset.done $0x0  }
.LBB2_2:
0x31: {  	p2 =	sne.s32 s24, $0x9800;
	[sflag:s22] =	ssyncadd.s32 $0xFFFFC000;
	s25 =	sadd.s32 $0x20000, s25  }
0x32: {  	[tilespmem:s16], [sflag:$0x1] =	stream.linear.gather [hbm4b:s25+s3], $0x4000, $0x38;
	[tilespmem:$0x1E080] =	vst v63  }
0x33: {  	s28 =	smov.u32 s24;
	s24 =	sadd.s32 $0x400, s24;
	s26 =	sadd.s32 $0x10000, s25  }
0x34: {  	[tilespmem:s17], [sflag:$0x2] =	stream.linear.gather [hbm4b:s26+s3], $0x4000, $0x38;
	[tilespmem:$0x1E080] =	vst v63  }
0x35: {  	_ =	swait.ge [sflag:s18], $0x4000  }
0x36: {  	[sflag:s18] =	ssyncset.done $0x0  }
0x37: {  	s26 =	sshra.s32 s28, $0x2;
	[sflag:s18] =	ssyncadd.s32 $0xFFFFC000  }
0x38: {  	[spmem:s2] =	stream.indirect.scatter.add.f32 [tilespmem:s16], [sflag:$0x3], $0x80, s26, s19, $0xb8;
	[tilespmem:$0x1E080] =	vst v63  }
0x39: {  	_ =	swait.ge [sflag:s20], $0x4000  }
0x3a: {  	[sflag:s20] =	ssyncset.done $0x0  }
0x3b: {  	s26 =	sadd.s32 $0x80, s26;
	[sflag:s20] =	ssyncadd.s32 $0xFFFFC000  }
0x3c: {  	[spmem:s2] =	stream.indirect.scatter.add.f32 [tilespmem:s17], [sflag:$0x4], $0x80, s26, s19, $0xb8;
	[tilespmem:$0x1E080] =	vst v63  }
.Ltmp0:
0x3d: {  	_ =	swait.ge [sflag:s21], $0x4000;
	(pc) =	sbr.rel @p2 .LBB2_2-.Ltmp0, $4  }
0x3e: {  	[sflag:s21] =	ssyncset.done $0x0  }
0x3f: {  	[sflag:s21] =	ssyncadd.s32 $0xFFFFC000  }
0x40: {  	_ =	swait.ge [sflag:s22], $0x4000  }
0x41: {  	[sflag:s22] =	ssyncset.done $0x0  }
0x42: {  	[sflag:s22] =	ssyncadd.s32 $0xFFFFC000;
	s24 =	simm.s32 @!p1 $0x0;
	s25 =	simm.s32 @!p1 $0x2800  }
0x43: {  	[tilespmem:s25], [sflag:$0x1] =	stream.linear.gather @!p1 [hbm4b:s10+s24], $0x4000, $0x38;
	[tilespmem:$0x1E080] =	vst v63  }
0x44: {  	s24 =	simm.s32 @!p1 $0x1  }
0x45: {  	_ =	swait.ge @!p1 [sflag:s24], $0x4000  }
0x46: {  	[sflag:s24] =	ssyncset.done @!p1 $0x0  }
0x47: {  	s26 =	simm.s32 @!p1 $0x2700;
	[sflag:s24] =	ssyncadd.s32 @!p1 $0xFFFFC000;
	s24 =	simm.s32 @!p1 $0x80  }
0x48: {  	[spmem:s2] =	stream.indirect.scatter.add.f32 @!p1 [tilespmem:s25], [sflag:$0x3], $0x80, s26, s24, $0xb8;
	[tilespmem:$0x1E080] =	vst v63  }
0x49: {  	s24 =	simm.s32 @!p1 $0x3  }
0x4a: {  	_ =	swait.ge @!p1 [sflag:s24], $0x4000  }
0x4b: {  	[sflag:s24] =	ssyncset.done @!p1 $0x0  }
0x4c: {  	[sflag:s24] =	ssyncadd.s32 @!p1 $0xFFFFC000  }
0x4d: {  	s25 =	simm.s32 @p0 $0x1FC5;
	s24 =	sadd.s32 @p0 $0x25080, s8;
	[bflag:$0x0] =	sbarrier.arrive $0xFFFF  }
0x4e: {  	[hbm:s24], [sflag:s25] =	dma.local @p0 [spmem:s13], $0x2080  }
0x4f: {  	s24 =	simm.s32 @p0 $0x5  }
0x50: {  	_ =	swait.ge @p0 [sflag:s24], $0x2080  }
0x51: {  	s23 =	sadd.s32 $0x1, s23;
	[sflag:s24] =	ssyncset.done @p0 $0x0  }
0x52: {  	p2 =	sne.s32 s23, s9;
	[sflag:s24] =	ssyncadd.s32 @p0 $0xFFFFDF80;
	s24 =	sadd.s32 @!p0 s4, s8  }
0x53: {  	[hbm:s24], [sflag:s14] =	dma.local @!p0 [spmem:s15], $0x2780  }
.Ltmp1:
0x54: {  	_ = 	snop;
	(pc) =	sbr.rel @p2 .LBB2_1-.Ltmp1, $4  }
0x55: {  	s24 =	simm.s32 @!p0 $0x5  }
0x56: {  	_ =	swait.ge @!p0 [sflag:s24], $0x2780  }
0x57: {  	[sflag:s24] =	ssyncset.done @!p0 $0x0  }
0x58: {  	[sflag:s24] =	ssyncadd.s32 @!p0 $0xFFFFD880  }
0x59: {  	_ =	sfence.sel $0x180000  }
0x5a: {  	[bflag:$0x0] =	sbarrier.arrive $0xFFFF  }
0x5b: {  	p0 =	sne.s32 s0, $0x0;
	_ =	strace $0x90000050  }
0x5c: {  	s0 =	sadd.s32 @!p0 $0x100000, s1;
	[bflag:$0x2] =	sbarrier.arrive $0xFFFF  }
0x5d: {  	[sflag:s0] =	ssyncadd.tile.s32 @!p0 $0x1;
	_ =	shalt  }
.Lfunc_end2:
_tile_overlayer_lowered:
.L_overlay_start_2:
0x5e: {  	(tag) =	ssettag $0x2  }
0x5f: {  	s0 =	rddreg [dreg:$0x0];
	s2 =	stileid.u32  }
0x60: {  	s1 =	rddreg [dreg:$0x1];
	p0 =	sne.s32 s2, $0x0  }
0x61: {  	s3 =	rddreg [dreg:$0x2];
	[bflag:$0x3] =	sbarrier.arrive $0xFFFF;
	s2 =	simm.s32 @!p0 $0x1C05  }
0x62: {  	[timem:s3], [sflag:s2] =	dma.local @!p0 [hbm:s0], s1  }
0x63: {  	s0 =	simm.s32 @!p0 $0x5  }
0x64: {  	_ =	swait.ge @!p0 [sflag:s0], s1  }
0x65: {  	s1 =	ssub.s32 @!p0 $0x0, s1;
	[sflag:s0] =	ssyncset.done @!p0 $0x0  }
0x66: {  	[sflag:s0] =	ssyncadd.s32 @!p0 s1  }
0x67: {  	[bflag:$0x3] =	sbarrier.arrive $0xFFFF  }
0x68: {  	_ =	shalt  }

// kernel: kernel.28.cloned.1.call-start
scs
__scs_entry_jumppad:
0x0: {  	(pc) =	sbr.rel $0x88, $3  }
0x1: {  	(tag) =	ssettag $0x0;
	lr =	simm.s32 $0x1  }
0x2: {  	[smem:$0x3F9A] =	sst lr;
	_ =	strace $0xD0000000  }
0x3: {  	_ = 	snop  }
0x4: {  	_ = 	snop  }
0x5: {  	_ = 	snop  }
0x6: {  	_ = 	snop  }
0x7: {  	_ = 	snop  }
__scs_overlays_trampoline_lowered:
0x8: {  	[smem:$0x3FA9] =	sst s0  }
0x9: {  	[smem:$0x3FAA] =	sst s1  }
0xa: {  	[smem:$0x3FAB] =	sst s2  }
0xb: {  	[smem:$0x3FAC] =	sst s3  }
0xc: {  	[smem:$0x3FAD] =	sst s4  }
0xd: {  	[smem:$0x3FAE] =	sst s5  }
0xe: {  	[smem:$0x3FAF] =	sst s6  }
0xf: {  	[smem:$0x3FB0] =	sst s7  }
0x10: {  	[smem:$0x3FB1] =	sst s8  }
0x11: {  	[smem:$0x3FB2] =	sst s9;
	s0 =	simm.s32 @!p0 $0x0  }
0x12: {  	s1 =	sld [smem:$0x3F98];
	s0 =	simm.s32 @p0 $0x1  }
0x13: {  	[smem:$0x3FB3] =	sst s0;
	s0 =	simm.s32 @!p1 $0x0  }
0x14: {  	s2 =	sld [smem:$0x3F97];
	s0 =	simm.s32 @p1 $0x1  }
0x15: {  	[smem:$0x3FB4] =	sst s0;
	s0 =	simm.s32 @!p2 $0x0  }
0x16: {  	s3 =	sld [smem:$0x3FDB];
	s0 =	simm.s32 @p2 $0x1  }
0x17: {  	s4 =	simm.s32 $0x1BF5;
	[smem:$0x3FB6] =	sst s0  }
0x18: {  	s0 =	sld [smem:$0x3F99];
	_ =	swait.ge [sflag:s4], $0x0  }
0x19: {  	s7 =	sld [smem:$0x3F9A]  }
0x1a: {  	s8 =	sadd.s32 $0xFFFFE003, lr  }
0x1b: {  	s9 =	sadd.s32 $0xFFFFFEF7, lr;
	s5 =	simm.s32 $0xFFFFFFFF;
	p2 =	slt.u32 s8, $0xFFFFF086  }
0x1c: {  	p1 =	slt.u32 s9, $0xF7A;
	s5 =	simm.s32 @!p2 $0x0  }
0x1d: {  	s5 =	simm.s32 @p1 $0x1;
	p0 =	seq.s32 s7, s2  }
0x1e: {  	s7 =	smul.u32 @!p0 $0xF7A, s2;
	p2 =	seq.s32 @!p0 s5, $0x0  }
0x1f: {  	s9 =	smul.u32 $0xF7A, s1;
	s8 =	simm.s32 @!p0 $0x1BF5;
	p2 =	por !p2, p0  }
0x20: {  	[sflag:s8] =	ssyncset.s32 @!p0 $0xFFFFF086;
	s6 =	sadd.s32 @!p0 s3, s7;
	s7 =	simm.s32 @!p0 $0x108  }
0x21: {  	s3 =	sadd.s32 s3, s9;
	s6 =	sadd.s32 @!p0 $0x88, s6;
	s7 =	simm.s32 @p2 $0x1082  }
0x22: {  	[simem:s7], [sflag:s8] =	dma.local @!p0 [hbm:s6], $0xF7A  }
0x23: {  	s9 =	sor.u32 $0xD0000000, s2;
	s6 =	simm.s32 $0x108;
	_ =	swait.ge @!p0 [sflag:s8], $0x0  }
0x24: {  	s3 =	sadd.s32 $0x88, s3;
	s6 =	simm.s32 @!p1 $0x1082;
	[sflag:s4] =	ssyncset.s32 $0xFFFFF086  }
0x25: {  	[simem:s6], [sflag:s4] =	dma.local [hbm:s3], $0xF7A  }
0x26: {  	[smem:$0x3F9A] =	sst s1;
	(tag) =	ssettag s2;
	_ =	strace s9  }
0x27: {  	s1 =	sld [smem:$0x3FAA]  }
0x28: {  	s2 =	sld [smem:$0x3FAB]  }
0x29: {  	s4 =	sld [smem:$0x3FAD]  }
0x2a: {  	p0 =	seq.s32 s5, $0x0;
	s5 =	sld [smem:$0x3FAE]  }
0x2b: {  	s6 =	sld [smem:$0x3FAF]  }
0x2c: {  	s7 =	sld [smem:$0x3FB0]  }
0x2d: {  	s3 =	simm.s32 $0x108;
	s8 =	sld [smem:$0x3FB1]  }
0x2e: {  	s3 =	simm.s32 @!p0 $0x1082;
	s9 =	sld [smem:$0x3FB2]  }
0x2f: {  	lr =	sadd.s32 s0, s3;
	s0 =	sld [smem:$0x3FA9]  }
0x30: {  	s3 =	sld [smem:$0x3FAC]  }
0x31: {  	[smem:$0x3FB5] =	sst s10  }
0x32: {  	s10 =	sld [smem:$0x3FB3];
	_ =	sdelay $0x3  }
0x33: {  	p0 =	seq.s32 s10, $0x1;
	s10 =	sld [smem:$0x3FB5];
	_ =	sdelay $0x3  }
0x34: {  	[smem:$0x3FB5] =	sst s10  }
0x35: {  	s10 =	sld [smem:$0x3FB4];
	_ =	sdelay $0x3  }
0x36: {  	p1 =	seq.s32 s10, $0x1;
	s10 =	sld [smem:$0x3FB5];
	_ =	sdelay $0x3  }
0x37: {  	[smem:$0x3FB5] =	sst s10  }
0x38: {  	s10 =	sld [smem:$0x3FB6]  }
0x39: {  	_ = 	snop;
	(pc) =	sbr.ind lr, $3  }
0x3a: {  	_ = 	snop  }
0x3b: {  	_ = 	snop  }
0x3c: {  	p2 =	seq.s32 s10, $0x1;
	s10 =	sld [smem:$0x3FB5]  }
0x3d: {  	_ =	shalt  }
0x3e: {  	_ =	shalt  }
0x3f: {  	_ =	shalt  }
0x40: {  	_ =	shalt  }
0x41: {  	_ =	shalt  }
0x42: {  	_ =	shalt  }
0x43: {  	_ =	shalt  }
0x44: {  	_ =	shalt  }
0x45: {  	_ =	shalt  }
0x46: {  	_ =	shalt  }
0x47: {  	_ =	shalt  }
0x48: {  	_ =	shalt  }
0x49: {  	_ =	shalt  }
0x4a: {  	_ =	shalt  }
0x4b: {  	_ =	shalt  }
0x4c: {  	_ =	shalt  }
0x4d: {  	_ =	shalt  }
0x4e: {  	_ =	shalt  }
0x4f: {  	_ =	shalt  }
0x50: {  	_ =	shalt  }
0x51: {  	_ =	shalt  }
0x52: {  	_ =	shalt  }
0x53: {  	_ =	shalt  }
0x54: {  	_ =	shalt  }
0x55: {  	_ =	shalt  }
0x56: {  	_ =	shalt  }
0x57: {  	_ =	shalt  }
0x58: {  	_ =	shalt  }
0x59: {  	_ =	shalt  }
0x5a: {  	_ =	shalt  }
0x5b: {  	_ =	shalt  }
0x5c: {  	_ =	shalt  }
0x5d: {  	_ =	shalt  }
0x5e: {  	_ =	shalt  }
0x5f: {  	_ =	shalt  }
0x60: {  	_ =	shalt  }
0x61: {  	_ =	shalt  }
0x62: {  	_ =	shalt  }
0x63: {  	_ =	shalt  }
0x64: {  	_ =	shalt  }
0x65: {  	_ =	shalt  }
0x66: {  	_ =	shalt  }
0x67: {  	_ =	shalt  }
0x68: {  	_ =	shalt  }
0x69: {  	_ =	shalt  }
0x6a: {  	_ =	shalt  }
0x6b: {  	_ =	shalt  }
0x6c: {  	_ =	shalt  }
0x6d: {  	_ =	shalt  }
0x6e: {  	_ =	shalt  }
0x6f: {  	_ =	shalt  }
0x70: {  	_ =	shalt  }
0x71: {  	_ =	shalt  }
0x72: {  	_ =	shalt  }
0x73: {  	_ =	shalt  }
0x74: {  	_ =	shalt  }
0x75: {  	_ =	shalt  }
0x76: {  	_ =	shalt  }
0x77: {  	_ =	shalt  }
0x78: {  	_ =	shalt  }
0x79: {  	_ =	shalt  }
0x7a: {  	_ =	shalt  }
0x7b: {  	_ =	shalt  }
0x7c: {  	_ =	shalt  }
0x7d: {  	_ =	shalt  }
0x7e: {  	_ =	shalt  }
0x7f: {  	_ =	shalt  }
0x80: {  	_ =	shalt  }
0x81: {  	_ =	shalt  }
0x82: {  	_ =	shalt  }
0x83: {  	_ =	shalt  }
0x84: {  	_ =	shalt  }
0x85: {  	_ =	shalt  }
0x86: {  	_ =	shalt  }
0x87: {  	_ =	shalt  }
.Lfunc_end0:
.L_simem_size_0:
called_computation.4_lowered:
.L_overlay_start_0:
0x88: {  	s2 =	sld [smem:$0x3FD9]  }
0x89: {  	s3 =	sld [smem:$0x3FFE];
	_ =	sdelay $0x1  }
0x8a: {  	s1 =	srdreg.scid  }
0x8b: {  	s0 =	sand.u32 $0x1, s1  }
0x8c: {  	s16 =	sshll.u32 s0, $0xA;
	s2 =	sadd.s32 s3, s2  }
0x8d: {  	s2 =	sadd.s32 s2, s16  }
0x8e: {  	[smem:$0x3FC1] =	sst s2  }
0x8f: {  	_ = 	snop  }
0x90: {  	(tm) =	ssettm $0x1  }
0x91: {  	s17 =	sld [smem:$0x3FFB];
	_ =	sdelay $0x3  }
0x92: {  	_ =	strace s17  }
0x93: {  	s2 =	sld [smem:$0x3FFC];
	_ =	sdelay $0x3  }
0x94: {  	_ =	strace s2  }
0x95: {  	s2 =	sld [smem:$0x3FFD];
	_ =	sdelay $0x3  }
0x96: {  	_ =	strace s2  }
0x97: {  	_ =	strace $0x8FFFFFFF  }
0x98: {  	s18 =	sld [smem:$0x3FDB];
	_ =	sdelay $0x1  }
0x99: {  	s19 =	simm.s32 $_scs_section_size  }
0x9a: {  	s4 =	simm.s32 $_size__tile_overlayer_lowered;
	s5 =	simm.s32 $_tile_overlayer_lowered  }
0x9b: {  	s22 =	simm.s32 $0x1BFF;
	s21 =	sshll.u32 s5, $0x1;
	s2 =	sadd.s32 s19, s18  }
0x9c: {  	s6 =	simm.s32 $0x0;
	s20 =	sshll.u32 s4, $0x1;
	s4 =	sadd.s32 s21, s2  }
0x9d: {  	[timem:s6], [sflag:s22] =	dma.local [hbm:s4], s20  }
0x9e: {  	_ =	swait.ge [sflag:s22], s20  }
0x9f: {  	s3 =	ssub.s32 $0x0, s20;
	[sflag:s22] =	ssyncset.done $0x0  }
0xa0: {  	[sflag:s22] =	ssyncadd.s32 s3;
	_ =	sdelay $0x1  }
0xa1: {  	s23 =	simm.s32 $0x1B8B  }
0xa2: {  	_ =	swait.ge [sflag:s23], $0x1  }
0xa3: {  	[sflag:s23] =	ssyncset.done $0x0  }
0xa4: {  	s25 =	simm.s32 $0x1B8E;
	s24 =	sld [smem:$0x3FFE];
	[sflag:s23] =	ssyncadd.s32 $0xFFFFFFFF  }
0xa5: {  	s26 =	simm.s32 $execute0_lowered;
	[smem:$0x3FD2] =	sst s25  }
0xa6: {  	s4 =	sshll.u32 s26, $0x1;
	_ =	strace $0x80000052;
	[dreg:$0x1] =	wrdreg $0xFFFFFFFF  }
0xa7: {  	s28 =	simm.s32 $_size_execute0_lowered;
	s2 =	sadd.s32 s2, s4;
	[dreg:$0x0] =	wrdreg $0x0  }
0xa8: {  	s4 =	sshll.u32 s28, $0x1;
	[dreg:$0x2] =	wrdreg s2  }
0xa9: {  	[dreg:$0x3] =	wrdreg s4  }
0xaa: {  	[dreg:$0x4] =	wrdreg $0xC0  }
0xab: {  	_ =	task [dreg:s6], $0x5FFFF  }
0xac: {  	[dreg:$0x1] =	wrdreg $0xFFFFFFFF  }
0xad: {  	[dreg:$0x0] =	wrdreg $0x60  }
0xae: {  	[dreg:$0x2] =	wrdreg s24  }
0xaf: {  	[dreg:$0x3] =	wrdreg $0x9  }
0xb0: {  	_ =	task.clear_ibuf [dreg:s6], $0x4FFFF;
	_ =	strace $0x90000052  }
0xb1: {  	s29 =	simm.s32 $0x9;
	_ =	strace $0x80000054  }
0xb2: {  	_ =	swait.ge [sflag:s29], $0x1  }
0xb3: {  	[sflag:s29] =	ssyncadd.s32 $0xFFFFFFFF  }
0xb4: {  	_ =	strace $0x90000054  }
0xb5: {  	_ =	sfence  }
0xb6: {  	s30 =	sld [smem:$0x0];
	_ =	sdelay $0x2  }
0xb7: {  	s31 =	sshll.u32 s1, $0xD;
	s1 =	sshrl.u32 s1, $0x2  }
0xb8: {  	s3 =	sand.u32 $0x4000, s31;
	s1 =	sadd.s32 s1, s30  }
0xb9: {  	s0 =	sor.u32 s3, s0;
	s1 =	sshll.u32 s1, $0x11  }
0xba: {  	s0 =	sor.u32 s1, s0  }
0xbb: {  	s0 =	sadd.s32 $0x8F2B, s0  }
0xbc: {  	[sflag:s0] =	ssyncadd.remote.s32 $0x1  }
0xbd: {  	_ =	sfence.sel $0xFFFF  }
0xbe: {  	[dreg:$0x0] =	wrdreg $0xFFFFFFFF;
	(pc) =	sbr.abs _section_cstart, $3  }
0xbf: {  	[dreg:$0x1] =	wrdreg $0xFFFFFFFF  }
0xc0: {  	_ =	task.clear_ibuf [dreg:s6], $0x2FFFF;
	_ =	strace $0x9FFFFFFF  }
0xc1: {  	(tm) =	ssettm $0x7FFFFFFF  }
tec
execute0_lowered:
.L_overlay_start_1:
0x0: {  	(tag) =	ssettag $0x1  }
0x1: {  	s1 =	srdreg.scid  }
0x2: {  	s0 =	stileid.u32;
	s4 =	rddreg [dreg:$0x0];
	s2 =	simm.s32 $0x0  }
0x3: {  	s31 =	simm.s32 $0x80;
	s11 =	simm.s32 $0x8;
	s12 =	simm.s32 $0x0  }
0x4: {  	s5 =	sand.u32 $0x1, s1;
	s3 =	sshll.u32 s0, $0x1;
	s1 =	rddreg [dreg:$0x1]  }
0x5: {  	[smem:$0x7FF] =	sst s2;
	s9 =	sshll.u32 s0, $0xC;
	s7 =	sor.u32 s5, s3  }
0x6: {  	_ =	strace $0x80000053;
	s3 =	sadd.s32 $0xA34800, s4;
	s8 =	ssub.s32 $0x2, s5  }
0x7: {  	s9 =	sadd.s32 s9, s4;
	s29 =	sshll.u32 s5, $0xB;
	[dreg:$0x2] =	wrdreg s31  }
0x8: {  	s6 =	smul.u32 $0x500, s7;
	s10 =	sshrl.u32 s8, $0x1;
	s30 =	sadd.s32 s29, s9  }
0x9: {  	s7 =	sor.u32 $0xC0, s7;
	s9 =	simm.s32 $0x2800;
	s8 =	ssub.s32 s8, s10  }
0xa: {  	s10 =	simm.s32 $0x1;
	s6 =	sadd.s32 s6, s4;
	s5 =	smax.u32 s8, $0x1  }
0xb: {  	s8 =	simm.s32 $0xF;
	s4 =	sadd.s32 $0xE400, s6;
	s6 =	sadd.s32 $0x66800, s30  }
.LBB2_1:
0xc: {  	[tilespmem:s2], [sflag:$0xF] =	stream.linear.gather [hbm4b:s4+s2], $0x2800, $0x38;
	[tilespmem:$0x1E800] =	vst v63  }
0xd: {  	s13 =	sadd.s32 $0xFFFFFF80, s7  }
0xe: {  	s14 =	sadd.s32 $0xFFFFFFC0, s7;
	s15 =	sadd.s32 $0xFFFFFF60, s7;
	s16 =	sadd.s32 $0xFFFFFFA0, s7  }
0xf: {  	s31 =	simm.s32 $0x0;
	s21 =	sadd.s32 $0xFFFFFFE0, s7;
	p0 =	sgt.u32 s7, $0x9C3  }
0x10: {  	_ =	swait.ge [sflag:s8], $0x2800;
	p4 =	sgt.u32 s15, $0x9C3;
	p3 =	sgt.u32 s13, $0x9C3  }
0x11: {  	p5 =	sgt.u32 s16, $0x9C3;
	p2 =	sgt.u32 s14, $0x9C3;
	[sflag:s8] =	ssyncset.done $0x0  }
0x12: {  	p1 =	sgt.u32 s21, $0x9C3;
	s30 =	rddreg [dreg:$0x2];
	[sflag:s8] =	ssyncadd.s32 $0xFFFFD800  }
0x13: {  	[tilespmem:s9], [sflag:$0x1] =	stream.indirect.gather [hbm4b:s3+s30], $0x80, s31, s30, $0xb8;
	[tilespmem:$0x1E800] =	vst v63  }
0x14: {  	s17 =	simm.s32 @!p4 $0x80;
	s13 =	simm.s32 @!p4 $0x80;
	s15 =	simm.s32 @!p4 $0x6800  }
0x15: {  	[tilespmem:s15], [sflag:$0x2] =	stream.indirect.gather @!p4 [hbm4b:s3+s13], $0x80, s17, s13, $0xb8;
	[tilespmem:$0x1E800] =	vst v63  }
0x16: {  	s18 =	simm.s32 @!p3 $0x80;
	s19 =	simm.s32 @!p3 $0xA800;
	s20 =	simm.s32 @!p3 $0x100  }
0x17: {  	[tilespmem:s19], [sflag:$0x3] =	stream.indirect.gather @!p3 [hbm4b:s3+s18], $0x80, s20, s18, $0xb8;
	[tilespmem:$0x1E800] =	vst v63  }
0x18: {  	s14 =	simm.s32 @!p5 $0x180;
	s16 =	simm.s32 @!p5 $0x80;
	s13 =	simm.s32 @!p5 $0xE800  }
0x19: {  	[tilespmem:s13], [sflag:$0x4] =	stream.indirect.gather @!p5 [hbm4b:s3+s16], $0x80, s14, s16, $0xb8;
	[tilespmem:$0x1E800] =	vst v63  }
0x1a: {  	s17 =	simm.s32 @!p2 $0x12800;
	s14 =	simm.s32 @!p2 $0x200;
	s16 =	simm.s32 @!p2 $0x80  }
0x1b: {  	[tilespmem:s17], [sflag:$0x5] =	stream.indirect.gather @!p2 [hbm4b:s3+s16], $0x80, s14, s16, $0xb8;
	[tilespmem:$0x1E800] =	vst v63  }
0x1c: {  	s18 =	simm.s32 @!p1 $0x280;
	s14 =	simm.s32 @!p1 $0x80;
	s16 =	simm.s32 @!p1 $0x16800  }
0x1d: {  	[tilespmem:s16], [sflag:$0x6] =	stream.indirect.gather @!p1 [hbm4b:s3+s14], $0x80, s18, s14, $0xb8;
	[tilespmem:$0x1E800] =	vst v63  }
0x1e: {  	s20 =	simm.s32 @!p0 $0x80;
	s14 =	simm.s32 @!p0 $0x1A800;
	s18 =	simm.s32 @!p0 $0x300  }
0x1f: {  	[tilespmem:s14], [sflag:$0x7] =	stream.indirect.gather @!p0 [hbm4b:s3+s20], $0x80, s18, s20, $0xb8;
	[tilespmem:$0x1E800] =	vst v63  }
0x20: {  	_ =	swait.ge [sflag:s10], $0x4000  }
0x21: {  	[sflag:s10] =	ssyncset.done $0x0  }
0x22: {  	s18 =	simm.s32 @!p4 $0x2;
	[sflag:s10] =	ssyncadd.s32 $0xFFFFC000  }
0x23: {  	[hbm4b:s6+s2] =	stream.linear.scatter [tilespmem:s9], [sflag:$0x8], $0x4000, $0x38;
	[tilespmem:$0x1E800] =	vst v63  }
0x24: {  	_ =	swait.ge @!p4 [sflag:s18], $0x4000  }
0x25: {  	s21 =	sadd.s32 @!p4 $0x10000, s6;
	[sflag:s18] =	ssyncset.done @!p4 $0x0  }
0x26: {  	s22 =	simm.s32 @!p4 $0x0;
	s20 =	simm.s32 @!p3 $0x3;
	[sflag:s18] =	ssyncadd.s32 @!p4 $0xFFFFC000  }
0x27: {  	[hbm4b:s21+s22] =	stream.linear.scatter @!p4 [tilespmem:s15], [sflag:$0x9], $0x4000, $0x38;
	[tilespmem:$0x1E800] =	vst v63  }
0x28: {  	_ =	swait.ge @!p3 [sflag:s20], $0x4000  }
0x29: {  	s18 =	simm.s32 @!p3 $0x0;
	[sflag:s20] =	ssyncset.done @!p3 $0x0  }
0x2a: {  	s15 =	sadd.s32 @!p3 $0x20000, s6;
	[sflag:s20] =	ssyncadd.s32 @!p3 $0xFFFFC000;
	s20 =	simm.s32 @!p5 $0x4  }
0x2b: {  	[hbm4b:s15+s18] =	stream.linear.scatter @!p3 [tilespmem:s19], [sflag:$0xA], $0x4000, $0x38;
	[tilespmem:$0x1E800] =	vst v63  }
0x2c: {  	_ =	swait.ge @!p5 [sflag:s20], $0x4000  }
0x2d: {  	s15 =	sadd.s32 @!p5 $0x30000, s6;
	[sflag:s20] =	ssyncset.done @!p5 $0x0  }
0x2e: {  	s18 =	simm.s32 @!p5 $0x0;
	s19 =	simm.s32 @!p2 $0x5;
	[sflag:s20] =	ssyncadd.s32 @!p5 $0xFFFFC000  }
0x2f: {  	[hbm4b:s15+s18] =	stream.linear.scatter @!p5 [tilespmem:s13], [sflag:$0xB], $0x4000, $0x38;
	[tilespmem:$0x1E800] =	vst v63  }
0x30: {  	_ =	swait.ge @!p2 [sflag:s19], $0x4000  }
0x31: {  	s13 =	sadd.s32 @!p2 $0x40000, s6;
	[sflag:s19] =	ssyncset.done @!p2 $0x0  }
0x32: {  	s15 =	simm.s32 @!p2 $0x0;
	s18 =	simm.s32 @!p1 $0x6;
	[sflag:s19] =	ssyncadd.s32 @!p2 $0xFFFFC000  }
0x33: {  	[hbm4b:s13+s15] =	stream.linear.scatter @!p2 [tilespmem:s17], [sflag:$0xC], $0x4000, $0x38;
	[tilespmem:$0x1E800] =	vst v63  }
0x34: {  	_ =	swait.ge @!p1 [sflag:s18], $0x4000  }
0x35: {  	s13 =	sadd.s32 @!p1 $0x50000, s6;
	[sflag:s18] =	ssyncset.done @!p1 $0x0  }
0x36: {  	s15 =	simm.s32 @!p1 $0x0;
	s17 =	simm.s32 @!p0 $0x7;
	[sflag:s18] =	ssyncadd.s32 @!p1 $0xFFFFC000  }
0x37: {  	[hbm4b:s13+s15] =	stream.linear.scatter @!p1 [tilespmem:s16], [sflag:$0xD], $0x4000, $0x38;
	[tilespmem:$0x1E800] =	vst v63  }
0x38: {  	_ =	swait.ge @!p0 [sflag:s17], $0x4000  }
0x39: {  	[sflag:s17] =	ssyncset.done @!p0 $0x0  }
0x3a: {  	s13 =	sadd.s32 @!p0 $0x60000, s6;
	s15 =	simm.s32 @!p0 $0x0;
	[sflag:s17] =	ssyncadd.s32 @!p0 $0xFFFFC000  }
0x3b: {  	[hbm4b:s13+s15] =	stream.linear.scatter @!p0 [tilespmem:s14], [sflag:$0xE], $0x4000, $0x38;
	[tilespmem:$0x1E800] =	vst v63  }
0x3c: {  	_ =	swait.ge [sflag:s11], $0x4000  }
0x3d: {  	[sflag:s11] =	ssyncset.done $0x0  }
0x3e: {  	s13 =	simm.s32 @!p4 $0x9;
	[sflag:s11] =	ssyncadd.s32 $0xFFFFC000  }
0x3f: {  	_ =	swait.ge @!p4 [sflag:s13], $0x4000  }
0x40: {  	[sflag:s13] =	ssyncset.done @!p4 $0x0  }
0x41: {  	[sflag:s13] =	ssyncadd.s32 @!p4 $0xFFFFC000;
	s13 =	simm.s32 @!p3 $0xA  }
0x42: {  	_ =	swait.ge @!p3 [sflag:s13], $0x4000  }
0x43: {  	[sflag:s13] =	ssyncset.done @!p3 $0x0  }
0x44: {  	s15 =	simm.s32 @!p5 $0xB;
	[sflag:s13] =	ssyncadd.s32 @!p3 $0xFFFFC000  }
0x45: {  	s19 =	simm.s32 @!p2 $0xC;
	_ =	swait.ge @!p5 [sflag:s15], $0x4000  }
0x46: {  	s18 =	simm.s32 @!p0 $0xE;
	s16 =	simm.s32 $0x1C00;
	[sflag:s15] =	ssyncset.done @!p5 $0x0  }
0x47: {  	s17 =	simm.s32 @!p1 $0xD;
	s14 =	simm.s32 $0xE00;
	[sflag:s15] =	ssyncadd.s32 @!p5 $0xFFFFC000  }
0x48: {  	s13 =	sadd.s32 $0x70000, s6;
	s15 =	sadd.s32 $0xE0, s7;
	_ =	swait.ge @!p2 [sflag:s19], $0x4000  }
.LBB2_2:
0x49: {  	s20 =	sadd.s32 $0xFFFFFF80, s15;
	s22 =	sadd.s32 $0xFFFFFFC0, s15;
	[sflag:s19] =	ssyncset.done @!p2 $0x0  }
0x4a: {  	s23 =	sadd.s32 $0xFFFFFF60, s15;
	s24 =	sadd.s32 $0xFFFFFFA0, s15;
	s25 =	sshra.s32 s14, $0x2  }
0x4b: {  	s28 =	sadd.s32 $0xFFFFFFE0, s15;
	[sflag:s19] =	ssyncadd.s32 @!p2 $0xFFFFC000;
	p4 =	sgt.u32 s23, $0x9C3  }
0x4c: {  	p3 =	sgt.u32 s20, $0x9C3;
	p2 =	sgt.u32 s22, $0x9C3;
	_ =	swait.ge @!p1 [sflag:s17], $0x4000  }
0x4d: {  	p5 =	sgt.u32 s24, $0x9C3;
	s19 =	sshra.s32 @!p4 s14, $0x2;
	[sflag:s17] =	ssyncset.done @!p1 $0x0  }
0x4e: {  	s23 =	simm.s32 @!p3 $0x80;
	s29 =	simm.s32 @!p4 $0x80;
	[sflag:s17] =	ssyncadd.s32 @!p1 $0xFFFFC000  }
0x4f: {  	s30 =	simm.s32 @!p4 $0x6800;
	s24 =	sshra.s32 @!p5 s14, $0x2;
	_ =	swait.ge @!p0 [sflag:s18], $0x4000  }
0x50: {  	s22 =	simm.s32 @!p5 $0xE800;
	s20 =	sadd.s32 @!p4 $0x80, s19;
	[sflag:s18] =	ssyncset.done @!p0 $0x0  }
0x51: {  	s17 =	sshra.s32 @!p3 s14, $0x2;
	s26 =	rddreg [dreg:$0x2];
	[sflag:s18] =	ssyncadd.s32 @!p0 $0xFFFFC000  }
0x52: {  	[tilespmem:s9], [sflag:$0x1] =	stream.indirect.gather [hbm4b:s3+s26], $0x80, s25, s26, $0xb8;
	[tilespmem:$0x1E800] =	vst v63  }
0x53: {  	s19 =	simm.s32 @!p3 $0xA800;
	p1 =	sgt.u32 s28, $0x9C3;
	s17 =	sadd.s32 @!p3 $0x100, s17  }
0x54: {  	[tilespmem:s30], [sflag:$0x2] =	stream.indirect.gather @!p4 [hbm4b:s3+s29], $0x80, s20, s29, $0xb8;
	[tilespmem:$0x1E800] =	vst v63  }
0x55: {  	p0 =	sgt.u32 s15, $0x9C3;
	s25 =	sshra.s32 @!p2 s14, $0x2;
	s26 =	simm.s32 @!p1 $0x80  }
0x56: {  	[tilespmem:s19], [sflag:$0x3] =	stream.indirect.gather @!p3 [hbm4b:s3+s23], $0x80, s17, s23, $0xb8;
	[tilespmem:$0x1E800] =	vst v63  }
0x57: {  	s20 =	sadd.s32 @!p5 $0x180, s24;
	s24 =	simm.s32 @!p5 $0x80;
	s17 =	sadd.s32 @!p2 $0x200, s25  }
0x58: {  	[tilespmem:s22], [sflag:$0x4] =	stream.indirect.gather @!p5 [hbm4b:s3+s24], $0x80, s20, s24, $0xb8;
	[tilespmem:$0x1E800] =	vst v63  }
0x59: {  	s25 =	simm.s32 @!p2 $0x80;
	s23 =	simm.s32 @!p2 $0x12800;
	s24 =	sshra.s32 @!p1 s14, $0x2  }
0x5a: {  	[tilespmem:s23], [sflag:$0x5] =	stream.indirect.gather @!p2 [hbm4b:s3+s25], $0x80, s17, s25, $0xb8;
	[tilespmem:$0x1E800] =	vst v63  }
0x5b: {  	s20 =	simm.s32 @!p1 $0x16800;
	s14 =	sshra.s32 @!p0 s14, $0x2;
	s24 =	sadd.s32 @!p1 $0x280, s24  }
0x5c: {  	[tilespmem:s20], [sflag:$0x6] =	stream.indirect.gather @!p1 [hbm4b:s3+s26], $0x80, s24, s26, $0xb8;
	[tilespmem:$0x1E800] =	vst v63  }
0x5d: {  	s18 =	simm.s32 @!p0 $0x1A800;
	s14 =	sadd.s32 @!p0 $0x300, s14;
	s24 =	simm.s32 @!p0 $0x80  }
0x5e: {  	[tilespmem:s18], [sflag:$0x7] =	stream.indirect.gather @!p0 [hbm4b:s3+s24], $0x80, s14, s24, $0xb8;
	[tilespmem:$0x1E800] =	vst v63  }
0x5f: {  	_ =	swait.ge [sflag:s10], $0x4000  }
0x60: {  	[sflag:s10] =	ssyncset.done $0x0  }
0x61: {  	s24 =	simm.s32 @!p4 $0x2;
	[sflag:s10] =	ssyncadd.s32 $0xFFFFC000  }
0x62: {  	[hbm4b:s13+s2] =	stream.linear.scatter [tilespmem:s9], [sflag:$0x8], $0x4000, $0x38;
	[tilespmem:$0x1E800] =	vst v63  }
0x63: {  	s21 =	smov.u32 s16;
	_ =	swait.ge @!p4 [sflag:s24], $0x4000  }
0x64: {  	s25 =	sadd.s32 @!p4 $0x10000, s13;
	s26 =	simm.s32 @!p4 $0x0;
	[sflag:s24] =	ssyncset.done @!p4 $0x0  }
0x65: {  	s14 =	smov.u32 s21;
	s21 =	simm.s32 @!p3 $0x3;
	[sflag:s24] =	ssyncadd.s32 @!p4 $0xFFFFC000  }
0x66: {  	[hbm4b:s25+s26] =	stream.linear.scatter @!p4 [tilespmem:s30], [sflag:$0x9], $0x4000, $0x38;
	[tilespmem:$0x1E800] =	vst v63  }
0x67: {  	_ =	swait.ge @!p3 [sflag:s21], $0x4000  }
0x68: {  	s24 =	sadd.s32 @!p3 $0x20000, s13;
	[sflag:s21] =	ssyncset.done @!p3 $0x0  }
0x69: {  	s25 =	simm.s32 @!p3 $0x0;
	[sflag:s21] =	ssyncadd.s32 @!p3 $0xFFFFC000;
	s21 =	simm.s32 @!p5 $0x4  }
0x6a: {  	[hbm4b:s24+s25] =	stream.linear.scatter @!p3 [tilespmem:s19], [sflag:$0xA], $0x4000, $0x38;
	[tilespmem:$0x1E800] =	vst v63  }
0x6b: {  	_ =	swait.ge @!p5 [sflag:s21], $0x4000  }
0x6c: {  	s28 =	simm.s32 @!p5 $0x0;
	[sflag:s21] =	ssyncset.done @!p5 $0x0  }
0x6d: {  	s26 =	sadd.s32 @!p5 $0x30000, s13;
	s19 =	simm.s32 @!p2 $0x5;
	[sflag:s21] =	ssyncadd.s32 @!p5 $0xFFFFC000  }
0x6e: {  	[hbm4b:s26+s28] =	stream.linear.scatter @!p5 [tilespmem:s22], [sflag:$0xB], $0x4000, $0x38;
	[tilespmem:$0x1E800] =	vst v63  }
0x6f: {  	_ =	swait.ge @!p2 [sflag:s19], $0x4000  }
0x70: {  	s21 =	sadd.s32 @!p2 $0x40000, s13;
	[sflag:s19] =	ssyncset.done @!p2 $0x0  }
0x71: {  	s22 =	simm.s32 @!p2 $0x0;
	[sflag:s19] =	ssyncadd.s32 @!p2 $0xFFFFC000;
	s19 =	simm.s32 @!p1 $0x6  }
0x72: {  	[hbm4b:s21+s22] =	stream.linear.scatter @!p2 [tilespmem:s23], [sflag:$0xC], $0x4000, $0x38;
	[tilespmem:$0x1E800] =	vst v63  }
0x73: {  	_ =	swait.ge @!p1 [sflag:s19], $0x4000  }
0x74: {  	s21 =	sadd.s32 @!p1 $0x50000, s13;
	[sflag:s19] =	ssyncset.done @!p1 $0x0  }
0x75: {  	s22 =	simm.s32 @!p1 $0x0;
	[sflag:s19] =	ssyncadd.s32 @!p1 $0xFFFFC000;
	s19 =	simm.s32 @!p0 $0x7  }
0x76: {  	[hbm4b:s21+s22] =	stream.linear.scatter @!p1 [tilespmem:s20], [sflag:$0xD], $0x4000, $0x38;
	[tilespmem:$0x1E800] =	vst v63  }
0x77: {  	_ =	swait.ge @!p0 [sflag:s19], $0x4000  }
0x78: {  	[sflag:s19] =	ssyncset.done @!p0 $0x0  }
0x79: {  	s20 =	sadd.s32 @!p0 $0x60000, s13;
	s21 =	simm.s32 @!p0 $0x0;
	[sflag:s19] =	ssyncadd.s32 @!p0 $0xFFFFC000  }
0x7a: {  	[hbm4b:s20+s21] =	stream.linear.scatter @!p0 [tilespmem:s18], [sflag:$0xE], $0x4000, $0x38;
	[tilespmem:$0x1E800] =	vst v63  }
0x7b: {  	_ =	swait.ge [sflag:s11], $0x4000  }
0x7c: {  	[sflag:s11] =	ssyncset.done $0x0  }
0x7d: {  	s18 =	simm.s32 @!p4 $0x9;
	[sflag:s11] =	ssyncadd.s32 $0xFFFFC000  }
0x7e: {  	_ =	swait.ge @!p4 [sflag:s18], $0x4000  }
0x7f: {  	[sflag:s18] =	ssyncset.done @!p4 $0x0  }
0x80: {  	[sflag:s18] =	ssyncadd.s32 @!p4 $0xFFFFC000;
	s18 =	simm.s32 @!p3 $0xA  }
0x81: {  	s16 =	sadd.s32 $0xE00, s16;
	_ =	swait.ge @!p3 [sflag:s18], $0x4000  }
0x82: {  	p6 =	sne.s32 s16, $0xA800;
	[sflag:s18] =	ssyncset.done @!p3 $0x0  }
.Ltmp0:
0x83: {  	s20 =	simm.s32 @!p5 $0xB;
	[sflag:s18] =	ssyncadd.s32 @!p3 $0xFFFFC000;
	(pc) =	sbr.rel @p6 .LBB2_2-.Ltmp0, $4  }
0x84: {  	_ =	swait.ge @!p5 [sflag:s20], $0x4000  }
0x85: {  	s15 =	sadd.s32 $0xE0, s15;
	[sflag:s20] =	ssyncset.done @!p5 $0x0  }
0x86: {  	s17 =	simm.s32 @!p1 $0xD;
	s19 =	simm.s32 @!p2 $0xC;
	[sflag:s20] =	ssyncadd.s32 @!p5 $0xFFFFC000  }
0x87: {  	s13 =	sadd.s32 $0x70000, s13;
	s18 =	simm.s32 @!p0 $0xE;
	_ =	swait.ge @!p2 [sflag:s19], $0x4000  }
0x88: {  	s16 =	sadd.s32 $0xFFFFFF80, s15;
	s20 =	sadd.s32 $0xFFFFFFC0, s15;
	[sflag:s19] =	ssyncset.done @!p2 $0x0  }
0x89: {  	s21 =	sadd.s32 $0xFFFFFF60, s15;
	s22 =	sadd.s32 $0xFFFFFFA0, s15;
	s31 =	sshra.s32 s14, $0x2  }
0x8a: {  	s25 =	sadd.s32 $0xFFFFFFE0, s15;
	[sflag:s19] =	ssyncadd.s32 @!p2 $0xFFFFC000;
	p3 =	sgt.u32 s21, $0x9C3  }
0x8b: {  	p2 =	sgt.u32 s16, $0x9C3;
	p5 =	sgt.u32 s22, $0x9C3;
	_ =	swait.ge @!p1 [sflag:s17], $0x4000  }
0x8c: {  	p4 =	sgt.u32 s25, $0x9C3;
	s21 =	sshra.s32 @!p3 s14, $0x2;
	[sflag:s17] =	ssyncset.done @!p1 $0x0  }
0x8d: {  	s23 =	simm.s32 @!p2 $0xA800;
	s19 =	sshra.s32 @!p5 s14, $0x2;
	[sflag:s17] =	ssyncadd.s32 @!p1 $0xFFFFC000  }
0x8e: {  	s16 =	sadd.s32 @!p3 $0x80, s21;
	s21 =	simm.s32 @!p2 $0x80;
	_ =	swait.ge @!p0 [sflag:s18], $0x4000  }
0x8f: {  	s17 =	sshra.s32 @!p2 s14, $0x2;
	p1 =	sgt.u32 s20, $0x9C3;
	[sflag:s18] =	ssyncset.done @!p0 $0x0  }
0x90: {  	s20 =	simm.s32 @!p5 $0xE800;
	s24 =	rddreg [dreg:$0x2];
	[sflag:s18] =	ssyncadd.s32 @!p0 $0xFFFFC000  }
0x91: {  	[tilespmem:s9], [sflag:$0x1] =	stream.indirect.gather [hbm4b:s3+s24], $0x80, s31, s24, $0xb8;
	[tilespmem:$0x1E800] =	vst v63  }
0x92: {  	s18 =	simm.s32 @!p3 $0x80;
	p0 =	sgt.u32 s15, $0x9C3;
	s15 =	simm.s32 @!p3 $0x6800  }
0x93: {  	[tilespmem:s15], [sflag:$0x2] =	stream.indirect.gather @!p3 [hbm4b:s3+s18], $0x80, s16, s18, $0xb8;
	[tilespmem:$0x1E800] =	vst v63  }
0x94: {  	s17 =	sadd.s32 @!p2 $0x100, s17;
	s16 =	sadd.s32 @!p5 $0x180, s19;
	s18 =	sshra.s32 @!p1 s14, $0x2  }
0x95: {  	[tilespmem:s23], [sflag:$0x3] =	stream.indirect.gather @!p2 [hbm4b:s3+s21], $0x80, s17, s21, $0xb8;
	[tilespmem:$0x1E800] =	vst v63  }
0x96: {  	s19 =	simm.s32 @!p1 $0x80;
	s18 =	sadd.s32 @!p1 $0x200, s18;
	s17 =	simm.s32 @!p5 $0x80  }
0x97: {  	[tilespmem:s20], [sflag:$0x4] =	stream.indirect.gather @!p5 [hbm4b:s3+s17], $0x80, s16, s17, $0xb8;
	[tilespmem:$0x1E800] =	vst v63  }
0x98: {  	s21 =	simm.s32 @!p4 $0x80;
	s16 =	simm.s32 @!p1 $0x12800;
	s17 =	sshra.s32 @!p4 s14, $0x2  }
0x99: {  	[tilespmem:s16], [sflag:$0x5] =	stream.indirect.gather @!p1 [hbm4b:s3+s19], $0x80, s18, s19, $0xb8;
	[tilespmem:$0x1E800] =	vst v63  }
0x9a: {  	s14 =	sshra.s32 @!p0 s14, $0x2;
	s17 =	sadd.s32 @!p4 $0x280, s17;
	s18 =	simm.s32 @!p4 $0x16800  }
0x9b: {  	[tilespmem:s18], [sflag:$0x6] =	stream.indirect.gather @!p4 [hbm4b:s3+s21], $0x80, s17, s21, $0xb8;
	[tilespmem:$0x1E800] =	vst v63  }
0x9c: {  	s14 =	sadd.s32 @!p0 $0x300, s14;
	s19 =	simm.s32 @!p0 $0x80;
	s17 =	simm.s32 @!p0 $0x1A800  }
0x9d: {  	[tilespmem:s17], [sflag:$0x7] =	stream.indirect.gather @!p0 [hbm4b:s3+s19], $0x80, s14, s19, $0xb8;
	[tilespmem:$0x1E800] =	vst v63  }
0x9e: {  	_ =	swait.ge [sflag:s10], $0x4000  }
0x9f: {  	[sflag:s10] =	ssyncset.done $0x0  }
0xa0: {  	s14 =	simm.s32 @!p3 $0x2;
	[sflag:s10] =	ssyncadd.s32 $0xFFFFC000  }
0xa1: {  	[hbm4b:s13+s2] =	stream.linear.scatter [tilespmem:s9], [sflag:$0x8], $0x4000, $0x38;
	[tilespmem:$0x1E800] =	vst v63  }
0xa2: {  	_ =	swait.ge @!p3 [sflag:s14], $0x4000  }
0xa3: {  	s22 =	simm.s32 @!p3 $0x0;
	[sflag:s14] =	ssyncset.done @!p3 $0x0  }
0xa4: {  	s21 =	sadd.s32 @!p3 $0x10000, s13;
	s19 =	simm.s32 @!p2 $0x3;
	[sflag:s14] =	ssyncadd.s32 @!p3 $0xFFFFC000  }
0xa5: {  	[hbm4b:s21+s22] =	stream.linear.scatter @!p3 [tilespmem:s15], [sflag:$0x9], $0x4000, $0x38;
	[tilespmem:$0x1E800] =	vst v63  }
0xa6: {  	_ =	swait.ge @!p2 [sflag:s19], $0x4000  }
0xa7: {  	s14 =	sadd.s32 @!p2 $0x20000, s13;
	[sflag:s19] =	ssyncset.done @!p2 $0x0  }
0xa8: {  	s15 =	simm.s32 @!p2 $0x0;
	[sflag:s19] =	ssyncadd.s32 @!p2 $0xFFFFC000;
	s19 =	simm.s32 @!p5 $0x4  }
0xa9: {  	[hbm4b:s14+s15] =	stream.linear.scatter @!p2 [tilespmem:s23], [sflag:$0xA], $0x4000, $0x38;
	[tilespmem:$0x1E800] =	vst v63  }
0xaa: {  	_ =	swait.ge @!p5 [sflag:s19], $0x4000  }
0xab: {  	s14 =	sadd.s32 @!p5 $0x30000, s13;
	[sflag:s19] =	ssyncset.done @!p5 $0x0  }
0xac: {  	s15 =	simm.s32 @!p5 $0x0;
	[sflag:s19] =	ssyncadd.s32 @!p5 $0xFFFFC000;
	s19 =	simm.s32 @!p1 $0x5  }
0xad: {  	[hbm4b:s14+s15] =	stream.linear.scatter @!p5 [tilespmem:s20], [sflag:$0xB], $0x4000, $0x38;
	[tilespmem:$0x1E800] =	vst v63  }
0xae: {  	_ =	swait.ge @!p1 [sflag:s19], $0x4000  }
0xaf: {  	s14 =	sadd.s32 @!p1 $0x40000, s13;
	[sflag:s19] =	ssyncset.done @!p1 $0x0  }
0xb0: {  	s15 =	simm.s32 @!p1 $0x0;
	[sflag:s19] =	ssyncadd.s32 @!p1 $0xFFFFC000;
	s19 =	simm.s32 @!p4 $0x6  }
0xb1: {  	[hbm4b:s14+s15] =	stream.linear.scatter @!p1 [tilespmem:s16], [sflag:$0xC], $0x4000, $0x38;
	[tilespmem:$0x1E800] =	vst v63  }
0xb2: {  	_ =	swait.ge @!p4 [sflag:s19], $0x4000  }
0xb3: {  	s14 =	sadd.s32 @!p4 $0x50000, s13;
	[sflag:s19] =	ssyncset.done @!p4 $0x0  }
0xb4: {  	s15 =	simm.s32 @!p4 $0x0;
	s16 =	simm.s32 @!p0 $0x7;
	[sflag:s19] =	ssyncadd.s32 @!p4 $0xFFFFC000  }
0xb5: {  	[hbm4b:s14+s15] =	stream.linear.scatter @!p4 [tilespmem:s18], [sflag:$0xD], $0x4000, $0x38;
	[tilespmem:$0x1E800] =	vst v63  }
0xb6: {  	_ =	swait.ge @!p0 [sflag:s16], $0x4000  }
0xb7: {  	[sflag:s16] =	ssyncset.done @!p0 $0x0  }
0xb8: {  	s13 =	sadd.s32 @!p0 $0x60000, s13;
	s14 =	simm.s32 @!p0 $0x0;
	[sflag:s16] =	ssyncadd.s32 @!p0 $0xFFFFC000  }
0xb9: {  	[hbm4b:s13+s14] =	stream.linear.scatter @!p0 [tilespmem:s17], [sflag:$0xE], $0x4000, $0x38;
	[tilespmem:$0x1E800] =	vst v63  }
0xba: {  	_ =	swait.ge [sflag:s11], $0x4000  }
0xbb: {  	[sflag:s11] =	ssyncset.done $0x0  }
0xbc: {  	s13 =	simm.s32 @!p3 $0x9;
	[sflag:s11] =	ssyncadd.s32 $0xFFFFC000  }
0xbd: {  	_ =	swait.ge @!p3 [sflag:s13], $0x4000  }
0xbe: {  	[sflag:s13] =	ssyncset.done @!p3 $0x0  }
0xbf: {  	[sflag:s13] =	ssyncadd.s32 @!p3 $0xFFFFC000;
	s13 =	simm.s32 @!p2 $0xA  }
0xc0: {  	_ =	swait.ge @!p2 [sflag:s13], $0x4000  }
0xc1: {  	[sflag:s13] =	ssyncset.done @!p2 $0x0  }
0xc2: {  	s14 =	simm.s32 @!p5 $0xB;
	[sflag:s13] =	ssyncadd.s32 @!p2 $0xFFFFC000  }
0xc3: {  	_ =	swait.ge @!p5 [sflag:s14], $0x4000  }
0xc4: {  	[sflag:s14] =	ssyncset.done @!p5 $0x0  }
0xc5: {  	s13 =	simm.s32 @!p1 $0xC;
	[sflag:s14] =	ssyncadd.s32 @!p5 $0xFFFFC000  }
0xc6: {  	_ =	swait.ge @!p1 [sflag:s13], $0x4000  }
0xc7: {  	[sflag:s13] =	ssyncset.done @!p1 $0x0  }
0xc8: {  	s12 =	sadd.s32 $0x1, s12;
	s14 =	simm.s32 @!p4 $0xD;
	[sflag:s13] =	ssyncadd.s32 @!p1 $0xFFFFC000  }
0xc9: {  	p1 =	sne.s32 s12, s5;
	_ =	swait.ge @!p4 [sflag:s14], $0x4000  }
.Ltmp1:
0xca: {  	[sflag:s14] =	ssyncset.done @!p4 $0x0;
	(pc) =	sbr.rel @p1 .LBB2_1-.Ltmp1, $4  }
0xcb: {  	s13 =	simm.s32 @!p0 $0xE;
	[sflag:s14] =	ssyncadd.s32 @!p4 $0xFFFFC000  }
0xcc: {  	_ =	swait.ge @!p0 [sflag:s13], $0x4000  }
0xcd: {  	[sflag:s13] =	ssyncset.done @!p0 $0x0  }
0xce: {  	[sflag:s13] =	ssyncadd.s32 @!p0 $0xFFFFC000  }
0xcf: {  	_ =	sfence.sel $0x180000  }
0xd0: {  	[bflag:$0x0] =	sbarrier.arrive $0xFFFF  }
0xd1: {  	p0 =	sne.s32 s0, $0x0;
	_ =	strace $0x90000053  }
0xd2: {  	s0 =	sadd.s32 @!p0 $0x100000, s1;
	[bflag:$0x2] =	sbarrier.arrive $0xFFFF  }
0xd3: {  	[sflag:s0] =	ssyncadd.tile.s32 @!p0 $0x1;
	_ =	shalt  }
.Lfunc_end2:
_tile_overlayer_lowered:
.L_overlay_start_2:
0xd4: {  	(tag) =	ssettag $0x2  }
0xd5: {  	s0 =	rddreg [dreg:$0x0];
	s2 =	stileid.u32  }
0xd6: {  	s1 =	rddreg [dreg:$0x1];
	p0 =	sne.s32 s2, $0x0  }
0xd7: {  	s3 =	rddreg [dreg:$0x2];
	[bflag:$0x3] =	sbarrier.arrive $0xFFFF;
	s2 =	simm.s32 @!p0 $0x1C0F  }
0xd8: {  	[timem:s3], [sflag:s2] =	dma.local @!p0 [hbm:s0], s1  }
0xd9: {  	s0 =	simm.s32 @!p0 $0xF  }
0xda: {  	_ =	swait.ge @!p0 [sflag:s0], s1  }
0xdb: {  	s1 =	ssub.s32 @!p0 $0x0, s1;
	[sflag:s0] =	ssyncset.done @!p0 $0x0  }
0xdc: {  	[sflag:s0] =	ssyncadd.s32 @!p0 s1  }
0xdd: {  	[bflag:$0x3] =	sbarrier.arrive $0xFFFF  }
0xde: {  	_ =	shalt  }

// kernel: kernel.31.cloned.1.call-start
scs
__scs_entry_jumppad:
0x0: {  	(pc) =	sbr.rel $0x88, $3  }
0x1: {  	(tag) =	ssettag $0x0;
	lr =	simm.s32 $0x1  }
0x2: {  	[smem:$0x3F9A] =	sst lr;
	_ =	strace $0xD0000000  }
0x3: {  	_ = 	snop  }
0x4: {  	_ = 	snop  }
0x5: {  	_ = 	snop  }
0x6: {  	_ = 	snop  }
0x7: {  	_ = 	snop  }
__scs_overlays_trampoline_lowered:
0x8: {  	[smem:$0x3FA9] =	sst s0  }
0x9: {  	[smem:$0x3FAA] =	sst s1  }
0xa: {  	[smem:$0x3FAB] =	sst s2  }
0xb: {  	[smem:$0x3FAC] =	sst s3  }
0xc: {  	[smem:$0x3FAD] =	sst s4  }
0xd: {  	[smem:$0x3FAE] =	sst s5  }
0xe: {  	[smem:$0x3FAF] =	sst s6  }
0xf: {  	[smem:$0x3FB0] =	sst s7  }
0x10: {  	[smem:$0x3FB1] =	sst s8  }
0x11: {  	[smem:$0x3FB2] =	sst s9;
	s0 =	simm.s32 @!p0 $0x0  }
0x12: {  	s1 =	sld [smem:$0x3F98];
	s0 =	simm.s32 @p0 $0x1  }
0x13: {  	[smem:$0x3FB3] =	sst s0;
	s0 =	simm.s32 @!p1 $0x0  }
0x14: {  	s2 =	sld [smem:$0x3F97];
	s0 =	simm.s32 @p1 $0x1  }
0x15: {  	[smem:$0x3FB4] =	sst s0;
	s0 =	simm.s32 @!p2 $0x0  }
0x16: {  	s3 =	sld [smem:$0x3FDB];
	s0 =	simm.s32 @p2 $0x1  }
0x17: {  	s4 =	simm.s32 $0x1BF5;
	[smem:$0x3FB6] =	sst s0  }
0x18: {  	s0 =	sld [smem:$0x3F99];
	_ =	swait.ge [sflag:s4], $0x0  }
0x19: {  	s7 =	sld [smem:$0x3F9A]  }
0x1a: {  	s8 =	sadd.s32 $0xFFFFE003, lr  }
0x1b: {  	s9 =	sadd.s32 $0xFFFFFEF7, lr;
	s5 =	simm.s32 $0xFFFFFFFF;
	p2 =	slt.u32 s8, $0xFFFFF086  }
0x1c: {  	p1 =	slt.u32 s9, $0xF7A;
	s5 =	simm.s32 @!p2 $0x0  }
0x1d: {  	s5 =	simm.s32 @p1 $0x1;
	p0 =	seq.s32 s7, s2  }
0x1e: {  	s7 =	smul.u32 @!p0 $0xF7A, s2;
	p2 =	seq.s32 @!p0 s5, $0x0  }
0x1f: {  	s9 =	smul.u32 $0xF7A, s1;
	s8 =	simm.s32 @!p0 $0x1BF5;
	p2 =	por !p2, p0  }
0x20: {  	[sflag:s8] =	ssyncset.s32 @!p0 $0xFFFFF086;
	s6 =	sadd.s32 @!p0 s3, s7;
	s7 =	simm.s32 @!p0 $0x108  }
0x21: {  	s3 =	sadd.s32 s3, s9;
	s6 =	sadd.s32 @!p0 $0x88, s6;
	s7 =	simm.s32 @p2 $0x1082  }
0x22: {  	[simem:s7], [sflag:s8] =	dma.local @!p0 [hbm:s6], $0xF7A  }
0x23: {  	s9 =	sor.u32 $0xD0000000, s2;
	s6 =	simm.s32 $0x108;
	_ =	swait.ge @!p0 [sflag:s8], $0x0  }
0x24: {  	s3 =	sadd.s32 $0x88, s3;
	s6 =	simm.s32 @!p1 $0x1082;
	[sflag:s4] =	ssyncset.s32 $0xFFFFF086  }
0x25: {  	[simem:s6], [sflag:s4] =	dma.local [hbm:s3], $0xF7A  }
0x26: {  	[smem:$0x3F9A] =	sst s1;
	(tag) =	ssettag s2;
	_ =	strace s9  }
0x27: {  	s1 =	sld [smem:$0x3FAA]  }
0x28: {  	s2 =	sld [smem:$0x3FAB]  }
0x29: {  	s4 =	sld [smem:$0x3FAD]  }
0x2a: {  	p0 =	seq.s32 s5, $0x0;
	s5 =	sld [smem:$0x3FAE]  }
0x2b: {  	s6 =	sld [smem:$0x3FAF]  }
0x2c: {  	s7 =	sld [smem:$0x3FB0]  }
0x2d: {  	s3 =	simm.s32 $0x108;
	s8 =	sld [smem:$0x3FB1]  }
0x2e: {  	s3 =	simm.s32 @!p0 $0x1082;
	s9 =	sld [smem:$0x3FB2]  }
0x2f: {  	lr =	sadd.s32 s0, s3;
	s0 =	sld [smem:$0x3FA9]  }
0x30: {  	s3 =	sld [smem:$0x3FAC]  }
0x31: {  	[smem:$0x3FB5] =	sst s10  }
0x32: {  	s10 =	sld [smem:$0x3FB3];
	_ =	sdelay $0x3  }
0x33: {  	p0 =	seq.s32 s10, $0x1;
	s10 =	sld [smem:$0x3FB5];
	_ =	sdelay $0x3  }
0x34: {  	[smem:$0x3FB5] =	sst s10  }
0x35: {  	s10 =	sld [smem:$0x3FB4];
	_ =	sdelay $0x3  }
0x36: {  	p1 =	seq.s32 s10, $0x1;
	s10 =	sld [smem:$0x3FB5];
	_ =	sdelay $0x3  }
0x37: {  	[smem:$0x3FB5] =	sst s10  }
0x38: {  	s10 =	sld [smem:$0x3FB6]  }
0x39: {  	_ = 	snop;
	(pc) =	sbr.ind lr, $3  }
0x3a: {  	_ = 	snop  }
0x3b: {  	_ = 	snop  }
0x3c: {  	p2 =	seq.s32 s10, $0x1;
	s10 =	sld [smem:$0x3FB5]  }
0x3d: {  	_ =	shalt  }
0x3e: {  	_ =	shalt  }
0x3f: {  	_ =	shalt  }
0x40: {  	_ =	shalt  }
0x41: {  	_ =	shalt  }
0x42: {  	_ =	shalt  }
0x43: {  	_ =	shalt  }
0x44: {  	_ =	shalt  }
0x45: {  	_ =	shalt  }
0x46: {  	_ =	shalt  }
0x47: {  	_ =	shalt  }
0x48: {  	_ =	shalt  }
0x49: {  	_ =	shalt  }
0x4a: {  	_ =	shalt  }
0x4b: {  	_ =	shalt  }
0x4c: {  	_ =	shalt  }
0x4d: {  	_ =	shalt  }
0x4e: {  	_ =	shalt  }
0x4f: {  	_ =	shalt  }
0x50: {  	_ =	shalt  }
0x51: {  	_ =	shalt  }
0x52: {  	_ =	shalt  }
0x53: {  	_ =	shalt  }
0x54: {  	_ =	shalt  }
0x55: {  	_ =	shalt  }
0x56: {  	_ =	shalt  }
0x57: {  	_ =	shalt  }
0x58: {  	_ =	shalt  }
0x59: {  	_ =	shalt  }
0x5a: {  	_ =	shalt  }
0x5b: {  	_ =	shalt  }
0x5c: {  	_ =	shalt  }
0x5d: {  	_ =	shalt  }
0x5e: {  	_ =	shalt  }
0x5f: {  	_ =	shalt  }
0x60: {  	_ =	shalt  }
0x61: {  	_ =	shalt  }
0x62: {  	_ =	shalt  }
0x63: {  	_ =	shalt  }
0x64: {  	_ =	shalt  }
0x65: {  	_ =	shalt  }
0x66: {  	_ =	shalt  }
0x67: {  	_ =	shalt  }
0x68: {  	_ =	shalt  }
0x69: {  	_ =	shalt  }
0x6a: {  	_ =	shalt  }
0x6b: {  	_ =	shalt  }
0x6c: {  	_ =	shalt  }
0x6d: {  	_ =	shalt  }
0x6e: {  	_ =	shalt  }
0x6f: {  	_ =	shalt  }
0x70: {  	_ =	shalt  }
0x71: {  	_ =	shalt  }
0x72: {  	_ =	shalt  }
0x73: {  	_ =	shalt  }
0x74: {  	_ =	shalt  }
0x75: {  	_ =	shalt  }
0x76: {  	_ =	shalt  }
0x77: {  	_ =	shalt  }
0x78: {  	_ =	shalt  }
0x79: {  	_ =	shalt  }
0x7a: {  	_ =	shalt  }
0x7b: {  	_ =	shalt  }
0x7c: {  	_ =	shalt  }
0x7d: {  	_ =	shalt  }
0x7e: {  	_ =	shalt  }
0x7f: {  	_ =	shalt  }
0x80: {  	_ =	shalt  }
0x81: {  	_ =	shalt  }
0x82: {  	_ =	shalt  }
0x83: {  	_ =	shalt  }
0x84: {  	_ =	shalt  }
0x85: {  	_ =	shalt  }
0x86: {  	_ =	shalt  }
0x87: {  	_ =	shalt  }
.Lfunc_end0:
.L_simem_size_0:
called_computation.5_lowered:
.L_overlay_start_0:
0x88: {  	s2 =	sld [smem:$0x3FD9]  }
0x89: {  	s3 =	sld [smem:$0x3FFE];
	_ =	sdelay $0x1  }
0x8a: {  	s1 =	srdreg.scid  }
0x8b: {  	s0 =	sand.u32 $0x1, s1  }
0x8c: {  	s16 =	sshll.u32 s0, $0xA;
	s2 =	sadd.s32 s3, s2  }
0x8d: {  	s2 =	sadd.s32 s2, s16  }
0x8e: {  	[smem:$0x3FC1] =	sst s2  }
0x8f: {  	_ = 	snop  }
0x90: {  	(tm) =	ssettm $0x1  }
0x91: {  	s17 =	sld [smem:$0x3FFB];
	_ =	sdelay $0x3  }
0x92: {  	_ =	strace s17  }
0x93: {  	s2 =	sld [smem:$0x3FFC];
	_ =	sdelay $0x3  }
0x94: {  	_ =	strace s2  }
0x95: {  	s2 =	sld [smem:$0x3FFD];
	_ =	sdelay $0x3  }
0x96: {  	_ =	strace s2  }
0x97: {  	_ =	strace $0x8FFFFFFF  }
0x98: {  	s18 =	sld [smem:$0x3FDB];
	_ =	sdelay $0x1  }
0x99: {  	s19 =	simm.s32 $_scs_section_size  }
0x9a: {  	s4 =	simm.s32 $_size__tile_overlayer_lowered;
	s5 =	simm.s32 $_tile_overlayer_lowered  }
0x9b: {  	s22 =	simm.s32 $0x1BFF;
	s21 =	sshll.u32 s5, $0x1;
	s2 =	sadd.s32 s19, s18  }
0x9c: {  	s6 =	simm.s32 $0x0;
	s20 =	sshll.u32 s4, $0x1;
	s4 =	sadd.s32 s21, s2  }
0x9d: {  	[timem:s6], [sflag:s22] =	dma.local [hbm:s4], s20  }
0x9e: {  	_ =	swait.ge [sflag:s22], s20  }
0x9f: {  	s3 =	ssub.s32 $0x0, s20;
	[sflag:s22] =	ssyncset.done $0x0  }
0xa0: {  	[sflag:s22] =	ssyncadd.s32 s3;
	_ =	sdelay $0x1  }
0xa1: {  	s23 =	simm.s32 $0x1B8B  }
0xa2: {  	_ =	swait.ge [sflag:s23], $0x1  }
0xa3: {  	[sflag:s23] =	ssyncset.done $0x0  }
0xa4: {  	s25 =	simm.s32 $0x1B8E;
	s24 =	sld [smem:$0x3FFE];
	[sflag:s23] =	ssyncadd.s32 $0xFFFFFFFF  }
0xa5: {  	s26 =	simm.s32 $execute0_lowered;
	[smem:$0x3FD2] =	sst s25  }
0xa6: {  	s4 =	sshll.u32 s26, $0x1;
	_ =	strace $0x80000055;
	[dreg:$0x1] =	wrdreg $0xFFFFFFFF  }
0xa7: {  	s28 =	simm.s32 $_size_execute0_lowered;
	s2 =	sadd.s32 s2, s4;
	[dreg:$0x0] =	wrdreg $0x0  }
0xa8: {  	s4 =	sshll.u32 s28, $0x1;
	[dreg:$0x2] =	wrdreg s2  }
0xa9: {  	[dreg:$0x3] =	wrdreg s4  }
0xaa: {  	[dreg:$0x4] =	wrdreg $0xC0  }
0xab: {  	_ =	task [dreg:s6], $0x5FFFF  }
0xac: {  	[dreg:$0x1] =	wrdreg $0xFFFFFFFF  }
0xad: {  	[dreg:$0x0] =	wrdreg $0x60  }
0xae: {  	[dreg:$0x2] =	wrdreg s24  }
0xaf: {  	[dreg:$0x3] =	wrdreg $0xA8000  }
0xb0: {  	[dreg:$0x4] =	wrdreg $0x9  }
0xb1: {  	_ =	task.clear_ibuf [dreg:s6], $0x5FFFF;
	_ =	strace $0x90000055  }
0xb2: {  	s29 =	simm.s32 $0x9;
	_ =	strace $0x80000057  }
0xb3: {  	_ =	swait.ge [sflag:s29], $0x1  }
0xb4: {  	[sflag:s29] =	ssyncadd.s32 $0xFFFFFFFF  }
0xb5: {  	_ =	strace $0x90000057  }
0xb6: {  	_ =	sfence  }
0xb7: {  	s30 =	sld [smem:$0x0];
	_ =	sdelay $0x2  }
0xb8: {  	s31 =	sshll.u32 s1, $0xD;
	s1 =	sshrl.u32 s1, $0x2  }
0xb9: {  	s3 =	sand.u32 $0x4000, s31;
	s1 =	sadd.s32 s1, s30  }
0xba: {  	s0 =	sor.u32 s3, s0;
	s1 =	sshll.u32 s1, $0x11  }
0xbb: {  	s0 =	sor.u32 s1, s0  }
0xbc: {  	s0 =	sadd.s32 $0x8F2B, s0  }
0xbd: {  	[sflag:s0] =	ssyncadd.remote.s32 $0x1  }
0xbe: {  	_ =	sfence.sel $0xFFFF  }
0xbf: {  	[dreg:$0x0] =	wrdreg $0xFFFFFFFF;
	(pc) =	sbr.abs _section_cstart, $3  }
0xc0: {  	[dreg:$0x1] =	wrdreg $0xFFFFFFFF  }
0xc1: {  	_ =	task.clear_ibuf [dreg:s6], $0x2FFFF;
	_ =	strace $0x9FFFFFFF  }
0xc2: {  	(tm) =	ssettm $0x7FFFFFFF  }
0xc3: {  	_ =	shalt  }
tec
execute0_lowered:
.L_overlay_start_1:
0x0: {  	(tag) =	ssettag $0x1  }
0x1: {  	s1 =	srdreg.scid;
	s7 =	rddreg [dreg:$0x0]  }
0x2: {  	s0 =	stileid.u32;
	s2 =	rddreg [dreg:$0x1]  }
0x3: {  	s3 =	simm.s32 $0x0;
	s17 =	simm.s32 $0x6800;
	s18 =	simm.s32 $0x1  }
0x4: {  	s19 =	simm.s32 $0x80;
	s20 =	simm.s32 $0x2;
	s21 =	simm.s32 $0x3  }
0x5: {  	s22 =	simm.s32 $0x4;
	s11 =	sand.u32 $0x1, s1;
	s28 =	sshll.u32 s0, $0x1  }
0x6: {  	s1 =	rddreg [dreg:$0x2];
	s4 =	smul.u32 $0x2780, s0;
	s12 =	sadd.s32 $0x548800, s7  }
0x7: {  	[smem:$0x7FF] =	sst s3;
	s9 =	smul.u32 $0x4F000, s0;
	s16 =	sadd.s32 $0x128400, s2  }
0x8: {  	s31 =	sshll.u32 s0, $0xC;
	p0 =	seq.s32 s0, $0xF;
	s8 =	sor.u32 s11, s28  }
0x9: {  	_ =	strace $0x80000056;
	s6 =	smul.u32 $0x27100, s11;
	s13 =	ssub.s32 $0x2, s11  }
0xa: {  	s11 =	sshll.u32 s11, $0xB;
	s5 =	smul.u32 $0x500, s8;
	s10 =	sadd.s32 s4, s7  }
0xb: {  	s29 =	sshrl.u32 s13, $0x1;
	s9 =	sshrl.u32 s9, $0x2;
	s23 =	sor.u32 $0x9C0, s8  }
0xc: {  	s14 =	sadd.s32 s6, s7;
	s13 =	ssub.s32 s13, s29;
	s15 =	sadd.s32 s9, s2  }
0xd: {  	s6 =	sadd.s32 $0x18400, s10;
	s30 =	sshll.u32 s23, $0xB;
	p1 =	sgt.u32 s23, $0x9C3  }
0xe: {  	s23 =	simm.s32 $0x0;
	s5 =	sadd.s32 s5, s7;
	s7 =	sadd.s32 $0x3D480, s7  }
0xf: {  	s8 =	sadd.s32 $0x66800, s14;
	s9 =	smax.u32 s13, $0x1;
	s10 =	sadd.s32 s12, s30  }
0x10: {  	s12 =	sadd.s32 s31, s12;
	s14 =	sshll.u32 @!p0 s0, $0x6;
	s13 =	sshrl.u32 @p0 s16, $0x3  }
0x11: {  	s15 =	sshrl.u32 @!p0 s15, $0x3;
	s16 =	simm.s32 $0x2800;
	s5 =	sadd.s32 $0xA2A800, s5  }
0x12: {  	s11 =	sadd.s32 s11, s12;
	s12 =	simm.s32 $0x5;
	s14 =	sor.u32 @!p0 $0x1C05, s14  }
.LBB2_1:
0x13: {  	[tilespmem:s3], [sflag:$0x5] =	stream.linear.gather [hbm4b:s5+s3], $0x2800, $0x38;
	[tilespmem:$0x1E080] =	vst v63  }
0x14: {  	_ =	swait.ge [sflag:s12], $0x2800  }
0x15: {  	[sflag:s12] =	ssyncset.done $0x0  }
0x16: {  	s24 =	simm.s32 @p0 $0x1FC5;
	[sflag:s12] =	ssyncadd.s32 $0xFFFFD800  }
0x17: {  	[spmem:s13], [sflag:s24] =	dma.local @p0 [hbm:s7], $0x2080  }
0x18: {  	s24 =	simm.s32 @p0 $0x5  }
0x19: {  	_ =	swait.ge @p0 [sflag:s24], $0x2080  }
0x1a: {  	[sflag:s24] =	ssyncset.done @p0 $0x0  }
0x1b: {  	[sflag:s24] =	ssyncadd.s32 @p0 $0xFFFFDF80;
	s24 =	simm.s32 @!p0 $0x5  }
0x1c: {  	[spmem:s15], [sflag:s14] =	dma.local @!p0 [hbm:s6], $0x2780  }
0x1d: {  	_ =	swait.ge @!p0 [sflag:s24], $0x2780  }
0x1e: {  	[sflag:s24] =	ssyncset.done @!p0 $0x0  }
0x1f: {  	[sflag:s24] =	ssyncadd.s32 @!p0 $0xFFFFD880  }
0x20: {  	[bflag:$0x0] =	sbarrier.arrive $0xFFFF  }
0x21: {  	[tilespmem:s16], [sflag:$0x1] =	stream.linear.gather [hbm4b:s11+s3], $0x4000, $0x38;
	[tilespmem:$0x1E080] =	vst v63  }
0x22: {  	s29 =	sadd.s32 $0x10000, s11  }
0x23: {  	[tilespmem:s17], [sflag:$0x2] =	stream.linear.gather [hbm4b:s29+s3], $0x4000, $0x38;
	[tilespmem:$0x1E080] =	vst v63  }
0x24: {  	_ =	swait.ge [sflag:s18], $0x4000  }
0x25: {  	[sflag:s18] =	ssyncset.done $0x0  }
0x26: {  	s30 =	simm.s32 $0x0;
	[sflag:s18] =	ssyncadd.s32 $0xFFFFC000  }
0x27: {  	[spmem:s2] =	stream.indirect.scatter.add.f32 [tilespmem:s16], [sflag:$0x3], $0x80, s30, s19, $0xb8;
	[tilespmem:$0x1E080] =	vst v63  }
0x28: {  	_ =	swait.ge [sflag:s20], $0x4000  }
0x29: {  	[sflag:s20] =	ssyncset.done $0x0  }
0x2a: {  	s31 =	simm.s32 $0x80;
	[sflag:s20] =	ssyncadd.s32 $0xFFFFC000  }
0x2b: {  	[spmem:s2] =	stream.indirect.scatter.add.f32 [tilespmem:s17], [sflag:$0x4], $0x80, s31, s19, $0xb8;
	[tilespmem:$0x1E080] =	vst v63  }
0x2c: {  	_ =	swait.ge [sflag:s21], $0x4000  }
0x2d: {  	[sflag:s21] =	ssyncset.done $0x0  }
0x2e: {  	[sflag:s21] =	ssyncadd.s32 $0xFFFFC000  }
0x2f: {  	_ =	swait.ge [sflag:s22], $0x4000  }
0x30: {  	s25 =	smov.u32 s11;
	s24 =	simm.s32 $0x400;
	[sflag:s22] =	ssyncset.done $0x0  }
.LBB2_2:
0x31: {  	p2 =	sne.s32 s24, $0x9800;
	[sflag:s22] =	ssyncadd.s32 $0xFFFFC000;
	s25 =	sadd.s32 $0x20000, s25  }
0x32: {  	[tilespmem:s16], [sflag:$0x1] =	stream.linear.gather [hbm4b:s25+s3], $0x4000, $0x38;
	[tilespmem:$0x1E080] =	vst v63  }
0x33: {  	s28 =	smov.u32 s24;
	s24 =	sadd.s32 $0x400, s24;
	s26 =	sadd.s32 $0x10000, s25  }
0x34: {  	[tilespmem:s17], [sflag:$0x2] =	stream.linear.gather [hbm4b:s26+s3], $0x4000, $0x38;
	[tilespmem:$0x1E080] =	vst v63  }
0x35: {  	_ =	swait.ge [sflag:s18], $0x4000  }
0x36: {  	[sflag:s18] =	ssyncset.done $0x0  }
0x37: {  	s26 =	sshra.s32 s28, $0x2;
	[sflag:s18] =	ssyncadd.s32 $0xFFFFC000  }
0x38: {  	[spmem:s2] =	stream.indirect.scatter.add.f32 [tilespmem:s16], [sflag:$0x3], $0x80, s26, s19, $0xb8;
	[tilespmem:$0x1E080] =	vst v63  }
0x39: {  	_ =	swait.ge [sflag:s20], $0x4000  }
0x3a: {  	[sflag:s20] =	ssyncset.done $0x0  }
0x3b: {  	s26 =	sadd.s32 $0x80, s26;
	[sflag:s20] =	ssyncadd.s32 $0xFFFFC000  }
0x3c: {  	[spmem:s2] =	stream.indirect.scatter.add.f32 [tilespmem:s17], [sflag:$0x4], $0x80, s26, s19, $0xb8;
	[tilespmem:$0x1E080] =	vst v63  }
.Ltmp0:
0x3d: {  	_ =	swait.ge [sflag:s21], $0x4000;
	(pc) =	sbr.rel @p2 .LBB2_2-.Ltmp0, $4  }
0x3e: {  	[sflag:s21] =	ssyncset.done $0x0  }
0x3f: {  	[sflag:s21] =	ssyncadd.s32 $0xFFFFC000  }
0x40: {  	_ =	swait.ge [sflag:s22], $0x4000  }
0x41: {  	[sflag:s22] =	ssyncset.done $0x0  }
0x42: {  	[sflag:s22] =	ssyncadd.s32 $0xFFFFC000;
	s24 =	simm.s32 @!p1 $0x0;
	s25 =	simm.s32 @!p1 $0x2800  }
0x43: {  	[tilespmem:s25], [sflag:$0x1] =	stream.linear.gather @!p1 [hbm4b:s10+s24], $0x4000, $0x38;
	[tilespmem:$0x1E080] =	vst v63  }
0x44: {  	s24 =	simm.s32 @!p1 $0x1  }
0x45: {  	_ =	swait.ge @!p1 [sflag:s24], $0x4000  }
0x46: {  	[sflag:s24] =	ssyncset.done @!p1 $0x0  }
0x47: {  	s26 =	simm.s32 @!p1 $0x2700;
	[sflag:s24] =	ssyncadd.s32 @!p1 $0xFFFFC000;
	s24 =	simm.s32 @!p1 $0x80  }
0x48: {  	[spmem:s2] =	stream.indirect.scatter.add.f32 @!p1 [tilespmem:s25], [sflag:$0x3], $0x80, s26, s24, $0xb8;
	[tilespmem:$0x1E080] =	vst v63  }
0x49: {  	s24 =	simm.s32 @!p1 $0x3  }
0x4a: {  	_ =	swait.ge @!p1 [sflag:s24], $0x4000  }
0x4b: {  	[sflag:s24] =	ssyncset.done @!p1 $0x0  }
0x4c: {  	[sflag:s24] =	ssyncadd.s32 @!p1 $0xFFFFC000  }
0x4d: {  	s25 =	simm.s32 @p0 $0x1FC5;
	s24 =	sadd.s32 @p0 $0x25080, s8;
	[bflag:$0x0] =	sbarrier.arrive $0xFFFF  }
0x4e: {  	[hbm:s24], [sflag:s25] =	dma.local @p0 [spmem:s13], $0x2080  }
0x4f: {  	s24 =	simm.s32 @p0 $0x5  }
0x50: {  	_ =	swait.ge @p0 [sflag:s24], $0x2080  }
0x51: {  	s23 =	sadd.s32 $0x1, s23;
	[sflag:s24] =	ssyncset.done @p0 $0x0  }
0x52: {  	p2 =	sne.s32 s23, s9;
	[sflag:s24] =	ssyncadd.s32 @p0 $0xFFFFDF80;
	s24 =	sadd.s32 @!p0 s4, s8  }
0x53: {  	[hbm:s24], [sflag:s14] =	dma.local @!p0 [spmem:s15], $0x2780  }
.Ltmp1:
0x54: {  	_ = 	snop;
	(pc) =	sbr.rel @p2 .LBB2_1-.Ltmp1, $4  }
0x55: {  	s24 =	simm.s32 @!p0 $0x5  }
0x56: {  	_ =	swait.ge @!p0 [sflag:s24], $0x2780  }
0x57: {  	[sflag:s24] =	ssyncset.done @!p0 $0x0  }
0x58: {  	[sflag:s24] =	ssyncadd.s32 @!p0 $0xFFFFD880  }
0x59: {  	_ =	sfence.sel $0x180000  }
0x5a: {  	[bflag:$0x0] =	sbarrier.arrive $0xFFFF  }
0x5b: {  	p0 =	sne.s32 s0, $0x0;
	_ =	strace $0x90000056  }
0x5c: {  	s0 =	sadd.s32 @!p0 $0x100000, s1;
	[bflag:$0x2] =	sbarrier.arrive $0xFFFF  }
0x5d: {  	[sflag:s0] =	ssyncadd.tile.s32 @!p0 $0x1;
	_ =	shalt  }
.Lfunc_end2:
_tile_overlayer_lowered:
.L_overlay_start_2:
0x5e: {  	(tag) =	ssettag $0x2  }
0x5f: {  	s0 =	rddreg [dreg:$0x0];
	s2 =	stileid.u32  }
0x60: {  	s1 =	rddreg [dreg:$0x1];
	p0 =	sne.s32 s2, $0x0  }
0x61: {  	s3 =	rddreg [dreg:$0x2];
	[bflag:$0x3] =	sbarrier.arrive $0xFFFF;
	s2 =	simm.s32 @!p0 $0x1C05  }
0x62: {  	[timem:s3], [sflag:s2] =	dma.local @!p0 [hbm:s0], s1  }
0x63: {  	s0 =	simm.s32 @!p0 $0x5  }
0x64: {  	_ =	swait.ge @!p0 [sflag:s0], s1  }
0x65: {  	s1 =	ssub.s32 @!p0 $0x0, s1;
	[sflag:s0] =	ssyncset.done @!p0 $0x0  }
0x66: {  	[sflag:s0] =	ssyncadd.s32 @!p0 s1  }
0x67: {  	[bflag:$0x3] =	sbarrier.arrive $0xFFFF  }
0x68: {  	_ =	shalt  }

</sc_bundles>
